<compile_context>
chip_gen: v7x
topology: tpu7x:2x2x1
jax: 0.10.2.dev20260603
libtpu: 0.0.44.dev20260713+nightly
codegen_flags: <defaults>
</compile_context>

<pallas_src>
import functools

import jax
import jax.numpy as jnp
from jax import lax
from jax.experimental import pallas as pl
from jax.experimental.pallas import tpu as pltpu
from jax.experimental.pallas import tpu_sc as plsc

N = 10000
E = 320000
F = 128
NP = 10240
NH = NP // 2
NC, NS = 2, 16
NW = NC * NS
RB = 1024

EPT = 10240
EP = NW * EPT
DUMMY = NP - 8

BCAP = 3136
BAL = BCAP + 16
CE = 128
CPP = 2 * BCAP // CE
ACC_ROWS = NH + 64
ACC_PT = ACC_ROWS // NS
NHT = NH // NS

_mesh = plsc.VectorSubcoreMesh(core_axis_name="c", subcore_axis_name="s")
_sc_params = pltpu.CompilerParams(needs_layout_passes=False,
                                  use_tc_tiling_on_sc=False)


DCH = 1024
HR = NP // 16
HRT = HR // NS


@functools.partial(
    pl.kernel,
    out_type=[
        jax.ShapeDtypeStruct((NC, HR, 16), jnp.float32),
        jax.ShapeDtypeStruct((4, NW, BCAP), jnp.int32),
    ],
    mesh=_mesh,
    compiler_params=_sc_params,
    scratch_types=[
        pltpu.VMEM((HR, 16), jnp.float32),
        pltpu.VMEM((1, DCH), jnp.int32),
        pltpu.VMEM((1, DCH), jnp.int32),
        pltpu.VMEM((4, BAL), jnp.int32),
        pltpu.VMEM_SHARED((NS, HR, 16), jnp.float32),
        pltpu.VMEM((NS, HRT, 16), jnp.float32),
        pltpu.VMEM((HRT, 16), jnp.float32),
    ],
)
def _deg_bucket_kernel(srcp_hbm, dstp_hbm, hist_out, edges_out,
                       lhist, sbuf, dbuf, blist, stage, rbuf, obuf):
    c = lax.axis_index("c")
    s = lax.axis_index("s")
    w = s * NC + c
    zs = jnp.zeros((16,), jnp.float32)
    dump = jnp.full((16,), NH, jnp.int32) + lax.iota(jnp.int32, 16)

    def zh(i, _):
        lhist[i] = zs
        return 0

    lax.fori_loop(0, HR, zh, 0)

    def zb(i, _):
        v = dump + ((i & 2) << 4)
        for l in range(4):
            blist[l, pl.ds(pl.multiple_of(i * 16, 16), 16)] = v
        return 0

    lax.fori_loop(0, BAL // 16, zb, 0)

    base = w * EPT
    ones = jnp.full((16,), 1.0, jnp.float32)

    def chunk_body(i, curs):
        off = pl.multiple_of(base + i * DCH, DCH)
        pltpu.sync_copy(srcp_hbm.at[pl.ds(off, DCH)], sbuf.at[0])
        pltpu.sync_copy(dstp_hbm.at[pl.ds(off, DCH)], dbuf.at[0])

        def inner(k, curs):
            sl16 = pl.ds(pl.multiple_of(k * 16, 16), 16)
            sv = sbuf[0, sl16]
            dv = dbuf[0, sl16]
            plsc.addupdate_scatter(lhist, [dv >> 4, dv & 15], ones)
            ah = (sv >= NH).astype(jnp.int32)
            bh = (dv >= NH).astype(jnp.int32)
            packed = ((sv - ah * NH) << 16) | (dv - bh * NH)
            bidx = ah * 2 + bh
            new = []
            for l in range(4):
                m = bidx == l
                plsc.store_compressed(blist.at[l, pl.ds(curs[l], 16)],
                                      packed, mask=m)
                cnt = jnp.max(plsc.all_reduce_population_count(m))
                new.append(jnp.minimum(curs[l] + cnt, BCAP))
            return tuple(new)

        return lax.fori_loop(0, DCH // 16, inner, curs)

    lax.fori_loop(0, EPT // DCH, chunk_body,
                  (jnp.int32(0), jnp.int32(0), jnp.int32(0), jnp.int32(0)))
    for l in range(4):
        pltpu.sync_copy(blist.at[l, pl.ds(0, BCAP)], edges_out.at[l, w])

    pltpu.sync_copy(lhist, stage.at[s])
    plsc.subcore_barrier()
    row0 = s * HRT
    pltpu.sync_copy(stage.at[:, pl.ds(row0, HRT)], rbuf)

    def red(k, _):
        acc = rbuf[0, k]
        for r in range(1, NS):
            acc = acc + rbuf[r, k]
        obuf[k] = acc
        return 0

    lax.fori_loop(0, HRT, red, 0)
    pltpu.sync_copy(obuf, hist_out.at[c, pl.ds(row0, HRT)])




def _enc_body(x_ref, w_ref, histT_ref, g_ref, dinv_ref):
    deg = histT_ref[:, 0:1] + histT_ref[:, 1:2] + 1.0
    dinv = lax.rsqrt(jnp.maximum(deg, 1.0))
    h = jnp.dot(x_ref[...], w_ref[...], preferred_element_type=jnp.float32)
    g_ref[...] = h * dinv
    dinv_ref[...] = dinv


def _encode(x_pad, W_gcn, histT):
    return pl.pallas_call(
        _enc_body,
        grid=(NP // RB,),
        in_specs=[
            pl.BlockSpec((RB, F), lambda i: (i, 0)),
            pl.BlockSpec((F, F), lambda i: (0, 0)),
            pl.BlockSpec((RB, NC), lambda i: (i, 0)),
        ],
        out_specs=[
            pl.BlockSpec((RB, F), lambda i: (i, 0)),
            pl.BlockSpec((RB, 1), lambda i: (i, 0)),
        ],
        out_shape=[
            jax.ShapeDtypeStruct((NP, F), jnp.float32),
            jax.ShapeDtypeStruct((NP, 1), jnp.float32),
        ],
    )(x_pad, W_gcn, histT)




@functools.partial(
    pl.kernel,
    out_type=jax.ShapeDtypeStruct((NC, NH, F), jnp.float32),
    mesh=_mesh,
    compiler_params=_sc_params,
    scratch_types=[
        pltpu.VMEM_SHARED((NH, F), jnp.float32),
        pltpu.VMEM_SHARED((ACC_ROWS, F), jnp.float32),
        pltpu.VMEM((2 * BCAP,), jnp.int32),
        pltpu.VMEM((CPP, CE), jnp.int32),
        pltpu.VMEM((2, CE, F), jnp.float32),
        pltpu.SemaphoreType.DMA,
        pltpu.SemaphoreType.DMA,
        pltpu.SemaphoreType.DMA,
        pltpu.SemaphoreType.DMA,
    ],
)
def _edge_kernel(g_hbm, edges_hbm, zeros2d_hbm, s_out,
                 g_sp, acc, pbuf, didx, rbuf,
                 gsem0, gsem1, ssem0, ssem1):
    c = lax.axis_index("c")
    s = lax.axis_index("s")
    pltpu.sync_copy(zeros2d_hbm.at[pl.ds(0, ACC_PT)],
                    acc.at[pl.ds(s * ACC_PT, ACC_PT)])

    gsems = (gsem0, gsem1)
    ssems = (ssem0, ssem1)

    def gstart(k, b):
        pltpu.async_copy(g_sp.at[pbuf.at[pl.ds(k * CE, CE)]], rbuf.at[b],
                         gsems[b])

    def gwait(k, b):
        pltpu.make_async_copy(g_sp.at[pbuf.at[pl.ds(k * CE, CE)]],
                              rbuf.at[b], gsems[b]).wait()

    def sstart(k, b):
        pltpu.async_copy(rbuf.at[b], acc.at[didx.at[k]], ssems[b], add=True)

    def swait(k, b):
        pltpu.make_async_copy(rbuf.at[b], acc.at[didx.at[k]],
                              ssems[b]).wait()

    for p in range(2):
        a = c ^ p
        gst = pltpu.async_copy(g_hbm.at[pl.ds(a * NH + s * NHT, NHT)],
                               g_sp.at[pl.ds(s * NHT, NHT)], ssem0)
        l = a * 2 + c
        pltpu.sync_copy(edges_hbm.at[l, 2 * s], pbuf.at[pl.ds(0, BCAP)])
        pltpu.sync_copy(edges_hbm.at[l, 2 * s + 1],
                        pbuf.at[pl.ds(BCAP, BCAP)])

        def unpack(i, _):
            for k in range(CE // 16):
                fl = pl.ds(pl.multiple_of(i * CE + k * 16, 16), 16)
                v = pbuf[fl]
                didx[i, pl.ds(pl.multiple_of(k * 16, 16), 16)] = v & 0xFFFF
                pbuf[fl] = v >> 16
            return 0

        lax.fori_loop(0, CPP, unpack, 0)
        gst.wait()
        plsc.subcore_barrier()

        gstart(0, 0)

        def outer(j, _):
            for b in range(2):
                k = j * 2 + b

                @pl.when(k + 1 < CPP)
                def _():
                    @pl.when(k >= 1)
                    def _():
                        swait(k - 1, 1 - b)

                    gstart(k + 1, 1 - b)

                gwait(k, b)
                sstart(k, b)
            return 0

        lax.fori_loop(0, CPP // 2, outer, 0)
        gwait(CPP - 1, 0)
        sstart(CPP - 1, 0)
        swait(CPP - 2, 1)
        swait(CPP - 1, 0)
        plsc.subcore_barrier()

    pltpu.sync_copy(acc.at[pl.ds(s * NHT, NHT)],
                    s_out.at[c, pl.ds(s * NHT, NHT)])




def _zt_body(s_ref, g_ref, dinv_ref, bg_ref, wb_ref, bb_ref,
             z_ref, t_ref, pos_ref):
    z = dinv_ref[...] * (s_ref[...] + g_ref[...]) + bg_ref[...]
    t = jnp.dot(z, wb_ref[...], preferred_element_type=jnp.float32)
    z_ref[...] = z
    t_ref[...] = t
    pos_ref[...] = jnp.sum(t * z, axis=1, keepdims=True) + bb_ref[0, 0]


def _zt(S, g, dinv, bg2d, Wb, bb2d):
    return pl.pallas_call(
        _zt_body,
        grid=(NP // RB,),
        in_specs=[
            pl.BlockSpec((RB, F), lambda i: (i, 0)),
            pl.BlockSpec((RB, F), lambda i: (i, 0)),
            pl.BlockSpec((RB, 1), lambda i: (i, 0)),
            pl.BlockSpec((1, F), lambda i: (0, 0)),
            pl.BlockSpec((F, F), lambda i: (0, 0)),
            pl.BlockSpec((1, 1), lambda i: (0, 0)),
        ],
        out_specs=[
            pl.BlockSpec((RB, F), lambda i: (i, 0)),
            pl.BlockSpec((RB, F), lambda i: (i, 0)),
            pl.BlockSpec((RB, 1), lambda i: (i, 0)),
        ],
        out_shape=[
            jax.ShapeDtypeStruct((NP, F), jnp.float32),
            jax.ShapeDtypeStruct((NP, F), jnp.float32),
            jax.ShapeDtypeStruct((NP, 1), jnp.float32),
        ],
    )(S, g, dinv, bg2d, Wb, bb2d)



RPW = NP // NW
PK = 64


@functools.partial(
    pl.kernel,
    out_type=jax.ShapeDtypeStruct((NP, 16), jnp.float32),
    mesh=_mesh,
    compiler_params=_sc_params,
    scratch_types=[
        pltpu.VMEM((RPW,), jnp.int32),
        pltpu.VMEM((RPW, F), jnp.float32),
        pltpu.VMEM((2, PK, F), jnp.float32),
        pltpu.VMEM((RPW, 16), jnp.float32),
        pltpu.VMEM((16,), jnp.float32),
        pltpu.SemaphoreType.DMA,
        pltpu.SemaphoreType.DMA,
        pltpu.SemaphoreType.DMA,
    ],
)
def _neg_kernel(z_hbm, t_hbm, permp_hbm, bb16_hbm, neg_out,
                idxv, tbuf, rbuf, obuf, bbv, sem0, sem1, sem2):
    c = lax.axis_index("c")
    s = lax.axis_index("s")
    w = c * NS + s
    base = w * RPW
    pltpu.sync_copy(permp_hbm.at[pl.ds(base, RPW)], idxv)
    pltpu.sync_copy(bb16_hbm, bbv)
    tcp = pltpu.async_copy(t_hbm.at[pl.ds(base, RPW)], tbuf, sem2)
    sems = (sem0, sem1)

    def gstart(j, b):
        pltpu.async_copy(z_hbm.at[idxv.at[pl.ds(j * PK, PK)]], rbuf.at[b],
                         sems[b])

    gstart(0, 0)
    tcp.wait()
    for j in range(RPW // PK):
        b = j % 2
        if j + 1 < RPW // PK:
            gstart(j + 1, 1 - b)
        pltpu.make_async_copy(z_hbm.at[idxv.at[pl.ds(j * PK, PK)]],
                              rbuf.at[b], sems[b]).wait()

        def row(r, _):
            acc = jnp.zeros((16,), jnp.float32)
            for k in range(F // 16):
                sl = pl.ds(pl.multiple_of(k * 16, 16), 16)
                acc = acc + tbuf[j * PK + r, sl] * rbuf[b, r, sl]
            obuf[j * PK + r] = jnp.full((16,), jnp.sum(acc, axis=0),
                                        jnp.float32) + bbv[...]
            return 0

        lax.fori_loop(0, PK, row, 0)

    pltpu.sync_copy(obuf, neg_out.at[pl.ds(base, RPW)])




def kernel(x, edge_index, W_gcn, b_gcn, W_bil, b_bil, perm):
    src = edge_index[0].astype(jnp.int32)
    dst = edge_index[1].astype(jnp.int32)
    pe = EPT - E // NW
    srcp = jnp.concatenate(
        [jnp.reshape(src, (NW, E // NW)),
         jnp.zeros((NW, pe), jnp.int32)], axis=1).reshape(-1)
    dstp = jnp.concatenate(
        [jnp.reshape(dst, (NW, E // NW)),
         jnp.full((NW, pe), DUMMY, jnp.int32)], axis=1).reshape(-1)
    x_pad = jnp.pad(x, ((0, NP - N), (0, 0)))
    permp = jnp.concatenate([perm.astype(jnp.int32),
                             jnp.zeros((NP - N,), jnp.int32)])
    zeros2d = jnp.zeros((ACC_PT, F), jnp.float32)

    hist, edges = _deg_bucket_kernel(srcp, dstp)
    histT = jnp.transpose(jnp.reshape(hist, (NC, NP)))
    g, dinv = _encode(x_pad, W_gcn, histT)
    S = _edge_kernel(g, edges, zeros2d)
    z, t, pos = _zt(jnp.reshape(S, (NP, F)), g, dinv,
                    jnp.reshape(b_gcn, (1, F)), jnp.reshape(W_bil, (F, F)),
                    jnp.reshape(b_bil, (1, 1)))
    neg = _neg_kernel(z, t, permp, jnp.broadcast_to(b_bil, (16,)))
    return (pos[:N], neg[:N, 0:1])

# --- scband reference (transcript-rebuilt; emitter-appended) ---
"""Pipeline reference for scband-dgi-81698867904739 (READ-ONLY COPY).

The authoritative reference and input builder live on the scoring server;
editing this copy changes nothing except your own understanding.
"""

import jax, jax.numpy as jnp
import numpy as np

N_NODES = 10000
N_EDGES = 320000
IN_F = 128
HID_F = 128


def setup_inputs(seed: int = 0) -> dict:
    key = jax.random.key(seed)
    k1, k2, k3, k4, k5, k6, k7 = jax.random.split(key, 7)
    x = jax.random.normal(k1, (N_NODES, IN_F), dtype=jnp.float32)
    edge_index = jax.random.randint(k2, (2, N_EDGES), 0, N_NODES, dtype=jnp.int64 if jax.config.jax_enable_x64 else jnp.int32)
    # GCNConv params (glorot-ish init)
    W_gcn = jax.random.normal(k3, (IN_F, HID_F), dtype=jnp.float32) * (1.0 / np.sqrt(IN_F))
    b_gcn = jnp.zeros((HID_F,), dtype=jnp.float32)
    # nn.Bilinear(hid, hid, 1) params: weight [1, hid, hid], bias [1]
    W_bil = jax.random.normal(k4, (1, HID_F, HID_F), dtype=jnp.float32) * (1.0 / np.sqrt(HID_F))
    b_bil = jnp.zeros((1,), dtype=jnp.float32)
    # fixed permutation standing in for torch.randperm (corruption for negatives)
    perm = jax.random.permutation(k5, N_NODES)
    return {"x": x, "edge_index": edge_index, "W_gcn": W_gcn, "b_gcn": b_gcn, "W_bil": W_bil, "b_bil": b_bil, "perm": perm}


def _gcn_conv(x, edge_index, W, b):
    N = x.shape[0]
    src = edge_index[0]
    dst = edge_index[1]
    # add self loops (PyG GCNConv default)
    loop = jnp.arange(N, dtype=src.dtype)
    src = jnp.concatenate([src, loop])
    dst = jnp.concatenate([dst, loop])
    h = x @ W
    deg = jnp.zeros((N,), dtype=h.dtype).at[dst].add(1.0)
    dinv = jax.lax.rsqrt(jnp.clip(deg, 1.0))
    norm = dinv[src] * dinv[dst]
    msgs = h[src] * norm[:, None]
    out = jnp.zeros_like(h).at[dst].add(msgs)
    return out + b


def _bilinear(z1, z2, W, b):
    # nn.Bilinear: out[n, o] = sum_{h,k} z1[n,h] * W[o,h,k] * z2[n,k] + b[o]
    return jnp.einsum('nh,ohk,nk->no', z1, W, z2) + b


def reference(x, edge_index, W_gcn, b_gcn, W_bil, b_bil, perm):
    z = _gcn_conv(x, edge_index, W_gcn, b_gcn)
    positive_score = _bilinear(z, z, W_bil, b_bil)
    z_corrupt = jnp.take(z, perm, axis=0)
    negative_score = _bilinear(z, z_corrupt, W_bil, b_bil)
    return (positive_score, negative_score)

if __name__ == "__main__":
    import jax
    _d = setup_inputs()
    print(jax.jit(kernel)(*tuple(_d.values())))

</pallas_src>

<mosaic_0001>
#map = affine_map<(d0, d1) -> (0, 0)>
#map1 = affine_map<(d0, d1) -> (0, 0, 0)>
module attributes {stable_mosaic.version = 14 : i64} {
  func.func @_edge_kernel(%arg0: i32, %arg1: i32, %arg2: memref<10240x128xf32, #tpu.memory_space<hbm>>, %arg3: memref<4x32x3136xi32, #tpu.memory_space<hbm>>, %arg4: memref<324x128xf32, #tpu.memory_space<hbm>>, %arg5: memref<2x5120x128xf32, #tpu.memory_space<hbm>>, %arg6: memref<5120x128xf32, #tpu.memory_space<vmem_shared>>, %arg7: memref<5184x128xf32, #tpu.memory_space<vmem_shared>>, %arg8: memref<6272xi32, #tpu.memory_space<vmem>>, %arg9: memref<49x128xi32, #tpu.memory_space<vmem>>, %arg10: memref<2x128x128xf32, #tpu.memory_space<vmem>>, %arg11: memref<!tpu.dma_semaphore, #tpu.memory_space<semaphore_mem>>, %arg12: memref<!tpu.dma_semaphore, #tpu.memory_space<semaphore_mem>>, %arg13: memref<!tpu.dma_semaphore, #tpu.memory_space<semaphore_mem>>, %arg14: memref<!tpu.dma_semaphore, #tpu.memory_space<semaphore_mem>>) attributes {dimension_semantics = [#tpu.dimension_semantics<core_parallel>, #tpu.dimension_semantics<subcore_parallel>], iteration_bounds = array<i64: 2, 16>, scalar_prefetch = 0 : i64, scratch_operands = 9 : i64, tpu.core_type = #tpu.core_type<sc_vector_subcore>, window_params = [{transform_indices = #map}, {transform_indices = #map1}, {transform_indices = #map}, {transform_indices = #map1}]} {
    %mul3A = arith.constant 324 : i32
    %mul3A_0 = arith.muli %arg1, %mul3A : i32
    "tpu.region"() ({
      %run_scoped3A = tpu.sem_alloc : memref<!tpu.dma_semaphore, #tpu.memory_space<semaphore_mem>>
      %dma_start3A_195 = arith.constant 0 : i32
      %dma_start3A_196 = tpu.memref_slice %arg7[%mul3A_0, %dma_start3A_195] : memref<5184x128xf32, #tpu.memory_space<vmem_shared>> -> memref<324x128xf32, #tpu.memory_space<vmem_shared>>
      %dma_start3A_197 = arith.constant 0 : i32
      %dma_start3A_198 = arith.constant 0 : i32
      %dma_start3A_199 = tpu.memref_slice %arg4[%dma_start3A_197, %dma_start3A_198] : memref<324x128xf32, #tpu.memory_space<hbm>> -> memref<324x128xf32, #tpu.memory_space<hbm>>
      tpu.enqueue_dma source(%dma_start3A_199 : memref<324x128xf32, #tpu.memory_space<hbm>>) target(%dma_start3A_196 : memref<324x128xf32, #tpu.memory_space<vmem_shared>>) target_semaphore(%run_scoped3A : memref<!tpu.dma_semaphore, #tpu.memory_space<semaphore_mem>>)
      %dma_wait3A_200 = arith.constant 0 : i32
      %dma_wait3A_201 = tpu.memref_slice %arg7[%mul3A_0, %dma_wait3A_200] : memref<5184x128xf32, #tpu.memory_space<vmem_shared>> -> memref<324x128xf32, #tpu.memory_space<vmem_shared>>
      %dma_wait3A_202 = arith.constant 0 : i32
      %dma_wait3A_203 = arith.constant 0 : i32
      %dma_wait3A_204 = tpu.memref_slice %arg4[%dma_wait3A_202, %dma_wait3A_203] : memref<324x128xf32, #tpu.memory_space<hbm>> -> memref<324x128xf32, #tpu.memory_space<hbm>>
      tpu.wait_dma2 semaphore(%run_scoped3A : memref<!tpu.dma_semaphore, #tpu.memory_space<semaphore_mem>>) src(%dma_wait3A_204 : memref<324x128xf32, #tpu.memory_space<hbm>>) dst(%dma_wait3A_201 : memref<324x128xf32, #tpu.memory_space<vmem_shared>>)
      tpu.yield
    }) : () -> ()
    %xor3A = arith.constant 0 : i32
    %xor3A_1 = arith.xori %arg0, %xor3A : i32
    %mul3A_2 = arith.constant 5120 : i32
    %mul3A_3 = arith.muli %xor3A_1, %mul3A_2 : i32
    %mul3A_4 = arith.constant 320 : i32
    %mul3A_5 = arith.muli %arg1, %mul3A_4 : i32
    %add3A = arith.addi %mul3A_3, %mul3A_5 : i32
    %mul3A_6 = arith.constant 320 : i32
    %mul3A_7 = arith.muli %arg1, %mul3A_6 : i32
    %dma_start3A = arith.constant 0 : i32
    %dma_start3A_8 = tpu.memref_slice %arg6[%mul3A_7, %dma_start3A] : memref<5120x128xf32, #tpu.memory_space<vmem_shared>> -> memref<320x128xf32, #tpu.memory_space<vmem_shared>>
    %dma_start3A_9 = arith.constant 0 : i32
    %dma_start3A_10 = tpu.memref_slice %arg2[%add3A, %dma_start3A_9] : memref<10240x128xf32, #tpu.memory_space<hbm>> -> memref<320x128xf32, #tpu.memory_space<hbm>>
    tpu.enqueue_dma source(%dma_start3A_10 : memref<320x128xf32, #tpu.memory_space<hbm>>) target(%dma_start3A_8 : memref<320x128xf32, #tpu.memory_space<vmem_shared>>) target_semaphore(%arg13 : memref<!tpu.dma_semaphore, #tpu.memory_space<semaphore_mem>>)
    %mul3A_11 = arith.constant 2 : i32
    %mul3A_12 = arith.muli %xor3A_1, %mul3A_11 : i32
    %add3A_13 = arith.addi %mul3A_12, %arg0 : i32
    %mul3A_14 = arith.constant 2 : i32
    %mul3A_15 = arith.muli %mul3A_14, %arg1 : i32
    "tpu.region"() ({
      %run_scoped3A = tpu.sem_alloc : memref<!tpu.dma_semaphore, #tpu.memory_space<semaphore_mem>>
      %dma_start3A_195 = arith.constant 0 : i32
      %dma_start3A_196 = tpu.memref_slice %arg8[%dma_start3A_195] : memref<6272xi32, #tpu.memory_space<vmem>> -> memref<3136xi32, #tpu.memory_space<vmem>>
      %dma_start3A_197 = arith.constant 0 : i32
      %dma_start3A_198 = tpu.memref_slice %arg3[%add3A_13, %mul3A_15, %dma_start3A_197] : memref<4x32x3136xi32, #tpu.memory_space<hbm>> -> memref<1x1x3136xi32, #tpu.memory_space<hbm>>
      %dma_start3A_199 = tpu.memref_squeeze %dma_start3A_198 : memref<1x1x3136xi32, #tpu.memory_space<hbm>> -> memref<3136xi32, #tpu.memory_space<hbm>>
      %dma_start3A_200 = arith.constant 0 : i32
      %dma_start3A_201 = tpu.memref_slice %arg8[%dma_start3A_200] : memref<6272xi32, #tpu.memory_space<vmem>> -> memref<3136xi32, #tpu.memory_space<vmem>>
      %dma_start3A_202 = arith.constant 0 : i32
      %dma_start3A_203 = tpu.memref_slice %arg3[%add3A_13, %mul3A_15, %dma_start3A_202] : memref<4x32x3136xi32, #tpu.memory_space<hbm>> -> memref<1x1x3136xi32, #tpu.memory_space<hbm>>
      %dma_start3A_204 = tpu.memref_squeeze %dma_start3A_203 : memref<1x1x3136xi32, #tpu.memory_space<hbm>> -> memref<3136xi32, #tpu.memory_space<hbm>>
      tpu.enqueue_dma source(%dma_start3A_204 : memref<3136xi32, #tpu.memory_space<hbm>>) target(%dma_start3A_201 : memref<3136xi32, #tpu.memory_space<vmem>>) target_semaphore(%run_scoped3A : memref<!tpu.dma_semaphore, #tpu.memory_space<semaphore_mem>>)
      %dma_wait3A_205 = arith.constant 0 : i32
      %dma_wait3A_206 = tpu.memref_slice %arg8[%dma_wait3A_205] : memref<6272xi32, #tpu.memory_space<vmem>> -> memref<3136xi32, #tpu.memory_space<vmem>>
      %dma_wait3A_207 = arith.constant 0 : i32
      %dma_wait3A_208 = tpu.memref_slice %arg3[%add3A_13, %mul3A_15, %dma_wait3A_207] : memref<4x32x3136xi32, #tpu.memory_space<hbm>> -> memref<1x1x3136xi32, #tpu.memory_space<hbm>>
      %dma_wait3A_209 = tpu.memref_squeeze %dma_wait3A_208 : memref<1x1x3136xi32, #tpu.memory_space<hbm>> -> memref<3136xi32, #tpu.memory_space<hbm>>
      %dma_wait3A_210 = arith.constant 0 : i32
      %dma_wait3A_211 = tpu.memref_slice %arg8[%dma_wait3A_210] : memref<6272xi32, #tpu.memory_space<vmem>> -> memref<3136xi32, #tpu.memory_space<vmem>>
      %dma_wait3A_212 = arith.constant 0 : i32
      %dma_wait3A_213 = tpu.memref_slice %arg3[%add3A_13, %mul3A_15, %dma_wait3A_212] : memref<4x32x3136xi32, #tpu.memory_space<hbm>> -> memref<1x1x3136xi32, #tpu.memory_space<hbm>>
      %dma_wait3A_214 = tpu.memref_squeeze %dma_wait3A_213 : memref<1x1x3136xi32, #tpu.memory_space<hbm>> -> memref<3136xi32, #tpu.memory_space<hbm>>
      tpu.wait_dma2 semaphore(%run_scoped3A : memref<!tpu.dma_semaphore, #tpu.memory_space<semaphore_mem>>) src(%dma_wait3A_214 : memref<3136xi32, #tpu.memory_space<hbm>>) dst(%dma_wait3A_211 : memref<3136xi32, #tpu.memory_space<vmem>>)
      tpu.yield
    }) : () -> ()
    %mul3A_16 = arith.constant 2 : i32
    %mul3A_17 = arith.muli %mul3A_16, %arg1 : i32
    %add3A_18 = arith.constant 1 : i32
    %add3A_19 = arith.addi %mul3A_17, %add3A_18 : i32
    "tpu.region"() ({
      %run_scoped3A = tpu.sem_alloc : memref<!tpu.dma_semaphore, #tpu.memory_space<semaphore_mem>>
      %dma_start3A_195 = arith.constant 3136 : i32
      %dma_start3A_196 = tpu.memref_slice %arg8[%dma_start3A_195] : memref<6272xi32, #tpu.memory_space<vmem>> -> memref<3136xi32, #tpu.memory_space<vmem>>
      %dma_start3A_197 = arith.constant 0 : i32
      %dma_start3A_198 = tpu.memref_slice %arg3[%add3A_13, %add3A_19, %dma_start3A_197] : memref<4x32x3136xi32, #tpu.memory_space<hbm>> -> memref<1x1x3136xi32, #tpu.memory_space<hbm>>
      %dma_start3A_199 = tpu.memref_squeeze %dma_start3A_198 : memref<1x1x3136xi32, #tpu.memory_space<hbm>> -> memref<3136xi32, #tpu.memory_space<hbm>>
      %dma_start3A_200 = arith.constant 3136 : i32
      %dma_start3A_201 = tpu.memref_slice %arg8[%dma_start3A_200] : memref<6272xi32, #tpu.memory_space<vmem>> -> memref<3136xi32, #tpu.memory_space<vmem>>
      %dma_start3A_202 = arith.constant 0 : i32
      %dma_start3A_203 = tpu.memref_slice %arg3[%add3A_13, %add3A_19, %dma_start3A_202] : memref<4x32x3136xi32, #tpu.memory_space<hbm>> -> memref<1x1x3136xi32, #tpu.memory_space<hbm>>
      %dma_start3A_204 = tpu.memref_squeeze %dma_start3A_203 : memref<1x1x3136xi32, #tpu.memory_space<hbm>> -> memref<3136xi32, #tpu.memory_space<hbm>>
      tpu.enqueue_dma source(%dma_start3A_204 : memref<3136xi32, #tpu.memory_space<hbm>>) target(%dma_start3A_201 : memref<3136xi32, #tpu.memory_space<vmem>>) target_semaphore(%run_scoped3A : memref<!tpu.dma_semaphore, #tpu.memory_space<semaphore_mem>>)
      %dma_wait3A_205 = arith.constant 3136 : i32
      %dma_wait3A_206 = tpu.memref_slice %arg8[%dma_wait3A_205] : memref<6272xi32, #tpu.memory_space<vmem>> -> memref<3136xi32, #tpu.memory_space<vmem>>
      %dma_wait3A_207 = arith.constant 0 : i32
      %dma_wait3A_208 = tpu.memref_slice %arg3[%add3A_13, %add3A_19, %dma_wait3A_207] : memref<4x32x3136xi32, #tpu.memory_space<hbm>> -> memref<1x1x3136xi32, #tpu.memory_space<hbm>>
      %dma_wait3A_209 = tpu.memref_squeeze %dma_wait3A_208 : memref<1x1x3136xi32, #tpu.memory_space<hbm>> -> memref<3136xi32, #tpu.memory_space<hbm>>
      %dma_wait3A_210 = arith.constant 3136 : i32
      %dma_wait3A_211 = tpu.memref_slice %arg8[%dma_wait3A_210] : memref<6272xi32, #tpu.memory_space<vmem>> -> memref<3136xi32, #tpu.memory_space<vmem>>
      %dma_wait3A_212 = arith.constant 0 : i32
      %dma_wait3A_213 = tpu.memref_slice %arg3[%add3A_13, %add3A_19, %dma_wait3A_212] : memref<4x32x3136xi32, #tpu.memory_space<hbm>> -> memref<1x1x3136xi32, #tpu.memory_space<hbm>>
      %dma_wait3A_214 = tpu.memref_squeeze %dma_wait3A_213 : memref<1x1x3136xi32, #tpu.memory_space<hbm>> -> memref<3136xi32, #tpu.memory_space<hbm>>
      tpu.wait_dma2 semaphore(%run_scoped3A : memref<!tpu.dma_semaphore, #tpu.memory_space<semaphore_mem>>) src(%dma_wait3A_214 : memref<3136xi32, #tpu.memory_space<hbm>>) dst(%dma_wait3A_211 : memref<3136xi32, #tpu.memory_space<vmem>>)
      tpu.yield
    }) : () -> ()
    %scan3A = arith.constant 0 : i32
    %scan3A_20 = arith.constant 0 : i32
    %scan3A_21 = arith.constant 49 : i32
    %scan3A_22 = arith.addi %scan3A_20, %scan3A_21 : i32
    %scan3A_23 = arith.constant 1 : i32
    %scan3A_24 = scf.for %scan3A_195 = %scan3A_20 to %scan3A_22 step %scan3A_23 iter_args(%scan3A_196 = %scan3A) -> (i32)  : i32 {
      %mul3A_197 = arith.constant 128 : i32
      %mul3A_198 = arith.muli %scan3A_195, %mul3A_197 : i32
      %add3A_199 = arith.constant 0 : i32
      %add3A_200 = arith.addi %mul3A_198, %add3A_199 : i32
      %multiple_of3A = tpu.assume_multiple %add3A_200, 16 : i32
      %get3A = arith.index_cast %multiple_of3A : i32 to index
      %get3A_201 = tpu.vector_load %arg8[%get3A] {strides = array<i32>} : memref<6272xi32, #tpu.memory_space<vmem>>, vector<16xi32>,
      %and3A = arith.constant 65535 : i32
      %and3A_202 = vector.broadcast %and3A : i32 to vector<16xi32>
      %and3A_203 = arith.andi %get3A_201, %and3A_202 : vector<16xi32>
      %multiple_of3A_204 = arith.constant 0 : i32
      %multiple_of3A_205 = tpu.assume_multiple %multiple_of3A_204, 16 : i32
      %swap3A = arith.index_cast %scan3A_195 : i32 to index
      %swap3A_206 = arith.index_cast %multiple_of3A_205 : i32 to index
      %swap3A_207 = tpu.vector_load %arg9[%swap3A, %swap3A_206] {strides = array<i32>} : memref<49x128xi32, #tpu.memory_space<vmem>>, vector<16xi32>,
      tpu.vector_store %arg9[%swap3A, %swap3A_206], %and3A_203 {strides = array<i32>} : memref<49x128xi32, #tpu.memory_space<vmem>>, vector<16xi32>,
      %shift_right_arithmetic3A = arith.constant 16 : i32
      %shift_right_arithmetic3A_208 = vector.broadcast %shift_right_arithmetic3A : i32 to vector<16xi32>
      %shift_right_arithmetic3A_209 = arith.shrsi %get3A_201, %shift_right_arithmetic3A_208 : vector<16xi32>
      %swap3A_210 = arith.index_cast %multiple_of3A : i32 to index
      %swap3A_211 = tpu.vector_load %arg8[%swap3A_210] {strides = array<i32>} : memref<6272xi32, #tpu.memory_space<vmem>>, vector<16xi32>,
      tpu.vector_store %arg8[%swap3A_210], %shift_right_arithmetic3A_209 {strides = array<i32>} : memref<6272xi32, #tpu.memory_space<vmem>>, vector<16xi32>,
      %mul3A_212 = arith.constant 128 : i32
      %mul3A_213 = arith.muli %scan3A_195, %mul3A_212 : i32
      %add3A_214 = arith.constant 16 : i32
      %add3A_215 = arith.addi %mul3A_213, %add3A_214 : i32
      %multiple_of3A_216 = tpu.assume_multiple %add3A_215, 16 : i32
      %get3A_217 = arith.index_cast %multiple_of3A_216 : i32 to index
      %get3A_218 = tpu.vector_load %arg8[%get3A_217] {strides = array<i32>} : memref<6272xi32, #tpu.memory_space<vmem>>, vector<16xi32>,
      %and3A_219 = arith.constant 65535 : i32
      %and3A_220 = vector.broadcast %and3A_219 : i32 to vector<16xi32>
      %and3A_221 = arith.andi %get3A_218, %and3A_220 : vector<16xi32>
      %multiple_of3A_222 = arith.constant 16 : i32
      %multiple_of3A_223 = tpu.assume_multiple %multiple_of3A_222, 16 : i32
      %swap3A_224 = arith.index_cast %scan3A_195 : i32 to index
      %swap3A_225 = arith.index_cast %multiple_of3A_223 : i32 to index
      %swap3A_226 = tpu.vector_load %arg9[%swap3A_224, %swap3A_225] {strides = array<i32>} : memref<49x128xi32, #tpu.memory_space<vmem>>, vector<16xi32>,
      tpu.vector_store %arg9[%swap3A_224, %swap3A_225], %and3A_221 {strides = array<i32>} : memref<49x128xi32, #tpu.memory_space<vmem>>, vector<16xi32>,
      %shift_right_arithmetic3A_227 = arith.constant 16 : i32
      %shift_right_arithmetic3A_228 = vector.broadcast %shift_right_arithmetic3A_227 : i32 to vector<16xi32>
      %shift_right_arithmetic3A_229 = arith.shrsi %get3A_218, %shift_right_arithmetic3A_228 : vector<16xi32>
      %swap3A_230 = arith.index_cast %multiple_of3A_216 : i32 to index
      %swap3A_231 = tpu.vector_load %arg8[%swap3A_230] {strides = array<i32>} : memref<6272xi32, #tpu.memory_space<vmem>>, vector<16xi32>,
      tpu.vector_store %arg8[%swap3A_230], %shift_right_arithmetic3A_229 {strides = array<i32>} : memref<6272xi32, #tpu.memory_space<vmem>>, vector<16xi32>,
      %mul3A_232 = arith.constant 128 : i32
      %mul3A_233 = arith.muli %scan3A_195, %mul3A_232 : i32
      %add3A_234 = arith.constant 32 : i32
      %add3A_235 = arith.addi %mul3A_233, %add3A_234 : i32
      %multiple_of3A_236 = tpu.assume_multiple %add3A_235, 16 : i32
      %get3A_237 = arith.index_cast %multiple_of3A_236 : i32 to index
      %get3A_238 = tpu.vector_load %arg8[%get3A_237] {strides = array<i32>} : memref<6272xi32, #tpu.memory_space<vmem>>, vector<16xi32>,
      %and3A_239 = arith.constant 65535 : i32
      %and3A_240 = vector.broadcast %and3A_239 : i32 to vector<16xi32>
      %and3A_241 = arith.andi %get3A_238, %and3A_240 : vector<16xi32>
      %multiple_of3A_242 = arith.constant 32 : i32
      %multiple_of3A_243 = tpu.assume_multiple %multiple_of3A_242, 16 : i32
      %swap3A_244 = arith.index_cast %scan3A_195 : i32 to index
      %swap3A_245 = arith.index_cast %multiple_of3A_243 : i32 to index
      %swap3A_246 = tpu.vector_load %arg9[%swap3A_244, %swap3A_245] {strides = array<i32>} : memref<49x128xi32, #tpu.memory_space<vmem>>, vector<16xi32>,
      tpu.vector_store %arg9[%swap3A_244, %swap3A_245], %and3A_241 {strides = array<i32>} : memref<49x128xi32, #tpu.memory_space<vmem>>, vector<16xi32>,
      %shift_right_arithmetic3A_247 = arith.constant 16 : i32
      %shift_right_arithmetic3A_248 = vector.broadcast %shift_right_arithmetic3A_247 : i32 to vector<16xi32>
      %shift_right_arithmetic3A_249 = arith.shrsi %get3A_238, %shift_right_arithmetic3A_248 : vector<16xi32>
      %swap3A_250 = arith.index_cast %multiple_of3A_236 : i32 to index
      %swap3A_251 = tpu.vector_load %arg8[%swap3A_250] {strides = array<i32>} : memref<6272xi32, #tpu.memory_space<vmem>>, vector<16xi32>,
      tpu.vector_store %arg8[%swap3A_250], %shift_right_arithmetic3A_249 {strides = array<i32>} : memref<6272xi32, #tpu.memory_space<vmem>>, vector<16xi32>,
      %mul3A_252 = arith.constant 128 : i32
      %mul3A_253 = arith.muli %scan3A_195, %mul3A_252 : i32
      %add3A_254 = arith.constant 48 : i32
      %add3A_255 = arith.addi %mul3A_253, %add3A_254 : i32
      %multiple_of3A_256 = tpu.assume_multiple %add3A_255, 16 : i32
      %get3A_257 = arith.index_cast %multiple_of3A_256 : i32 to index
      %get3A_258 = tpu.vector_load %arg8[%get3A_257] {strides = array<i32>} : memref<6272xi32, #tpu.memory_space<vmem>>, vector<16xi32>,
      %and3A_259 = arith.constant 65535 : i32
      %and3A_260 = vector.broadcast %and3A_259 : i32 to vector<16xi32>
      %and3A_261 = arith.andi %get3A_258, %and3A_260 : vector<16xi32>
      %multiple_of3A_262 = arith.constant 48 : i32
      %multiple_of3A_263 = tpu.assume_multiple %multiple_of3A_262, 16 : i32
      %swap3A_264 = arith.index_cast %scan3A_195 : i32 to index
      %swap3A_265 = arith.index_cast %multiple_of3A_263 : i32 to index
      %swap3A_266 = tpu.vector_load %arg9[%swap3A_264, %swap3A_265] {strides = array<i32>} : memref<49x128xi32, #tpu.memory_space<vmem>>, vector<16xi32>,
      tpu.vector_store %arg9[%swap3A_264, %swap3A_265], %and3A_261 {strides = array<i32>} : memref<49x128xi32, #tpu.memory_space<vmem>>, vector<16xi32>,
      %shift_right_arithmetic3A_267 = arith.constant 16 : i32
      %shift_right_arithmetic3A_268 = vector.broadcast %shift_right_arithmetic3A_267 : i32 to vector<16xi32>
      %shift_right_arithmetic3A_269 = arith.shrsi %get3A_258, %shift_right_arithmetic3A_268 : vector<16xi32>
      %swap3A_270 = arith.index_cast %multiple_of3A_256 : i32 to index
      %swap3A_271 = tpu.vector_load %arg8[%swap3A_270] {strides = array<i32>} : memref<6272xi32, #tpu.memory_space<vmem>>, vector<16xi32>,
      tpu.vector_store %arg8[%swap3A_270], %shift_right_arithmetic3A_269 {strides = array<i32>} : memref<6272xi32, #tpu.memory_space<vmem>>, vector<16xi32>,
      %mul3A_272 = arith.constant 128 : i32
      %mul3A_273 = arith.muli %scan3A_195, %mul3A_272 : i32
      %add3A_274 = arith.constant 64 : i32
      %add3A_275 = arith.addi %mul3A_273, %add3A_274 : i32
      %multiple_of3A_276 = tpu.assume_multiple %add3A_275, 16 : i32
      %get3A_277 = arith.index_cast %multiple_of3A_276 : i32 to index
      %get3A_278 = tpu.vector_load %arg8[%get3A_277] {strides = array<i32>} : memref<6272xi32, #tpu.memory_space<vmem>>, vector<16xi32>,
      %and3A_279 = arith.constant 65535 : i32
      %and3A_280 = vector.broadcast %and3A_279 : i32 to vector<16xi32>
      %and3A_281 = arith.andi %get3A_278, %and3A_280 : vector<16xi32>
      %multiple_of3A_282 = arith.constant 64 : i32
      %multiple_of3A_283 = tpu.assume_multiple %multiple_of3A_282, 16 : i32
      %swap3A_284 = arith.index_cast %scan3A_195 : i32 to index
      %swap3A_285 = arith.index_cast %multiple_of3A_283 : i32 to index
      %swap3A_286 = tpu.vector_load %arg9[%swap3A_284, %swap3A_285] {strides = array<i32>} : memref<49x128xi32, #tpu.memory_space<vmem>>, vector<16xi32>,
      tpu.vector_store %arg9[%swap3A_284, %swap3A_285], %and3A_281 {strides = array<i32>} : memref<49x128xi32, #tpu.memory_space<vmem>>, vector<16xi32>,
      %shift_right_arithmetic3A_287 = arith.constant 16 : i32
      %shift_right_arithmetic3A_288 = vector.broadcast %shift_right_arithmetic3A_287 : i32 to vector<16xi32>
      %shift_right_arithmetic3A_289 = arith.shrsi %get3A_278, %shift_right_arithmetic3A_288 : vector<16xi32>
      %swap3A_290 = arith.index_cast %multiple_of3A_276 : i32 to index
      %swap3A_291 = tpu.vector_load %arg8[%swap3A_290] {strides = array<i32>} : memref<6272xi32, #tpu.memory_space<vmem>>, vector<16xi32>,
      tpu.vector_store %arg8[%swap3A_290], %shift_right_arithmetic3A_289 {strides = array<i32>} : memref<6272xi32, #tpu.memory_space<vmem>>, vector<16xi32>,
      %mul3A_292 = arith.constant 128 : i32
      %mul3A_293 = arith.muli %scan3A_195, %mul3A_292 : i32
      %add3A_294 = arith.constant 80 : i32
      %add3A_295 = arith.addi %mul3A_293, %add3A_294 : i32
      %multiple_of3A_296 = tpu.assume_multiple %add3A_295, 16 : i32
      %get3A_297 = arith.index_cast %multiple_of3A_296 : i32 to index
      %get3A_298 = tpu.vector_load %arg8[%get3A_297] {strides = array<i32>} : memref<6272xi32, #tpu.memory_space<vmem>>, vector<16xi32>,
      %and3A_299 = arith.constant 65535 : i32
      %and3A_300 = vector.broadcast %and3A_299 : i32 to vector<16xi32>
      %and3A_301 = arith.andi %get3A_298, %and3A_300 : vector<16xi32>
      %multiple_of3A_302 = arith.constant 80 : i32
      %multiple_of3A_303 = tpu.assume_multiple %multiple_of3A_302, 16 : i32
      %swap3A_304 = arith.index_cast %scan3A_195 : i32 to index
      %swap3A_305 = arith.index_cast %multiple_of3A_303 : i32 to index
      %swap3A_306 = tpu.vector_load %arg9[%swap3A_304, %swap3A_305] {strides = array<i32>} : memref<49x128xi32, #tpu.memory_space<vmem>>, vector<16xi32>,
      tpu.vector_store %arg9[%swap3A_304, %swap3A_305], %and3A_301 {strides = array<i32>} : memref<49x128xi32, #tpu.memory_space<vmem>>, vector<16xi32>,
      %shift_right_arithmetic3A_307 = arith.constant 16 : i32
      %shift_right_arithmetic3A_308 = vector.broadcast %shift_right_arithmetic3A_307 : i32 to vector<16xi32>
      %shift_right_arithmetic3A_309 = arith.shrsi %get3A_298, %shift_right_arithmetic3A_308 : vector<16xi32>
      %swap3A_310 = arith.index_cast %multiple_of3A_296 : i32 to index
      %swap3A_311 = tpu.vector_load %arg8[%swap3A_310] {strides = array<i32>} : memref<6272xi32, #tpu.memory_space<vmem>>, vector<16xi32>,
      tpu.vector_store %arg8[%swap3A_310], %shift_right_arithmetic3A_309 {strides = array<i32>} : memref<6272xi32, #tpu.memory_space<vmem>>, vector<16xi32>,
      %mul3A_312 = arith.constant 128 : i32
      %mul3A_313 = arith.muli %scan3A_195, %mul3A_312 : i32
      %add3A_314 = arith.constant 96 : i32
      %add3A_315 = arith.addi %mul3A_313, %add3A_314 : i32
      %multiple_of3A_316 = tpu.assume_multiple %add3A_315, 16 : i32
      %get3A_317 = arith.index_cast %multiple_of3A_316 : i32 to index
      %get3A_318 = tpu.vector_load %arg8[%get3A_317] {strides = array<i32>} : memref<6272xi32, #tpu.memory_space<vmem>>, vector<16xi32>,
      %and3A_319 = arith.constant 65535 : i32
      %and3A_320 = vector.broadcast %and3A_319 : i32 to vector<16xi32>
      %and3A_321 = arith.andi %get3A_318, %and3A_320 : vector<16xi32>
      %multiple_of3A_322 = arith.constant 96 : i32
      %multiple_of3A_323 = tpu.assume_multiple %multiple_of3A_322, 16 : i32
      %swap3A_324 = arith.index_cast %scan3A_195 : i32 to index
      %swap3A_325 = arith.index_cast %multiple_of3A_323 : i32 to index
      %swap3A_326 = tpu.vector_load %arg9[%swap3A_324, %swap3A_325] {strides = array<i32>} : memref<49x128xi32, #tpu.memory_space<vmem>>, vector<16xi32>,
      tpu.vector_store %arg9[%swap3A_324, %swap3A_325], %and3A_321 {strides = array<i32>} : memref<49x128xi32, #tpu.memory_space<vmem>>, vector<16xi32>,
      %shift_right_arithmetic3A_327 = arith.constant 16 : i32
      %shift_right_arithmetic3A_328 = vector.broadcast %shift_right_arithmetic3A_327 : i32 to vector<16xi32>
      %shift_right_arithmetic3A_329 = arith.shrsi %get3A_318, %shift_right_arithmetic3A_328 : vector<16xi32>
      %swap3A_330 = arith.index_cast %multiple_of3A_316 : i32 to index
      %swap3A_331 = tpu.vector_load %arg8[%swap3A_330] {strides = array<i32>} : memref<6272xi32, #tpu.memory_space<vmem>>, vector<16xi32>,
      tpu.vector_store %arg8[%swap3A_330], %shift_right_arithmetic3A_329 {strides = array<i32>} : memref<6272xi32, #tpu.memory_space<vmem>>, vector<16xi32>,
      %mul3A_332 = arith.constant 128 : i32
      %mul3A_333 = arith.muli %scan3A_195, %mul3A_332 : i32
      %add3A_334 = arith.constant 112 : i32
      %add3A_335 = arith.addi %mul3A_333, %add3A_334 : i32
      %multiple_of3A_336 = tpu.assume_multiple %add3A_335, 16 : i32
      %get3A_337 = arith.index_cast %multiple_of3A_336 : i32 to index
      %get3A_338 = tpu.vector_load %arg8[%get3A_337] {strides = array<i32>} : memref<6272xi32, #tpu.memory_space<vmem>>, vector<16xi32>,
      %and3A_339 = arith.constant 65535 : i32
      %and3A_340 = vector.broadcast %and3A_339 : i32 to vector<16xi32>
      %and3A_341 = arith.andi %get3A_338, %and3A_340 : vector<16xi32>
      %multiple_of3A_342 = arith.constant 112 : i32
      %multiple_of3A_343 = tpu.assume_multiple %multiple_of3A_342, 16 : i32
      %swap3A_344 = arith.index_cast %scan3A_195 : i32 to index
      %swap3A_345 = arith.index_cast %multiple_of3A_343 : i32 to index
      %swap3A_346 = tpu.vector_load %arg9[%swap3A_344, %swap3A_345] {strides = array<i32>} : memref<49x128xi32, #tpu.memory_space<vmem>>, vector<16xi32>,
      tpu.vector_store %arg9[%swap3A_344, %swap3A_345], %and3A_341 {strides = array<i32>} : memref<49x128xi32, #tpu.memory_space<vmem>>, vector<16xi32>,
      %shift_right_arithmetic3A_347 = arith.constant 16 : i32
      %shift_right_arithmetic3A_348 = vector.broadcast %shift_right_arithmetic3A_347 : i32 to vector<16xi32>
      %shift_right_arithmetic3A_349 = arith.shrsi %get3A_338, %shift_right_arithmetic3A_348 : vector<16xi32>
      %swap3A_350 = arith.index_cast %multiple_of3A_336 : i32 to index
      %swap3A_351 = tpu.vector_load %arg8[%swap3A_350] {strides = array<i32>} : memref<6272xi32, #tpu.memory_space<vmem>>, vector<16xi32>,
      tpu.vector_store %arg8[%swap3A_350], %shift_right_arithmetic3A_349 {strides = array<i32>} : memref<6272xi32, #tpu.memory_space<vmem>>, vector<16xi32>,
      %scan3A_352 = arith.constant 0 : i32
      scf.yield %scan3A_352 : i32
    }
    %scan3A_25 = arith.constant 49 : i32
    %dma_wait3A = arith.constant 0 : i32
    %dma_wait3A_26 = tpu.memref_slice %arg6[%mul3A_7, %dma_wait3A] : memref<5120x128xf32, #tpu.memory_space<vmem_shared>> -> memref<320x128xf32, #tpu.memory_space<vmem_shared>>
    %dma_wait3A_27 = arith.constant 0 : i32
    %dma_wait3A_28 = tpu.memref_slice %arg2[%add3A, %dma_wait3A_27] : memref<10240x128xf32, #tpu.memory_space<hbm>> -> memref<320x128xf32, #tpu.memory_space<hbm>>
    tpu.wait_dma2 semaphore(%arg13 : memref<!tpu.dma_semaphore, #tpu.memory_space<semaphore_mem>>) src(%dma_wait3A_28 : memref<320x128xf32, #tpu.memory_space<hbm>>) dst(%dma_wait3A_26 : memref<320x128xf32, #tpu.memory_space<vmem_shared>>)
    %barrier3A = arith.constant 0 : index
    tpu.barrier barrier_id(%barrier3A)
    %dma_start3A_29 = arith.constant 0 : i32
    %dma_start3A_30 = arith.constant 0 : i32
    %dma_start3A_31 = arith.constant 0 : i32
    %dma_start3A_32 = tpu.memref_slice %arg10[%dma_start3A_29, %dma_start3A_30, %dma_start3A_31] : memref<2x128x128xf32, #tpu.memory_space<vmem>> -> memref<1x128x128xf32, #tpu.memory_space<vmem>>
    %dma_start3A_33 = tpu.memref_squeeze %dma_start3A_32 : memref<1x128x128xf32, #tpu.memory_space<vmem>> -> memref<128x128xf32, #tpu.memory_space<vmem>>
    %dma_start3A_34 = arith.constant 0 : i32
    %dma_start3A_35 = tpu.memref_slice %arg8[%dma_start3A_34] : memref<6272xi32, #tpu.memory_space<vmem>> -> memref<128xi32, #tpu.memory_space<vmem>>
    %dma_start3A_36 = arith.constant 0 : i32
    %dma_start3A_37 = arith.constant 0 : i32
    %dma_start3A_38 = tpu.memref_slice %arg6[%dma_start3A_36, %dma_start3A_37] : memref<5120x128xf32, #tpu.memory_space<vmem_shared>> -> memref<5120x128xf32, #tpu.memory_space<vmem_shared>>
    tpu.enqueue_indirect_dma source(%dma_start3A_38 : memref<5120x128xf32, #tpu.memory_space<vmem_shared>>) target(%dma_start3A_33 : memref<128x128xf32, #tpu.memory_space<vmem>>) offsets(%dma_start3A_35 : memref<128xi32, #tpu.memory_space<vmem>>) semaphore(%arg11 : memref<!tpu.dma_semaphore, #tpu.memory_space<semaphore_mem>>)
    %scan3A_39 = arith.constant 0 : i32
    %scan3A_40 = arith.constant 0 : i32
    %scan3A_41 = arith.constant 24 : i32
    %scan3A_42 = arith.addi %scan3A_40, %scan3A_41 : i32
    %scan3A_43 = arith.constant 1 : i32
    %scan3A_44 = scf.for %scan3A_195 = %scan3A_40 to %scan3A_42 step %scan3A_43 iter_args(%scan3A_196 = %scan3A_39) -> (i32)  : i32 {
      %mul3A_197 = arith.constant 2 : i32
      %mul3A_198 = arith.muli %scan3A_195, %mul3A_197 : i32
      %add3A_199 = arith.constant 0 : i32
      %add3A_200 = arith.addi %mul3A_198, %add3A_199 : i32
      %add3A_201 = arith.constant 1 : i32
      %add3A_202 = arith.addi %add3A_200, %add3A_201 : i32
      %lt3A = arith.constant 49 : i32
      %lt3A_203 = arith.cmpi slt, %add3A_202, %lt3A : i32
      %convert_element_type3A = arith.extui %lt3A_203 : i1 to i32
      %cond3A = arith.constant 0 : i32
      %cond3A_204 = arith.cmpi ne, %convert_element_type3A, %cond3A : i32
      scf.if %cond3A_204 {
        %ge3A = arith.constant 1 : i32
        %ge3A_261 = arith.cmpi sge, %add3A_200, %ge3A : i32
        %convert_element_type3A_262 = arith.extui %ge3A_261 : i1 to i32
        %cond3A_263 = arith.constant 0 : i32
        %cond3A_264 = arith.cmpi ne, %convert_element_type3A_262, %cond3A_263 : i32
        scf.if %cond3A_264 {
          %sub3A = arith.constant 1 : i32
          %sub3A_278 = arith.subi %add3A_200, %sub3A : i32
          %dma_wait3A_279 = arith.constant 1 : i32
          %dma_wait3A_280 = arith.constant 0 : i32
          %dma_wait3A_281 = arith.constant 0 : i32
          %dma_wait3A_282 = tpu.memref_slice %arg10[%dma_wait3A_279, %dma_wait3A_280, %dma_wait3A_281] : memref<2x128x128xf32, #tpu.memory_space<vmem>> -> memref<1x128x128xf32, #tpu.memory_space<vmem>>
          %dma_wait3A_283 = tpu.memref_squeeze %dma_wait3A_282 : memref<1x128x128xf32, #tpu.memory_space<vmem>> -> memref<128x128xf32, #tpu.memory_space<vmem>>
          %dma_wait3A_284 = arith.constant 0 : i32
          %dma_wait3A_285 = tpu.memref_slice %arg9[%sub3A_278, %dma_wait3A_284] : memref<49x128xi32, #tpu.memory_space<vmem>> -> memref<1x128xi32, #tpu.memory_space<vmem>>
          %dma_wait3A_286 = tpu.memref_squeeze %dma_wait3A_285 : memref<1x128xi32, #tpu.memory_space<vmem>> -> memref<128xi32, #tpu.memory_space<vmem>>
          %dma_wait3A_287 = arith.constant 0 : i32
          %dma_wait3A_288 = arith.constant 0 : i32
          %dma_wait3A_289 = tpu.memref_slice %arg7[%dma_wait3A_287, %dma_wait3A_288] : memref<5184x128xf32, #tpu.memory_space<vmem_shared>> -> memref<5184x128xf32, #tpu.memory_space<vmem_shared>>
          tpu.wait_indirect_dma semaphore(%arg14 : memref<!tpu.dma_semaphore, #tpu.memory_space<semaphore_mem>>) src(%dma_wait3A_283 : memref<128x128xf32, #tpu.memory_space<vmem>>) dst(%dma_wait3A_289 : memref<5184x128xf32, #tpu.memory_space<vmem_shared>>)
        } else {
        }
        %add3A_265 = arith.constant 1 : i32
        %add3A_266 = arith.addi %add3A_200, %add3A_265 : i32
        %mul3A_267 = arith.constant 128 : i32
        %mul3A_268 = arith.muli %add3A_266, %mul3A_267 : i32
        %dma_start3A_269 = arith.constant 1 : i32
        %dma_start3A_270 = arith.constant 0 : i32
        %dma_start3A_271 = arith.constant 0 : i32
        %dma_start3A_272 = tpu.memref_slice %arg10[%dma_start3A_269, %dma_start3A_270, %dma_start3A_271] : memref<2x128x128xf32, #tpu.memory_space<vmem>> -> memref<1x128x128xf32, #tpu.memory_space<vmem>>
        %dma_start3A_273 = tpu.memref_squeeze %dma_start3A_272 : memref<1x128x128xf32, #tpu.memory_space<vmem>> -> memref<128x128xf32, #tpu.memory_space<vmem>>
        %dma_start3A_274 = tpu.memref_slice %arg8[%mul3A_268] : memref<6272xi32, #tpu.memory_space<vmem>> -> memref<128xi32, #tpu.memory_space<vmem>>
        %dma_start3A_275 = arith.constant 0 : i32
        %dma_start3A_276 = arith.constant 0 : i32
        %dma_start3A_277 = tpu.memref_slice %arg6[%dma_start3A_275, %dma_start3A_276] : memref<5120x128xf32, #tpu.memory_space<vmem_shared>> -> memref<5120x128xf32, #tpu.memory_space<vmem_shared>>
        tpu.enqueue_indirect_dma source(%dma_start3A_277 : memref<5120x128xf32, #tpu.memory_space<vmem_shared>>) target(%dma_start3A_273 : memref<128x128xf32, #tpu.memory_space<vmem>>) offsets(%dma_start3A_274 : memref<128xi32, #tpu.memory_space<vmem>>) semaphore(%arg12 : memref<!tpu.dma_semaphore, #tpu.memory_space<semaphore_mem>>)
      } else {
      }
      %mul3A_205 = arith.constant 128 : i32
      %mul3A_206 = arith.muli %add3A_200, %mul3A_205 : i32
      %dma_wait3A_207 = arith.constant 0 : i32
      %dma_wait3A_208 = arith.constant 0 : i32
      %dma_wait3A_209 = arith.constant 0 : i32
      %dma_wait3A_210 = tpu.memref_slice %arg10[%dma_wait3A_207, %dma_wait3A_208, %dma_wait3A_209] : memref<2x128x128xf32, #tpu.memory_space<vmem>> -> memref<1x128x128xf32, #tpu.memory_space<vmem>>
      %dma_wait3A_211 = tpu.memref_squeeze %dma_wait3A_210 : memref<1x128x128xf32, #tpu.memory_space<vmem>> -> memref<128x128xf32, #tpu.memory_space<vmem>>
      %dma_wait3A_212 = tpu.memref_slice %arg8[%mul3A_206] : memref<6272xi32, #tpu.memory_space<vmem>> -> memref<128xi32, #tpu.memory_space<vmem>>
      %dma_wait3A_213 = arith.constant 0 : i32
      %dma_wait3A_214 = arith.constant 0 : i32
      %dma_wait3A_215 = tpu.memref_slice %arg6[%dma_wait3A_213, %dma_wait3A_214] : memref<5120x128xf32, #tpu.memory_space<vmem_shared>> -> memref<5120x128xf32, #tpu.memory_space<vmem_shared>>
      tpu.wait_indirect_dma semaphore(%arg11 : memref<!tpu.dma_semaphore, #tpu.memory_space<semaphore_mem>>) src(%dma_wait3A_215 : memref<5120x128xf32, #tpu.memory_space<vmem_shared>>) dst(%dma_wait3A_211 : memref<128x128xf32, #tpu.memory_space<vmem>>)
      %dma_start3A_216 = arith.constant 0 : i32
      %dma_start3A_217 = arith.constant 0 : i32
      %dma_start3A_218 = arith.constant 0 : i32
      %dma_start3A_219 = tpu.memref_slice %arg10[%dma_start3A_216, %dma_start3A_217, %dma_start3A_218] : memref<2x128x128xf32, #tpu.memory_space<vmem>> -> memref<1x128x128xf32, #tpu.memory_space<vmem>>
      %dma_start3A_220 = tpu.memref_squeeze %dma_start3A_219 : memref<1x128x128xf32, #tpu.memory_space<vmem>> -> memref<128x128xf32, #tpu.memory_space<vmem>>
      %dma_start3A_221 = arith.constant 0 : i32
      %dma_start3A_222 = tpu.memref_slice %arg9[%add3A_200, %dma_start3A_221] : memref<49x128xi32, #tpu.memory_space<vmem>> -> memref<1x128xi32, #tpu.memory_space<vmem>>
      %dma_start3A_223 = tpu.memref_squeeze %dma_start3A_222 : memref<1x128xi32, #tpu.memory_space<vmem>> -> memref<128xi32, #tpu.memory_space<vmem>>
      %dma_start3A_224 = arith.constant 0 : i32
      %dma_start3A_225 = arith.constant 0 : i32
      %dma_start3A_226 = tpu.memref_slice %arg7[%dma_start3A_224, %dma_start3A_225] : memref<5184x128xf32, #tpu.memory_space<vmem_shared>> -> memref<5184x128xf32, #tpu.memory_space<vmem_shared>>
      tpu.enqueue_indirect_dma source(%dma_start3A_220 : memref<128x128xf32, #tpu.memory_space<vmem>>) target(%dma_start3A_226 : memref<5184x128xf32, #tpu.memory_space<vmem_shared>>) offsets(%dma_start3A_223 : memref<128xi32, #tpu.memory_space<vmem>>) semaphore(%arg13 : memref<!tpu.dma_semaphore, #tpu.memory_space<semaphore_mem>>) {add = true}
      %mul3A_227 = arith.constant 2 : i32
      %mul3A_228 = arith.muli %scan3A_195, %mul3A_227 : i32
      %add3A_229 = arith.constant 1 : i32
      %add3A_230 = arith.addi %mul3A_228, %add3A_229 : i32
      %add3A_231 = arith.constant 1 : i32
      %add3A_232 = arith.addi %add3A_230, %add3A_231 : i32
      %lt3A_233 = arith.constant 49 : i32
      %lt3A_234 = arith.cmpi slt, %add3A_232, %lt3A_233 : i32
      %convert_element_type3A_235 = arith.extui %lt3A_234 : i1 to i32
      %cond3A_236 = arith.constant 0 : i32
      %cond3A_237 = arith.cmpi ne, %convert_element_type3A_235, %cond3A_236 : i32
      scf.if %cond3A_237 {
        %ge3A = arith.constant 1 : i32
        %ge3A_261 = arith.cmpi sge, %add3A_230, %ge3A : i32
        %convert_element_type3A_262 = arith.extui %ge3A_261 : i1 to i32
        %cond3A_263 = arith.constant 0 : i32
        %cond3A_264 = arith.cmpi ne, %convert_element_type3A_262, %cond3A_263 : i32
        scf.if %cond3A_264 {
          %sub3A = arith.constant 1 : i32
          %sub3A_278 = arith.subi %add3A_230, %sub3A : i32
          %dma_wait3A_279 = arith.constant 0 : i32
          %dma_wait3A_280 = arith.constant 0 : i32
          %dma_wait3A_281 = arith.constant 0 : i32
          %dma_wait3A_282 = tpu.memref_slice %arg10[%dma_wait3A_279, %dma_wait3A_280, %dma_wait3A_281] : memref<2x128x128xf32, #tpu.memory_space<vmem>> -> memref<1x128x128xf32, #tpu.memory_space<vmem>>
          %dma_wait3A_283 = tpu.memref_squeeze %dma_wait3A_282 : memref<1x128x128xf32, #tpu.memory_space<vmem>> -> memref<128x128xf32, #tpu.memory_space<vmem>>
          %dma_wait3A_284 = arith.constant 0 : i32
          %dma_wait3A_285 = tpu.memref_slice %arg9[%sub3A_278, %dma_wait3A_284] : memref<49x128xi32, #tpu.memory_space<vmem>> -> memref<1x128xi32, #tpu.memory_space<vmem>>
          %dma_wait3A_286 = tpu.memref_squeeze %dma_wait3A_285 : memref<1x128xi32, #tpu.memory_space<vmem>> -> memref<128xi32, #tpu.memory_space<vmem>>
          %dma_wait3A_287 = arith.constant 0 : i32
          %dma_wait3A_288 = arith.constant 0 : i32
          %dma_wait3A_289 = tpu.memref_slice %arg7[%dma_wait3A_287, %dma_wait3A_288] : memref<5184x128xf32, #tpu.memory_space<vmem_shared>> -> memref<5184x128xf32, #tpu.memory_space<vmem_shared>>
          tpu.wait_indirect_dma semaphore(%arg13 : memref<!tpu.dma_semaphore, #tpu.memory_space<semaphore_mem>>) src(%dma_wait3A_283 : memref<128x128xf32, #tpu.memory_space<vmem>>) dst(%dma_wait3A_289 : memref<5184x128xf32, #tpu.memory_space<vmem_shared>>)
        } else {
        }
        %add3A_265 = arith.constant 1 : i32
        %add3A_266 = arith.addi %add3A_230, %add3A_265 : i32
        %mul3A_267 = arith.constant 128 : i32
        %mul3A_268 = arith.muli %add3A_266, %mul3A_267 : i32
        %dma_start3A_269 = arith.constant 0 : i32
        %dma_start3A_270 = arith.constant 0 : i32
        %dma_start3A_271 = arith.constant 0 : i32
        %dma_start3A_272 = tpu.memref_slice %arg10[%dma_start3A_269, %dma_start3A_270, %dma_start3A_271] : memref<2x128x128xf32, #tpu.memory_space<vmem>> -> memref<1x128x128xf32, #tpu.memory_space<vmem>>
        %dma_start3A_273 = tpu.memref_squeeze %dma_start3A_272 : memref<1x128x128xf32, #tpu.memory_space<vmem>> -> memref<128x128xf32, #tpu.memory_space<vmem>>
        %dma_start3A_274 = tpu.memref_slice %arg8[%mul3A_268] : memref<6272xi32, #tpu.memory_space<vmem>> -> memref<128xi32, #tpu.memory_space<vmem>>
        %dma_start3A_275 = arith.constant 0 : i32
        %dma_start3A_276 = arith.constant 0 : i32
        %dma_start3A_277 = tpu.memref_slice %arg6[%dma_start3A_275, %dma_start3A_276] : memref<5120x128xf32, #tpu.memory_space<vmem_shared>> -> memref<5120x128xf32, #tpu.memory_space<vmem_shared>>
        tpu.enqueue_indirect_dma source(%dma_start3A_277 : memref<5120x128xf32, #tpu.memory_space<vmem_shared>>) target(%dma_start3A_273 : memref<128x128xf32, #tpu.memory_space<vmem>>) offsets(%dma_start3A_274 : memref<128xi32, #tpu.memory_space<vmem>>) semaphore(%arg11 : memref<!tpu.dma_semaphore, #tpu.memory_space<semaphore_mem>>)
      } else {
      }
      %mul3A_238 = arith.constant 128 : i32
      %mul3A_239 = arith.muli %add3A_230, %mul3A_238 : i32
      %dma_wait3A_240 = arith.constant 1 : i32
      %dma_wait3A_241 = arith.constant 0 : i32
      %dma_wait3A_242 = arith.constant 0 : i32
      %dma_wait3A_243 = tpu.memref_slice %arg10[%dma_wait3A_240, %dma_wait3A_241, %dma_wait3A_242] : memref<2x128x128xf32, #tpu.memory_space<vmem>> -> memref<1x128x128xf32, #tpu.memory_space<vmem>>
      %dma_wait3A_244 = tpu.memref_squeeze %dma_wait3A_243 : memref<1x128x128xf32, #tpu.memory_space<vmem>> -> memref<128x128xf32, #tpu.memory_space<vmem>>
      %dma_wait3A_245 = tpu.memref_slice %arg8[%mul3A_239] : memref<6272xi32, #tpu.memory_space<vmem>> -> memref<128xi32, #tpu.memory_space<vmem>>
      %dma_wait3A_246 = arith.constant 0 : i32
      %dma_wait3A_247 = arith.constant 0 : i32
      %dma_wait3A_248 = tpu.memref_slice %arg6[%dma_wait3A_246, %dma_wait3A_247] : memref<5120x128xf32, #tpu.memory_space<vmem_shared>> -> memref<5120x128xf32, #tpu.memory_space<vmem_shared>>
      tpu.wait_indirect_dma semaphore(%arg12 : memref<!tpu.dma_semaphore, #tpu.memory_space<semaphore_mem>>) src(%dma_wait3A_248 : memref<5120x128xf32, #tpu.memory_space<vmem_shared>>) dst(%dma_wait3A_244 : memref<128x128xf32, #tpu.memory_space<vmem>>)
      %dma_start3A_249 = arith.constant 1 : i32
      %dma_start3A_250 = arith.constant 0 : i32
      %dma_start3A_251 = arith.constant 0 : i32
      %dma_start3A_252 = tpu.memref_slice %arg10[%dma_start3A_249, %dma_start3A_250, %dma_start3A_251] : memref<2x128x128xf32, #tpu.memory_space<vmem>> -> memref<1x128x128xf32, #tpu.memory_space<vmem>>
      %dma_start3A_253 = tpu.memref_squeeze %dma_start3A_252 : memref<1x128x128xf32, #tpu.memory_space<vmem>> -> memref<128x128xf32, #tpu.memory_space<vmem>>
      %dma_start3A_254 = arith.constant 0 : i32
      %dma_start3A_255 = tpu.memref_slice %arg9[%add3A_230, %dma_start3A_254] : memref<49x128xi32, #tpu.memory_space<vmem>> -> memref<1x128xi32, #tpu.memory_space<vmem>>
      %dma_start3A_256 = tpu.memref_squeeze %dma_start3A_255 : memref<1x128xi32, #tpu.memory_space<vmem>> -> memref<128xi32, #tpu.memory_space<vmem>>
      %dma_start3A_257 = arith.constant 0 : i32
      %dma_start3A_258 = arith.constant 0 : i32
      %dma_start3A_259 = tpu.memref_slice %arg7[%dma_start3A_257, %dma_start3A_258] : memref<5184x128xf32, #tpu.memory_space<vmem_shared>> -> memref<5184x128xf32, #tpu.memory_space<vmem_shared>>
      tpu.enqueue_indirect_dma source(%dma_start3A_253 : memref<128x128xf32, #tpu.memory_space<vmem>>) target(%dma_start3A_259 : memref<5184x128xf32, #tpu.memory_space<vmem_shared>>) offsets(%dma_start3A_256 : memref<128xi32, #tpu.memory_space<vmem>>) semaphore(%arg14 : memref<!tpu.dma_semaphore, #tpu.memory_space<semaphore_mem>>) {add = true}
      %scan3A_260 = arith.constant 0 : i32
      scf.yield %scan3A_260 : i32
    }
    %scan3A_45 = arith.constant 24 : i32
    %dma_wait3A_46 = arith.constant 0 : i32
    %dma_wait3A_47 = arith.constant 0 : i32
    %dma_wait3A_48 = arith.constant 0 : i32
    %dma_wait3A_49 = tpu.memref_slice %arg10[%dma_wait3A_46, %dma_wait3A_47, %dma_wait3A_48] : memref<2x128x128xf32, #tpu.memory_space<vmem>> -> memref<1x128x128xf32, #tpu.memory_space<vmem>>
    %dma_wait3A_50 = tpu.memref_squeeze %dma_wait3A_49 : memref<1x128x128xf32, #tpu.memory_space<vmem>> -> memref<128x128xf32, #tpu.memory_space<vmem>>
    %dma_wait3A_51 = arith.constant 6144 : i32
    %dma_wait3A_52 = tpu.memref_slice %arg8[%dma_wait3A_51] : memref<6272xi32, #tpu.memory_space<vmem>> -> memref<128xi32, #tpu.memory_space<vmem>>
    %dma_wait3A_53 = arith.constant 0 : i32
    %dma_wait3A_54 = arith.constant 0 : i32
    %dma_wait3A_55 = tpu.memref_slice %arg6[%dma_wait3A_53, %dma_wait3A_54] : memref<5120x128xf32, #tpu.memory_space<vmem_shared>> -> memref<5120x128xf32, #tpu.memory_space<vmem_shared>>
    tpu.wait_indirect_dma semaphore(%arg11 : memref<!tpu.dma_semaphore, #tpu.memory_space<semaphore_mem>>) src(%dma_wait3A_55 : memref<5120x128xf32, #tpu.memory_space<vmem_shared>>) dst(%dma_wait3A_50 : memref<128x128xf32, #tpu.memory_space<vmem>>)
    %dma_start3A_56 = arith.constant 0 : i32
    %dma_start3A_57 = arith.constant 48 : i32
    %dma_start3A_58 = arith.constant 0 : i32
    %dma_start3A_59 = arith.constant 0 : i32
    %dma_start3A_60 = tpu.memref_slice %arg10[%dma_start3A_56, %dma_start3A_58, %dma_start3A_59] : memref<2x128x128xf32, #tpu.memory_space<vmem>> -> memref<1x128x128xf32, #tpu.memory_space<vmem>>
    %dma_start3A_61 = tpu.memref_squeeze %dma_start3A_60 : memref<1x128x128xf32, #tpu.memory_space<vmem>> -> memref<128x128xf32, #tpu.memory_space<vmem>>
    %dma_start3A_62 = arith.constant 0 : i32
    %dma_start3A_63 = tpu.memref_slice %arg9[%dma_start3A_57, %dma_start3A_62] : memref<49x128xi32, #tpu.memory_space<vmem>> -> memref<1x128xi32, #tpu.memory_space<vmem>>
    %dma_start3A_64 = tpu.memref_squeeze %dma_start3A_63 : memref<1x128xi32, #tpu.memory_space<vmem>> -> memref<128xi32, #tpu.memory_space<vmem>>
    %dma_start3A_65 = arith.constant 0 : i32
    %dma_start3A_66 = arith.constant 0 : i32
    %dma_start3A_67 = tpu.memref_slice %arg7[%dma_start3A_65, %dma_start3A_66] : memref<5184x128xf32, #tpu.memory_space<vmem_shared>> -> memref<5184x128xf32, #tpu.memory_space<vmem_shared>>
    tpu.enqueue_indirect_dma source(%dma_start3A_61 : memref<128x128xf32, #tpu.memory_space<vmem>>) target(%dma_start3A_67 : memref<5184x128xf32, #tpu.memory_space<vmem_shared>>) offsets(%dma_start3A_64 : memref<128xi32, #tpu.memory_space<vmem>>) semaphore(%arg13 : memref<!tpu.dma_semaphore, #tpu.memory_space<semaphore_mem>>) {add = true}
    %dma_wait3A_68 = arith.constant 1 : i32
    %dma_wait3A_69 = arith.constant 47 : i32
    %dma_wait3A_70 = arith.constant 0 : i32
    %dma_wait3A_71 = arith.constant 0 : i32
    %dma_wait3A_72 = tpu.memref_slice %arg10[%dma_wait3A_68, %dma_wait3A_70, %dma_wait3A_71] : memref<2x128x128xf32, #tpu.memory_space<vmem>> -> memref<1x128x128xf32, #tpu.memory_space<vmem>>
    %dma_wait3A_73 = tpu.memref_squeeze %dma_wait3A_72 : memref<1x128x128xf32, #tpu.memory_space<vmem>> -> memref<128x128xf32, #tpu.memory_space<vmem>>
    %dma_wait3A_74 = arith.constant 0 : i32
    %dma_wait3A_75 = tpu.memref_slice %arg9[%dma_wait3A_69, %dma_wait3A_74] : memref<49x128xi32, #tpu.memory_space<vmem>> -> memref<1x128xi32, #tpu.memory_space<vmem>>
    %dma_wait3A_76 = tpu.memref_squeeze %dma_wait3A_75 : memref<1x128xi32, #tpu.memory_space<vmem>> -> memref<128xi32, #tpu.memory_space<vmem>>
    %dma_wait3A_77 = arith.constant 0 : i32
    %dma_wait3A_78 = arith.constant 0 : i32
    %dma_wait3A_79 = tpu.memref_slice %arg7[%dma_wait3A_77, %dma_wait3A_78] : memref<5184x128xf32, #tpu.memory_space<vmem_shared>> -> memref<5184x128xf32, #tpu.memory_space<vmem_shared>>
    tpu.wait_indirect_dma semaphore(%arg14 : memref<!tpu.dma_semaphore, #tpu.memory_space<semaphore_mem>>) src(%dma_wait3A_73 : memref<128x128xf32, #tpu.memory_space<vmem>>) dst(%dma_wait3A_79 : memref<5184x128xf32, #tpu.memory_space<vmem_shared>>)
    %dma_wait3A_80 = arith.constant 0 : i32
    %dma_wait3A_81 = arith.constant 48 : i32
    %dma_wait3A_82 = arith.constant 0 : i32
    %dma_wait3A_83 = arith.constant 0 : i32
    %dma_wait3A_84 = tpu.memref_slice %arg10[%dma_wait3A_80, %dma_wait3A_82, %dma_wait3A_83] : memref<2x128x128xf32, #tpu.memory_space<vmem>> -> memref<1x128x128xf32, #tpu.memory_space<vmem>>
    %dma_wait3A_85 = tpu.memref_squeeze %dma_wait3A_84 : memref<1x128x128xf32, #tpu.memory_space<vmem>> -> memref<128x128xf32, #tpu.memory_space<vmem>>
    %dma_wait3A_86 = arith.constant 0 : i32
    %dma_wait3A_87 = tpu.memref_slice %arg9[%dma_wait3A_81, %dma_wait3A_86] : memref<49x128xi32, #tpu.memory_space<vmem>> -> memref<1x128xi32, #tpu.memory_space<vmem>>
    %dma_wait3A_88 = tpu.memref_squeeze %dma_wait3A_87 : memref<1x128xi32, #tpu.memory_space<vmem>> -> memref<128xi32, #tpu.memory_space<vmem>>
    %dma_wait3A_89 = arith.constant 0 : i32
    %dma_wait3A_90 = arith.constant 0 : i32
    %dma_wait3A_91 = tpu.memref_slice %arg7[%dma_wait3A_89, %dma_wait3A_90] : memref<5184x128xf32, #tpu.memory_space<vmem_shared>> -> memref<5184x128xf32, #tpu.memory_space<vmem_shared>>
    tpu.wait_indirect_dma semaphore(%arg13 : memref<!tpu.dma_semaphore, #tpu.memory_space<semaphore_mem>>) src(%dma_wait3A_85 : memref<128x128xf32, #tpu.memory_space<vmem>>) dst(%dma_wait3A_91 : memref<5184x128xf32, #tpu.memory_space<vmem_shared>>)
    %barrier3A_92 = arith.constant 0 : index
    tpu.barrier barrier_id(%barrier3A_92)
    %xor3A_93 = arith.constant 1 : i32
    %xor3A_94 = arith.xori %arg0, %xor3A_93 : i32
    %mul3A_95 = arith.constant 5120 : i32
    %mul3A_96 = arith.muli %xor3A_94, %mul3A_95 : i32
    %mul3A_97 = arith.constant 320 : i32
    %mul3A_98 = arith.muli %arg1, %mul3A_97 : i32
    %add3A_99 = arith.addi %mul3A_96, %mul3A_98 : i32
    %mul3A_100 = arith.constant 320 : i32
    %mul3A_101 = arith.muli %arg1, %mul3A_100 : i32
    %dma_start3A_102 = arith.constant 0 : i32
    %dma_start3A_103 = tpu.memref_slice %arg6[%mul3A_101, %dma_start3A_102] : memref<5120x128xf32, #tpu.memory_space<vmem_shared>> -> memref<320x128xf32, #tpu.memory_space<vmem_shared>>
    %dma_start3A_104 = arith.constant 0 : i32
    %dma_start3A_105 = tpu.memref_slice %arg2[%add3A_99, %dma_start3A_104] : memref<10240x128xf32, #tpu.memory_space<hbm>> -> memref<320x128xf32, #tpu.memory_space<hbm>>
    tpu.enqueue_dma source(%dma_start3A_105 : memref<320x128xf32, #tpu.memory_space<hbm>>) target(%dma_start3A_103 : memref<320x128xf32, #tpu.memory_space<vmem_shared>>) target_semaphore(%arg13 : memref<!tpu.dma_semaphore, #tpu.memory_space<semaphore_mem>>)
    %mul3A_106 = arith.constant 2 : i32
    %mul3A_107 = arith.muli %xor3A_94, %mul3A_106 : i32
    %add3A_108 = arith.addi %mul3A_107, %arg0 : i32
    %mul3A_109 = arith.constant 2 : i32
    %mul3A_110 = arith.muli %mul3A_109, %arg1 : i32
    "tpu.region"() ({
      %run_scoped3A = tpu.sem_alloc : memref<!tpu.dma_semaphore, #tpu.memory_space<semaphore_mem>>
      %dma_start3A_195 = arith.constant 0 : i32
      %dma_start3A_196 = tpu.memref_slice %arg8[%dma_start3A_195] : memref<6272xi32, #tpu.memory_space<vmem>> -> memref<3136xi32, #tpu.memory_space<vmem>>
      %dma_start3A_197 = arith.constant 0 : i32
      %dma_start3A_198 = tpu.memref_slice %arg3[%add3A_108, %mul3A_110, %dma_start3A_197] : memref<4x32x3136xi32, #tpu.memory_space<hbm>> -> memref<1x1x3136xi32, #tpu.memory_space<hbm>>
      %dma_start3A_199 = tpu.memref_squeeze %dma_start3A_198 : memref<1x1x3136xi32, #tpu.memory_space<hbm>> -> memref<3136xi32, #tpu.memory_space<hbm>>
      %dma_start3A_200 = arith.constant 0 : i32
      %dma_start3A_201 = tpu.memref_slice %arg8[%dma_start3A_200] : memref<6272xi32, #tpu.memory_space<vmem>> -> memref<3136xi32, #tpu.memory_space<vmem>>
      %dma_start3A_202 = arith.constant 0 : i32
      %dma_start3A_203 = tpu.memref_slice %arg3[%add3A_108, %mul3A_110, %dma_start3A_202] : memref<4x32x3136xi32, #tpu.memory_space<hbm>> -> memref<1x1x3136xi32, #tpu.memory_space<hbm>>
      %dma_start3A_204 = tpu.memref_squeeze %dma_start3A_203 : memref<1x1x3136xi32, #tpu.memory_space<hbm>> -> memref<3136xi32, #tpu.memory_space<hbm>>
      tpu.enqueue_dma source(%dma_start3A_204 : memref<3136xi32, #tpu.memory_space<hbm>>) target(%dma_start3A_201 : memref<3136xi32, #tpu.memory_space<vmem>>) target_semaphore(%run_scoped3A : memref<!tpu.dma_semaphore, #tpu.memory_space<semaphore_mem>>)
      %dma_wait3A_205 = arith.constant 0 : i32
      %dma_wait3A_206 = tpu.memref_slice %arg8[%dma_wait3A_205] : memref<6272xi32, #tpu.memory_space<vmem>> -> memref<3136xi32, #tpu.memory_space<vmem>>
      %dma_wait3A_207 = arith.constant 0 : i32
      %dma_wait3A_208 = tpu.memref_slice %arg3[%add3A_108, %mul3A_110, %dma_wait3A_207] : memref<4x32x3136xi32, #tpu.memory_space<hbm>> -> memref<1x1x3136xi32, #tpu.memory_space<hbm>>
      %dma_wait3A_209 = tpu.memref_squeeze %dma_wait3A_208 : memref<1x1x3136xi32, #tpu.memory_space<hbm>> -> memref<3136xi32, #tpu.memory_space<hbm>>
      %dma_wait3A_210 = arith.constant 0 : i32
      %dma_wait3A_211 = tpu.memref_slice %arg8[%dma_wait3A_210] : memref<6272xi32, #tpu.memory_space<vmem>> -> memref<3136xi32, #tpu.memory_space<vmem>>
      %dma_wait3A_212 = arith.constant 0 : i32
      %dma_wait3A_213 = tpu.memref_slice %arg3[%add3A_108, %mul3A_110, %dma_wait3A_212] : memref<4x32x3136xi32, #tpu.memory_space<hbm>> -> memref<1x1x3136xi32, #tpu.memory_space<hbm>>
      %dma_wait3A_214 = tpu.memref_squeeze %dma_wait3A_213 : memref<1x1x3136xi32, #tpu.memory_space<hbm>> -> memref<3136xi32, #tpu.memory_space<hbm>>
      tpu.wait_dma2 semaphore(%run_scoped3A : memref<!tpu.dma_semaphore, #tpu.memory_space<semaphore_mem>>) src(%dma_wait3A_214 : memref<3136xi32, #tpu.memory_space<hbm>>) dst(%dma_wait3A_211 : memref<3136xi32, #tpu.memory_space<vmem>>)
      tpu.yield
    }) : () -> ()
    %mul3A_111 = arith.constant 2 : i32
    %mul3A_112 = arith.muli %mul3A_111, %arg1 : i32
    %add3A_113 = arith.constant 1 : i32
    %add3A_114 = arith.addi %mul3A_112, %add3A_113 : i32
    "tpu.region"() ({
      %run_scoped3A = tpu.sem_alloc : memref<!tpu.dma_semaphore, #tpu.memory_space<semaphore_mem>>
      %dma_start3A_195 = arith.constant 3136 : i32
      %dma_start3A_196 = tpu.memref_slice %arg8[%dma_start3A_195] : memref<6272xi32, #tpu.memory_space<vmem>> -> memref<3136xi32, #tpu.memory_space<vmem>>
      %dma_start3A_197 = arith.constant 0 : i32
      %dma_start3A_198 = tpu.memref_slice %arg3[%add3A_108, %add3A_114, %dma_start3A_197] : memref<4x32x3136xi32, #tpu.memory_space<hbm>> -> memref<1x1x3136xi32, #tpu.memory_space<hbm>>
      %dma_start3A_199 = tpu.memref_squeeze %dma_start3A_198 : memref<1x1x3136xi32, #tpu.memory_space<hbm>> -> memref<3136xi32, #tpu.memory_space<hbm>>
      %dma_start3A_200 = arith.constant 3136 : i32
      %dma_start3A_201 = tpu.memref_slice %arg8[%dma_start3A_200] : memref<6272xi32, #tpu.memory_space<vmem>> -> memref<3136xi32, #tpu.memory_space<vmem>>
      %dma_start3A_202 = arith.constant 0 : i32
      %dma_start3A_203 = tpu.memref_slice %arg3[%add3A_108, %add3A_114, %dma_start3A_202] : memref<4x32x3136xi32, #tpu.memory_space<hbm>> -> memref<1x1x3136xi32, #tpu.memory_space<hbm>>
      %dma_start3A_204 = tpu.memref_squeeze %dma_start3A_203 : memref<1x1x3136xi32, #tpu.memory_space<hbm>> -> memref<3136xi32, #tpu.memory_space<hbm>>
      tpu.enqueue_dma source(%dma_start3A_204 : memref<3136xi32, #tpu.memory_space<hbm>>) target(%dma_start3A_201 : memref<3136xi32, #tpu.memory_space<vmem>>) target_semaphore(%run_scoped3A : memref<!tpu.dma_semaphore, #tpu.memory_space<semaphore_mem>>)
      %dma_wait3A_205 = arith.constant 3136 : i32
      %dma_wait3A_206 = tpu.memref_slice %arg8[%dma_wait3A_205] : memref<6272xi32, #tpu.memory_space<vmem>> -> memref<3136xi32, #tpu.memory_space<vmem>>
      %dma_wait3A_207 = arith.constant 0 : i32
      %dma_wait3A_208 = tpu.memref_slice %arg3[%add3A_108, %add3A_114, %dma_wait3A_207] : memref<4x32x3136xi32, #tpu.memory_space<hbm>> -> memref<1x1x3136xi32, #tpu.memory_space<hbm>>
      %dma_wait3A_209 = tpu.memref_squeeze %dma_wait3A_208 : memref<1x1x3136xi32, #tpu.memory_space<hbm>> -> memref<3136xi32, #tpu.memory_space<hbm>>
      %dma_wait3A_210 = arith.constant 3136 : i32
      %dma_wait3A_211 = tpu.memref_slice %arg8[%dma_wait3A_210] : memref<6272xi32, #tpu.memory_space<vmem>> -> memref<3136xi32, #tpu.memory_space<vmem>>
      %dma_wait3A_212 = arith.constant 0 : i32
      %dma_wait3A_213 = tpu.memref_slice %arg3[%add3A_108, %add3A_114, %dma_wait3A_212] : memref<4x32x3136xi32, #tpu.memory_space<hbm>> -> memref<1x1x3136xi32, #tpu.memory_space<hbm>>
      %dma_wait3A_214 = tpu.memref_squeeze %dma_wait3A_213 : memref<1x1x3136xi32, #tpu.memory_space<hbm>> -> memref<3136xi32, #tpu.memory_space<hbm>>
      tpu.wait_dma2 semaphore(%run_scoped3A : memref<!tpu.dma_semaphore, #tpu.memory_space<semaphore_mem>>) src(%dma_wait3A_214 : memref<3136xi32, #tpu.memory_space<hbm>>) dst(%dma_wait3A_211 : memref<3136xi32, #tpu.memory_space<vmem>>)
      tpu.yield
    }) : () -> ()
    %scan3A_115 = arith.constant 0 : i32
    %scan3A_116 = arith.constant 0 : i32
    %scan3A_117 = arith.constant 49 : i32
    %scan3A_118 = arith.addi %scan3A_116, %scan3A_117 : i32
    %scan3A_119 = arith.constant 1 : i32
    %scan3A_120 = scf.for %scan3A_195 = %scan3A_116 to %scan3A_118 step %scan3A_119 iter_args(%scan3A_196 = %scan3A_115) -> (i32)  : i32 {
      %mul3A_197 = arith.constant 128 : i32
      %mul3A_198 = arith.muli %scan3A_195, %mul3A_197 : i32
      %add3A_199 = arith.constant 0 : i32
      %add3A_200 = arith.addi %mul3A_198, %add3A_199 : i32
      %multiple_of3A = tpu.assume_multiple %add3A_200, 16 : i32
      %get3A = arith.index_cast %multiple_of3A : i32 to index
      %get3A_201 = tpu.vector_load %arg8[%get3A] {strides = array<i32>} : memref<6272xi32, #tpu.memory_space<vmem>>, vector<16xi32>,
      %and3A = arith.constant 65535 : i32
      %and3A_202 = vector.broadcast %and3A : i32 to vector<16xi32>
      %and3A_203 = arith.andi %get3A_201, %and3A_202 : vector<16xi32>
      %multiple_of3A_204 = arith.constant 0 : i32
      %multiple_of3A_205 = tpu.assume_multiple %multiple_of3A_204, 16 : i32
      %swap3A = arith.index_cast %scan3A_195 : i32 to index
      %swap3A_206 = arith.index_cast %multiple_of3A_205 : i32 to index
      %swap3A_207 = tpu.vector_load %arg9[%swap3A, %swap3A_206] {strides = array<i32>} : memref<49x128xi32, #tpu.memory_space<vmem>>, vector<16xi32>,
      tpu.vector_store %arg9[%swap3A, %swap3A_206], %and3A_203 {strides = array<i32>} : memref<49x128xi32, #tpu.memory_space<vmem>>, vector<16xi32>,
      %shift_right_arithmetic3A = arith.constant 16 : i32
      %shift_right_arithmetic3A_208 = vector.broadcast %shift_right_arithmetic3A : i32 to vector<16xi32>
      %shift_right_arithmetic3A_209 = arith.shrsi %get3A_201, %shift_right_arithmetic3A_208 : vector<16xi32>
      %swap3A_210 = arith.index_cast %multiple_of3A : i32 to index
      %swap3A_211 = tpu.vector_load %arg8[%swap3A_210] {strides = array<i32>} : memref<6272xi32, #tpu.memory_space<vmem>>, vector<16xi32>,
      tpu.vector_store %arg8[%swap3A_210], %shift_right_arithmetic3A_209 {strides = array<i32>} : memref<6272xi32, #tpu.memory_space<vmem>>, vector<16xi32>,
      %mul3A_212 = arith.constant 128 : i32
      %mul3A_213 = arith.muli %scan3A_195, %mul3A_212 : i32
      %add3A_214 = arith.constant 16 : i32
      %add3A_215 = arith.addi %mul3A_213, %add3A_214 : i32
      %multiple_of3A_216 = tpu.assume_multiple %add3A_215, 16 : i32
      %get3A_217 = arith.index_cast %multiple_of3A_216 : i32 to index
      %get3A_218 = tpu.vector_load %arg8[%get3A_217] {strides = array<i32>} : memref<6272xi32, #tpu.memory_space<vmem>>, vector<16xi32>,
      %and3A_219 = arith.constant 65535 : i32
      %and3A_220 = vector.broadcast %and3A_219 : i32 to vector<16xi32>
      %and3A_221 = arith.andi %get3A_218, %and3A_220 : vector<16xi32>
      %multiple_of3A_222 = arith.constant 16 : i32
      %multiple_of3A_223 = tpu.assume_multiple %multiple_of3A_222, 16 : i32
      %swap3A_224 = arith.index_cast %scan3A_195 : i32 to index
      %swap3A_225 = arith.index_cast %multiple_of3A_223 : i32 to index
      %swap3A_226 = tpu.vector_load %arg9[%swap3A_224, %swap3A_225] {strides = array<i32>} : memref<49x128xi32, #tpu.memory_space<vmem>>, vector<16xi32>,
      tpu.vector_store %arg9[%swap3A_224, %swap3A_225], %and3A_221 {strides = array<i32>} : memref<49x128xi32, #tpu.memory_space<vmem>>, vector<16xi32>,
      %shift_right_arithmetic3A_227 = arith.constant 16 : i32
      %shift_right_arithmetic3A_228 = vector.broadcast %shift_right_arithmetic3A_227 : i32 to vector<16xi32>
      %shift_right_arithmetic3A_229 = arith.shrsi %get3A_218, %shift_right_arithmetic3A_228 : vector<16xi32>
      %swap3A_230 = arith.index_cast %multiple_of3A_216 : i32 to index
      %swap3A_231 = tpu.vector_load %arg8[%swap3A_230] {strides = array<i32>} : memref<6272xi32, #tpu.memory_space<vmem>>, vector<16xi32>,
      tpu.vector_store %arg8[%swap3A_230], %shift_right_arithmetic3A_229 {strides = array<i32>} : memref<6272xi32, #tpu.memory_space<vmem>>, vector<16xi32>,
      %mul3A_232 = arith.constant 128 : i32
      %mul3A_233 = arith.muli %scan3A_195, %mul3A_232 : i32
      %add3A_234 = arith.constant 32 : i32
      %add3A_235 = arith.addi %mul3A_233, %add3A_234 : i32
      %multiple_of3A_236 = tpu.assume_multiple %add3A_235, 16 : i32
      %get3A_237 = arith.index_cast %multiple_of3A_236 : i32 to index
      %get3A_238 = tpu.vector_load %arg8[%get3A_237] {strides = array<i32>} : memref<6272xi32, #tpu.memory_space<vmem>>, vector<16xi32>,
      %and3A_239 = arith.constant 65535 : i32
      %and3A_240 = vector.broadcast %and3A_239 : i32 to vector<16xi32>
      %and3A_241 = arith.andi %get3A_238, %and3A_240 : vector<16xi32>
      %multiple_of3A_242 = arith.constant 32 : i32
      %multiple_of3A_243 = tpu.assume_multiple %multiple_of3A_242, 16 : i32
      %swap3A_244 = arith.index_cast %scan3A_195 : i32 to index
      %swap3A_245 = arith.index_cast %multiple_of3A_243 : i32 to index
      %swap3A_246 = tpu.vector_load %arg9[%swap3A_244, %swap3A_245] {strides = array<i32>} : memref<49x128xi32, #tpu.memory_space<vmem>>, vector<16xi32>,
      tpu.vector_store %arg9[%swap3A_244, %swap3A_245], %and3A_241 {strides = array<i32>} : memref<49x128xi32, #tpu.memory_space<vmem>>, vector<16xi32>,
      %shift_right_arithmetic3A_247 = arith.constant 16 : i32
      %shift_right_arithmetic3A_248 = vector.broadcast %shift_right_arithmetic3A_247 : i32 to vector<16xi32>
      %shift_right_arithmetic3A_249 = arith.shrsi %get3A_238, %shift_right_arithmetic3A_248 : vector<16xi32>
      %swap3A_250 = arith.index_cast %multiple_of3A_236 : i32 to index
      %swap3A_251 = tpu.vector_load %arg8[%swap3A_250] {strides = array<i32>} : memref<6272xi32, #tpu.memory_space<vmem>>, vector<16xi32>,
      tpu.vector_store %arg8[%swap3A_250], %shift_right_arithmetic3A_249 {strides = array<i32>} : memref<6272xi32, #tpu.memory_space<vmem>>, vector<16xi32>,
      %mul3A_252 = arith.constant 128 : i32
      %mul3A_253 = arith.muli %scan3A_195, %mul3A_252 : i32
      %add3A_254 = arith.constant 48 : i32
      %add3A_255 = arith.addi %mul3A_253, %add3A_254 : i32
      %multiple_of3A_256 = tpu.assume_multiple %add3A_255, 16 : i32
      %get3A_257 = arith.index_cast %multiple_of3A_256 : i32 to index
      %get3A_258 = tpu.vector_load %arg8[%get3A_257] {strides = array<i32>} : memref<6272xi32, #tpu.memory_space<vmem>>, vector<16xi32>,
      %and3A_259 = arith.constant 65535 : i32
      %and3A_260 = vector.broadcast %and3A_259 : i32 to vector<16xi32>
      %and3A_261 = arith.andi %get3A_258, %and3A_260 : vector<16xi32>
      %multiple_of3A_262 = arith.constant 48 : i32
      %multiple_of3A_263 = tpu.assume_multiple %multiple_of3A_262, 16 : i32
      %swap3A_264 = arith.index_cast %scan3A_195 : i32 to index
      %swap3A_265 = arith.index_cast %multiple_of3A_263 : i32 to index
      %swap3A_266 = tpu.vector_load %arg9[%swap3A_264, %swap3A_265] {strides = array<i32>} : memref<49x128xi32, #tpu.memory_space<vmem>>, vector<16xi32>,
      tpu.vector_store %arg9[%swap3A_264, %swap3A_265], %and3A_261 {strides = array<i32>} : memref<49x128xi32, #tpu.memory_space<vmem>>, vector<16xi32>,
      %shift_right_arithmetic3A_267 = arith.constant 16 : i32
      %shift_right_arithmetic3A_268 = vector.broadcast %shift_right_arithmetic3A_267 : i32 to vector<16xi32>
      %shift_right_arithmetic3A_269 = arith.shrsi %get3A_258, %shift_right_arithmetic3A_268 : vector<16xi32>
      %swap3A_270 = arith.index_cast %multiple_of3A_256 : i32 to index
      %swap3A_271 = tpu.vector_load %arg8[%swap3A_270] {strides = array<i32>} : memref<6272xi32, #tpu.memory_space<vmem>>, vector<16xi32>,
      tpu.vector_store %arg8[%swap3A_270], %shift_right_arithmetic3A_269 {strides = array<i32>} : memref<6272xi32, #tpu.memory_space<vmem>>, vector<16xi32>,
      %mul3A_272 = arith.constant 128 : i32
      %mul3A_273 = arith.muli %scan3A_195, %mul3A_272 : i32
      %add3A_274 = arith.constant 64 : i32
      %add3A_275 = arith.addi %mul3A_273, %add3A_274 : i32
      %multiple_of3A_276 = tpu.assume_multiple %add3A_275, 16 : i32
      %get3A_277 = arith.index_cast %multiple_of3A_276 : i32 to index
      %get3A_278 = tpu.vector_load %arg8[%get3A_277] {strides = array<i32>} : memref<6272xi32, #tpu.memory_space<vmem>>, vector<16xi32>,
      %and3A_279 = arith.constant 65535 : i32
      %and3A_280 = vector.broadcast %and3A_279 : i32 to vector<16xi32>
      %and3A_281 = arith.andi %get3A_278, %and3A_280 : vector<16xi32>
      %multiple_of3A_282 = arith.constant 64 : i32
      %multiple_of3A_283 = tpu.assume_multiple %multiple_of3A_282, 16 : i32
      %swap3A_284 = arith.index_cast %scan3A_195 : i32 to index
      %swap3A_285 = arith.index_cast %multiple_of3A_283 : i32 to index
      %swap3A_286 = tpu.vector_load %arg9[%swap3A_284, %swap3A_285] {strides = array<i32>} : memref<49x128xi32, #tpu.memory_space<vmem>>, vector<16xi32>,
      tpu.vector_store %arg9[%swap3A_284, %swap3A_285], %and3A_281 {strides = array<i32>} : memref<49x128xi32, #tpu.memory_space<vmem>>, vector<16xi32>,
      %shift_right_arithmetic3A_287 = arith.constant 16 : i32
      %shift_right_arithmetic3A_288 = vector.broadcast %shift_right_arithmetic3A_287 : i32 to vector<16xi32>
      %shift_right_arithmetic3A_289 = arith.shrsi %get3A_278, %shift_right_arithmetic3A_288 : vector<16xi32>
      %swap3A_290 = arith.index_cast %multiple_of3A_276 : i32 to index
      %swap3A_291 = tpu.vector_load %arg8[%swap3A_290] {strides = array<i32>} : memref<6272xi32, #tpu.memory_space<vmem>>, vector<16xi32>,
      tpu.vector_store %arg8[%swap3A_290], %shift_right_arithmetic3A_289 {strides = array<i32>} : memref<6272xi32, #tpu.memory_space<vmem>>, vector<16xi32>,
      %mul3A_292 = arith.constant 128 : i32
      %mul3A_293 = arith.muli %scan3A_195, %mul3A_292 : i32
      %add3A_294 = arith.constant 80 : i32
      %add3A_295 = arith.addi %mul3A_293, %add3A_294 : i32
      %multiple_of3A_296 = tpu.assume_multiple %add3A_295, 16 : i32
      %get3A_297 = arith.index_cast %multiple_of3A_296 : i32 to index
      %get3A_298 = tpu.vector_load %arg8[%get3A_297] {strides = array<i32>} : memref<6272xi32, #tpu.memory_space<vmem>>, vector<16xi32>,
      %and3A_299 = arith.constant 65535 : i32
      %and3A_300 = vector.broadcast %and3A_299 : i32 to vector<16xi32>
      %and3A_301 = arith.andi %get3A_298, %and3A_300 : vector<16xi32>
      %multiple_of3A_302 = arith.constant 80 : i32
      %multiple_of3A_303 = tpu.assume_multiple %multiple_of3A_302, 16 : i32
      %swap3A_304 = arith.index_cast %scan3A_195 : i32 to index
      %swap3A_305 = arith.index_cast %multiple_of3A_303 : i32 to index
      %swap3A_306 = tpu.vector_load %arg9[%swap3A_304, %swap3A_305] {strides = array<i32>} : memref<49x128xi32, #tpu.memory_space<vmem>>, vector<16xi32>,
      tpu.vector_store %arg9[%swap3A_304, %swap3A_305], %and3A_301 {strides = array<i32>} : memref<49x128xi32, #tpu.memory_space<vmem>>, vector<16xi32>,
      %shift_right_arithmetic3A_307 = arith.constant 16 : i32
      %shift_right_arithmetic3A_308 = vector.broadcast %shift_right_arithmetic3A_307 : i32 to vector<16xi32>
      %shift_right_arithmetic3A_309 = arith.shrsi %get3A_298, %shift_right_arithmetic3A_308 : vector<16xi32>
      %swap3A_310 = arith.index_cast %multiple_of3A_296 : i32 to index
      %swap3A_311 = tpu.vector_load %arg8[%swap3A_310] {strides = array<i32>} : memref<6272xi32, #tpu.memory_space<vmem>>, vector<16xi32>,
      tpu.vector_store %arg8[%swap3A_310], %shift_right_arithmetic3A_309 {strides = array<i32>} : memref<6272xi32, #tpu.memory_space<vmem>>, vector<16xi32>,
      %mul3A_312 = arith.constant 128 : i32
      %mul3A_313 = arith.muli %scan3A_195, %mul3A_312 : i32
      %add3A_314 = arith.constant 96 : i32
      %add3A_315 = arith.addi %mul3A_313, %add3A_314 : i32
      %multiple_of3A_316 = tpu.assume_multiple %add3A_315, 16 : i32
      %get3A_317 = arith.index_cast %multiple_of3A_316 : i32 to index
      %get3A_318 = tpu.vector_load %arg8[%get3A_317] {strides = array<i32>} : memref<6272xi32, #tpu.memory_space<vmem>>, vector<16xi32>,
      %and3A_319 = arith.constant 65535 : i32
      %and3A_320 = vector.broadcast %and3A_319 : i32 to vector<16xi32>
      %and3A_321 = arith.andi %get3A_318, %and3A_320 : vector<16xi32>
      %multiple_of3A_322 = arith.constant 96 : i32
      %multiple_of3A_323 = tpu.assume_multiple %multiple_of3A_322, 16 : i32
      %swap3A_324 = arith.index_cast %scan3A_195 : i32 to index
      %swap3A_325 = arith.index_cast %multiple_of3A_323 : i32 to index
      %swap3A_326 = tpu.vector_load %arg9[%swap3A_324, %swap3A_325] {strides = array<i32>} : memref<49x128xi32, #tpu.memory_space<vmem>>, vector<16xi32>,
      tpu.vector_store %arg9[%swap3A_324, %swap3A_325], %and3A_321 {strides = array<i32>} : memref<49x128xi32, #tpu.memory_space<vmem>>, vector<16xi32>,
      %shift_right_arithmetic3A_327 = arith.constant 16 : i32
      %shift_right_arithmetic3A_328 = vector.broadcast %shift_right_arithmetic3A_327 : i32 to vector<16xi32>
      %shift_right_arithmetic3A_329 = arith.shrsi %get3A_318, %shift_right_arithmetic3A_328 : vector<16xi32>
      %swap3A_330 = arith.index_cast %multiple_of3A_316 : i32 to index
      %swap3A_331 = tpu.vector_load %arg8[%swap3A_330] {strides = array<i32>} : memref<6272xi32, #tpu.memory_space<vmem>>, vector<16xi32>,
      tpu.vector_store %arg8[%swap3A_330], %shift_right_arithmetic3A_329 {strides = array<i32>} : memref<6272xi32, #tpu.memory_space<vmem>>, vector<16xi32>,
      %mul3A_332 = arith.constant 128 : i32
      %mul3A_333 = arith.muli %scan3A_195, %mul3A_332 : i32
      %add3A_334 = arith.constant 112 : i32
      %add3A_335 = arith.addi %mul3A_333, %add3A_334 : i32
      %multiple_of3A_336 = tpu.assume_multiple %add3A_335, 16 : i32
      %get3A_337 = arith.index_cast %multiple_of3A_336 : i32 to index
      %get3A_338 = tpu.vector_load %arg8[%get3A_337] {strides = array<i32>} : memref<6272xi32, #tpu.memory_space<vmem>>, vector<16xi32>,
      %and3A_339 = arith.constant 65535 : i32
      %and3A_340 = vector.broadcast %and3A_339 : i32 to vector<16xi32>
      %and3A_341 = arith.andi %get3A_338, %and3A_340 : vector<16xi32>
      %multiple_of3A_342 = arith.constant 112 : i32
      %multiple_of3A_343 = tpu.assume_multiple %multiple_of3A_342, 16 : i32
      %swap3A_344 = arith.index_cast %scan3A_195 : i32 to index
      %swap3A_345 = arith.index_cast %multiple_of3A_343 : i32 to index
      %swap3A_346 = tpu.vector_load %arg9[%swap3A_344, %swap3A_345] {strides = array<i32>} : memref<49x128xi32, #tpu.memory_space<vmem>>, vector<16xi32>,
      tpu.vector_store %arg9[%swap3A_344, %swap3A_345], %and3A_341 {strides = array<i32>} : memref<49x128xi32, #tpu.memory_space<vmem>>, vector<16xi32>,
      %shift_right_arithmetic3A_347 = arith.constant 16 : i32
      %shift_right_arithmetic3A_348 = vector.broadcast %shift_right_arithmetic3A_347 : i32 to vector<16xi32>
      %shift_right_arithmetic3A_349 = arith.shrsi %get3A_338, %shift_right_arithmetic3A_348 : vector<16xi32>
      %swap3A_350 = arith.index_cast %multiple_of3A_336 : i32 to index
      %swap3A_351 = tpu.vector_load %arg8[%swap3A_350] {strides = array<i32>} : memref<6272xi32, #tpu.memory_space<vmem>>, vector<16xi32>,
      tpu.vector_store %arg8[%swap3A_350], %shift_right_arithmetic3A_349 {strides = array<i32>} : memref<6272xi32, #tpu.memory_space<vmem>>, vector<16xi32>,
      %scan3A_352 = arith.constant 0 : i32
      scf.yield %scan3A_352 : i32
    }
    %scan3A_121 = arith.constant 49 : i32
    %dma_wait3A_122 = arith.constant 0 : i32
    %dma_wait3A_123 = tpu.memref_slice %arg6[%mul3A_101, %dma_wait3A_122] : memref<5120x128xf32, #tpu.memory_space<vmem_shared>> -> memref<320x128xf32, #tpu.memory_space<vmem_shared>>
    %dma_wait3A_124 = arith.constant 0 : i32
    %dma_wait3A_125 = tpu.memref_slice %arg2[%add3A_99, %dma_wait3A_124] : memref<10240x128xf32, #tpu.memory_space<hbm>> -> memref<320x128xf32, #tpu.memory_space<hbm>>
    tpu.wait_dma2 semaphore(%arg13 : memref<!tpu.dma_semaphore, #tpu.memory_space<semaphore_mem>>) src(%dma_wait3A_125 : memref<320x128xf32, #tpu.memory_space<hbm>>) dst(%dma_wait3A_123 : memref<320x128xf32, #tpu.memory_space<vmem_shared>>)
    %barrier3A_126 = arith.constant 0 : index
    tpu.barrier barrier_id(%barrier3A_126)
    %dma_start3A_127 = arith.constant 0 : i32
    %dma_start3A_128 = arith.constant 0 : i32
    %dma_start3A_129 = arith.constant 0 : i32
    %dma_start3A_130 = tpu.memref_slice %arg10[%dma_start3A_127, %dma_start3A_128, %dma_start3A_129] : memref<2x128x128xf32, #tpu.memory_space<vmem>> -> memref<1x128x128xf32, #tpu.memory_space<vmem>>
    %dma_start3A_131 = tpu.memref_squeeze %dma_start3A_130 : memref<1x128x128xf32, #tpu.memory_space<vmem>> -> memref<128x128xf32, #tpu.memory_space<vmem>>
    %dma_start3A_132 = arith.constant 0 : i32
    %dma_start3A_133 = tpu.memref_slice %arg8[%dma_start3A_132] : memref<6272xi32, #tpu.memory_space<vmem>> -> memref<128xi32, #tpu.memory_space<vmem>>
    %dma_start3A_134 = arith.constant 0 : i32
    %dma_start3A_135 = arith.constant 0 : i32
    %dma_start3A_136 = tpu.memref_slice %arg6[%dma_start3A_134, %dma_start3A_135] : memref<5120x128xf32, #tpu.memory_space<vmem_shared>> -> memref<5120x128xf32, #tpu.memory_space<vmem_shared>>
    tpu.enqueue_indirect_dma source(%dma_start3A_136 : memref<5120x128xf32, #tpu.memory_space<vmem_shared>>) target(%dma_start3A_131 : memref<128x128xf32, #tpu.memory_space<vmem>>) offsets(%dma_start3A_133 : memref<128xi32, #tpu.memory_space<vmem>>) semaphore(%arg11 : memref<!tpu.dma_semaphore, #tpu.memory_space<semaphore_mem>>)
    %scan3A_137 = arith.constant 0 : i32
    %scan3A_138 = arith.constant 0 : i32
    %scan3A_139 = arith.constant 24 : i32
    %scan3A_140 = arith.addi %scan3A_138, %scan3A_139 : i32
    %scan3A_141 = arith.constant 1 : i32
    %scan3A_142 = scf.for %scan3A_195 = %scan3A_138 to %scan3A_140 step %scan3A_141 iter_args(%scan3A_196 = %scan3A_137) -> (i32)  : i32 {
      %mul3A_197 = arith.constant 2 : i32
      %mul3A_198 = arith.muli %scan3A_195, %mul3A_197 : i32
      %add3A_199 = arith.constant 0 : i32
      %add3A_200 = arith.addi %mul3A_198, %add3A_199 : i32
      %add3A_201 = arith.constant 1 : i32
      %add3A_202 = arith.addi %add3A_200, %add3A_201 : i32
      %lt3A = arith.constant 49 : i32
      %lt3A_203 = arith.cmpi slt, %add3A_202, %lt3A : i32
      %convert_element_type3A = arith.extui %lt3A_203 : i1 to i32
      %cond3A = arith.constant 0 : i32
      %cond3A_204 = arith.cmpi ne, %convert_element_type3A, %cond3A : i32
      scf.if %cond3A_204 {
        %ge3A = arith.constant 1 : i32
        %ge3A_261 = arith.cmpi sge, %add3A_200, %ge3A : i32
        %convert_element_type3A_262 = arith.extui %ge3A_261 : i1 to i32
        %cond3A_263 = arith.constant 0 : i32
        %cond3A_264 = arith.cmpi ne, %convert_element_type3A_262, %cond3A_263 : i32
        scf.if %cond3A_264 {
          %sub3A = arith.constant 1 : i32
          %sub3A_278 = arith.subi %add3A_200, %sub3A : i32
          %dma_wait3A_279 = arith.constant 1 : i32
          %dma_wait3A_280 = arith.constant 0 : i32
          %dma_wait3A_281 = arith.constant 0 : i32
          %dma_wait3A_282 = tpu.memref_slice %arg10[%dma_wait3A_279, %dma_wait3A_280, %dma_wait3A_281] : memref<2x128x128xf32, #tpu.memory_space<vmem>> -> memref<1x128x128xf32, #tpu.memory_space<vmem>>
          %dma_wait3A_283 = tpu.memref_squeeze %dma_wait3A_282 : memref<1x128x128xf32, #tpu.memory_space<vmem>> -> memref<128x128xf32, #tpu.memory_space<vmem>>
          %dma_wait3A_284 = arith.constant 0 : i32
          %dma_wait3A_285 = tpu.memref_slice %arg9[%sub3A_278, %dma_wait3A_284] : memref<49x128xi32, #tpu.memory_space<vmem>> -> memref<1x128xi32, #tpu.memory_space<vmem>>
          %dma_wait3A_286 = tpu.memref_squeeze %dma_wait3A_285 : memref<1x128xi32, #tpu.memory_space<vmem>> -> memref<128xi32, #tpu.memory_space<vmem>>
          %dma_wait3A_287 = arith.constant 0 : i32
          %dma_wait3A_288 = arith.constant 0 : i32
          %dma_wait3A_289 = tpu.memref_slice %arg7[%dma_wait3A_287, %dma_wait3A_288] : memref<5184x128xf32, #tpu.memory_space<vmem_shared>> -> memref<5184x128xf32, #tpu.memory_space<vmem_shared>>
          tpu.wait_indirect_dma semaphore(%arg14 : memref<!tpu.dma_semaphore, #tpu.memory_space<semaphore_mem>>) src(%dma_wait3A_283 : memref<128x128xf32, #tpu.memory_space<vmem>>) dst(%dma_wait3A_289 : memref<5184x128xf32, #tpu.memory_space<vmem_shared>>)
        } else {
        }
        %add3A_265 = arith.constant 1 : i32
        %add3A_266 = arith.addi %add3A_200, %add3A_265 : i32
        %mul3A_267 = arith.constant 128 : i32
        %mul3A_268 = arith.muli %add3A_266, %mul3A_267 : i32
        %dma_start3A_269 = arith.constant 1 : i32
        %dma_start3A_270 = arith.constant 0 : i32
        %dma_start3A_271 = arith.constant 0 : i32
        %dma_start3A_272 = tpu.memref_slice %arg10[%dma_start3A_269, %dma_start3A_270, %dma_start3A_271] : memref<2x128x128xf32, #tpu.memory_space<vmem>> -> memref<1x128x128xf32, #tpu.memory_space<vmem>>
        %dma_start3A_273 = tpu.memref_squeeze %dma_start3A_272 : memref<1x128x128xf32, #tpu.memory_space<vmem>> -> memref<128x128xf32, #tpu.memory_space<vmem>>
        %dma_start3A_274 = tpu.memref_slice %arg8[%mul3A_268] : memref<6272xi32, #tpu.memory_space<vmem>> -> memref<128xi32, #tpu.memory_space<vmem>>
        %dma_start3A_275 = arith.constant 0 : i32
        %dma_start3A_276 = arith.constant 0 : i32
        %dma_start3A_277 = tpu.memref_slice %arg6[%dma_start3A_275, %dma_start3A_276] : memref<5120x128xf32, #tpu.memory_space<vmem_shared>> -> memref<5120x128xf32, #tpu.memory_space<vmem_shared>>
        tpu.enqueue_indirect_dma source(%dma_start3A_277 : memref<5120x128xf32, #tpu.memory_space<vmem_shared>>) target(%dma_start3A_273 : memref<128x128xf32, #tpu.memory_space<vmem>>) offsets(%dma_start3A_274 : memref<128xi32, #tpu.memory_space<vmem>>) semaphore(%arg12 : memref<!tpu.dma_semaphore, #tpu.memory_space<semaphore_mem>>)
      } else {
      }
      %mul3A_205 = arith.constant 128 : i32
      %mul3A_206 = arith.muli %add3A_200, %mul3A_205 : i32
      %dma_wait3A_207 = arith.constant 0 : i32
      %dma_wait3A_208 = arith.constant 0 : i32
      %dma_wait3A_209 = arith.constant 0 : i32
      %dma_wait3A_210 = tpu.memref_slice %arg10[%dma_wait3A_207, %dma_wait3A_208, %dma_wait3A_209] : memref<2x128x128xf32, #tpu.memory_space<vmem>> -> memref<1x128x128xf32, #tpu.memory_space<vmem>>
      %dma_wait3A_211 = tpu.memref_squeeze %dma_wait3A_210 : memref<1x128x128xf32, #tpu.memory_space<vmem>> -> memref<128x128xf32, #tpu.memory_space<vmem>>
      %dma_wait3A_212 = tpu.memref_slice %arg8[%mul3A_206] : memref<6272xi32, #tpu.memory_space<vmem>> -> memref<128xi32, #tpu.memory_space<vmem>>
      %dma_wait3A_213 = arith.constant 0 : i32
      %dma_wait3A_214 = arith.constant 0 : i32
      %dma_wait3A_215 = tpu.memref_slice %arg6[%dma_wait3A_213, %dma_wait3A_214] : memref<5120x128xf32, #tpu.memory_space<vmem_shared>> -> memref<5120x128xf32, #tpu.memory_space<vmem_shared>>
      tpu.wait_indirect_dma semaphore(%arg11 : memref<!tpu.dma_semaphore, #tpu.memory_space<semaphore_mem>>) src(%dma_wait3A_215 : memref<5120x128xf32, #tpu.memory_space<vmem_shared>>) dst(%dma_wait3A_211 : memref<128x128xf32, #tpu.memory_space<vmem>>)
      %dma_start3A_216 = arith.constant 0 : i32
      %dma_start3A_217 = arith.constant 0 : i32
      %dma_start3A_218 = arith.constant 0 : i32
      %dma_start3A_219 = tpu.memref_slice %arg10[%dma_start3A_216, %dma_start3A_217, %dma_start3A_218] : memref<2x128x128xf32, #tpu.memory_space<vmem>> -> memref<1x128x128xf32, #tpu.memory_space<vmem>>
      %dma_start3A_220 = tpu.memref_squeeze %dma_start3A_219 : memref<1x128x128xf32, #tpu.memory_space<vmem>> -> memref<128x128xf32, #tpu.memory_space<vmem>>
      %dma_start3A_221 = arith.constant 0 : i32
      %dma_start3A_222 = tpu.memref_slice %arg9[%add3A_200, %dma_start3A_221] : memref<49x128xi32, #tpu.memory_space<vmem>> -> memref<1x128xi32, #tpu.memory_space<vmem>>
      %dma_start3A_223 = tpu.memref_squeeze %dma_start3A_222 : memref<1x128xi32, #tpu.memory_space<vmem>> -> memref<128xi32, #tpu.memory_space<vmem>>
      %dma_start3A_224 = arith.constant 0 : i32
      %dma_start3A_225 = arith.constant 0 : i32
      %dma_start3A_226 = tpu.memref_slice %arg7[%dma_start3A_224, %dma_start3A_225] : memref<5184x128xf32, #tpu.memory_space<vmem_shared>> -> memref<5184x128xf32, #tpu.memory_space<vmem_shared>>
      tpu.enqueue_indirect_dma source(%dma_start3A_220 : memref<128x128xf32, #tpu.memory_space<vmem>>) target(%dma_start3A_226 : memref<5184x128xf32, #tpu.memory_space<vmem_shared>>) offsets(%dma_start3A_223 : memref<128xi32, #tpu.memory_space<vmem>>) semaphore(%arg13 : memref<!tpu.dma_semaphore, #tpu.memory_space<semaphore_mem>>) {add = true}
      %mul3A_227 = arith.constant 2 : i32
      %mul3A_228 = arith.muli %scan3A_195, %mul3A_227 : i32
      %add3A_229 = arith.constant 1 : i32
      %add3A_230 = arith.addi %mul3A_228, %add3A_229 : i32
      %add3A_231 = arith.constant 1 : i32
      %add3A_232 = arith.addi %add3A_230, %add3A_231 : i32
      %lt3A_233 = arith.constant 49 : i32
      %lt3A_234 = arith.cmpi slt, %add3A_232, %lt3A_233 : i32
      %convert_element_type3A_235 = arith.extui %lt3A_234 : i1 to i32
      %cond3A_236 = arith.constant 0 : i32
      %cond3A_237 = arith.cmpi ne, %convert_element_type3A_235, %cond3A_236 : i32
      scf.if %cond3A_237 {
        %ge3A = arith.constant 1 : i32
        %ge3A_261 = arith.cmpi sge, %add3A_230, %ge3A : i32
        %convert_element_type3A_262 = arith.extui %ge3A_261 : i1 to i32
        %cond3A_263 = arith.constant 0 : i32
        %cond3A_264 = arith.cmpi ne, %convert_element_type3A_262, %cond3A_263 : i32
        scf.if %cond3A_264 {
          %sub3A = arith.constant 1 : i32
          %sub3A_278 = arith.subi %add3A_230, %sub3A : i32
          %dma_wait3A_279 = arith.constant 0 : i32
          %dma_wait3A_280 = arith.constant 0 : i32
          %dma_wait3A_281 = arith.constant 0 : i32
          %dma_wait3A_282 = tpu.memref_slice %arg10[%dma_wait3A_279, %dma_wait3A_280, %dma_wait3A_281] : memref<2x128x128xf32, #tpu.memory_space<vmem>> -> memref<1x128x128xf32, #tpu.memory_space<vmem>>
          %dma_wait3A_283 = tpu.memref_squeeze %dma_wait3A_282 : memref<1x128x128xf32, #tpu.memory_space<vmem>> -> memref<128x128xf32, #tpu.memory_space<vmem>>
          %dma_wait3A_284 = arith.constant 0 : i32
          %dma_wait3A_285 = tpu.memref_slice %arg9[%sub3A_278, %dma_wait3A_284] : memref<49x128xi32, #tpu.memory_space<vmem>> -> memref<1x128xi32, #tpu.memory_space<vmem>>
          %dma_wait3A_286 = tpu.memref_squeeze %dma_wait3A_285 : memref<1x128xi32, #tpu.memory_space<vmem>> -> memref<128xi32, #tpu.memory_space<vmem>>
          %dma_wait3A_287 = arith.constant 0 : i32
          %dma_wait3A_288 = arith.constant 0 : i32
          %dma_wait3A_289 = tpu.memref_slice %arg7[%dma_wait3A_287, %dma_wait3A_288] : memref<5184x128xf32, #tpu.memory_space<vmem_shared>> -> memref<5184x128xf32, #tpu.memory_space<vmem_shared>>
          tpu.wait_indirect_dma semaphore(%arg13 : memref<!tpu.dma_semaphore, #tpu.memory_space<semaphore_mem>>) src(%dma_wait3A_283 : memref<128x128xf32, #tpu.memory_space<vmem>>) dst(%dma_wait3A_289 : memref<5184x128xf32, #tpu.memory_space<vmem_shared>>)
        } else {
        }
        %add3A_265 = arith.constant 1 : i32
        %add3A_266 = arith.addi %add3A_230, %add3A_265 : i32
        %mul3A_267 = arith.constant 128 : i32
        %mul3A_268 = arith.muli %add3A_266, %mul3A_267 : i32
        %dma_start3A_269 = arith.constant 0 : i32
        %dma_start3A_270 = arith.constant 0 : i32
        %dma_start3A_271 = arith.constant 0 : i32
        %dma_start3A_272 = tpu.memref_slice %arg10[%dma_start3A_269, %dma_start3A_270, %dma_start3A_271] : memref<2x128x128xf32, #tpu.memory_space<vmem>> -> memref<1x128x128xf32, #tpu.memory_space<vmem>>
        %dma_start3A_273 = tpu.memref_squeeze %dma_start3A_272 : memref<1x128x128xf32, #tpu.memory_space<vmem>> -> memref<128x128xf32, #tpu.memory_space<vmem>>
        %dma_start3A_274 = tpu.memref_slice %arg8[%mul3A_268] : memref<6272xi32, #tpu.memory_space<vmem>> -> memref<128xi32, #tpu.memory_space<vmem>>
        %dma_start3A_275 = arith.constant 0 : i32
        %dma_start3A_276 = arith.constant 0 : i32
        %dma_start3A_277 = tpu.memref_slice %arg6[%dma_start3A_275, %dma_start3A_276] : memref<5120x128xf32, #tpu.memory_space<vmem_shared>> -> memref<5120x128xf32, #tpu.memory_space<vmem_shared>>
        tpu.enqueue_indirect_dma source(%dma_start3A_277 : memref<5120x128xf32, #tpu.memory_space<vmem_shared>>) target(%dma_start3A_273 : memref<128x128xf32, #tpu.memory_space<vmem>>) offsets(%dma_start3A_274 : memref<128xi32, #tpu.memory_space<vmem>>) semaphore(%arg11 : memref<!tpu.dma_semaphore, #tpu.memory_space<semaphore_mem>>)
      } else {
      }
      %mul3A_238 = arith.constant 128 : i32
      %mul3A_239 = arith.muli %add3A_230, %mul3A_238 : i32
      %dma_wait3A_240 = arith.constant 1 : i32
      %dma_wait3A_241 = arith.constant 0 : i32
      %dma_wait3A_242 = arith.constant 0 : i32
      %dma_wait3A_243 = tpu.memref_slice %arg10[%dma_wait3A_240, %dma_wait3A_241, %dma_wait3A_242] : memref<2x128x128xf32, #tpu.memory_space<vmem>> -> memref<1x128x128xf32, #tpu.memory_space<vmem>>
      %dma_wait3A_244 = tpu.memref_squeeze %dma_wait3A_243 : memref<1x128x128xf32, #tpu.memory_space<vmem>> -> memref<128x128xf32, #tpu.memory_space<vmem>>
      %dma_wait3A_245 = tpu.memref_slice %arg8[%mul3A_239] : memref<6272xi32, #tpu.memory_space<vmem>> -> memref<128xi32, #tpu.memory_space<vmem>>
      %dma_wait3A_246 = arith.constant 0 : i32
      %dma_wait3A_247 = arith.constant 0 : i32
      %dma_wait3A_248 = tpu.memref_slice %arg6[%dma_wait3A_246, %dma_wait3A_247] : memref<5120x128xf32, #tpu.memory_space<vmem_shared>> -> memref<5120x128xf32, #tpu.memory_space<vmem_shared>>
      tpu.wait_indirect_dma semaphore(%arg12 : memref<!tpu.dma_semaphore, #tpu.memory_space<semaphore_mem>>) src(%dma_wait3A_248 : memref<5120x128xf32, #tpu.memory_space<vmem_shared>>) dst(%dma_wait3A_244 : memref<128x128xf32, #tpu.memory_space<vmem>>)
      %dma_start3A_249 = arith.constant 1 : i32
      %dma_start3A_250 = arith.constant 0 : i32
      %dma_start3A_251 = arith.constant 0 : i32
      %dma_start3A_252 = tpu.memref_slice %arg10[%dma_start3A_249, %dma_start3A_250, %dma_start3A_251] : memref<2x128x128xf32, #tpu.memory_space<vmem>> -> memref<1x128x128xf32, #tpu.memory_space<vmem>>
      %dma_start3A_253 = tpu.memref_squeeze %dma_start3A_252 : memref<1x128x128xf32, #tpu.memory_space<vmem>> -> memref<128x128xf32, #tpu.memory_space<vmem>>
      %dma_start3A_254 = arith.constant 0 : i32
      %dma_start3A_255 = tpu.memref_slice %arg9[%add3A_230, %dma_start3A_254] : memref<49x128xi32, #tpu.memory_space<vmem>> -> memref<1x128xi32, #tpu.memory_space<vmem>>
      %dma_start3A_256 = tpu.memref_squeeze %dma_start3A_255 : memref<1x128xi32, #tpu.memory_space<vmem>> -> memref<128xi32, #tpu.memory_space<vmem>>
      %dma_start3A_257 = arith.constant 0 : i32
      %dma_start3A_258 = arith.constant 0 : i32
      %dma_start3A_259 = tpu.memref_slice %arg7[%dma_start3A_257, %dma_start3A_258] : memref<5184x128xf32, #tpu.memory_space<vmem_shared>> -> memref<5184x128xf32, #tpu.memory_space<vmem_shared>>
      tpu.enqueue_indirect_dma source(%dma_start3A_253 : memref<128x128xf32, #tpu.memory_space<vmem>>) target(%dma_start3A_259 : memref<5184x128xf32, #tpu.memory_space<vmem_shared>>) offsets(%dma_start3A_256 : memref<128xi32, #tpu.memory_space<vmem>>) semaphore(%arg14 : memref<!tpu.dma_semaphore, #tpu.memory_space<semaphore_mem>>) {add = true}
      %scan3A_260 = arith.constant 0 : i32
      scf.yield %scan3A_260 : i32
    }
    %scan3A_143 = arith.constant 24 : i32
    %dma_wait3A_144 = arith.constant 0 : i32
    %dma_wait3A_145 = arith.constant 0 : i32
    %dma_wait3A_146 = arith.constant 0 : i32
    %dma_wait3A_147 = tpu.memref_slice %arg10[%dma_wait3A_144, %dma_wait3A_145, %dma_wait3A_146] : memref<2x128x128xf32, #tpu.memory_space<vmem>> -> memref<1x128x128xf32, #tpu.memory_space<vmem>>
    %dma_wait3A_148 = tpu.memref_squeeze %dma_wait3A_147 : memref<1x128x128xf32, #tpu.memory_space<vmem>> -> memref<128x128xf32, #tpu.memory_space<vmem>>
    %dma_wait3A_149 = arith.constant 6144 : i32
    %dma_wait3A_150 = tpu.memref_slice %arg8[%dma_wait3A_149] : memref<6272xi32, #tpu.memory_space<vmem>> -> memref<128xi32, #tpu.memory_space<vmem>>
    %dma_wait3A_151 = arith.constant 0 : i32
    %dma_wait3A_152 = arith.constant 0 : i32
    %dma_wait3A_153 = tpu.memref_slice %arg6[%dma_wait3A_151, %dma_wait3A_152] : memref<5120x128xf32, #tpu.memory_space<vmem_shared>> -> memref<5120x128xf32, #tpu.memory_space<vmem_shared>>
    tpu.wait_indirect_dma semaphore(%arg11 : memref<!tpu.dma_semaphore, #tpu.memory_space<semaphore_mem>>) src(%dma_wait3A_153 : memref<5120x128xf32, #tpu.memory_space<vmem_shared>>) dst(%dma_wait3A_148 : memref<128x128xf32, #tpu.memory_space<vmem>>)
    %dma_start3A_154 = arith.constant 0 : i32
    %dma_start3A_155 = arith.constant 48 : i32
    %dma_start3A_156 = arith.constant 0 : i32
    %dma_start3A_157 = arith.constant 0 : i32
    %dma_start3A_158 = tpu.memref_slice %arg10[%dma_start3A_154, %dma_start3A_156, %dma_start3A_157] : memref<2x128x128xf32, #tpu.memory_space<vmem>> -> memref<1x128x128xf32, #tpu.memory_space<vmem>>
    %dma_start3A_159 = tpu.memref_squeeze %dma_start3A_158 : memref<1x128x128xf32, #tpu.memory_space<vmem>> -> memref<128x128xf32, #tpu.memory_space<vmem>>
    %dma_start3A_160 = arith.constant 0 : i32
    %dma_start3A_161 = tpu.memref_slice %arg9[%dma_start3A_155, %dma_start3A_160] : memref<49x128xi32, #tpu.memory_space<vmem>> -> memref<1x128xi32, #tpu.memory_space<vmem>>
    %dma_start3A_162 = tpu.memref_squeeze %dma_start3A_161 : memref<1x128xi32, #tpu.memory_space<vmem>> -> memref<128xi32, #tpu.memory_space<vmem>>
    %dma_start3A_163 = arith.constant 0 : i32
    %dma_start3A_164 = arith.constant 0 : i32
    %dma_start3A_165 = tpu.memref_slice %arg7[%dma_start3A_163, %dma_start3A_164] : memref<5184x128xf32, #tpu.memory_space<vmem_shared>> -> memref<5184x128xf32, #tpu.memory_space<vmem_shared>>
    tpu.enqueue_indirect_dma source(%dma_start3A_159 : memref<128x128xf32, #tpu.memory_space<vmem>>) target(%dma_start3A_165 : memref<5184x128xf32, #tpu.memory_space<vmem_shared>>) offsets(%dma_start3A_162 : memref<128xi32, #tpu.memory_space<vmem>>) semaphore(%arg13 : memref<!tpu.dma_semaphore, #tpu.memory_space<semaphore_mem>>) {add = true}
    %dma_wait3A_166 = arith.constant 1 : i32
    %dma_wait3A_167 = arith.constant 47 : i32
    %dma_wait3A_168 = arith.constant 0 : i32
    %dma_wait3A_169 = arith.constant 0 : i32
    %dma_wait3A_170 = tpu.memref_slice %arg10[%dma_wait3A_166, %dma_wait3A_168, %dma_wait3A_169] : memref<2x128x128xf32, #tpu.memory_space<vmem>> -> memref<1x128x128xf32, #tpu.memory_space<vmem>>
    %dma_wait3A_171 = tpu.memref_squeeze %dma_wait3A_170 : memref<1x128x128xf32, #tpu.memory_space<vmem>> -> memref<128x128xf32, #tpu.memory_space<vmem>>
    %dma_wait3A_172 = arith.constant 0 : i32
    %dma_wait3A_173 = tpu.memref_slice %arg9[%dma_wait3A_167, %dma_wait3A_172] : memref<49x128xi32, #tpu.memory_space<vmem>> -> memref<1x128xi32, #tpu.memory_space<vmem>>
    %dma_wait3A_174 = tpu.memref_squeeze %dma_wait3A_173 : memref<1x128xi32, #tpu.memory_space<vmem>> -> memref<128xi32, #tpu.memory_space<vmem>>
    %dma_wait3A_175 = arith.constant 0 : i32
    %dma_wait3A_176 = arith.constant 0 : i32
    %dma_wait3A_177 = tpu.memref_slice %arg7[%dma_wait3A_175, %dma_wait3A_176] : memref<5184x128xf32, #tpu.memory_space<vmem_shared>> -> memref<5184x128xf32, #tpu.memory_space<vmem_shared>>
    tpu.wait_indirect_dma semaphore(%arg14 : memref<!tpu.dma_semaphore, #tpu.memory_space<semaphore_mem>>) src(%dma_wait3A_171 : memref<128x128xf32, #tpu.memory_space<vmem>>) dst(%dma_wait3A_177 : memref<5184x128xf32, #tpu.memory_space<vmem_shared>>)
    %dma_wait3A_178 = arith.constant 0 : i32
    %dma_wait3A_179 = arith.constant 48 : i32
    %dma_wait3A_180 = arith.constant 0 : i32
    %dma_wait3A_181 = arith.constant 0 : i32
    %dma_wait3A_182 = tpu.memref_slice %arg10[%dma_wait3A_178, %dma_wait3A_180, %dma_wait3A_181] : memref<2x128x128xf32, #tpu.memory_space<vmem>> -> memref<1x128x128xf32, #tpu.memory_space<vmem>>
    %dma_wait3A_183 = tpu.memref_squeeze %dma_wait3A_182 : memref<1x128x128xf32, #tpu.memory_space<vmem>> -> memref<128x128xf32, #tpu.memory_space<vmem>>
    %dma_wait3A_184 = arith.constant 0 : i32
    %dma_wait3A_185 = tpu.memref_slice %arg9[%dma_wait3A_179, %dma_wait3A_184] : memref<49x128xi32, #tpu.memory_space<vmem>> -> memref<1x128xi32, #tpu.memory_space<vmem>>
    %dma_wait3A_186 = tpu.memref_squeeze %dma_wait3A_185 : memref<1x128xi32, #tpu.memory_space<vmem>> -> memref<128xi32, #tpu.memory_space<vmem>>
    %dma_wait3A_187 = arith.constant 0 : i32
    %dma_wait3A_188 = arith.constant 0 : i32
    %dma_wait3A_189 = tpu.memref_slice %arg7[%dma_wait3A_187, %dma_wait3A_188] : memref<5184x128xf32, #tpu.memory_space<vmem_shared>> -> memref<5184x128xf32, #tpu.memory_space<vmem_shared>>
    tpu.wait_indirect_dma semaphore(%arg13 : memref<!tpu.dma_semaphore, #tpu.memory_space<semaphore_mem>>) src(%dma_wait3A_183 : memref<128x128xf32, #tpu.memory_space<vmem>>) dst(%dma_wait3A_189 : memref<5184x128xf32, #tpu.memory_space<vmem_shared>>)
    %barrier3A_190 = arith.constant 0 : index
    tpu.barrier barrier_id(%barrier3A_190)
    %mul3A_191 = arith.constant 320 : i32
    %mul3A_192 = arith.muli %arg1, %mul3A_191 : i32
    %mul3A_193 = arith.constant 320 : i32
    %mul3A_194 = arith.muli %arg1, %mul3A_193 : i32
    "tpu.region"() ({
      %run_scoped3A = tpu.sem_alloc : memref<!tpu.dma_semaphore, #tpu.memory_space<semaphore_mem>>
      %dma_start3A_195 = arith.constant 0 : i32
      %dma_start3A_196 = tpu.memref_slice %arg5[%arg0, %mul3A_194, %dma_start3A_195] : memref<2x5120x128xf32, #tpu.memory_space<hbm>> -> memref<1x320x128xf32, #tpu.memory_space<hbm>>
      %dma_start3A_197 = tpu.memref_squeeze %dma_start3A_196 : memref<1x320x128xf32, #tpu.memory_space<hbm>> -> memref<320x128xf32, #tpu.memory_space<hbm>>
      %dma_start3A_198 = arith.constant 0 : i32
      %dma_start3A_199 = tpu.memref_slice %arg7[%mul3A_192, %dma_start3A_198] : memref<5184x128xf32, #tpu.memory_space<vmem_shared>> -> memref<320x128xf32, #tpu.memory_space<vmem_shared>>
      tpu.enqueue_dma source(%dma_start3A_199 : memref<320x128xf32, #tpu.memory_space<vmem_shared>>) target(%dma_start3A_197 : memref<320x128xf32, #tpu.memory_space<hbm>>) target_semaphore(%run_scoped3A : memref<!tpu.dma_semaphore, #tpu.memory_space<semaphore_mem>>)
      %dma_wait3A_200 = arith.constant 0 : i32
      %dma_wait3A_201 = tpu.memref_slice %arg5[%arg0, %mul3A_194, %dma_wait3A_200] : memref<2x5120x128xf32, #tpu.memory_space<hbm>> -> memref<1x320x128xf32, #tpu.memory_space<hbm>>
      %dma_wait3A_202 = tpu.memref_squeeze %dma_wait3A_201 : memref<1x320x128xf32, #tpu.memory_space<hbm>> -> memref<320x128xf32, #tpu.memory_space<hbm>>
      %dma_wait3A_203 = arith.constant 0 : i32
      %dma_wait3A_204 = tpu.memref_slice %arg7[%mul3A_192, %dma_wait3A_203] : memref<5184x128xf32, #tpu.memory_space<vmem_shared>> -> memref<320x128xf32, #tpu.memory_space<vmem_shared>>
      tpu.wait_dma2 semaphore(%run_scoped3A : memref<!tpu.dma_semaphore, #tpu.memory_space<semaphore_mem>>) src(%dma_wait3A_204 : memref<320x128xf32, #tpu.memory_space<vmem_shared>>) dst(%dma_wait3A_202 : memref<320x128xf32, #tpu.memory_space<hbm>>)
      tpu.yield
    }) : () -> ()
    return
  }
}

#map = affine_map<(d0, d1) -> (0)>
#map1 = affine_map<(d0, d1) -> (0, 0, 0)>
module attributes {stable_mosaic.version = 14 : i64} {
  func.func @_deg_bucket_kernel(%arg0: i32, %arg1: i32, %arg2: memref<327680xi32, #tpu.memory_space<hbm>>, %arg3: memref<327680xi32, #tpu.memory_space<hbm>>, %arg4: memref<2x640x16xf32, #tpu.memory_space<hbm>>, %arg5: memref<4x32x3136xi32, #tpu.memory_space<hbm>>, %arg6: memref<640x16xf32, #tpu.memory_space<vmem>>, %arg7: memref<1x1024xi32, #tpu.memory_space<vmem>>, %arg8: memref<1x1024xi32, #tpu.memory_space<vmem>>, %arg9: memref<4x3152xi32, #tpu.memory_space<vmem>>, %arg10: memref<16x640x16xf32, #tpu.memory_space<vmem_shared>>, %arg11: memref<16x40x16xf32, #tpu.memory_space<vmem>>, %arg12: memref<40x16xf32, #tpu.memory_space<vmem>>) attributes {dimension_semantics = [#tpu.dimension_semantics<core_parallel>, #tpu.dimension_semantics<subcore_parallel>], iteration_bounds = array<i64: 2, 16>, scalar_prefetch = 0 : i64, scratch_operands = 7 : i64, tpu.core_type = #tpu.core_type<sc_vector_subcore>, window_params = [{transform_indices = #map}, {transform_indices = #map}, {transform_indices = #map1}, {transform_indices = #map1}]} {
    %mul3A = arith.constant 2 : i32
    %mul3A_0 = arith.muli %arg1, %mul3A : i32
    %add3A = arith.addi %mul3A_0, %arg0 : i32
    %broadcast_in_dim3A = arith.constant 0.000000e+00 : f32
    %broadcast_in_dim3A_1 = vector.broadcast %broadcast_in_dim3A : f32 to vector<16xf32>
    %broadcast_in_dim3A_2 = arith.constant 5120 : i32
    %broadcast_in_dim3A_3 = vector.broadcast %broadcast_in_dim3A_2 : i32 to vector<16xi32>
    %iota3A = tpu.iota {dimensions = array<i32: 0>} : vector<16xi32>
    %add3A_4 = arith.addi %broadcast_in_dim3A_3, %iota3A : vector<16xi32>
    %scan3A = arith.constant 0 : i32
    %scan3A_5 = arith.constant 0 : i32
    %scan3A_6 = arith.constant 640 : i32
    %scan3A_7 = arith.addi %scan3A_5, %scan3A_6 : i32
    %scan3A_8 = arith.constant 1 : i32
    %scan3A_9 = scf.for %scan3A_48 = %scan3A_5 to %scan3A_7 step %scan3A_8 iter_args(%scan3A_49 = %scan3A) -> (i32)  : i32 {
      %swap3A = arith.index_cast %scan3A_48 : i32 to index
      %swap3A_50 = arith.constant 0 : index
      %swap3A_51 = tpu.vector_load %arg6[%swap3A, %swap3A_50] {strides = array<i32>} : memref<640x16xf32, #tpu.memory_space<vmem>>, vector<16xf32>,
      tpu.vector_store %arg6[%swap3A, %swap3A_50], %broadcast_in_dim3A_1 {strides = array<i32>} : memref<640x16xf32, #tpu.memory_space<vmem>>, vector<16xf32>,
      %scan3A_52 = arith.constant 0 : i32
      scf.yield %scan3A_52 : i32
    }
    %scan3A_10 = arith.constant 640 : i32
    %scan3A_11 = arith.constant 0 : i32
    %scan3A_12 = arith.constant 0 : i32
    %scan3A_13 = arith.constant 197 : i32
    %scan3A_14 = arith.addi %scan3A_12, %scan3A_13 : i32
    %scan3A_15 = arith.constant 1 : i32
    %scan3A_16 = scf.for %scan3A_48 = %scan3A_12 to %scan3A_14 step %scan3A_15 iter_args(%scan3A_49 = %scan3A_11) -> (i32)  : i32 {
      %and3A = arith.constant 2 : i32
      %and3A_50 = arith.andi %scan3A_48, %and3A : i32
      %shift_left3A = arith.constant 4 : i32
      %shift_left3A_51 = arith.shli %and3A_50, %shift_left3A : i32
      %add3A_52 = vector.broadcast %shift_left3A_51 : i32 to vector<16xi32>
      %add3A_53 = arith.addi %add3A_4, %add3A_52 : vector<16xi32>
      %mul3A_54 = arith.constant 16 : i32
      %mul3A_55 = arith.muli %scan3A_48, %mul3A_54 : i32
      %multiple_of3A = tpu.assume_multiple %mul3A_55, 16 : i32
      %swap3A = arith.constant 0 : i32
      %swap3A_56 = arith.index_cast %swap3A : i32 to index
      %swap3A_57 = arith.index_cast %multiple_of3A : i32 to index
      %swap3A_58 = tpu.vector_load %arg9[%swap3A_56, %swap3A_57] {strides = array<i32>} : memref<4x3152xi32, #tpu.memory_space<vmem>>, vector<16xi32>,
      tpu.vector_store %arg9[%swap3A_56, %swap3A_57], %add3A_53 {strides = array<i32>} : memref<4x3152xi32, #tpu.memory_space<vmem>>, vector<16xi32>,
      %mul3A_59 = arith.constant 16 : i32
      %mul3A_60 = arith.muli %scan3A_48, %mul3A_59 : i32
      %multiple_of3A_61 = tpu.assume_multiple %mul3A_60, 16 : i32
      %swap3A_62 = arith.constant 1 : i32
      %swap3A_63 = arith.index_cast %swap3A_62 : i32 to index
      %swap3A_64 = arith.index_cast %multiple_of3A_61 : i32 to index
      %swap3A_65 = tpu.vector_load %arg9[%swap3A_63, %swap3A_64] {strides = array<i32>} : memref<4x3152xi32, #tpu.memory_space<vmem>>, vector<16xi32>,
      tpu.vector_store %arg9[%swap3A_63, %swap3A_64], %add3A_53 {strides = array<i32>} : memref<4x3152xi32, #tpu.memory_space<vmem>>, vector<16xi32>,
      %mul3A_66 = arith.constant 16 : i32
      %mul3A_67 = arith.muli %scan3A_48, %mul3A_66 : i32
      %multiple_of3A_68 = tpu.assume_multiple %mul3A_67, 16 : i32
      %swap3A_69 = arith.constant 2 : i32
      %swap3A_70 = arith.index_cast %swap3A_69 : i32 to index
      %swap3A_71 = arith.index_cast %multiple_of3A_68 : i32 to index
      %swap3A_72 = tpu.vector_load %arg9[%swap3A_70, %swap3A_71] {strides = array<i32>} : memref<4x3152xi32, #tpu.memory_space<vmem>>, vector<16xi32>,
      tpu.vector_store %arg9[%swap3A_70, %swap3A_71], %add3A_53 {strides = array<i32>} : memref<4x3152xi32, #tpu.memory_space<vmem>>, vector<16xi32>,
      %mul3A_73 = arith.constant 16 : i32
      %mul3A_74 = arith.muli %scan3A_48, %mul3A_73 : i32
      %multiple_of3A_75 = tpu.assume_multiple %mul3A_74, 16 : i32
      %swap3A_76 = arith.constant 3 : i32
      %swap3A_77 = arith.index_cast %swap3A_76 : i32 to index
      %swap3A_78 = arith.index_cast %multiple_of3A_75 : i32 to index
      %swap3A_79 = tpu.vector_load %arg9[%swap3A_77, %swap3A_78] {strides = array<i32>} : memref<4x3152xi32, #tpu.memory_space<vmem>>, vector<16xi32>,
      tpu.vector_store %arg9[%swap3A_77, %swap3A_78], %add3A_53 {strides = array<i32>} : memref<4x3152xi32, #tpu.memory_space<vmem>>, vector<16xi32>,
      %scan3A_80 = arith.constant 0 : i32
      scf.yield %scan3A_80 : i32
    }
    %scan3A_17 = arith.constant 197 : i32
    %mul3A_18 = arith.constant 10240 : i32
    %mul3A_19 = arith.muli %add3A, %mul3A_18 : i32
    %broadcast_in_dim3A_20 = arith.constant 1.000000e+00 : f32
    %broadcast_in_dim3A_21 = vector.broadcast %broadcast_in_dim3A_20 : f32 to vector<16xf32>
    %scan3A_22 = arith.constant 0 : i32
    %scan3A_23 = arith.constant 0 : i32
    %scan3A_24 = arith.constant 0 : i32
    %scan3A_25 = arith.constant 0 : i32
    %scan3A_26 = arith.constant 0 : i32
    %scan3A_27 = arith.constant 10 : i32
    %scan3A_28 = arith.addi %scan3A_26, %scan3A_27 : i32
    %scan3A_29 = arith.constant 1 : i32
    %scan3A_30:4 = scf.for %scan3A_48 = %scan3A_26 to %scan3A_28 step %scan3A_29 iter_args(%scan3A_49 = %scan3A_22, %scan3A_50 = %scan3A_23, %scan3A_51 = %scan3A_24, %scan3A_52 = %scan3A_25) -> (i32, i32, i32, i32)  : i32 {
      %mul3A_53 = arith.constant 1024 : i32
      %mul3A_54 = arith.muli %scan3A_48, %mul3A_53 : i32
      %add3A_55 = arith.addi %mul3A_19, %mul3A_54 : i32
      %multiple_of3A = tpu.assume_multiple %add3A_55, 1024 : i32
      %run_scoped3A_56 = arith.constant 0 : i32
      "tpu.region"() ({
        %run_scoped3A_64 = tpu.sem_alloc : memref<!tpu.dma_semaphore, #tpu.memory_space<semaphore_mem>>
        %dma_start3A = arith.constant 0 : i32
        %dma_start3A_65 = tpu.memref_slice %arg7[%run_scoped3A_56, %dma_start3A] : memref<1x1024xi32, #tpu.memory_space<vmem>> -> memref<1x1024xi32, #tpu.memory_space<vmem>>
        %dma_start3A_66 = tpu.memref_squeeze %dma_start3A_65 : memref<1x1024xi32, #tpu.memory_space<vmem>> -> memref<1024xi32, #tpu.memory_space<vmem>>
        %dma_start3A_67 = tpu.memref_slice %arg2[%multiple_of3A] : memref<327680xi32, #tpu.memory_space<hbm>> -> memref<1024xi32, #tpu.memory_space<hbm>>
        %dma_start3A_68 = arith.constant 0 : i32
        %dma_start3A_69 = tpu.memref_slice %arg7[%run_scoped3A_56, %dma_start3A_68] : memref<1x1024xi32, #tpu.memory_space<vmem>> -> memref<1x1024xi32, #tpu.memory_space<vmem>>
        %dma_start3A_70 = tpu.memref_squeeze %dma_start3A_69 : memref<1x1024xi32, #tpu.memory_space<vmem>> -> memref<1024xi32, #tpu.memory_space<vmem>>
        %dma_start3A_71 = tpu.memref_slice %arg2[%multiple_of3A] : memref<327680xi32, #tpu.memory_space<hbm>> -> memref<1024xi32, #tpu.memory_space<hbm>>
        tpu.enqueue_dma source(%dma_start3A_71 : memref<1024xi32, #tpu.memory_space<hbm>>) target(%dma_start3A_70 : memref<1024xi32, #tpu.memory_space<vmem>>) target_semaphore(%run_scoped3A_64 : memref<!tpu.dma_semaphore, #tpu.memory_space<semaphore_mem>>)
        %dma_wait3A = arith.constant 0 : i32
        %dma_wait3A_72 = tpu.memref_slice %arg7[%run_scoped3A_56, %dma_wait3A] : memref<1x1024xi32, #tpu.memory_space<vmem>> -> memref<1x1024xi32, #tpu.memory_space<vmem>>
        %dma_wait3A_73 = tpu.memref_squeeze %dma_wait3A_72 : memref<1x1024xi32, #tpu.memory_space<vmem>> -> memref<1024xi32, #tpu.memory_space<vmem>>
        %dma_wait3A_74 = tpu.memref_slice %arg2[%multiple_of3A] : memref<327680xi32, #tpu.memory_space<hbm>> -> memref<1024xi32, #tpu.memory_space<hbm>>
        %dma_wait3A_75 = arith.constant 0 : i32
        %dma_wait3A_76 = tpu.memref_slice %arg7[%run_scoped3A_56, %dma_wait3A_75] : memref<1x1024xi32, #tpu.memory_space<vmem>> -> memref<1x1024xi32, #tpu.memory_space<vmem>>
        %dma_wait3A_77 = tpu.memref_squeeze %dma_wait3A_76 : memref<1x1024xi32, #tpu.memory_space<vmem>> -> memref<1024xi32, #tpu.memory_space<vmem>>
        %dma_wait3A_78 = tpu.memref_slice %arg2[%multiple_of3A] : memref<327680xi32, #tpu.memory_space<hbm>> -> memref<1024xi32, #tpu.memory_space<hbm>>
        tpu.wait_dma2 semaphore(%run_scoped3A_64 : memref<!tpu.dma_semaphore, #tpu.memory_space<semaphore_mem>>) src(%dma_wait3A_78 : memref<1024xi32, #tpu.memory_space<hbm>>) dst(%dma_wait3A_77 : memref<1024xi32, #tpu.memory_space<vmem>>)
        tpu.yield
      }) : () -> ()
      %run_scoped3A_57 = arith.constant 0 : i32
      "tpu.region"() ({
        %run_scoped3A_64 = tpu.sem_alloc : memref<!tpu.dma_semaphore, #tpu.memory_space<semaphore_mem>>
        %dma_start3A = arith.constant 0 : i32
        %dma_start3A_65 = tpu.memref_slice %arg8[%run_scoped3A_57, %dma_start3A] : memref<1x1024xi32, #tpu.memory_space<vmem>> -> memref<1x1024xi32, #tpu.memory_space<vmem>>
        %dma_start3A_66 = tpu.memref_squeeze %dma_start3A_65 : memref<1x1024xi32, #tpu.memory_space<vmem>> -> memref<1024xi32, #tpu.memory_space<vmem>>
        %dma_start3A_67 = tpu.memref_slice %arg3[%multiple_of3A] : memref<327680xi32, #tpu.memory_space<hbm>> -> memref<1024xi32, #tpu.memory_space<hbm>>
        %dma_start3A_68 = arith.constant 0 : i32
        %dma_start3A_69 = tpu.memref_slice %arg8[%run_scoped3A_57, %dma_start3A_68] : memref<1x1024xi32, #tpu.memory_space<vmem>> -> memref<1x1024xi32, #tpu.memory_space<vmem>>
        %dma_start3A_70 = tpu.memref_squeeze %dma_start3A_69 : memref<1x1024xi32, #tpu.memory_space<vmem>> -> memref<1024xi32, #tpu.memory_space<vmem>>
        %dma_start3A_71 = tpu.memref_slice %arg3[%multiple_of3A] : memref<327680xi32, #tpu.memory_space<hbm>> -> memref<1024xi32, #tpu.memory_space<hbm>>
        tpu.enqueue_dma source(%dma_start3A_71 : memref<1024xi32, #tpu.memory_space<hbm>>) target(%dma_start3A_70 : memref<1024xi32, #tpu.memory_space<vmem>>) target_semaphore(%run_scoped3A_64 : memref<!tpu.dma_semaphore, #tpu.memory_space<semaphore_mem>>)
        %dma_wait3A = arith.constant 0 : i32
        %dma_wait3A_72 = tpu.memref_slice %arg8[%run_scoped3A_57, %dma_wait3A] : memref<1x1024xi32, #tpu.memory_space<vmem>> -> memref<1x1024xi32, #tpu.memory_space<vmem>>
        %dma_wait3A_73 = tpu.memref_squeeze %dma_wait3A_72 : memref<1x1024xi32, #tpu.memory_space<vmem>> -> memref<1024xi32, #tpu.memory_space<vmem>>
        %dma_wait3A_74 = tpu.memref_slice %arg3[%multiple_of3A] : memref<327680xi32, #tpu.memory_space<hbm>> -> memref<1024xi32, #tpu.memory_space<hbm>>
        %dma_wait3A_75 = arith.constant 0 : i32
        %dma_wait3A_76 = tpu.memref_slice %arg8[%run_scoped3A_57, %dma_wait3A_75] : memref<1x1024xi32, #tpu.memory_space<vmem>> -> memref<1x1024xi32, #tpu.memory_space<vmem>>
        %dma_wait3A_77 = tpu.memref_squeeze %dma_wait3A_76 : memref<1x1024xi32, #tpu.memory_space<vmem>> -> memref<1024xi32, #tpu.memory_space<vmem>>
        %dma_wait3A_78 = tpu.memref_slice %arg3[%multiple_of3A] : memref<327680xi32, #tpu.memory_space<hbm>> -> memref<1024xi32, #tpu.memory_space<hbm>>
        tpu.wait_dma2 semaphore(%run_scoped3A_64 : memref<!tpu.dma_semaphore, #tpu.memory_space<semaphore_mem>>) src(%dma_wait3A_78 : memref<1024xi32, #tpu.memory_space<hbm>>) dst(%dma_wait3A_77 : memref<1024xi32, #tpu.memory_space<vmem>>)
        tpu.yield
      }) : () -> ()
      %scan3A_58 = arith.constant 0 : i32
      %scan3A_59 = arith.constant 64 : i32
      %scan3A_60 = arith.addi %scan3A_58, %scan3A_59 : i32
      %scan3A_61 = arith.constant 1 : i32
      %scan3A_62:4 = scf.for %scan3A_64 = %scan3A_58 to %scan3A_60 step %scan3A_61 iter_args(%scan3A_65 = %scan3A_49, %scan3A_66 = %scan3A_50, %scan3A_67 = %scan3A_51, %scan3A_68 = %scan3A_52) -> (i32, i32, i32, i32)  : i32 {
        %mul3A_69 = arith.constant 16 : i32
        %mul3A_70 = arith.muli %scan3A_64, %mul3A_69 : i32
        %multiple_of3A_71 = tpu.assume_multiple %mul3A_70, 16 : i32
        %get3A = arith.constant 0 : i32
        %get3A_72 = arith.index_cast %get3A : i32 to index
        %get3A_73 = arith.index_cast %multiple_of3A_71 : i32 to index
        %get3A_74 = tpu.vector_load %arg7[%get3A_72, %get3A_73] {strides = array<i32>} : memref<1x1024xi32, #tpu.memory_space<vmem>>, vector<16xi32>,
        %get3A_75 = arith.constant 0 : i32
        %get3A_76 = arith.index_cast %get3A_75 : i32 to index
        %get3A_77 = arith.index_cast %multiple_of3A_71 : i32 to index
        %get3A_78 = tpu.vector_load %arg8[%get3A_76, %get3A_77] {strides = array<i32>} : memref<1x1024xi32, #tpu.memory_space<vmem>>, vector<16xi32>,
        %shift_right_arithmetic3A = arith.constant 4 : i32
        %shift_right_arithmetic3A_79 = vector.broadcast %shift_right_arithmetic3A : i32 to vector<16xi32>
        %shift_right_arithmetic3A_80 = arith.shrsi %get3A_78, %shift_right_arithmetic3A_79 : vector<16xi32>
        %and3A = arith.constant 15 : i32
        %and3A_81 = vector.broadcast %and3A : i32 to vector<16xi32>
        %and3A_82 = arith.andi %get3A_78, %and3A_81 : vector<16xi32>
        tpu.vector_store_idx %arg6[%shift_right_arithmetic3A_80, %and3A_82], %broadcast_in_dim3A_21 {add = true} : memref<640x16xf32, #tpu.memory_space<vmem>>[vector<16xi32>, vector<16xi32>], vector<16xf32>,
        %ge3A = arith.constant 5120 : i32
        %ge3A_83 = vector.broadcast %ge3A : i32 to vector<16xi32>
        %ge3A_84 = arith.cmpi sge, %get3A_74, %ge3A_83 : vector<16xi32>
        %convert_element_type3A = arith.extui %ge3A_84 : vector<16xi1> to vector<16xi32>
        %ge3A_85 = arith.constant 5120 : i32
        %ge3A_86 = vector.broadcast %ge3A_85 : i32 to vector<16xi32>
        %ge3A_87 = arith.cmpi sge, %get3A_78, %ge3A_86 : vector<16xi32>
        %convert_element_type3A_88 = arith.extui %ge3A_87 : vector<16xi1> to vector<16xi32>
        %mul3A_89 = arith.constant 5120 : i32
        %mul3A_90 = vector.broadcast %mul3A_89 : i32 to vector<16xi32>
        %mul3A_91 = arith.muli %convert_element_type3A, %mul3A_90 : vector<16xi32>
        %sub3A = arith.subi %get3A_74, %mul3A_91 : vector<16xi32>
        %shift_left3A = arith.constant 16 : i32
        %shift_left3A_92 = vector.broadcast %shift_left3A : i32 to vector<16xi32>
        %shift_left3A_93 = arith.shli %sub3A, %shift_left3A_92 : vector<16xi32>
        %mul3A_94 = arith.constant 5120 : i32
        %mul3A_95 = vector.broadcast %mul3A_94 : i32 to vector<16xi32>
        %mul3A_96 = arith.muli %convert_element_type3A_88, %mul3A_95 : vector<16xi32>
        %sub3A_97 = arith.subi %get3A_78, %mul3A_96 : vector<16xi32>
        %or3A = arith.ori %shift_left3A_93, %sub3A_97 : vector<16xi32>
        %mul3A_98 = arith.constant 2 : i32
        %mul3A_99 = vector.broadcast %mul3A_98 : i32 to vector<16xi32>
        %mul3A_100 = arith.muli %convert_element_type3A, %mul3A_99 : vector<16xi32>
        %add3A_101 = arith.addi %mul3A_100, %convert_element_type3A_88 : vector<16xi32>
        %eq3A = arith.constant 0 : i32
        %eq3A_102 = vector.broadcast %eq3A : i32 to vector<16xi32>
        %eq3A_103 = arith.cmpi eq, %add3A_101, %eq3A_102 : vector<16xi32>
        %swap3A = arith.constant 0 : i32
        %swap3A_104 = arith.index_cast %swap3A : i32 to index
        %swap3A_105 = arith.index_cast %scan3A_65 : i32 to index
        %swap3A_106 = tpu.vector_load %arg9[%swap3A_104, %swap3A_105] masked %eq3A_103 {strides = array<i32>} : memref<4x3152xi32, #tpu.memory_space<vmem>>, vector<16xi32>, vector<16xi1>
        tpu.vector_store %arg9[%swap3A_104, %swap3A_105], %or3A masked %eq3A_103 {strides = array<i32>} : memref<4x3152xi32, #tpu.memory_space<vmem>>, vector<16xi32>, vector<16xi1>
        %all_reduce_population_count3A = tpu.all_reduce %eq3A_103 {dim = 0 : i64, kind = #tpu.reduction_kind<sum>} : vector<16xi1> -> vector<16xi32>
        %reduce_max3A = arith.constant true
        %reduce_max3A_107 = vector.broadcast %reduce_max3A : i1 to vector<16xi1>
        %reduce_max3A_108 = arith.constant -2147483648 : i32
        %reduce_max3A_109 = vector.broadcast %reduce_max3A_108 : i32 to vector<16xi32>
        %reduce_max3A_110 = arith.xori %all_reduce_population_count3A, %reduce_max3A_109 : vector<16xi32>
        %reduce_max3A_111 = tpu.scan <max>, %reduce_max3A_110 masked %reduce_max3A_107 : vector<16xi32>, vector<16xi1> -> vector<16xi32>
        %reduce_max3A_112 = arith.xori %reduce_max3A_111, %reduce_max3A_109 : vector<16xi32>
        %reduce_max3A_113 = vector.extract %reduce_max3A_112[15] : i32 from vector<16xi32>
        %add3A_114 = arith.addi %scan3A_65, %reduce_max3A_113 : i32
        %min3A = arith.constant 3136 : i32
        %min3A_115 = arith.minsi %add3A_114, %min3A : i32
        %eq3A_116 = arith.constant 1 : i32
        %eq3A_117 = vector.broadcast %eq3A_116 : i32 to vector<16xi32>
        %eq3A_118 = arith.cmpi eq, %add3A_101, %eq3A_117 : vector<16xi32>
        %swap3A_119 = arith.constant 1 : i32
        %swap3A_120 = arith.index_cast %swap3A_119 : i32 to index
        %swap3A_121 = arith.index_cast %scan3A_66 : i32 to index
        %swap3A_122 = tpu.vector_load %arg9[%swap3A_120, %swap3A_121] masked %eq3A_118 {strides = array<i32>} : memref<4x3152xi32, #tpu.memory_space<vmem>>, vector<16xi32>, vector<16xi1>
        tpu.vector_store %arg9[%swap3A_120, %swap3A_121], %or3A masked %eq3A_118 {strides = array<i32>} : memref<4x3152xi32, #tpu.memory_space<vmem>>, vector<16xi32>, vector<16xi1>
        %all_reduce_population_count3A_123 = tpu.all_reduce %eq3A_118 {dim = 0 : i64, kind = #tpu.reduction_kind<sum>} : vector<16xi1> -> vector<16xi32>
        %reduce_max3A_124 = arith.constant true
        %reduce_max3A_125 = vector.broadcast %reduce_max3A_124 : i1 to vector<16xi1>
        %reduce_max3A_126 = arith.constant -2147483648 : i32
        %reduce_max3A_127 = vector.broadcast %reduce_max3A_126 : i32 to vector<16xi32>
        %reduce_max3A_128 = arith.xori %all_reduce_population_count3A_123, %reduce_max3A_127 : vector<16xi32>
        %reduce_max3A_129 = tpu.scan <max>, %reduce_max3A_128 masked %reduce_max3A_125 : vector<16xi32>, vector<16xi1> -> vector<16xi32>
        %reduce_max3A_130 = arith.xori %reduce_max3A_129, %reduce_max3A_127 : vector<16xi32>
        %reduce_max3A_131 = vector.extract %reduce_max3A_130[15] : i32 from vector<16xi32>
        %add3A_132 = arith.addi %scan3A_66, %reduce_max3A_131 : i32
        %min3A_133 = arith.constant 3136 : i32
        %min3A_134 = arith.minsi %add3A_132, %min3A_133 : i32
        %eq3A_135 = arith.constant 2 : i32
        %eq3A_136 = vector.broadcast %eq3A_135 : i32 to vector<16xi32>
        %eq3A_137 = arith.cmpi eq, %add3A_101, %eq3A_136 : vector<16xi32>
        %swap3A_138 = arith.constant 2 : i32
        %swap3A_139 = arith.index_cast %swap3A_138 : i32 to index
        %swap3A_140 = arith.index_cast %scan3A_67 : i32 to index
        %swap3A_141 = tpu.vector_load %arg9[%swap3A_139, %swap3A_140] masked %eq3A_137 {strides = array<i32>} : memref<4x3152xi32, #tpu.memory_space<vmem>>, vector<16xi32>, vector<16xi1>
        tpu.vector_store %arg9[%swap3A_139, %swap3A_140], %or3A masked %eq3A_137 {strides = array<i32>} : memref<4x3152xi32, #tpu.memory_space<vmem>>, vector<16xi32>, vector<16xi1>
        %all_reduce_population_count3A_142 = tpu.all_reduce %eq3A_137 {dim = 0 : i64, kind = #tpu.reduction_kind<sum>} : vector<16xi1> -> vector<16xi32>
        %reduce_max3A_143 = arith.constant true
        %reduce_max3A_144 = vector.broadcast %reduce_max3A_143 : i1 to vector<16xi1>
        %reduce_max3A_145 = arith.constant -2147483648 : i32
        %reduce_max3A_146 = vector.broadcast %reduce_max3A_145 : i32 to vector<16xi32>
        %reduce_max3A_147 = arith.xori %all_reduce_population_count3A_142, %reduce_max3A_146 : vector<16xi32>
        %reduce_max3A_148 = tpu.scan <max>, %reduce_max3A_147 masked %reduce_max3A_144 : vector<16xi32>, vector<16xi1> -> vector<16xi32>
        %reduce_max3A_149 = arith.xori %reduce_max3A_148, %reduce_max3A_146 : vector<16xi32>
        %reduce_max3A_150 = vector.extract %reduce_max3A_149[15] : i32 from vector<16xi32>
        %add3A_151 = arith.addi %scan3A_67, %reduce_max3A_150 : i32
        %min3A_152 = arith.constant 3136 : i32
        %min3A_153 = arith.minsi %add3A_151, %min3A_152 : i32
        %eq3A_154 = arith.constant 3 : i32
        %eq3A_155 = vector.broadcast %eq3A_154 : i32 to vector<16xi32>
        %eq3A_156 = arith.cmpi eq, %add3A_101, %eq3A_155 : vector<16xi32>
        %swap3A_157 = arith.constant 3 : i32
        %swap3A_158 = arith.index_cast %swap3A_157 : i32 to index
        %swap3A_159 = arith.index_cast %scan3A_68 : i32 to index
        %swap3A_160 = tpu.vector_load %arg9[%swap3A_158, %swap3A_159] masked %eq3A_156 {strides = array<i32>} : memref<4x3152xi32, #tpu.memory_space<vmem>>, vector<16xi32>, vector<16xi1>
        tpu.vector_store %arg9[%swap3A_158, %swap3A_159], %or3A masked %eq3A_156 {strides = array<i32>} : memref<4x3152xi32, #tpu.memory_space<vmem>>, vector<16xi32>, vector<16xi1>
        %all_reduce_population_count3A_161 = tpu.all_reduce %eq3A_156 {dim = 0 : i64, kind = #tpu.reduction_kind<sum>} : vector<16xi1> -> vector<16xi32>
        %reduce_max3A_162 = arith.constant true
        %reduce_max3A_163 = vector.broadcast %reduce_max3A_162 : i1 to vector<16xi1>
        %reduce_max3A_164 = arith.constant -2147483648 : i32
        %reduce_max3A_165 = vector.broadcast %reduce_max3A_164 : i32 to vector<16xi32>
        %reduce_max3A_166 = arith.xori %all_reduce_population_count3A_161, %reduce_max3A_165 : vector<16xi32>
        %reduce_max3A_167 = tpu.scan <max>, %reduce_max3A_166 masked %reduce_max3A_163 : vector<16xi32>, vector<16xi1> -> vector<16xi32>
        %reduce_max3A_168 = arith.xori %reduce_max3A_167, %reduce_max3A_165 : vector<16xi32>
        %reduce_max3A_169 = vector.extract %reduce_max3A_168[15] : i32 from vector<16xi32>
        %add3A_170 = arith.addi %scan3A_68, %reduce_max3A_169 : i32
        %min3A_171 = arith.constant 3136 : i32
        %min3A_172 = arith.minsi %add3A_170, %min3A_171 : i32
        scf.yield %min3A_115, %min3A_134, %min3A_153, %min3A_172 : i32, i32, i32, i32
      }
      %scan3A_63 = arith.constant 64 : i32
      scf.yield %scan3A_62#0, %scan3A_62#1, %scan3A_62#2, %scan3A_62#3 : i32, i32, i32, i32
    }
    %scan3A_31 = arith.constant 10 : i32
    %run_scoped3A = arith.constant 0 : i32
    %run_scoped3A_32 = arith.constant 0 : i32
    "tpu.region"() ({
      %run_scoped3A_48 = tpu.sem_alloc : memref<!tpu.dma_semaphore, #tpu.memory_space<semaphore_mem>>
      %dma_start3A = arith.constant 0 : i32
      %dma_start3A_49 = tpu.memref_slice %arg9[%run_scoped3A, %dma_start3A] : memref<4x3152xi32, #tpu.memory_space<vmem>> -> memref<1x3136xi32, #tpu.memory_space<vmem>>
      %dma_start3A_50 = tpu.memref_squeeze %dma_start3A_49 : memref<1x3136xi32, #tpu.memory_space<vmem>> -> memref<3136xi32, #tpu.memory_space<vmem>>
      %dma_start3A_51 = arith.constant 0 : i32
      %dma_start3A_52 = tpu.memref_slice %arg5[%run_scoped3A_32, %add3A, %dma_start3A_51] : memref<4x32x3136xi32, #tpu.memory_space<hbm>> -> memref<1x1x3136xi32, #tpu.memory_space<hbm>>
      %dma_start3A_53 = tpu.memref_squeeze %dma_start3A_52 : memref<1x1x3136xi32, #tpu.memory_space<hbm>> -> memref<3136xi32, #tpu.memory_space<hbm>>
      %dma_start3A_54 = arith.constant 0 : i32
      %dma_start3A_55 = tpu.memref_slice %arg5[%run_scoped3A_32, %add3A, %dma_start3A_54] : memref<4x32x3136xi32, #tpu.memory_space<hbm>> -> memref<1x1x3136xi32, #tpu.memory_space<hbm>>
      %dma_start3A_56 = tpu.memref_squeeze %dma_start3A_55 : memref<1x1x3136xi32, #tpu.memory_space<hbm>> -> memref<3136xi32, #tpu.memory_space<hbm>>
      %dma_start3A_57 = arith.constant 0 : i32
      %dma_start3A_58 = tpu.memref_slice %arg9[%run_scoped3A, %dma_start3A_57] : memref<4x3152xi32, #tpu.memory_space<vmem>> -> memref<1x3136xi32, #tpu.memory_space<vmem>>
      %dma_start3A_59 = tpu.memref_squeeze %dma_start3A_58 : memref<1x3136xi32, #tpu.memory_space<vmem>> -> memref<3136xi32, #tpu.memory_space<vmem>>
      tpu.enqueue_dma source(%dma_start3A_59 : memref<3136xi32, #tpu.memory_space<vmem>>) target(%dma_start3A_56 : memref<3136xi32, #tpu.memory_space<hbm>>) target_semaphore(%run_scoped3A_48 : memref<!tpu.dma_semaphore, #tpu.memory_space<semaphore_mem>>)
      %dma_wait3A = arith.constant 0 : i32
      %dma_wait3A_60 = tpu.memref_slice %arg9[%run_scoped3A, %dma_wait3A] : memref<4x3152xi32, #tpu.memory_space<vmem>> -> memref<1x3136xi32, #tpu.memory_space<vmem>>
      %dma_wait3A_61 = tpu.memref_squeeze %dma_wait3A_60 : memref<1x3136xi32, #tpu.memory_space<vmem>> -> memref<3136xi32, #tpu.memory_space<vmem>>
      %dma_wait3A_62 = arith.constant 0 : i32
      %dma_wait3A_63 = tpu.memref_slice %arg5[%run_scoped3A_32, %add3A, %dma_wait3A_62] : memref<4x32x3136xi32, #tpu.memory_space<hbm>> -> memref<1x1x3136xi32, #tpu.memory_space<hbm>>
      %dma_wait3A_64 = tpu.memref_squeeze %dma_wait3A_63 : memref<1x1x3136xi32, #tpu.memory_space<hbm>> -> memref<3136xi32, #tpu.memory_space<hbm>>
      %dma_wait3A_65 = arith.constant 0 : i32
      %dma_wait3A_66 = tpu.memref_slice %arg5[%run_scoped3A_32, %add3A, %dma_wait3A_65] : memref<4x32x3136xi32, #tpu.memory_space<hbm>> -> memref<1x1x3136xi32, #tpu.memory_space<hbm>>
      %dma_wait3A_67 = tpu.memref_squeeze %dma_wait3A_66 : memref<1x1x3136xi32, #tpu.memory_space<hbm>> -> memref<3136xi32, #tpu.memory_space<hbm>>
      %dma_wait3A_68 = arith.constant 0 : i32
      %dma_wait3A_69 = tpu.memref_slice %arg9[%run_scoped3A, %dma_wait3A_68] : memref<4x3152xi32, #tpu.memory_space<vmem>> -> memref<1x3136xi32, #tpu.memory_space<vmem>>
      %dma_wait3A_70 = tpu.memref_squeeze %dma_wait3A_69 : memref<1x3136xi32, #tpu.memory_space<vmem>> -> memref<3136xi32, #tpu.memory_space<vmem>>
      tpu.wait_dma2 semaphore(%run_scoped3A_48 : memref<!tpu.dma_semaphore, #tpu.memory_space<semaphore_mem>>) src(%dma_wait3A_70 : memref<3136xi32, #tpu.memory_space<vmem>>) dst(%dma_wait3A_67 : memref<3136xi32, #tpu.memory_space<hbm>>)
      tpu.yield
    }) : () -> ()
    %run_scoped3A_33 = arith.constant 1 : i32
    %run_scoped3A_34 = arith.constant 1 : i32
    "tpu.region"() ({
      %run_scoped3A_48 = tpu.sem_alloc : memref<!tpu.dma_semaphore, #tpu.memory_space<semaphore_mem>>
      %dma_start3A = arith.constant 0 : i32
      %dma_start3A_49 = tpu.memref_slice %arg9[%run_scoped3A_33, %dma_start3A] : memref<4x3152xi32, #tpu.memory_space<vmem>> -> memref<1x3136xi32, #tpu.memory_space<vmem>>
      %dma_start3A_50 = tpu.memref_squeeze %dma_start3A_49 : memref<1x3136xi32, #tpu.memory_space<vmem>> -> memref<3136xi32, #tpu.memory_space<vmem>>
      %dma_start3A_51 = arith.constant 0 : i32
      %dma_start3A_52 = tpu.memref_slice %arg5[%run_scoped3A_34, %add3A, %dma_start3A_51] : memref<4x32x3136xi32, #tpu.memory_space<hbm>> -> memref<1x1x3136xi32, #tpu.memory_space<hbm>>
      %dma_start3A_53 = tpu.memref_squeeze %dma_start3A_52 : memref<1x1x3136xi32, #tpu.memory_space<hbm>> -> memref<3136xi32, #tpu.memory_space<hbm>>
      %dma_start3A_54 = arith.constant 0 : i32
      %dma_start3A_55 = tpu.memref_slice %arg5[%run_scoped3A_34, %add3A, %dma_start3A_54] : memref<4x32x3136xi32, #tpu.memory_space<hbm>> -> memref<1x1x3136xi32, #tpu.memory_space<hbm>>
      %dma_start3A_56 = tpu.memref_squeeze %dma_start3A_55 : memref<1x1x3136xi32, #tpu.memory_space<hbm>> -> memref<3136xi32, #tpu.memory_space<hbm>>
      %dma_start3A_57 = arith.constant 0 : i32
      %dma_start3A_58 = tpu.memref_slice %arg9[%run_scoped3A_33, %dma_start3A_57] : memref<4x3152xi32, #tpu.memory_space<vmem>> -> memref<1x3136xi32, #tpu.memory_space<vmem>>
      %dma_start3A_59 = tpu.memref_squeeze %dma_start3A_58 : memref<1x3136xi32, #tpu.memory_space<vmem>> -> memref<3136xi32, #tpu.memory_space<vmem>>
      tpu.enqueue_dma source(%dma_start3A_59 : memref<3136xi32, #tpu.memory_space<vmem>>) target(%dma_start3A_56 : memref<3136xi32, #tpu.memory_space<hbm>>) target_semaphore(%run_scoped3A_48 : memref<!tpu.dma_semaphore, #tpu.memory_space<semaphore_mem>>)
      %dma_wait3A = arith.constant 0 : i32
      %dma_wait3A_60 = tpu.memref_slice %arg9[%run_scoped3A_33, %dma_wait3A] : memref<4x3152xi32, #tpu.memory_space<vmem>> -> memref<1x3136xi32, #tpu.memory_space<vmem>>
      %dma_wait3A_61 = tpu.memref_squeeze %dma_wait3A_60 : memref<1x3136xi32, #tpu.memory_space<vmem>> -> memref<3136xi32, #tpu.memory_space<vmem>>
      %dma_wait3A_62 = arith.constant 0 : i32
      %dma_wait3A_63 = tpu.memref_slice %arg5[%run_scoped3A_34, %add3A, %dma_wait3A_62] : memref<4x32x3136xi32, #tpu.memory_space<hbm>> -> memref<1x1x3136xi32, #tpu.memory_space<hbm>>
      %dma_wait3A_64 = tpu.memref_squeeze %dma_wait3A_63 : memref<1x1x3136xi32, #tpu.memory_space<hbm>> -> memref<3136xi32, #tpu.memory_space<hbm>>
      %dma_wait3A_65 = arith.constant 0 : i32
      %dma_wait3A_66 = tpu.memref_slice %arg5[%run_scoped3A_34, %add3A, %dma_wait3A_65] : memref<4x32x3136xi32, #tpu.memory_space<hbm>> -> memref<1x1x3136xi32, #tpu.memory_space<hbm>>
      %dma_wait3A_67 = tpu.memref_squeeze %dma_wait3A_66 : memref<1x1x3136xi32, #tpu.memory_space<hbm>> -> memref<3136xi32, #tpu.memory_space<hbm>>
      %dma_wait3A_68 = arith.constant 0 : i32
      %dma_wait3A_69 = tpu.memref_slice %arg9[%run_scoped3A_33, %dma_wait3A_68] : memref<4x3152xi32, #tpu.memory_space<vmem>> -> memref<1x3136xi32, #tpu.memory_space<vmem>>
      %dma_wait3A_70 = tpu.memref_squeeze %dma_wait3A_69 : memref<1x3136xi32, #tpu.memory_space<vmem>> -> memref<3136xi32, #tpu.memory_space<vmem>>
      tpu.wait_dma2 semaphore(%run_scoped3A_48 : memref<!tpu.dma_semaphore, #tpu.memory_space<semaphore_mem>>) src(%dma_wait3A_70 : memref<3136xi32, #tpu.memory_space<vmem>>) dst(%dma_wait3A_67 : memref<3136xi32, #tpu.memory_space<hbm>>)
      tpu.yield
    }) : () -> ()
    %run_scoped3A_35 = arith.constant 2 : i32
    %run_scoped3A_36 = arith.constant 2 : i32
    "tpu.region"() ({
      %run_scoped3A_48 = tpu.sem_alloc : memref<!tpu.dma_semaphore, #tpu.memory_space<semaphore_mem>>
      %dma_start3A = arith.constant 0 : i32
      %dma_start3A_49 = tpu.memref_slice %arg9[%run_scoped3A_35, %dma_start3A] : memref<4x3152xi32, #tpu.memory_space<vmem>> -> memref<1x3136xi32, #tpu.memory_space<vmem>>
      %dma_start3A_50 = tpu.memref_squeeze %dma_start3A_49 : memref<1x3136xi32, #tpu.memory_space<vmem>> -> memref<3136xi32, #tpu.memory_space<vmem>>
      %dma_start3A_51 = arith.constant 0 : i32
      %dma_start3A_52 = tpu.memref_slice %arg5[%run_scoped3A_36, %add3A, %dma_start3A_51] : memref<4x32x3136xi32, #tpu.memory_space<hbm>> -> memref<1x1x3136xi32, #tpu.memory_space<hbm>>
      %dma_start3A_53 = tpu.memref_squeeze %dma_start3A_52 : memref<1x1x3136xi32, #tpu.memory_space<hbm>> -> memref<3136xi32, #tpu.memory_space<hbm>>
      %dma_start3A_54 = arith.constant 0 : i32
      %dma_start3A_55 = tpu.memref_slice %arg5[%run_scoped3A_36, %add3A, %dma_start3A_54] : memref<4x32x3136xi32, #tpu.memory_space<hbm>> -> memref<1x1x3136xi32, #tpu.memory_space<hbm>>
      %dma_start3A_56 = tpu.memref_squeeze %dma_start3A_55 : memref<1x1x3136xi32, #tpu.memory_space<hbm>> -> memref<3136xi32, #tpu.memory_space<hbm>>
      %dma_start3A_57 = arith.constant 0 : i32
      %dma_start3A_58 = tpu.memref_slice %arg9[%run_scoped3A_35, %dma_start3A_57] : memref<4x3152xi32, #tpu.memory_space<vmem>> -> memref<1x3136xi32, #tpu.memory_space<vmem>>
      %dma_start3A_59 = tpu.memref_squeeze %dma_start3A_58 : memref<1x3136xi32, #tpu.memory_space<vmem>> -> memref<3136xi32, #tpu.memory_space<vmem>>
      tpu.enqueue_dma source(%dma_start3A_59 : memref<3136xi32, #tpu.memory_space<vmem>>) target(%dma_start3A_56 : memref<3136xi32, #tpu.memory_space<hbm>>) target_semaphore(%run_scoped3A_48 : memref<!tpu.dma_semaphore, #tpu.memory_space<semaphore_mem>>)
      %dma_wait3A = arith.constant 0 : i32
      %dma_wait3A_60 = tpu.memref_slice %arg9[%run_scoped3A_35, %dma_wait3A] : memref<4x3152xi32, #tpu.memory_space<vmem>> -> memref<1x3136xi32, #tpu.memory_space<vmem>>
      %dma_wait3A_61 = tpu.memref_squeeze %dma_wait3A_60 : memref<1x3136xi32, #tpu.memory_space<vmem>> -> memref<3136xi32, #tpu.memory_space<vmem>>
      %dma_wait3A_62 = arith.constant 0 : i32
      %dma_wait3A_63 = tpu.memref_slice %arg5[%run_scoped3A_36, %add3A, %dma_wait3A_62] : memref<4x32x3136xi32, #tpu.memory_space<hbm>> -> memref<1x1x3136xi32, #tpu.memory_space<hbm>>
      %dma_wait3A_64 = tpu.memref_squeeze %dma_wait3A_63 : memref<1x1x3136xi32, #tpu.memory_space<hbm>> -> memref<3136xi32, #tpu.memory_space<hbm>>
      %dma_wait3A_65 = arith.constant 0 : i32
      %dma_wait3A_66 = tpu.memref_slice %arg5[%run_scoped3A_36, %add3A, %dma_wait3A_65] : memref<4x32x3136xi32, #tpu.memory_space<hbm>> -> memref<1x1x3136xi32, #tpu.memory_space<hbm>>
      %dma_wait3A_67 = tpu.memref_squeeze %dma_wait3A_66 : memref<1x1x3136xi32, #tpu.memory_space<hbm>> -> memref<3136xi32, #tpu.memory_space<hbm>>
      %dma_wait3A_68 = arith.constant 0 : i32
      %dma_wait3A_69 = tpu.memref_slice %arg9[%run_scoped3A_35, %dma_wait3A_68] : memref<4x3152xi32, #tpu.memory_space<vmem>> -> memref<1x3136xi32, #tpu.memory_space<vmem>>
      %dma_wait3A_70 = tpu.memref_squeeze %dma_wait3A_69 : memref<1x3136xi32, #tpu.memory_space<vmem>> -> memref<3136xi32, #tpu.memory_space<vmem>>
      tpu.wait_dma2 semaphore(%run_scoped3A_48 : memref<!tpu.dma_semaphore, #tpu.memory_space<semaphore_mem>>) src(%dma_wait3A_70 : memref<3136xi32, #tpu.memory_space<vmem>>) dst(%dma_wait3A_67 : memref<3136xi32, #tpu.memory_space<hbm>>)
      tpu.yield
    }) : () -> ()
    %run_scoped3A_37 = arith.constant 3 : i32
    %run_scoped3A_38 = arith.constant 3 : i32
    "tpu.region"() ({
      %run_scoped3A_48 = tpu.sem_alloc : memref<!tpu.dma_semaphore, #tpu.memory_space<semaphore_mem>>
      %dma_start3A = arith.constant 0 : i32
      %dma_start3A_49 = tpu.memref_slice %arg9[%run_scoped3A_37, %dma_start3A] : memref<4x3152xi32, #tpu.memory_space<vmem>> -> memref<1x3136xi32, #tpu.memory_space<vmem>>
      %dma_start3A_50 = tpu.memref_squeeze %dma_start3A_49 : memref<1x3136xi32, #tpu.memory_space<vmem>> -> memref<3136xi32, #tpu.memory_space<vmem>>
      %dma_start3A_51 = arith.constant 0 : i32
      %dma_start3A_52 = tpu.memref_slice %arg5[%run_scoped3A_38, %add3A, %dma_start3A_51] : memref<4x32x3136xi32, #tpu.memory_space<hbm>> -> memref<1x1x3136xi32, #tpu.memory_space<hbm>>
      %dma_start3A_53 = tpu.memref_squeeze %dma_start3A_52 : memref<1x1x3136xi32, #tpu.memory_space<hbm>> -> memref<3136xi32, #tpu.memory_space<hbm>>
      %dma_start3A_54 = arith.constant 0 : i32
      %dma_start3A_55 = tpu.memref_slice %arg5[%run_scoped3A_38, %add3A, %dma_start3A_54] : memref<4x32x3136xi32, #tpu.memory_space<hbm>> -> memref<1x1x3136xi32, #tpu.memory_space<hbm>>
      %dma_start3A_56 = tpu.memref_squeeze %dma_start3A_55 : memref<1x1x3136xi32, #tpu.memory_space<hbm>> -> memref<3136xi32, #tpu.memory_space<hbm>>
      %dma_start3A_57 = arith.constant 0 : i32
      %dma_start3A_58 = tpu.memref_slice %arg9[%run_scoped3A_37, %dma_start3A_57] : memref<4x3152xi32, #tpu.memory_space<vmem>> -> memref<1x3136xi32, #tpu.memory_space<vmem>>
      %dma_start3A_59 = tpu.memref_squeeze %dma_start3A_58 : memref<1x3136xi32, #tpu.memory_space<vmem>> -> memref<3136xi32, #tpu.memory_space<vmem>>
      tpu.enqueue_dma source(%dma_start3A_59 : memref<3136xi32, #tpu.memory_space<vmem>>) target(%dma_start3A_56 : memref<3136xi32, #tpu.memory_space<hbm>>) target_semaphore(%run_scoped3A_48 : memref<!tpu.dma_semaphore, #tpu.memory_space<semaphore_mem>>)
      %dma_wait3A = arith.constant 0 : i32
      %dma_wait3A_60 = tpu.memref_slice %arg9[%run_scoped3A_37, %dma_wait3A] : memref<4x3152xi32, #tpu.memory_space<vmem>> -> memref<1x3136xi32, #tpu.memory_space<vmem>>
      %dma_wait3A_61 = tpu.memref_squeeze %dma_wait3A_60 : memref<1x3136xi32, #tpu.memory_space<vmem>> -> memref<3136xi32, #tpu.memory_space<vmem>>
      %dma_wait3A_62 = arith.constant 0 : i32
      %dma_wait3A_63 = tpu.memref_slice %arg5[%run_scoped3A_38, %add3A, %dma_wait3A_62] : memref<4x32x3136xi32, #tpu.memory_space<hbm>> -> memref<1x1x3136xi32, #tpu.memory_space<hbm>>
      %dma_wait3A_64 = tpu.memref_squeeze %dma_wait3A_63 : memref<1x1x3136xi32, #tpu.memory_space<hbm>> -> memref<3136xi32, #tpu.memory_space<hbm>>
      %dma_wait3A_65 = arith.constant 0 : i32
      %dma_wait3A_66 = tpu.memref_slice %arg5[%run_scoped3A_38, %add3A, %dma_wait3A_65] : memref<4x32x3136xi32, #tpu.memory_space<hbm>> -> memref<1x1x3136xi32, #tpu.memory_space<hbm>>
      %dma_wait3A_67 = tpu.memref_squeeze %dma_wait3A_66 : memref<1x1x3136xi32, #tpu.memory_space<hbm>> -> memref<3136xi32, #tpu.memory_space<hbm>>
      %dma_wait3A_68 = arith.constant 0 : i32
      %dma_wait3A_69 = tpu.memref_slice %arg9[%run_scoped3A_37, %dma_wait3A_68] : memref<4x3152xi32, #tpu.memory_space<vmem>> -> memref<1x3136xi32, #tpu.memory_space<vmem>>
      %dma_wait3A_70 = tpu.memref_squeeze %dma_wait3A_69 : memref<1x3136xi32, #tpu.memory_space<vmem>> -> memref<3136xi32, #tpu.memory_space<vmem>>
      tpu.wait_dma2 semaphore(%run_scoped3A_48 : memref<!tpu.dma_semaphore, #tpu.memory_space<semaphore_mem>>) src(%dma_wait3A_70 : memref<3136xi32, #tpu.memory_space<vmem>>) dst(%dma_wait3A_67 : memref<3136xi32, #tpu.memory_space<hbm>>)
      tpu.yield
    }) : () -> ()
    "tpu.region"() ({
      %run_scoped3A_48 = tpu.sem_alloc : memref<!tpu.dma_semaphore, #tpu.memory_space<semaphore_mem>>
      %dma_start3A = arith.constant 0 : i32
      %dma_start3A_49 = arith.constant 0 : i32
      %dma_start3A_50 = tpu.memref_slice %arg10[%arg1, %dma_start3A, %dma_start3A_49] : memref<16x640x16xf32, #tpu.memory_space<vmem_shared>> -> memref<1x640x16xf32, #tpu.memory_space<vmem_shared>>
      %dma_start3A_51 = tpu.memref_squeeze %dma_start3A_50 : memref<1x640x16xf32, #tpu.memory_space<vmem_shared>> -> memref<640x16xf32, #tpu.memory_space<vmem_shared>>
      %dma_start3A_52 = arith.constant 0 : i32
      %dma_start3A_53 = arith.constant 0 : i32
      %dma_start3A_54 = tpu.memref_slice %arg10[%arg1, %dma_start3A_52, %dma_start3A_53] : memref<16x640x16xf32, #tpu.memory_space<vmem_shared>> -> memref<1x640x16xf32, #tpu.memory_space<vmem_shared>>
      %dma_start3A_55 = tpu.memref_squeeze %dma_start3A_54 : memref<1x640x16xf32, #tpu.memory_space<vmem_shared>> -> memref<640x16xf32, #tpu.memory_space<vmem_shared>>
      tpu.enqueue_dma source(%arg6 : memref<640x16xf32, #tpu.memory_space<vmem>>) target(%dma_start3A_55 : memref<640x16xf32, #tpu.memory_space<vmem_shared>>) target_semaphore(%run_scoped3A_48 : memref<!tpu.dma_semaphore, #tpu.memory_space<semaphore_mem>>)
      %dma_wait3A = arith.constant 0 : i32
      %dma_wait3A_56 = arith.constant 0 : i32
      %dma_wait3A_57 = tpu.memref_slice %arg10[%arg1, %dma_wait3A, %dma_wait3A_56] : memref<16x640x16xf32, #tpu.memory_space<vmem_shared>> -> memref<1x640x16xf32, #tpu.memory_space<vmem_shared>>
      %dma_wait3A_58 = tpu.memref_squeeze %dma_wait3A_57 : memref<1x640x16xf32, #tpu.memory_space<vmem_shared>> -> memref<640x16xf32, #tpu.memory_space<vmem_shared>>
      %dma_wait3A_59 = arith.constant 0 : i32
      %dma_wait3A_60 = arith.constant 0 : i32
      %dma_wait3A_61 = tpu.memref_slice %arg10[%arg1, %dma_wait3A_59, %dma_wait3A_60] : memref<16x640x16xf32, #tpu.memory_space<vmem_shared>> -> memref<1x640x16xf32, #tpu.memory_space<vmem_shared>>
      %dma_wait3A_62 = tpu.memref_squeeze %dma_wait3A_61 : memref<1x640x16xf32, #tpu.memory_space<vmem_shared>> -> memref<640x16xf32, #tpu.memory_space<vmem_shared>>
      tpu.wait_dma2 semaphore(%run_scoped3A_48 : memref<!tpu.dma_semaphore, #tpu.memory_space<semaphore_mem>>) src(%arg6 : memref<640x16xf32, #tpu.memory_space<vmem>>) dst(%dma_wait3A_62 : memref<640x16xf32, #tpu.memory_space<vmem_shared>>)
      tpu.yield
    }) : () -> ()
    %barrier3A = arith.constant 0 : index
    tpu.barrier barrier_id(%barrier3A)
    %mul3A_39 = arith.constant 40 : i32
    %mul3A_40 = arith.muli %arg1, %mul3A_39 : i32
    "tpu.region"() ({
      %run_scoped3A_48 = tpu.sem_alloc : memref<!tpu.dma_semaphore, #tpu.memory_space<semaphore_mem>>
      %dma_start3A = arith.constant 0 : i32
      %dma_start3A_49 = arith.constant 0 : i32
      %dma_start3A_50 = tpu.memref_slice %arg10[%dma_start3A, %mul3A_40, %dma_start3A_49] : memref<16x640x16xf32, #tpu.memory_space<vmem_shared>> -> memref<16x40x16xf32, #tpu.memory_space<vmem_shared>>
      %dma_start3A_51 = arith.constant 0 : i32
      %dma_start3A_52 = arith.constant 0 : i32
      %dma_start3A_53 = tpu.memref_slice %arg10[%dma_start3A_51, %mul3A_40, %dma_start3A_52] : memref<16x640x16xf32, #tpu.memory_space<vmem_shared>> -> memref<16x40x16xf32, #tpu.memory_space<vmem_shared>>
      tpu.enqueue_dma source(%dma_start3A_53 : memref<16x40x16xf32, #tpu.memory_space<vmem_shared>>) target(%arg11 : memref<16x40x16xf32, #tpu.memory_space<vmem>>) target_semaphore(%run_scoped3A_48 : memref<!tpu.dma_semaphore, #tpu.memory_space<semaphore_mem>>)
      %dma_wait3A = arith.constant 0 : i32
      %dma_wait3A_54 = arith.constant 0 : i32
      %dma_wait3A_55 = tpu.memref_slice %arg10[%dma_wait3A, %mul3A_40, %dma_wait3A_54] : memref<16x640x16xf32, #tpu.memory_space<vmem_shared>> -> memref<16x40x16xf32, #tpu.memory_space<vmem_shared>>
      %dma_wait3A_56 = arith.constant 0 : i32
      %dma_wait3A_57 = arith.constant 0 : i32
      %dma_wait3A_58 = tpu.memref_slice %arg10[%dma_wait3A_56, %mul3A_40, %dma_wait3A_57] : memref<16x640x16xf32, #tpu.memory_space<vmem_shared>> -> memref<16x40x16xf32, #tpu.memory_space<vmem_shared>>
      tpu.wait_dma2 semaphore(%run_scoped3A_48 : memref<!tpu.dma_semaphore, #tpu.memory_space<semaphore_mem>>) src(%dma_wait3A_58 : memref<16x40x16xf32, #tpu.memory_space<vmem_shared>>) dst(%arg11 : memref<16x40x16xf32, #tpu.memory_space<vmem>>)
      tpu.yield
    }) : () -> ()
    %scan3A_41 = arith.constant 0 : i32
    %scan3A_42 = arith.constant 0 : i32
    %scan3A_43 = arith.constant 40 : i32
    %scan3A_44 = arith.addi %scan3A_42, %scan3A_43 : i32
    %scan3A_45 = arith.constant 1 : i32
    %scan3A_46 = scf.for %scan3A_48 = %scan3A_42 to %scan3A_44 step %scan3A_45 iter_args(%scan3A_49 = %scan3A_41) -> (i32)  : i32 {
      %get3A = arith.constant 0 : i32
      %get3A_50 = arith.index_cast %get3A : i32 to index
      %get3A_51 = arith.index_cast %scan3A_48 : i32 to index
      %get3A_52 = arith.constant 0 : index
      %get3A_53 = tpu.vector_load %arg11[%get3A_50, %get3A_51, %get3A_52] {strides = array<i32>} : memref<16x40x16xf32, #tpu.memory_space<vmem>>, vector<16xf32>,
      %get3A_54 = arith.constant 1 : i32
      %get3A_55 = arith.index_cast %get3A_54 : i32 to index
      %get3A_56 = arith.index_cast %scan3A_48 : i32 to index
      %get3A_57 = arith.constant 0 : index
      %get3A_58 = tpu.vector_load %arg11[%get3A_55, %get3A_56, %get3A_57] {strides = array<i32>} : memref<16x40x16xf32, #tpu.memory_space<vmem>>, vector<16xf32>,
      %add3A_59 = arith.addf %get3A_53, %get3A_58 : vector<16xf32>
      %get3A_60 = arith.constant 2 : i32
      %get3A_61 = arith.index_cast %get3A_60 : i32 to index
      %get3A_62 = arith.index_cast %scan3A_48 : i32 to index
      %get3A_63 = arith.constant 0 : index
      %get3A_64 = tpu.vector_load %arg11[%get3A_61, %get3A_62, %get3A_63] {strides = array<i32>} : memref<16x40x16xf32, #tpu.memory_space<vmem>>, vector<16xf32>,
      %add3A_65 = arith.addf %add3A_59, %get3A_64 : vector<16xf32>
      %get3A_66 = arith.constant 3 : i32
      %get3A_67 = arith.index_cast %get3A_66 : i32 to index
      %get3A_68 = arith.index_cast %scan3A_48 : i32 to index
      %get3A_69 = arith.constant 0 : index
      %get3A_70 = tpu.vector_load %arg11[%get3A_67, %get3A_68, %get3A_69] {strides = array<i32>} : memref<16x40x16xf32, #tpu.memory_space<vmem>>, vector<16xf32>,
      %add3A_71 = arith.addf %add3A_65, %get3A_70 : vector<16xf32>
      %get3A_72 = arith.constant 4 : i32
      %get3A_73 = arith.index_cast %get3A_72 : i32 to index
      %get3A_74 = arith.index_cast %scan3A_48 : i32 to index
      %get3A_75 = arith.constant 0 : index
      %get3A_76 = tpu.vector_load %arg11[%get3A_73, %get3A_74, %get3A_75] {strides = array<i32>} : memref<16x40x16xf32, #tpu.memory_space<vmem>>, vector<16xf32>,
      %add3A_77 = arith.addf %add3A_71, %get3A_76 : vector<16xf32>
      %get3A_78 = arith.constant 5 : i32
      %get3A_79 = arith.index_cast %get3A_78 : i32 to index
      %get3A_80 = arith.index_cast %scan3A_48 : i32 to index
      %get3A_81 = arith.constant 0 : index
      %get3A_82 = tpu.vector_load %arg11[%get3A_79, %get3A_80, %get3A_81] {strides = array<i32>} : memref<16x40x16xf32, #tpu.memory_space<vmem>>, vector<16xf32>,
      %add3A_83 = arith.addf %add3A_77, %get3A_82 : vector<16xf32>
      %get3A_84 = arith.constant 6 : i32
      %get3A_85 = arith.index_cast %get3A_84 : i32 to index
      %get3A_86 = arith.index_cast %scan3A_48 : i32 to index
      %get3A_87 = arith.constant 0 : index
      %get3A_88 = tpu.vector_load %arg11[%get3A_85, %get3A_86, %get3A_87] {strides = array<i32>} : memref<16x40x16xf32, #tpu.memory_space<vmem>>, vector<16xf32>,
      %add3A_89 = arith.addf %add3A_83, %get3A_88 : vector<16xf32>
      %get3A_90 = arith.constant 7 : i32
      %get3A_91 = arith.index_cast %get3A_90 : i32 to index
      %get3A_92 = arith.index_cast %scan3A_48 : i32 to index
      %get3A_93 = arith.constant 0 : index
      %get3A_94 = tpu.vector_load %arg11[%get3A_91, %get3A_92, %get3A_93] {strides = array<i32>} : memref<16x40x16xf32, #tpu.memory_space<vmem>>, vector<16xf32>,
      %add3A_95 = arith.addf %add3A_89, %get3A_94 : vector<16xf32>
      %get3A_96 = arith.constant 8 : i32
      %get3A_97 = arith.index_cast %get3A_96 : i32 to index
      %get3A_98 = arith.index_cast %scan3A_48 : i32 to index
      %get3A_99 = arith.constant 0 : index
      %get3A_100 = tpu.vector_load %arg11[%get3A_97, %get3A_98, %get3A_99] {strides = array<i32>} : memref<16x40x16xf32, #tpu.memory_space<vmem>>, vector<16xf32>,
      %add3A_101 = arith.addf %add3A_95, %get3A_100 : vector<16xf32>
      %get3A_102 = arith.constant 9 : i32
      %get3A_103 = arith.index_cast %get3A_102 : i32 to index
      %get3A_104 = arith.index_cast %scan3A_48 : i32 to index
      %get3A_105 = arith.constant 0 : index
      %get3A_106 = tpu.vector_load %arg11[%get3A_103, %get3A_104, %get3A_105] {strides = array<i32>} : memref<16x40x16xf32, #tpu.memory_space<vmem>>, vector<16xf32>,
      %add3A_107 = arith.addf %add3A_101, %get3A_106 : vector<16xf32>
      %get3A_108 = arith.constant 10 : i32
      %get3A_109 = arith.index_cast %get3A_108 : i32 to index
      %get3A_110 = arith.index_cast %scan3A_48 : i32 to index
      %get3A_111 = arith.constant 0 : index
      %get3A_112 = tpu.vector_load %arg11[%get3A_109, %get3A_110, %get3A_111] {strides = array<i32>} : memref<16x40x16xf32, #tpu.memory_space<vmem>>, vector<16xf32>,
      %add3A_113 = arith.addf %add3A_107, %get3A_112 : vector<16xf32>
      %get3A_114 = arith.constant 11 : i32
      %get3A_115 = arith.index_cast %get3A_114 : i32 to index
      %get3A_116 = arith.index_cast %scan3A_48 : i32 to index
      %get3A_117 = arith.constant 0 : index
      %get3A_118 = tpu.vector_load %arg11[%get3A_115, %get3A_116, %get3A_117] {strides = array<i32>} : memref<16x40x16xf32, #tpu.memory_space<vmem>>, vector<16xf32>,
      %add3A_119 = arith.addf %add3A_113, %get3A_118 : vector<16xf32>
      %get3A_120 = arith.constant 12 : i32
      %get3A_121 = arith.index_cast %get3A_120 : i32 to index
      %get3A_122 = arith.index_cast %scan3A_48 : i32 to index
      %get3A_123 = arith.constant 0 : index
      %get3A_124 = tpu.vector_load %arg11[%get3A_121, %get3A_122, %get3A_123] {strides = array<i32>} : memref<16x40x16xf32, #tpu.memory_space<vmem>>, vector<16xf32>,
      %add3A_125 = arith.addf %add3A_119, %get3A_124 : vector<16xf32>
      %get3A_126 = arith.constant 13 : i32
      %get3A_127 = arith.index_cast %get3A_126 : i32 to index
      %get3A_128 = arith.index_cast %scan3A_48 : i32 to index
      %get3A_129 = arith.constant 0 : index
      %get3A_130 = tpu.vector_load %arg11[%get3A_127, %get3A_128, %get3A_129] {strides = array<i32>} : memref<16x40x16xf32, #tpu.memory_space<vmem>>, vector<16xf32>,
      %add3A_131 = arith.addf %add3A_125, %get3A_130 : vector<16xf32>
      %get3A_132 = arith.constant 14 : i32
      %get3A_133 = arith.index_cast %get3A_132 : i32 to index
      %get3A_134 = arith.index_cast %scan3A_48 : i32 to index
      %get3A_135 = arith.constant 0 : index
      %get3A_136 = tpu.vector_load %arg11[%get3A_133, %get3A_134, %get3A_135] {strides = array<i32>} : memref<16x40x16xf32, #tpu.memory_space<vmem>>, vector<16xf32>,
      %add3A_137 = arith.addf %add3A_131, %get3A_136 : vector<16xf32>
      %get3A_138 = arith.constant 15 : i32
      %get3A_139 = arith.index_cast %get3A_138 : i32 to index
      %get3A_140 = arith.index_cast %scan3A_48 : i32 to index
      %get3A_141 = arith.constant 0 : index
      %get3A_142 = tpu.vector_load %arg11[%get3A_139, %get3A_140, %get3A_141] {strides = array<i32>} : memref<16x40x16xf32, #tpu.memory_space<vmem>>, vector<16xf32>,
      %add3A_143 = arith.addf %add3A_137, %get3A_142 : vector<16xf32>
      %swap3A = arith.index_cast %scan3A_48 : i32 to index
      %swap3A_144 = arith.constant 0 : index
      %swap3A_145 = tpu.vector_load %arg12[%swap3A, %swap3A_144] {strides = array<i32>} : memref<40x16xf32, #tpu.memory_space<vmem>>, vector<16xf32>,
      tpu.vector_store %arg12[%swap3A, %swap3A_144], %add3A_143 {strides = array<i32>} : memref<40x16xf32, #tpu.memory_space<vmem>>, vector<16xf32>,
      %scan3A_146 = arith.constant 0 : i32
      scf.yield %scan3A_146 : i32
    }
    %scan3A_47 = arith.constant 40 : i32
    "tpu.region"() ({
      %run_scoped3A_48 = tpu.sem_alloc : memref<!tpu.dma_semaphore, #tpu.memory_space<semaphore_mem>>
      %dma_start3A = arith.constant 0 : i32
      %dma_start3A_49 = tpu.memref_slice %arg4[%arg0, %mul3A_40, %dma_start3A] : memref<2x640x16xf32, #tpu.memory_space<hbm>> -> memref<1x40x16xf32, #tpu.memory_space<hbm>>
      %dma_start3A_50 = tpu.memref_squeeze %dma_start3A_49 : memref<1x40x16xf32, #tpu.memory_space<hbm>> -> memref<40x16xf32, #tpu.memory_space<hbm>>
      %dma_start3A_51 = arith.constant 0 : i32
      %dma_start3A_52 = tpu.memref_slice %arg4[%arg0, %mul3A_40, %dma_start3A_51] : memref<2x640x16xf32, #tpu.memory_space<hbm>> -> memref<1x40x16xf32, #tpu.memory_space<hbm>>
      %dma_start3A_53 = tpu.memref_squeeze %dma_start3A_52 : memref<1x40x16xf32, #tpu.memory_space<hbm>> -> memref<40x16xf32, #tpu.memory_space<hbm>>
      tpu.enqueue_dma source(%arg12 : memref<40x16xf32, #tpu.memory_space<vmem>>) target(%dma_start3A_53 : memref<40x16xf32, #tpu.memory_space<hbm>>) target_semaphore(%run_scoped3A_48 : memref<!tpu.dma_semaphore, #tpu.memory_space<semaphore_mem>>)
      %dma_wait3A = arith.constant 0 : i32
      %dma_wait3A_54 = tpu.memref_slice %arg4[%arg0, %mul3A_40, %dma_wait3A] : memref<2x640x16xf32, #tpu.memory_space<hbm>> -> memref<1x40x16xf32, #tpu.memory_space<hbm>>
      %dma_wait3A_55 = tpu.memref_squeeze %dma_wait3A_54 : memref<1x40x16xf32, #tpu.memory_space<hbm>> -> memref<40x16xf32, #tpu.memory_space<hbm>>
      %dma_wait3A_56 = arith.constant 0 : i32
      %dma_wait3A_57 = tpu.memref_slice %arg4[%arg0, %mul3A_40, %dma_wait3A_56] : memref<2x640x16xf32, #tpu.memory_space<hbm>> -> memref<1x40x16xf32, #tpu.memory_space<hbm>>
      %dma_wait3A_58 = tpu.memref_squeeze %dma_wait3A_57 : memref<1x40x16xf32, #tpu.memory_space<hbm>> -> memref<40x16xf32, #tpu.memory_space<hbm>>
      tpu.wait_dma2 semaphore(%run_scoped3A_48 : memref<!tpu.dma_semaphore, #tpu.memory_space<semaphore_mem>>) src(%arg12 : memref<40x16xf32, #tpu.memory_space<vmem>>) dst(%dma_wait3A_58 : memref<40x16xf32, #tpu.memory_space<hbm>>)
      tpu.yield
    }) : () -> ()
    return
  }
}

#map = affine_map<(d0, d1) -> (0, 0)>
#map1 = affine_map<(d0, d1) -> (0)>
module attributes {stable_mosaic.version = 14 : i64} {
  func.func @_neg_kernel(%arg0: i32, %arg1: i32, %arg2: memref<10240x128xf32, #tpu.memory_space<hbm>>, %arg3: memref<10240x128xf32, #tpu.memory_space<hbm>>, %arg4: memref<10240xi32, #tpu.memory_space<hbm>>, %arg5: memref<16xf32, #tpu.memory_space<hbm>>, %arg6: memref<10240x16xf32, #tpu.memory_space<hbm>>, %arg7: memref<320xi32, #tpu.memory_space<vmem>>, %arg8: memref<320x128xf32, #tpu.memory_space<vmem>>, %arg9: memref<2x64x128xf32, #tpu.memory_space<vmem>>, %arg10: memref<320x16xf32, #tpu.memory_space<vmem>>, %arg11: memref<16xf32, #tpu.memory_space<vmem>>, %arg12: memref<!tpu.dma_semaphore, #tpu.memory_space<semaphore_mem>>, %arg13: memref<!tpu.dma_semaphore, #tpu.memory_space<semaphore_mem>>, %arg14: memref<!tpu.dma_semaphore, #tpu.memory_space<semaphore_mem>>) attributes {dimension_semantics = [#tpu.dimension_semantics<core_parallel>, #tpu.dimension_semantics<subcore_parallel>], iteration_bounds = array<i64: 2, 16>, scalar_prefetch = 0 : i64, scratch_operands = 8 : i64, tpu.core_type = #tpu.core_type<sc_vector_subcore>, window_params = [{transform_indices = #map}, {transform_indices = #map}, {transform_indices = #map1}, {transform_indices = #map1}, {transform_indices = #map}]} {
    %mul3A = arith.constant 16 : i32
    %mul3A_0 = arith.muli %arg0, %mul3A : i32
    %add3A = arith.addi %mul3A_0, %arg1 : i32
    %mul3A_1 = arith.constant 320 : i32
    %mul3A_2 = arith.muli %add3A, %mul3A_1 : i32
    "tpu.region"() ({
      %run_scoped3A = tpu.sem_alloc : memref<!tpu.dma_semaphore, #tpu.memory_space<semaphore_mem>>
      %dma_start3A_143 = tpu.memref_slice %arg4[%mul3A_2] : memref<10240xi32, #tpu.memory_space<hbm>> -> memref<320xi32, #tpu.memory_space<hbm>>
      %dma_start3A_144 = tpu.memref_slice %arg4[%mul3A_2] : memref<10240xi32, #tpu.memory_space<hbm>> -> memref<320xi32, #tpu.memory_space<hbm>>
      tpu.enqueue_dma source(%dma_start3A_144 : memref<320xi32, #tpu.memory_space<hbm>>) target(%arg7 : memref<320xi32, #tpu.memory_space<vmem>>) target_semaphore(%run_scoped3A : memref<!tpu.dma_semaphore, #tpu.memory_space<semaphore_mem>>)
      %dma_wait3A_145 = tpu.memref_slice %arg4[%mul3A_2] : memref<10240xi32, #tpu.memory_space<hbm>> -> memref<320xi32, #tpu.memory_space<hbm>>
      %dma_wait3A_146 = tpu.memref_slice %arg4[%mul3A_2] : memref<10240xi32, #tpu.memory_space<hbm>> -> memref<320xi32, #tpu.memory_space<hbm>>
      tpu.wait_dma2 semaphore(%run_scoped3A : memref<!tpu.dma_semaphore, #tpu.memory_space<semaphore_mem>>) src(%dma_wait3A_146 : memref<320xi32, #tpu.memory_space<hbm>>) dst(%arg7 : memref<320xi32, #tpu.memory_space<vmem>>)
      tpu.yield
    }) : () -> ()
    "tpu.region"() ({
      %run_scoped3A = tpu.sem_alloc : memref<!tpu.dma_semaphore, #tpu.memory_space<semaphore_mem>>
      tpu.enqueue_dma source(%arg5 : memref<16xf32, #tpu.memory_space<hbm>>) target(%arg11 : memref<16xf32, #tpu.memory_space<vmem>>) target_semaphore(%run_scoped3A : memref<!tpu.dma_semaphore, #tpu.memory_space<semaphore_mem>>)
      tpu.wait_dma2 semaphore(%run_scoped3A : memref<!tpu.dma_semaphore, #tpu.memory_space<semaphore_mem>>) src(%arg5 : memref<16xf32, #tpu.memory_space<hbm>>) dst(%arg11 : memref<16xf32, #tpu.memory_space<vmem>>)
      tpu.yield
    }) : () -> ()
    %dma_start3A = arith.constant 0 : i32
    %dma_start3A_3 = tpu.memref_slice %arg3[%mul3A_2, %dma_start3A] : memref<10240x128xf32, #tpu.memory_space<hbm>> -> memref<320x128xf32, #tpu.memory_space<hbm>>
    %dma_start3A_4 = arith.constant 0 : i32
    %dma_start3A_5 = tpu.memref_slice %arg3[%mul3A_2, %dma_start3A_4] : memref<10240x128xf32, #tpu.memory_space<hbm>> -> memref<320x128xf32, #tpu.memory_space<hbm>>
    tpu.enqueue_dma source(%dma_start3A_5 : memref<320x128xf32, #tpu.memory_space<hbm>>) target(%arg8 : memref<320x128xf32, #tpu.memory_space<vmem>>) target_semaphore(%arg14 : memref<!tpu.dma_semaphore, #tpu.memory_space<semaphore_mem>>)
    %dma_start3A_6 = arith.constant 0 : i32
    %dma_start3A_7 = arith.constant 0 : i32
    %dma_start3A_8 = arith.constant 0 : i32
    %dma_start3A_9 = tpu.memref_slice %arg9[%dma_start3A_6, %dma_start3A_7, %dma_start3A_8] : memref<2x64x128xf32, #tpu.memory_space<vmem>> -> memref<1x64x128xf32, #tpu.memory_space<vmem>>
    %dma_start3A_10 = tpu.memref_squeeze %dma_start3A_9 : memref<1x64x128xf32, #tpu.memory_space<vmem>> -> memref<64x128xf32, #tpu.memory_space<vmem>>
    %dma_start3A_11 = arith.constant 0 : i32
    %dma_start3A_12 = tpu.memref_slice %arg7[%dma_start3A_11] : memref<320xi32, #tpu.memory_space<vmem>> -> memref<64xi32, #tpu.memory_space<vmem>>
    %dma_start3A_13 = arith.constant 0 : i32
    %dma_start3A_14 = arith.constant 0 : i32
    %dma_start3A_15 = tpu.memref_slice %arg2[%dma_start3A_13, %dma_start3A_14] : memref<10240x128xf32, #tpu.memory_space<hbm>> -> memref<10240x128xf32, #tpu.memory_space<hbm>>
    tpu.enqueue_indirect_dma source(%dma_start3A_15 : memref<10240x128xf32, #tpu.memory_space<hbm>>) target(%dma_start3A_10 : memref<64x128xf32, #tpu.memory_space<vmem>>) offsets(%dma_start3A_12 : memref<64xi32, #tpu.memory_space<vmem>>) semaphore(%arg12 : memref<!tpu.dma_semaphore, #tpu.memory_space<semaphore_mem>>)
    %dma_wait3A = arith.constant 0 : i32
    %dma_wait3A_16 = tpu.memref_slice %arg3[%mul3A_2, %dma_wait3A] : memref<10240x128xf32, #tpu.memory_space<hbm>> -> memref<320x128xf32, #tpu.memory_space<hbm>>
    %dma_wait3A_17 = arith.constant 0 : i32
    %dma_wait3A_18 = tpu.memref_slice %arg3[%mul3A_2, %dma_wait3A_17] : memref<10240x128xf32, #tpu.memory_space<hbm>> -> memref<320x128xf32, #tpu.memory_space<hbm>>
    tpu.wait_dma2 semaphore(%arg14 : memref<!tpu.dma_semaphore, #tpu.memory_space<semaphore_mem>>) src(%dma_wait3A_18 : memref<320x128xf32, #tpu.memory_space<hbm>>) dst(%arg8 : memref<320x128xf32, #tpu.memory_space<vmem>>)
    %dma_start3A_19 = arith.constant 1 : i32
    %dma_start3A_20 = arith.constant 0 : i32
    %dma_start3A_21 = arith.constant 0 : i32
    %dma_start3A_22 = tpu.memref_slice %arg9[%dma_start3A_19, %dma_start3A_20, %dma_start3A_21] : memref<2x64x128xf32, #tpu.memory_space<vmem>> -> memref<1x64x128xf32, #tpu.memory_space<vmem>>
    %dma_start3A_23 = tpu.memref_squeeze %dma_start3A_22 : memref<1x64x128xf32, #tpu.memory_space<vmem>> -> memref<64x128xf32, #tpu.memory_space<vmem>>
    %dma_start3A_24 = arith.constant 64 : i32
    %dma_start3A_25 = tpu.memref_slice %arg7[%dma_start3A_24] : memref<320xi32, #tpu.memory_space<vmem>> -> memref<64xi32, #tpu.memory_space<vmem>>
    %dma_start3A_26 = arith.constant 0 : i32
    %dma_start3A_27 = arith.constant 0 : i32
    %dma_start3A_28 = tpu.memref_slice %arg2[%dma_start3A_26, %dma_start3A_27] : memref<10240x128xf32, #tpu.memory_space<hbm>> -> memref<10240x128xf32, #tpu.memory_space<hbm>>
    tpu.enqueue_indirect_dma source(%dma_start3A_28 : memref<10240x128xf32, #tpu.memory_space<hbm>>) target(%dma_start3A_23 : memref<64x128xf32, #tpu.memory_space<vmem>>) offsets(%dma_start3A_25 : memref<64xi32, #tpu.memory_space<vmem>>) semaphore(%arg13 : memref<!tpu.dma_semaphore, #tpu.memory_space<semaphore_mem>>)
    %dma_wait3A_29 = arith.constant 0 : i32
    %dma_wait3A_30 = arith.constant 0 : i32
    %dma_wait3A_31 = arith.constant 0 : i32
    %dma_wait3A_32 = tpu.memref_slice %arg9[%dma_wait3A_29, %dma_wait3A_30, %dma_wait3A_31] : memref<2x64x128xf32, #tpu.memory_space<vmem>> -> memref<1x64x128xf32, #tpu.memory_space<vmem>>
    %dma_wait3A_33 = tpu.memref_squeeze %dma_wait3A_32 : memref<1x64x128xf32, #tpu.memory_space<vmem>> -> memref<64x128xf32, #tpu.memory_space<vmem>>
    %dma_wait3A_34 = arith.constant 0 : i32
    %dma_wait3A_35 = tpu.memref_slice %arg7[%dma_wait3A_34] : memref<320xi32, #tpu.memory_space<vmem>> -> memref<64xi32, #tpu.memory_space<vmem>>
    %dma_wait3A_36 = arith.constant 0 : i32
    %dma_wait3A_37 = arith.constant 0 : i32
    %dma_wait3A_38 = tpu.memref_slice %arg2[%dma_wait3A_36, %dma_wait3A_37] : memref<10240x128xf32, #tpu.memory_space<hbm>> -> memref<10240x128xf32, #tpu.memory_space<hbm>>
    tpu.wait_indirect_dma semaphore(%arg12 : memref<!tpu.dma_semaphore, #tpu.memory_space<semaphore_mem>>) src(%dma_wait3A_38 : memref<10240x128xf32, #tpu.memory_space<hbm>>) dst(%dma_wait3A_33 : memref<64x128xf32, #tpu.memory_space<vmem>>)
    %scan3A = arith.constant 0 : i32
    %scan3A_39 = arith.constant 0 : i32
    %scan3A_40 = arith.constant 64 : i32
    %scan3A_41 = arith.addi %scan3A_39, %scan3A_40 : i32
    %scan3A_42 = arith.constant 1 : i32
    %scan3A_43 = scf.for %scan3A_143 = %scan3A_39 to %scan3A_41 step %scan3A_42 iter_args(%scan3A_144 = %scan3A) -> (i32)  : i32 {
      %broadcast_in_dim3A = arith.constant 0.000000e+00 : f32
      %broadcast_in_dim3A_145 = vector.broadcast %broadcast_in_dim3A : f32 to vector<16xf32>
      %multiple_of3A = arith.constant 0 : i32
      %multiple_of3A_146 = tpu.assume_multiple %multiple_of3A, 16 : i32
      %add3A_147 = arith.constant 0 : i32
      %add3A_148 = arith.addi %add3A_147, %scan3A_143 : i32
      %get3A = arith.index_cast %add3A_148 : i32 to index
      %get3A_149 = arith.index_cast %multiple_of3A_146 : i32 to index
      %get3A_150 = tpu.vector_load %arg8[%get3A, %get3A_149] {strides = array<i32>} : memref<320x128xf32, #tpu.memory_space<vmem>>, vector<16xf32>,
      %get3A_151 = arith.constant 0 : i32
      %get3A_152 = arith.index_cast %get3A_151 : i32 to index
      %get3A_153 = arith.index_cast %scan3A_143 : i32 to index
      %get3A_154 = arith.index_cast %multiple_of3A_146 : i32 to index
      %get3A_155 = tpu.vector_load %arg9[%get3A_152, %get3A_153, %get3A_154] {strides = array<i32>} : memref<2x64x128xf32, #tpu.memory_space<vmem>>, vector<16xf32>,
      %mul3A_156 = arith.mulf %get3A_150, %get3A_155 : vector<16xf32>
      %add3A_157 = arith.addf %broadcast_in_dim3A_145, %mul3A_156 : vector<16xf32>
      %multiple_of3A_158 = arith.constant 16 : i32
      %multiple_of3A_159 = tpu.assume_multiple %multiple_of3A_158, 16 : i32
      %add3A_160 = arith.constant 0 : i32
      %add3A_161 = arith.addi %add3A_160, %scan3A_143 : i32
      %get3A_162 = arith.index_cast %add3A_161 : i32 to index
      %get3A_163 = arith.index_cast %multiple_of3A_159 : i32 to index
      %get3A_164 = tpu.vector_load %arg8[%get3A_162, %get3A_163] {strides = array<i32>} : memref<320x128xf32, #tpu.memory_space<vmem>>, vector<16xf32>,
      %get3A_165 = arith.constant 0 : i32
      %get3A_166 = arith.index_cast %get3A_165 : i32 to index
      %get3A_167 = arith.index_cast %scan3A_143 : i32 to index
      %get3A_168 = arith.index_cast %multiple_of3A_159 : i32 to index
      %get3A_169 = tpu.vector_load %arg9[%get3A_166, %get3A_167, %get3A_168] {strides = array<i32>} : memref<2x64x128xf32, #tpu.memory_space<vmem>>, vector<16xf32>,
      %mul3A_170 = arith.mulf %get3A_164, %get3A_169 : vector<16xf32>
      %add3A_171 = arith.addf %add3A_157, %mul3A_170 : vector<16xf32>
      %multiple_of3A_172 = arith.constant 32 : i32
      %multiple_of3A_173 = tpu.assume_multiple %multiple_of3A_172, 16 : i32
      %add3A_174 = arith.constant 0 : i32
      %add3A_175 = arith.addi %add3A_174, %scan3A_143 : i32
      %get3A_176 = arith.index_cast %add3A_175 : i32 to index
      %get3A_177 = arith.index_cast %multiple_of3A_173 : i32 to index
      %get3A_178 = tpu.vector_load %arg8[%get3A_176, %get3A_177] {strides = array<i32>} : memref<320x128xf32, #tpu.memory_space<vmem>>, vector<16xf32>,
      %get3A_179 = arith.constant 0 : i32
      %get3A_180 = arith.index_cast %get3A_179 : i32 to index
      %get3A_181 = arith.index_cast %scan3A_143 : i32 to index
      %get3A_182 = arith.index_cast %multiple_of3A_173 : i32 to index
      %get3A_183 = tpu.vector_load %arg9[%get3A_180, %get3A_181, %get3A_182] {strides = array<i32>} : memref<2x64x128xf32, #tpu.memory_space<vmem>>, vector<16xf32>,
      %mul3A_184 = arith.mulf %get3A_178, %get3A_183 : vector<16xf32>
      %add3A_185 = arith.addf %add3A_171, %mul3A_184 : vector<16xf32>
      %multiple_of3A_186 = arith.constant 48 : i32
      %multiple_of3A_187 = tpu.assume_multiple %multiple_of3A_186, 16 : i32
      %add3A_188 = arith.constant 0 : i32
      %add3A_189 = arith.addi %add3A_188, %scan3A_143 : i32
      %get3A_190 = arith.index_cast %add3A_189 : i32 to index
      %get3A_191 = arith.index_cast %multiple_of3A_187 : i32 to index
      %get3A_192 = tpu.vector_load %arg8[%get3A_190, %get3A_191] {strides = array<i32>} : memref<320x128xf32, #tpu.memory_space<vmem>>, vector<16xf32>,
      %get3A_193 = arith.constant 0 : i32
      %get3A_194 = arith.index_cast %get3A_193 : i32 to index
      %get3A_195 = arith.index_cast %scan3A_143 : i32 to index
      %get3A_196 = arith.index_cast %multiple_of3A_187 : i32 to index
      %get3A_197 = tpu.vector_load %arg9[%get3A_194, %get3A_195, %get3A_196] {strides = array<i32>} : memref<2x64x128xf32, #tpu.memory_space<vmem>>, vector<16xf32>,
      %mul3A_198 = arith.mulf %get3A_192, %get3A_197 : vector<16xf32>
      %add3A_199 = arith.addf %add3A_185, %mul3A_198 : vector<16xf32>
      %multiple_of3A_200 = arith.constant 64 : i32
      %multiple_of3A_201 = tpu.assume_multiple %multiple_of3A_200, 16 : i32
      %add3A_202 = arith.constant 0 : i32
      %add3A_203 = arith.addi %add3A_202, %scan3A_143 : i32
      %get3A_204 = arith.index_cast %add3A_203 : i32 to index
      %get3A_205 = arith.index_cast %multiple_of3A_201 : i32 to index
      %get3A_206 = tpu.vector_load %arg8[%get3A_204, %get3A_205] {strides = array<i32>} : memref<320x128xf32, #tpu.memory_space<vmem>>, vector<16xf32>,
      %get3A_207 = arith.constant 0 : i32
      %get3A_208 = arith.index_cast %get3A_207 : i32 to index
      %get3A_209 = arith.index_cast %scan3A_143 : i32 to index
      %get3A_210 = arith.index_cast %multiple_of3A_201 : i32 to index
      %get3A_211 = tpu.vector_load %arg9[%get3A_208, %get3A_209, %get3A_210] {strides = array<i32>} : memref<2x64x128xf32, #tpu.memory_space<vmem>>, vector<16xf32>,
      %mul3A_212 = arith.mulf %get3A_206, %get3A_211 : vector<16xf32>
      %add3A_213 = arith.addf %add3A_199, %mul3A_212 : vector<16xf32>
      %multiple_of3A_214 = arith.constant 80 : i32
      %multiple_of3A_215 = tpu.assume_multiple %multiple_of3A_214, 16 : i32
      %add3A_216 = arith.constant 0 : i32
      %add3A_217 = arith.addi %add3A_216, %scan3A_143 : i32
      %get3A_218 = arith.index_cast %add3A_217 : i32 to index
      %get3A_219 = arith.index_cast %multiple_of3A_215 : i32 to index
      %get3A_220 = tpu.vector_load %arg8[%get3A_218, %get3A_219] {strides = array<i32>} : memref<320x128xf32, #tpu.memory_space<vmem>>, vector<16xf32>,
      %get3A_221 = arith.constant 0 : i32
      %get3A_222 = arith.index_cast %get3A_221 : i32 to index
      %get3A_223 = arith.index_cast %scan3A_143 : i32 to index
      %get3A_224 = arith.index_cast %multiple_of3A_215 : i32 to index
      %get3A_225 = tpu.vector_load %arg9[%get3A_222, %get3A_223, %get3A_224] {strides = array<i32>} : memref<2x64x128xf32, #tpu.memory_space<vmem>>, vector<16xf32>,
      %mul3A_226 = arith.mulf %get3A_220, %get3A_225 : vector<16xf32>
      %add3A_227 = arith.addf %add3A_213, %mul3A_226 : vector<16xf32>
      %multiple_of3A_228 = arith.constant 96 : i32
      %multiple_of3A_229 = tpu.assume_multiple %multiple_of3A_228, 16 : i32
      %add3A_230 = arith.constant 0 : i32
      %add3A_231 = arith.addi %add3A_230, %scan3A_143 : i32
      %get3A_232 = arith.index_cast %add3A_231 : i32 to index
      %get3A_233 = arith.index_cast %multiple_of3A_229 : i32 to index
      %get3A_234 = tpu.vector_load %arg8[%get3A_232, %get3A_233] {strides = array<i32>} : memref<320x128xf32, #tpu.memory_space<vmem>>, vector<16xf32>,
      %get3A_235 = arith.constant 0 : i32
      %get3A_236 = arith.index_cast %get3A_235 : i32 to index
      %get3A_237 = arith.index_cast %scan3A_143 : i32 to index
      %get3A_238 = arith.index_cast %multiple_of3A_229 : i32 to index
      %get3A_239 = tpu.vector_load %arg9[%get3A_236, %get3A_237, %get3A_238] {strides = array<i32>} : memref<2x64x128xf32, #tpu.memory_space<vmem>>, vector<16xf32>,
      %mul3A_240 = arith.mulf %get3A_234, %get3A_239 : vector<16xf32>
      %add3A_241 = arith.addf %add3A_227, %mul3A_240 : vector<16xf32>
      %multiple_of3A_242 = arith.constant 112 : i32
      %multiple_of3A_243 = tpu.assume_multiple %multiple_of3A_242, 16 : i32
      %add3A_244 = arith.constant 0 : i32
      %add3A_245 = arith.addi %add3A_244, %scan3A_143 : i32
      %get3A_246 = arith.index_cast %add3A_245 : i32 to index
      %get3A_247 = arith.index_cast %multiple_of3A_243 : i32 to index
      %get3A_248 = tpu.vector_load %arg8[%get3A_246, %get3A_247] {strides = array<i32>} : memref<320x128xf32, #tpu.memory_space<vmem>>, vector<16xf32>,
      %get3A_249 = arith.constant 0 : i32
      %get3A_250 = arith.index_cast %get3A_249 : i32 to index
      %get3A_251 = arith.index_cast %scan3A_143 : i32 to index
      %get3A_252 = arith.index_cast %multiple_of3A_243 : i32 to index
      %get3A_253 = tpu.vector_load %arg9[%get3A_250, %get3A_251, %get3A_252] {strides = array<i32>} : memref<2x64x128xf32, #tpu.memory_space<vmem>>, vector<16xf32>,
      %mul3A_254 = arith.mulf %get3A_248, %get3A_253 : vector<16xf32>
      %add3A_255 = arith.addf %add3A_241, %mul3A_254 : vector<16xf32>
      %reduce_sum3A = arith.constant true
      %reduce_sum3A_256 = vector.broadcast %reduce_sum3A : i1 to vector<16xi1>
      %reduce_sum3A_257 = tpu.scan <sum>, %add3A_255 masked %reduce_sum3A_256 : vector<16xf32>, vector<16xi1> -> vector<16xf32>
      %reduce_sum3A_258 = vector.extract %reduce_sum3A_257[15] : f32 from vector<16xf32>
      %broadcast_in_dim3A_259 = vector.broadcast %reduce_sum3A_258 : f32 to vector<16xf32>
      %get3A_260 = arith.constant 0 : index
      %get3A_261 = tpu.vector_load %arg11[%get3A_260] {strides = array<i32>} : memref<16xf32, #tpu.memory_space<vmem>>, vector<16xf32>,
      %add3A_262 = arith.addf %broadcast_in_dim3A_259, %get3A_261 : vector<16xf32>
      %add3A_263 = arith.constant 0 : i32
      %add3A_264 = arith.addi %add3A_263, %scan3A_143 : i32
      %swap3A = arith.index_cast %add3A_264 : i32 to index
      %swap3A_265 = arith.constant 0 : index
      %swap3A_266 = tpu.vector_load %arg10[%swap3A, %swap3A_265] {strides = array<i32>} : memref<320x16xf32, #tpu.memory_space<vmem>>, vector<16xf32>,
      tpu.vector_store %arg10[%swap3A, %swap3A_265], %add3A_262 {strides = array<i32>} : memref<320x16xf32, #tpu.memory_space<vmem>>, vector<16xf32>,
      %scan3A_267 = arith.constant 0 : i32
      scf.yield %scan3A_267 : i32
    }
    %scan3A_44 = arith.constant 64 : i32
    %dma_start3A_45 = arith.constant 0 : i32
    %dma_start3A_46 = arith.constant 0 : i32
    %dma_start3A_47 = arith.constant 0 : i32
    %dma_start3A_48 = tpu.memref_slice %arg9[%dma_start3A_45, %dma_start3A_46, %dma_start3A_47] : memref<2x64x128xf32, #tpu.memory_space<vmem>> -> memref<1x64x128xf32, #tpu.memory_space<vmem>>
    %dma_start3A_49 = tpu.memref_squeeze %dma_start3A_48 : memref<1x64x128xf32, #tpu.memory_space<vmem>> -> memref<64x128xf32, #tpu.memory_space<vmem>>
    %dma_start3A_50 = arith.constant 128 : i32
    %dma_start3A_51 = tpu.memref_slice %arg7[%dma_start3A_50] : memref<320xi32, #tpu.memory_space<vmem>> -> memref<64xi32, #tpu.memory_space<vmem>>
    %dma_start3A_52 = arith.constant 0 : i32
    %dma_start3A_53 = arith.constant 0 : i32
    %dma_start3A_54 = tpu.memref_slice %arg2[%dma_start3A_52, %dma_start3A_53] : memref<10240x128xf32, #tpu.memory_space<hbm>> -> memref<10240x128xf32, #tpu.memory_space<hbm>>
    tpu.enqueue_indirect_dma source(%dma_start3A_54 : memref<10240x128xf32, #tpu.memory_space<hbm>>) target(%dma_start3A_49 : memref<64x128xf32, #tpu.memory_space<vmem>>) offsets(%dma_start3A_51 : memref<64xi32, #tpu.memory_space<vmem>>) semaphore(%arg12 : memref<!tpu.dma_semaphore, #tpu.memory_space<semaphore_mem>>)
    %dma_wait3A_55 = arith.constant 1 : i32
    %dma_wait3A_56 = arith.constant 0 : i32
    %dma_wait3A_57 = arith.constant 0 : i32
    %dma_wait3A_58 = tpu.memref_slice %arg9[%dma_wait3A_55, %dma_wait3A_56, %dma_wait3A_57] : memref<2x64x128xf32, #tpu.memory_space<vmem>> -> memref<1x64x128xf32, #tpu.memory_space<vmem>>
    %dma_wait3A_59 = tpu.memref_squeeze %dma_wait3A_58 : memref<1x64x128xf32, #tpu.memory_space<vmem>> -> memref<64x128xf32, #tpu.memory_space<vmem>>
    %dma_wait3A_60 = arith.constant 64 : i32
    %dma_wait3A_61 = tpu.memref_slice %arg7[%dma_wait3A_60] : memref<320xi32, #tpu.memory_space<vmem>> -> memref<64xi32, #tpu.memory_space<vmem>>
    %dma_wait3A_62 = arith.constant 0 : i32
    %dma_wait3A_63 = arith.constant 0 : i32
    %dma_wait3A_64 = tpu.memref_slice %arg2[%dma_wait3A_62, %dma_wait3A_63] : memref<10240x128xf32, #tpu.memory_space<hbm>> -> memref<10240x128xf32, #tpu.memory_space<hbm>>
    tpu.wait_indirect_dma semaphore(%arg13 : memref<!tpu.dma_semaphore, #tpu.memory_space<semaphore_mem>>) src(%dma_wait3A_64 : memref<10240x128xf32, #tpu.memory_space<hbm>>) dst(%dma_wait3A_59 : memref<64x128xf32, #tpu.memory_space<vmem>>)
    %scan3A_65 = arith.constant 0 : i32
    %scan3A_66 = arith.constant 0 : i32
    %scan3A_67 = arith.constant 64 : i32
    %scan3A_68 = arith.addi %scan3A_66, %scan3A_67 : i32
    %scan3A_69 = arith.constant 1 : i32
    %scan3A_70 = scf.for %scan3A_143 = %scan3A_66 to %scan3A_68 step %scan3A_69 iter_args(%scan3A_144 = %scan3A_65) -> (i32)  : i32 {
      %broadcast_in_dim3A = arith.constant 0.000000e+00 : f32
      %broadcast_in_dim3A_145 = vector.broadcast %broadcast_in_dim3A : f32 to vector<16xf32>
      %multiple_of3A = arith.constant 0 : i32
      %multiple_of3A_146 = tpu.assume_multiple %multiple_of3A, 16 : i32
      %add3A_147 = arith.constant 64 : i32
      %add3A_148 = arith.addi %add3A_147, %scan3A_143 : i32
      %get3A = arith.index_cast %add3A_148 : i32 to index
      %get3A_149 = arith.index_cast %multiple_of3A_146 : i32 to index
      %get3A_150 = tpu.vector_load %arg8[%get3A, %get3A_149] {strides = array<i32>} : memref<320x128xf32, #tpu.memory_space<vmem>>, vector<16xf32>,
      %get3A_151 = arith.constant 1 : i32
      %get3A_152 = arith.index_cast %get3A_151 : i32 to index
      %get3A_153 = arith.index_cast %scan3A_143 : i32 to index
      %get3A_154 = arith.index_cast %multiple_of3A_146 : i32 to index
      %get3A_155 = tpu.vector_load %arg9[%get3A_152, %get3A_153, %get3A_154] {strides = array<i32>} : memref<2x64x128xf32, #tpu.memory_space<vmem>>, vector<16xf32>,
      %mul3A_156 = arith.mulf %get3A_150, %get3A_155 : vector<16xf32>
      %add3A_157 = arith.addf %broadcast_in_dim3A_145, %mul3A_156 : vector<16xf32>
      %multiple_of3A_158 = arith.constant 16 : i32
      %multiple_of3A_159 = tpu.assume_multiple %multiple_of3A_158, 16 : i32
      %add3A_160 = arith.constant 64 : i32
      %add3A_161 = arith.addi %add3A_160, %scan3A_143 : i32
      %get3A_162 = arith.index_cast %add3A_161 : i32 to index
      %get3A_163 = arith.index_cast %multiple_of3A_159 : i32 to index
      %get3A_164 = tpu.vector_load %arg8[%get3A_162, %get3A_163] {strides = array<i32>} : memref<320x128xf32, #tpu.memory_space<vmem>>, vector<16xf32>,
      %get3A_165 = arith.constant 1 : i32
      %get3A_166 = arith.index_cast %get3A_165 : i32 to index
      %get3A_167 = arith.index_cast %scan3A_143 : i32 to index
      %get3A_168 = arith.index_cast %multiple_of3A_159 : i32 to index
      %get3A_169 = tpu.vector_load %arg9[%get3A_166, %get3A_167, %get3A_168] {strides = array<i32>} : memref<2x64x128xf32, #tpu.memory_space<vmem>>, vector<16xf32>,
      %mul3A_170 = arith.mulf %get3A_164, %get3A_169 : vector<16xf32>
      %add3A_171 = arith.addf %add3A_157, %mul3A_170 : vector<16xf32>
      %multiple_of3A_172 = arith.constant 32 : i32
      %multiple_of3A_173 = tpu.assume_multiple %multiple_of3A_172, 16 : i32
      %add3A_174 = arith.constant 64 : i32
      %add3A_175 = arith.addi %add3A_174, %scan3A_143 : i32
      %get3A_176 = arith.index_cast %add3A_175 : i32 to index
      %get3A_177 = arith.index_cast %multiple_of3A_173 : i32 to index
      %get3A_178 = tpu.vector_load %arg8[%get3A_176, %get3A_177] {strides = array<i32>} : memref<320x128xf32, #tpu.memory_space<vmem>>, vector<16xf32>,
      %get3A_179 = arith.constant 1 : i32
      %get3A_180 = arith.index_cast %get3A_179 : i32 to index
      %get3A_181 = arith.index_cast %scan3A_143 : i32 to index
      %get3A_182 = arith.index_cast %multiple_of3A_173 : i32 to index
      %get3A_183 = tpu.vector_load %arg9[%get3A_180, %get3A_181, %get3A_182] {strides = array<i32>} : memref<2x64x128xf32, #tpu.memory_space<vmem>>, vector<16xf32>,
      %mul3A_184 = arith.mulf %get3A_178, %get3A_183 : vector<16xf32>
      %add3A_185 = arith.addf %add3A_171, %mul3A_184 : vector<16xf32>
      %multiple_of3A_186 = arith.constant 48 : i32
      %multiple_of3A_187 = tpu.assume_multiple %multiple_of3A_186, 16 : i32
      %add3A_188 = arith.constant 64 : i32
      %add3A_189 = arith.addi %add3A_188, %scan3A_143 : i32
      %get3A_190 = arith.index_cast %add3A_189 : i32 to index
      %get3A_191 = arith.index_cast %multiple_of3A_187 : i32 to index
      %get3A_192 = tpu.vector_load %arg8[%get3A_190, %get3A_191] {strides = array<i32>} : memref<320x128xf32, #tpu.memory_space<vmem>>, vector<16xf32>,
      %get3A_193 = arith.constant 1 : i32
      %get3A_194 = arith.index_cast %get3A_193 : i32 to index
      %get3A_195 = arith.index_cast %scan3A_143 : i32 to index
      %get3A_196 = arith.index_cast %multiple_of3A_187 : i32 to index
      %get3A_197 = tpu.vector_load %arg9[%get3A_194, %get3A_195, %get3A_196] {strides = array<i32>} : memref<2x64x128xf32, #tpu.memory_space<vmem>>, vector<16xf32>,
      %mul3A_198 = arith.mulf %get3A_192, %get3A_197 : vector<16xf32>
      %add3A_199 = arith.addf %add3A_185, %mul3A_198 : vector<16xf32>
      %multiple_of3A_200 = arith.constant 64 : i32
      %multiple_of3A_201 = tpu.assume_multiple %multiple_of3A_200, 16 : i32
      %add3A_202 = arith.constant 64 : i32
      %add3A_203 = arith.addi %add3A_202, %scan3A_143 : i32
      %get3A_204 = arith.index_cast %add3A_203 : i32 to index
      %get3A_205 = arith.index_cast %multiple_of3A_201 : i32 to index
      %get3A_206 = tpu.vector_load %arg8[%get3A_204, %get3A_205] {strides = array<i32>} : memref<320x128xf32, #tpu.memory_space<vmem>>, vector<16xf32>,
      %get3A_207 = arith.constant 1 : i32
      %get3A_208 = arith.index_cast %get3A_207 : i32 to index
      %get3A_209 = arith.index_cast %scan3A_143 : i32 to index
      %get3A_210 = arith.index_cast %multiple_of3A_201 : i32 to index
      %get3A_211 = tpu.vector_load %arg9[%get3A_208, %get3A_209, %get3A_210] {strides = array<i32>} : memref<2x64x128xf32, #tpu.memory_space<vmem>>, vector<16xf32>,
      %mul3A_212 = arith.mulf %get3A_206, %get3A_211 : vector<16xf32>
      %add3A_213 = arith.addf %add3A_199, %mul3A_212 : vector<16xf32>
      %multiple_of3A_214 = arith.constant 80 : i32
      %multiple_of3A_215 = tpu.assume_multiple %multiple_of3A_214, 16 : i32
      %add3A_216 = arith.constant 64 : i32
      %add3A_217 = arith.addi %add3A_216, %scan3A_143 : i32
      %get3A_218 = arith.index_cast %add3A_217 : i32 to index
      %get3A_219 = arith.index_cast %multiple_of3A_215 : i32 to index
      %get3A_220 = tpu.vector_load %arg8[%get3A_218, %get3A_219] {strides = array<i32>} : memref<320x128xf32, #tpu.memory_space<vmem>>, vector<16xf32>,
      %get3A_221 = arith.constant 1 : i32
      %get3A_222 = arith.index_cast %get3A_221 : i32 to index
      %get3A_223 = arith.index_cast %scan3A_143 : i32 to index
      %get3A_224 = arith.index_cast %multiple_of3A_215 : i32 to index
      %get3A_225 = tpu.vector_load %arg9[%get3A_222, %get3A_223, %get3A_224] {strides = array<i32>} : memref<2x64x128xf32, #tpu.memory_space<vmem>>, vector<16xf32>,
      %mul3A_226 = arith.mulf %get3A_220, %get3A_225 : vector<16xf32>
      %add3A_227 = arith.addf %add3A_213, %mul3A_226 : vector<16xf32>
      %multiple_of3A_228 = arith.constant 96 : i32
      %multiple_of3A_229 = tpu.assume_multiple %multiple_of3A_228, 16 : i32
      %add3A_230 = arith.constant 64 : i32
      %add3A_231 = arith.addi %add3A_230, %scan3A_143 : i32
      %get3A_232 = arith.index_cast %add3A_231 : i32 to index
      %get3A_233 = arith.index_cast %multiple_of3A_229 : i32 to index
      %get3A_234 = tpu.vector_load %arg8[%get3A_232, %get3A_233] {strides = array<i32>} : memref<320x128xf32, #tpu.memory_space<vmem>>, vector<16xf32>,
      %get3A_235 = arith.constant 1 : i32
      %get3A_236 = arith.index_cast %get3A_235 : i32 to index
      %get3A_237 = arith.index_cast %scan3A_143 : i32 to index
      %get3A_238 = arith.index_cast %multiple_of3A_229 : i32 to index
      %get3A_239 = tpu.vector_load %arg9[%get3A_236, %get3A_237, %get3A_238] {strides = array<i32>} : memref<2x64x128xf32, #tpu.memory_space<vmem>>, vector<16xf32>,
      %mul3A_240 = arith.mulf %get3A_234, %get3A_239 : vector<16xf32>
      %add3A_241 = arith.addf %add3A_227, %mul3A_240 : vector<16xf32>
      %multiple_of3A_242 = arith.constant 112 : i32
      %multiple_of3A_243 = tpu.assume_multiple %multiple_of3A_242, 16 : i32
      %add3A_244 = arith.constant 64 : i32
      %add3A_245 = arith.addi %add3A_244, %scan3A_143 : i32
      %get3A_246 = arith.index_cast %add3A_245 : i32 to index
      %get3A_247 = arith.index_cast %multiple_of3A_243 : i32 to index
      %get3A_248 = tpu.vector_load %arg8[%get3A_246, %get3A_247] {strides = array<i32>} : memref<320x128xf32, #tpu.memory_space<vmem>>, vector<16xf32>,
      %get3A_249 = arith.constant 1 : i32
      %get3A_250 = arith.index_cast %get3A_249 : i32 to index
      %get3A_251 = arith.index_cast %scan3A_143 : i32 to index
      %get3A_252 = arith.index_cast %multiple_of3A_243 : i32 to index
      %get3A_253 = tpu.vector_load %arg9[%get3A_250, %get3A_251, %get3A_252] {strides = array<i32>} : memref<2x64x128xf32, #tpu.memory_space<vmem>>, vector<16xf32>,
      %mul3A_254 = arith.mulf %get3A_248, %get3A_253 : vector<16xf32>
      %add3A_255 = arith.addf %add3A_241, %mul3A_254 : vector<16xf32>
      %reduce_sum3A = arith.constant true
      %reduce_sum3A_256 = vector.broadcast %reduce_sum3A : i1 to vector<16xi1>
      %reduce_sum3A_257 = tpu.scan <sum>, %add3A_255 masked %reduce_sum3A_256 : vector<16xf32>, vector<16xi1> -> vector<16xf32>
      %reduce_sum3A_258 = vector.extract %reduce_sum3A_257[15] : f32 from vector<16xf32>
      %broadcast_in_dim3A_259 = vector.broadcast %reduce_sum3A_258 : f32 to vector<16xf32>
      %get3A_260 = arith.constant 0 : index
      %get3A_261 = tpu.vector_load %arg11[%get3A_260] {strides = array<i32>} : memref<16xf32, #tpu.memory_space<vmem>>, vector<16xf32>,
      %add3A_262 = arith.addf %broadcast_in_dim3A_259, %get3A_261 : vector<16xf32>
      %add3A_263 = arith.constant 64 : i32
      %add3A_264 = arith.addi %add3A_263, %scan3A_143 : i32
      %swap3A = arith.index_cast %add3A_264 : i32 to index
      %swap3A_265 = arith.constant 0 : index
      %swap3A_266 = tpu.vector_load %arg10[%swap3A, %swap3A_265] {strides = array<i32>} : memref<320x16xf32, #tpu.memory_space<vmem>>, vector<16xf32>,
      tpu.vector_store %arg10[%swap3A, %swap3A_265], %add3A_262 {strides = array<i32>} : memref<320x16xf32, #tpu.memory_space<vmem>>, vector<16xf32>,
      %scan3A_267 = arith.constant 0 : i32
      scf.yield %scan3A_267 : i32
    }
    %scan3A_71 = arith.constant 64 : i32
    %dma_start3A_72 = arith.constant 1 : i32
    %dma_start3A_73 = arith.constant 0 : i32
    %dma_start3A_74 = arith.constant 0 : i32
    %dma_start3A_75 = tpu.memref_slice %arg9[%dma_start3A_72, %dma_start3A_73, %dma_start3A_74] : memref<2x64x128xf32, #tpu.memory_space<vmem>> -> memref<1x64x128xf32, #tpu.memory_space<vmem>>
    %dma_start3A_76 = tpu.memref_squeeze %dma_start3A_75 : memref<1x64x128xf32, #tpu.memory_space<vmem>> -> memref<64x128xf32, #tpu.memory_space<vmem>>
    %dma_start3A_77 = arith.constant 192 : i32
    %dma_start3A_78 = tpu.memref_slice %arg7[%dma_start3A_77] : memref<320xi32, #tpu.memory_space<vmem>> -> memref<64xi32, #tpu.memory_space<vmem>>
    %dma_start3A_79 = arith.constant 0 : i32
    %dma_start3A_80 = arith.constant 0 : i32
    %dma_start3A_81 = tpu.memref_slice %arg2[%dma_start3A_79, %dma_start3A_80] : memref<10240x128xf32, #tpu.memory_space<hbm>> -> memref<10240x128xf32, #tpu.memory_space<hbm>>
    tpu.enqueue_indirect_dma source(%dma_start3A_81 : memref<10240x128xf32, #tpu.memory_space<hbm>>) target(%dma_start3A_76 : memref<64x128xf32, #tpu.memory_space<vmem>>) offsets(%dma_start3A_78 : memref<64xi32, #tpu.memory_space<vmem>>) semaphore(%arg13 : memref<!tpu.dma_semaphore, #tpu.memory_space<semaphore_mem>>)
    %dma_wait3A_82 = arith.constant 0 : i32
    %dma_wait3A_83 = arith.constant 0 : i32
    %dma_wait3A_84 = arith.constant 0 : i32
    %dma_wait3A_85 = tpu.memref_slice %arg9[%dma_wait3A_82, %dma_wait3A_83, %dma_wait3A_84] : memref<2x64x128xf32, #tpu.memory_space<vmem>> -> memref<1x64x128xf32, #tpu.memory_space<vmem>>
    %dma_wait3A_86 = tpu.memref_squeeze %dma_wait3A_85 : memref<1x64x128xf32, #tpu.memory_space<vmem>> -> memref<64x128xf32, #tpu.memory_space<vmem>>
    %dma_wait3A_87 = arith.constant 128 : i32
    %dma_wait3A_88 = tpu.memref_slice %arg7[%dma_wait3A_87] : memref<320xi32, #tpu.memory_space<vmem>> -> memref<64xi32, #tpu.memory_space<vmem>>
    %dma_wait3A_89 = arith.constant 0 : i32
    %dma_wait3A_90 = arith.constant 0 : i32
    %dma_wait3A_91 = tpu.memref_slice %arg2[%dma_wait3A_89, %dma_wait3A_90] : memref<10240x128xf32, #tpu.memory_space<hbm>> -> memref<10240x128xf32, #tpu.memory_space<hbm>>
    tpu.wait_indirect_dma semaphore(%arg12 : memref<!tpu.dma_semaphore, #tpu.memory_space<semaphore_mem>>) src(%dma_wait3A_91 : memref<10240x128xf32, #tpu.memory_space<hbm>>) dst(%dma_wait3A_86 : memref<64x128xf32, #tpu.memory_space<vmem>>)
    %scan3A_92 = arith.constant 0 : i32
    %scan3A_93 = arith.constant 0 : i32
    %scan3A_94 = arith.constant 64 : i32
    %scan3A_95 = arith.addi %scan3A_93, %scan3A_94 : i32
    %scan3A_96 = arith.constant 1 : i32
    %scan3A_97 = scf.for %scan3A_143 = %scan3A_93 to %scan3A_95 step %scan3A_96 iter_args(%scan3A_144 = %scan3A_92) -> (i32)  : i32 {
      %broadcast_in_dim3A = arith.constant 0.000000e+00 : f32
      %broadcast_in_dim3A_145 = vector.broadcast %broadcast_in_dim3A : f32 to vector<16xf32>
      %multiple_of3A = arith.constant 0 : i32
      %multiple_of3A_146 = tpu.assume_multiple %multiple_of3A, 16 : i32
      %add3A_147 = arith.constant 128 : i32
      %add3A_148 = arith.addi %add3A_147, %scan3A_143 : i32
      %get3A = arith.index_cast %add3A_148 : i32 to index
      %get3A_149 = arith.index_cast %multiple_of3A_146 : i32 to index
      %get3A_150 = tpu.vector_load %arg8[%get3A, %get3A_149] {strides = array<i32>} : memref<320x128xf32, #tpu.memory_space<vmem>>, vector<16xf32>,
      %get3A_151 = arith.constant 0 : i32
      %get3A_152 = arith.index_cast %get3A_151 : i32 to index
      %get3A_153 = arith.index_cast %scan3A_143 : i32 to index
      %get3A_154 = arith.index_cast %multiple_of3A_146 : i32 to index
      %get3A_155 = tpu.vector_load %arg9[%get3A_152, %get3A_153, %get3A_154] {strides = array<i32>} : memref<2x64x128xf32, #tpu.memory_space<vmem>>, vector<16xf32>,
      %mul3A_156 = arith.mulf %get3A_150, %get3A_155 : vector<16xf32>
      %add3A_157 = arith.addf %broadcast_in_dim3A_145, %mul3A_156 : vector<16xf32>
      %multiple_of3A_158 = arith.constant 16 : i32
      %multiple_of3A_159 = tpu.assume_multiple %multiple_of3A_158, 16 : i32
      %add3A_160 = arith.constant 128 : i32
      %add3A_161 = arith.addi %add3A_160, %scan3A_143 : i32
      %get3A_162 = arith.index_cast %add3A_161 : i32 to index
      %get3A_163 = arith.index_cast %multiple_of3A_159 : i32 to index
      %get3A_164 = tpu.vector_load %arg8[%get3A_162, %get3A_163] {strides = array<i32>} : memref<320x128xf32, #tpu.memory_space<vmem>>, vector<16xf32>,
      %get3A_165 = arith.constant 0 : i32
      %get3A_166 = arith.index_cast %get3A_165 : i32 to index
      %get3A_167 = arith.index_cast %scan3A_143 : i32 to index
      %get3A_168 = arith.index_cast %multiple_of3A_159 : i32 to index
      %get3A_169 = tpu.vector_load %arg9[%get3A_166, %get3A_167, %get3A_168] {strides = array<i32>} : memref<2x64x128xf32, #tpu.memory_space<vmem>>, vector<16xf32>,
      %mul3A_170 = arith.mulf %get3A_164, %get3A_169 : vector<16xf32>
      %add3A_171 = arith.addf %add3A_157, %mul3A_170 : vector<16xf32>
      %multiple_of3A_172 = arith.constant 32 : i32
      %multiple_of3A_173 = tpu.assume_multiple %multiple_of3A_172, 16 : i32
      %add3A_174 = arith.constant 128 : i32
      %add3A_175 = arith.addi %add3A_174, %scan3A_143 : i32
      %get3A_176 = arith.index_cast %add3A_175 : i32 to index
      %get3A_177 = arith.index_cast %multiple_of3A_173 : i32 to index
      %get3A_178 = tpu.vector_load %arg8[%get3A_176, %get3A_177] {strides = array<i32>} : memref<320x128xf32, #tpu.memory_space<vmem>>, vector<16xf32>,
      %get3A_179 = arith.constant 0 : i32
      %get3A_180 = arith.index_cast %get3A_179 : i32 to index
      %get3A_181 = arith.index_cast %scan3A_143 : i32 to index
      %get3A_182 = arith.index_cast %multiple_of3A_173 : i32 to index
      %get3A_183 = tpu.vector_load %arg9[%get3A_180, %get3A_181, %get3A_182] {strides = array<i32>} : memref<2x64x128xf32, #tpu.memory_space<vmem>>, vector<16xf32>,
      %mul3A_184 = arith.mulf %get3A_178, %get3A_183 : vector<16xf32>
      %add3A_185 = arith.addf %add3A_171, %mul3A_184 : vector<16xf32>
      %multiple_of3A_186 = arith.constant 48 : i32
      %multiple_of3A_187 = tpu.assume_multiple %multiple_of3A_186, 16 : i32
      %add3A_188 = arith.constant 128 : i32
      %add3A_189 = arith.addi %add3A_188, %scan3A_143 : i32
      %get3A_190 = arith.index_cast %add3A_189 : i32 to index
      %get3A_191 = arith.index_cast %multiple_of3A_187 : i32 to index
      %get3A_192 = tpu.vector_load %arg8[%get3A_190, %get3A_191] {strides = array<i32>} : memref<320x128xf32, #tpu.memory_space<vmem>>, vector<16xf32>,
      %get3A_193 = arith.constant 0 : i32
      %get3A_194 = arith.index_cast %get3A_193 : i32 to index
      %get3A_195 = arith.index_cast %scan3A_143 : i32 to index
      %get3A_196 = arith.index_cast %multiple_of3A_187 : i32 to index
      %get3A_197 = tpu.vector_load %arg9[%get3A_194, %get3A_195, %get3A_196] {strides = array<i32>} : memref<2x64x128xf32, #tpu.memory_space<vmem>>, vector<16xf32>,
      %mul3A_198 = arith.mulf %get3A_192, %get3A_197 : vector<16xf32>
      %add3A_199 = arith.addf %add3A_185, %mul3A_198 : vector<16xf32>
      %multiple_of3A_200 = arith.constant 64 : i32
      %multiple_of3A_201 = tpu.assume_multiple %multiple_of3A_200, 16 : i32
      %add3A_202 = arith.constant 128 : i32
      %add3A_203 = arith.addi %add3A_202, %scan3A_143 : i32
      %get3A_204 = arith.index_cast %add3A_203 : i32 to index
      %get3A_205 = arith.index_cast %multiple_of3A_201 : i32 to index
      %get3A_206 = tpu.vector_load %arg8[%get3A_204, %get3A_205] {strides = array<i32>} : memref<320x128xf32, #tpu.memory_space<vmem>>, vector<16xf32>,
      %get3A_207 = arith.constant 0 : i32
      %get3A_208 = arith.index_cast %get3A_207 : i32 to index
      %get3A_209 = arith.index_cast %scan3A_143 : i32 to index
      %get3A_210 = arith.index_cast %multiple_of3A_201 : i32 to index
      %get3A_211 = tpu.vector_load %arg9[%get3A_208, %get3A_209, %get3A_210] {strides = array<i32>} : memref<2x64x128xf32, #tpu.memory_space<vmem>>, vector<16xf32>,
      %mul3A_212 = arith.mulf %get3A_206, %get3A_211 : vector<16xf32>
      %add3A_213 = arith.addf %add3A_199, %mul3A_212 : vector<16xf32>
      %multiple_of3A_214 = arith.constant 80 : i32
      %multiple_of3A_215 = tpu.assume_multiple %multiple_of3A_214, 16 : i32
      %add3A_216 = arith.constant 128 : i32
      %add3A_217 = arith.addi %add3A_216, %scan3A_143 : i32
      %get3A_218 = arith.index_cast %add3A_217 : i32 to index
      %get3A_219 = arith.index_cast %multiple_of3A_215 : i32 to index
      %get3A_220 = tpu.vector_load %arg8[%get3A_218, %get3A_219] {strides = array<i32>} : memref<320x128xf32, #tpu.memory_space<vmem>>, vector<16xf32>,
      %get3A_221 = arith.constant 0 : i32
      %get3A_222 = arith.index_cast %get3A_221 : i32 to index
      %get3A_223 = arith.index_cast %scan3A_143 : i32 to index
      %get3A_224 = arith.index_cast %multiple_of3A_215 : i32 to index
      %get3A_225 = tpu.vector_load %arg9[%get3A_222, %get3A_223, %get3A_224] {strides = array<i32>} : memref<2x64x128xf32, #tpu.memory_space<vmem>>, vector<16xf32>,
      %mul3A_226 = arith.mulf %get3A_220, %get3A_225 : vector<16xf32>
      %add3A_227 = arith.addf %add3A_213, %mul3A_226 : vector<16xf32>
      %multiple_of3A_228 = arith.constant 96 : i32
      %multiple_of3A_229 = tpu.assume_multiple %multiple_of3A_228, 16 : i32
      %add3A_230 = arith.constant 128 : i32
      %add3A_231 = arith.addi %add3A_230, %scan3A_143 : i32
      %get3A_232 = arith.index_cast %add3A_231 : i32 to index
      %get3A_233 = arith.index_cast %multiple_of3A_229 : i32 to index
      %get3A_234 = tpu.vector_load %arg8[%get3A_232, %get3A_233] {strides = array<i32>} : memref<320x128xf32, #tpu.memory_space<vmem>>, vector<16xf32>,
      %get3A_235 = arith.constant 0 : i32
      %get3A_236 = arith.index_cast %get3A_235 : i32 to index
      %get3A_237 = arith.index_cast %scan3A_143 : i32 to index
      %get3A_238 = arith.index_cast %multiple_of3A_229 : i32 to index
      %get3A_239 = tpu.vector_load %arg9[%get3A_236, %get3A_237, %get3A_238] {strides = array<i32>} : memref<2x64x128xf32, #tpu.memory_space<vmem>>, vector<16xf32>,
      %mul3A_240 = arith.mulf %get3A_234, %get3A_239 : vector<16xf32>
      %add3A_241 = arith.addf %add3A_227, %mul3A_240 : vector<16xf32>
      %multiple_of3A_242 = arith.constant 112 : i32
      %multiple_of3A_243 = tpu.assume_multiple %multiple_of3A_242, 16 : i32
      %add3A_244 = arith.constant 128 : i32
      %add3A_245 = arith.addi %add3A_244, %scan3A_143 : i32
      %get3A_246 = arith.index_cast %add3A_245 : i32 to index
      %get3A_247 = arith.index_cast %multiple_of3A_243 : i32 to index
      %get3A_248 = tpu.vector_load %arg8[%get3A_246, %get3A_247] {strides = array<i32>} : memref<320x128xf32, #tpu.memory_space<vmem>>, vector<16xf32>,
      %get3A_249 = arith.constant 0 : i32
      %get3A_250 = arith.index_cast %get3A_249 : i32 to index
      %get3A_251 = arith.index_cast %scan3A_143 : i32 to index
      %get3A_252 = arith.index_cast %multiple_of3A_243 : i32 to index
      %get3A_253 = tpu.vector_load %arg9[%get3A_250, %get3A_251, %get3A_252] {strides = array<i32>} : memref<2x64x128xf32, #tpu.memory_space<vmem>>, vector<16xf32>,
      %mul3A_254 = arith.mulf %get3A_248, %get3A_253 : vector<16xf32>
      %add3A_255 = arith.addf %add3A_241, %mul3A_254 : vector<16xf32>
      %reduce_sum3A = arith.constant true
      %reduce_sum3A_256 = vector.broadcast %reduce_sum3A : i1 to vector<16xi1>
      %reduce_sum3A_257 = tpu.scan <sum>, %add3A_255 masked %reduce_sum3A_256 : vector<16xf32>, vector<16xi1> -> vector<16xf32>
      %reduce_sum3A_258 = vector.extract %reduce_sum3A_257[15] : f32 from vector<16xf32>
      %broadcast_in_dim3A_259 = vector.broadcast %reduce_sum3A_258 : f32 to vector<16xf32>
      %get3A_260 = arith.constant 0 : index
      %get3A_261 = tpu.vector_load %arg11[%get3A_260] {strides = array<i32>} : memref<16xf32, #tpu.memory_space<vmem>>, vector<16xf32>,
      %add3A_262 = arith.addf %broadcast_in_dim3A_259, %get3A_261 : vector<16xf32>
      %add3A_263 = arith.constant 128 : i32
      %add3A_264 = arith.addi %add3A_263, %scan3A_143 : i32
      %swap3A = arith.index_cast %add3A_264 : i32 to index
      %swap3A_265 = arith.constant 0 : index
      %swap3A_266 = tpu.vector_load %arg10[%swap3A, %swap3A_265] {strides = array<i32>} : memref<320x16xf32, #tpu.memory_space<vmem>>, vector<16xf32>,
      tpu.vector_store %arg10[%swap3A, %swap3A_265], %add3A_262 {strides = array<i32>} : memref<320x16xf32, #tpu.memory_space<vmem>>, vector<16xf32>,
      %scan3A_267 = arith.constant 0 : i32
      scf.yield %scan3A_267 : i32
    }
    %scan3A_98 = arith.constant 64 : i32
    %dma_start3A_99 = arith.constant 0 : i32
    %dma_start3A_100 = arith.constant 0 : i32
    %dma_start3A_101 = arith.constant 0 : i32
    %dma_start3A_102 = tpu.memref_slice %arg9[%dma_start3A_99, %dma_start3A_100, %dma_start3A_101] : memref<2x64x128xf32, #tpu.memory_space<vmem>> -> memref<1x64x128xf32, #tpu.memory_space<vmem>>
    %dma_start3A_103 = tpu.memref_squeeze %dma_start3A_102 : memref<1x64x128xf32, #tpu.memory_space<vmem>> -> memref<64x128xf32, #tpu.memory_space<vmem>>
    %dma_start3A_104 = arith.constant 256 : i32
    %dma_start3A_105 = tpu.memref_slice %arg7[%dma_start3A_104] : memref<320xi32, #tpu.memory_space<vmem>> -> memref<64xi32, #tpu.memory_space<vmem>>
    %dma_start3A_106 = arith.constant 0 : i32
    %dma_start3A_107 = arith.constant 0 : i32
    %dma_start3A_108 = tpu.memref_slice %arg2[%dma_start3A_106, %dma_start3A_107] : memref<10240x128xf32, #tpu.memory_space<hbm>> -> memref<10240x128xf32, #tpu.memory_space<hbm>>
    tpu.enqueue_indirect_dma source(%dma_start3A_108 : memref<10240x128xf32, #tpu.memory_space<hbm>>) target(%dma_start3A_103 : memref<64x128xf32, #tpu.memory_space<vmem>>) offsets(%dma_start3A_105 : memref<64xi32, #tpu.memory_space<vmem>>) semaphore(%arg12 : memref<!tpu.dma_semaphore, #tpu.memory_space<semaphore_mem>>)
    %dma_wait3A_109 = arith.constant 1 : i32
    %dma_wait3A_110 = arith.constant 0 : i32
    %dma_wait3A_111 = arith.constant 0 : i32
    %dma_wait3A_112 = tpu.memref_slice %arg9[%dma_wait3A_109, %dma_wait3A_110, %dma_wait3A_111] : memref<2x64x128xf32, #tpu.memory_space<vmem>> -> memref<1x64x128xf32, #tpu.memory_space<vmem>>
    %dma_wait3A_113 = tpu.memref_squeeze %dma_wait3A_112 : memref<1x64x128xf32, #tpu.memory_space<vmem>> -> memref<64x128xf32, #tpu.memory_space<vmem>>
    %dma_wait3A_114 = arith.constant 192 : i32
    %dma_wait3A_115 = tpu.memref_slice %arg7[%dma_wait3A_114] : memref<320xi32, #tpu.memory_space<vmem>> -> memref<64xi32, #tpu.memory_space<vmem>>
    %dma_wait3A_116 = arith.constant 0 : i32
    %dma_wait3A_117 = arith.constant 0 : i32
    %dma_wait3A_118 = tpu.memref_slice %arg2[%dma_wait3A_116, %dma_wait3A_117] : memref<10240x128xf32, #tpu.memory_space<hbm>> -> memref<10240x128xf32, #tpu.memory_space<hbm>>
    tpu.wait_indirect_dma semaphore(%arg13 : memref<!tpu.dma_semaphore, #tpu.memory_space<semaphore_mem>>) src(%dma_wait3A_118 : memref<10240x128xf32, #tpu.memory_space<hbm>>) dst(%dma_wait3A_113 : memref<64x128xf32, #tpu.memory_space<vmem>>)
    %scan3A_119 = arith.constant 0 : i32
    %scan3A_120 = arith.constant 0 : i32
    %scan3A_121 = arith.constant 64 : i32
    %scan3A_122 = arith.addi %scan3A_120, %scan3A_121 : i32
    %scan3A_123 = arith.constant 1 : i32
    %scan3A_124 = scf.for %scan3A_143 = %scan3A_120 to %scan3A_122 step %scan3A_123 iter_args(%scan3A_144 = %scan3A_119) -> (i32)  : i32 {
      %broadcast_in_dim3A = arith.constant 0.000000e+00 : f32
      %broadcast_in_dim3A_145 = vector.broadcast %broadcast_in_dim3A : f32 to vector<16xf32>
      %multiple_of3A = arith.constant 0 : i32
      %multiple_of3A_146 = tpu.assume_multiple %multiple_of3A, 16 : i32
      %add3A_147 = arith.constant 192 : i32
      %add3A_148 = arith.addi %add3A_147, %scan3A_143 : i32
      %get3A = arith.index_cast %add3A_148 : i32 to index
      %get3A_149 = arith.index_cast %multiple_of3A_146 : i32 to index
      %get3A_150 = tpu.vector_load %arg8[%get3A, %get3A_149] {strides = array<i32>} : memref<320x128xf32, #tpu.memory_space<vmem>>, vector<16xf32>,
      %get3A_151 = arith.constant 1 : i32
      %get3A_152 = arith.index_cast %get3A_151 : i32 to index
      %get3A_153 = arith.index_cast %scan3A_143 : i32 to index
      %get3A_154 = arith.index_cast %multiple_of3A_146 : i32 to index
      %get3A_155 = tpu.vector_load %arg9[%get3A_152, %get3A_153, %get3A_154] {strides = array<i32>} : memref<2x64x128xf32, #tpu.memory_space<vmem>>, vector<16xf32>,
      %mul3A_156 = arith.mulf %get3A_150, %get3A_155 : vector<16xf32>
      %add3A_157 = arith.addf %broadcast_in_dim3A_145, %mul3A_156 : vector<16xf32>
      %multiple_of3A_158 = arith.constant 16 : i32
      %multiple_of3A_159 = tpu.assume_multiple %multiple_of3A_158, 16 : i32
      %add3A_160 = arith.constant 192 : i32
      %add3A_161 = arith.addi %add3A_160, %scan3A_143 : i32
      %get3A_162 = arith.index_cast %add3A_161 : i32 to index
      %get3A_163 = arith.index_cast %multiple_of3A_159 : i32 to index
      %get3A_164 = tpu.vector_load %arg8[%get3A_162, %get3A_163] {strides = array<i32>} : memref<320x128xf32, #tpu.memory_space<vmem>>, vector<16xf32>,
      %get3A_165 = arith.constant 1 : i32
      %get3A_166 = arith.index_cast %get3A_165 : i32 to index
      %get3A_167 = arith.index_cast %scan3A_143 : i32 to index
      %get3A_168 = arith.index_cast %multiple_of3A_159 : i32 to index
      %get3A_169 = tpu.vector_load %arg9[%get3A_166, %get3A_167, %get3A_168] {strides = array<i32>} : memref<2x64x128xf32, #tpu.memory_space<vmem>>, vector<16xf32>,
      %mul3A_170 = arith.mulf %get3A_164, %get3A_169 : vector<16xf32>
      %add3A_171 = arith.addf %add3A_157, %mul3A_170 : vector<16xf32>
      %multiple_of3A_172 = arith.constant 32 : i32
      %multiple_of3A_173 = tpu.assume_multiple %multiple_of3A_172, 16 : i32
      %add3A_174 = arith.constant 192 : i32
      %add3A_175 = arith.addi %add3A_174, %scan3A_143 : i32
      %get3A_176 = arith.index_cast %add3A_175 : i32 to index
      %get3A_177 = arith.index_cast %multiple_of3A_173 : i32 to index
      %get3A_178 = tpu.vector_load %arg8[%get3A_176, %get3A_177] {strides = array<i32>} : memref<320x128xf32, #tpu.memory_space<vmem>>, vector<16xf32>,
      %get3A_179 = arith.constant 1 : i32
      %get3A_180 = arith.index_cast %get3A_179 : i32 to index
      %get3A_181 = arith.index_cast %scan3A_143 : i32 to index
      %get3A_182 = arith.index_cast %multiple_of3A_173 : i32 to index
      %get3A_183 = tpu.vector_load %arg9[%get3A_180, %get3A_181, %get3A_182] {strides = array<i32>} : memref<2x64x128xf32, #tpu.memory_space<vmem>>, vector<16xf32>,
      %mul3A_184 = arith.mulf %get3A_178, %get3A_183 : vector<16xf32>
      %add3A_185 = arith.addf %add3A_171, %mul3A_184 : vector<16xf32>
      %multiple_of3A_186 = arith.constant 48 : i32
      %multiple_of3A_187 = tpu.assume_multiple %multiple_of3A_186, 16 : i32
      %add3A_188 = arith.constant 192 : i32
      %add3A_189 = arith.addi %add3A_188, %scan3A_143 : i32
      %get3A_190 = arith.index_cast %add3A_189 : i32 to index
      %get3A_191 = arith.index_cast %multiple_of3A_187 : i32 to index
      %get3A_192 = tpu.vector_load %arg8[%get3A_190, %get3A_191] {strides = array<i32>} : memref<320x128xf32, #tpu.memory_space<vmem>>, vector<16xf32>,
      %get3A_193 = arith.constant 1 : i32
      %get3A_194 = arith.index_cast %get3A_193 : i32 to index
      %get3A_195 = arith.index_cast %scan3A_143 : i32 to index
      %get3A_196 = arith.index_cast %multiple_of3A_187 : i32 to index
      %get3A_197 = tpu.vector_load %arg9[%get3A_194, %get3A_195, %get3A_196] {strides = array<i32>} : memref<2x64x128xf32, #tpu.memory_space<vmem>>, vector<16xf32>,
      %mul3A_198 = arith.mulf %get3A_192, %get3A_197 : vector<16xf32>
      %add3A_199 = arith.addf %add3A_185, %mul3A_198 : vector<16xf32>
      %multiple_of3A_200 = arith.constant 64 : i32
      %multiple_of3A_201 = tpu.assume_multiple %multiple_of3A_200, 16 : i32
      %add3A_202 = arith.constant 192 : i32
      %add3A_203 = arith.addi %add3A_202, %scan3A_143 : i32
      %get3A_204 = arith.index_cast %add3A_203 : i32 to index
      %get3A_205 = arith.index_cast %multiple_of3A_201 : i32 to index
      %get3A_206 = tpu.vector_load %arg8[%get3A_204, %get3A_205] {strides = array<i32>} : memref<320x128xf32, #tpu.memory_space<vmem>>, vector<16xf32>,
      %get3A_207 = arith.constant 1 : i32
      %get3A_208 = arith.index_cast %get3A_207 : i32 to index
      %get3A_209 = arith.index_cast %scan3A_143 : i32 to index
      %get3A_210 = arith.index_cast %multiple_of3A_201 : i32 to index
      %get3A_211 = tpu.vector_load %arg9[%get3A_208, %get3A_209, %get3A_210] {strides = array<i32>} : memref<2x64x128xf32, #tpu.memory_space<vmem>>, vector<16xf32>,
      %mul3A_212 = arith.mulf %get3A_206, %get3A_211 : vector<16xf32>
      %add3A_213 = arith.addf %add3A_199, %mul3A_212 : vector<16xf32>
      %multiple_of3A_214 = arith.constant 80 : i32
      %multiple_of3A_215 = tpu.assume_multiple %multiple_of3A_214, 16 : i32
      %add3A_216 = arith.constant 192 : i32
      %add3A_217 = arith.addi %add3A_216, %scan3A_143 : i32
      %get3A_218 = arith.index_cast %add3A_217 : i32 to index
      %get3A_219 = arith.index_cast %multiple_of3A_215 : i32 to index
      %get3A_220 = tpu.vector_load %arg8[%get3A_218, %get3A_219] {strides = array<i32>} : memref<320x128xf32, #tpu.memory_space<vmem>>, vector<16xf32>,
      %get3A_221 = arith.constant 1 : i32
      %get3A_222 = arith.index_cast %get3A_221 : i32 to index
      %get3A_223 = arith.index_cast %scan3A_143 : i32 to index
      %get3A_224 = arith.index_cast %multiple_of3A_215 : i32 to index
      %get3A_225 = tpu.vector_load %arg9[%get3A_222, %get3A_223, %get3A_224] {strides = array<i32>} : memref<2x64x128xf32, #tpu.memory_space<vmem>>, vector<16xf32>,
      %mul3A_226 = arith.mulf %get3A_220, %get3A_225 : vector<16xf32>
      %add3A_227 = arith.addf %add3A_213, %mul3A_226 : vector<16xf32>
      %multiple_of3A_228 = arith.constant 96 : i32
      %multiple_of3A_229 = tpu.assume_multiple %multiple_of3A_228, 16 : i32
      %add3A_230 = arith.constant 192 : i32
      %add3A_231 = arith.addi %add3A_230, %scan3A_143 : i32
      %get3A_232 = arith.index_cast %add3A_231 : i32 to index
      %get3A_233 = arith.index_cast %multiple_of3A_229 : i32 to index
      %get3A_234 = tpu.vector_load %arg8[%get3A_232, %get3A_233] {strides = array<i32>} : memref<320x128xf32, #tpu.memory_space<vmem>>, vector<16xf32>,
      %get3A_235 = arith.constant 1 : i32
      %get3A_236 = arith.index_cast %get3A_235 : i32 to index
      %get3A_237 = arith.index_cast %scan3A_143 : i32 to index
      %get3A_238 = arith.index_cast %multiple_of3A_229 : i32 to index
      %get3A_239 = tpu.vector_load %arg9[%get3A_236, %get3A_237, %get3A_238] {strides = array<i32>} : memref<2x64x128xf32, #tpu.memory_space<vmem>>, vector<16xf32>,
      %mul3A_240 = arith.mulf %get3A_234, %get3A_239 : vector<16xf32>
      %add3A_241 = arith.addf %add3A_227, %mul3A_240 : vector<16xf32>
      %multiple_of3A_242 = arith.constant 112 : i32
      %multiple_of3A_243 = tpu.assume_multiple %multiple_of3A_242, 16 : i32
      %add3A_244 = arith.constant 192 : i32
      %add3A_245 = arith.addi %add3A_244, %scan3A_143 : i32
      %get3A_246 = arith.index_cast %add3A_245 : i32 to index
      %get3A_247 = arith.index_cast %multiple_of3A_243 : i32 to index
      %get3A_248 = tpu.vector_load %arg8[%get3A_246, %get3A_247] {strides = array<i32>} : memref<320x128xf32, #tpu.memory_space<vmem>>, vector<16xf32>,
      %get3A_249 = arith.constant 1 : i32
      %get3A_250 = arith.index_cast %get3A_249 : i32 to index
      %get3A_251 = arith.index_cast %scan3A_143 : i32 to index
      %get3A_252 = arith.index_cast %multiple_of3A_243 : i32 to index
      %get3A_253 = tpu.vector_load %arg9[%get3A_250, %get3A_251, %get3A_252] {strides = array<i32>} : memref<2x64x128xf32, #tpu.memory_space<vmem>>, vector<16xf32>,
      %mul3A_254 = arith.mulf %get3A_248, %get3A_253 : vector<16xf32>
      %add3A_255 = arith.addf %add3A_241, %mul3A_254 : vector<16xf32>
      %reduce_sum3A = arith.constant true
      %reduce_sum3A_256 = vector.broadcast %reduce_sum3A : i1 to vector<16xi1>
      %reduce_sum3A_257 = tpu.scan <sum>, %add3A_255 masked %reduce_sum3A_256 : vector<16xf32>, vector<16xi1> -> vector<16xf32>
      %reduce_sum3A_258 = vector.extract %reduce_sum3A_257[15] : f32 from vector<16xf32>
      %broadcast_in_dim3A_259 = vector.broadcast %reduce_sum3A_258 : f32 to vector<16xf32>
      %get3A_260 = arith.constant 0 : index
      %get3A_261 = tpu.vector_load %arg11[%get3A_260] {strides = array<i32>} : memref<16xf32, #tpu.memory_space<vmem>>, vector<16xf32>,
      %add3A_262 = arith.addf %broadcast_in_dim3A_259, %get3A_261 : vector<16xf32>
      %add3A_263 = arith.constant 192 : i32
      %add3A_264 = arith.addi %add3A_263, %scan3A_143 : i32
      %swap3A = arith.index_cast %add3A_264 : i32 to index
      %swap3A_265 = arith.constant 0 : index
      %swap3A_266 = tpu.vector_load %arg10[%swap3A, %swap3A_265] {strides = array<i32>} : memref<320x16xf32, #tpu.memory_space<vmem>>, vector<16xf32>,
      tpu.vector_store %arg10[%swap3A, %swap3A_265], %add3A_262 {strides = array<i32>} : memref<320x16xf32, #tpu.memory_space<vmem>>, vector<16xf32>,
      %scan3A_267 = arith.constant 0 : i32
      scf.yield %scan3A_267 : i32
    }
    %scan3A_125 = arith.constant 64 : i32
    %dma_wait3A_126 = arith.constant 0 : i32
    %dma_wait3A_127 = arith.constant 0 : i32
    %dma_wait3A_128 = arith.constant 0 : i32
    %dma_wait3A_129 = tpu.memref_slice %arg9[%dma_wait3A_126, %dma_wait3A_127, %dma_wait3A_128] : memref<2x64x128xf32, #tpu.memory_space<vmem>> -> memref<1x64x128xf32, #tpu.memory_space<vmem>>
    %dma_wait3A_130 = tpu.memref_squeeze %dma_wait3A_129 : memref<1x64x128xf32, #tpu.memory_space<vmem>> -> memref<64x128xf32, #tpu.memory_space<vmem>>
    %dma_wait3A_131 = arith.constant 256 : i32
    %dma_wait3A_132 = tpu.memref_slice %arg7[%dma_wait3A_131] : memref<320xi32, #tpu.memory_space<vmem>> -> memref<64xi32, #tpu.memory_space<vmem>>
    %dma_wait3A_133 = arith.constant 0 : i32
    %dma_wait3A_134 = arith.constant 0 : i32
    %dma_wait3A_135 = tpu.memref_slice %arg2[%dma_wait3A_133, %dma_wait3A_134] : memref<10240x128xf32, #tpu.memory_space<hbm>> -> memref<10240x128xf32, #tpu.memory_space<hbm>>
    tpu.wait_indirect_dma semaphore(%arg12 : memref<!tpu.dma_semaphore, #tpu.memory_space<semaphore_mem>>) src(%dma_wait3A_135 : memref<10240x128xf32, #tpu.memory_space<hbm>>) dst(%dma_wait3A_130 : memref<64x128xf32, #tpu.memory_space<vmem>>)
    %scan3A_136 = arith.constant 0 : i32
    %scan3A_137 = arith.constant 0 : i32
    %scan3A_138 = arith.constant 64 : i32
    %scan3A_139 = arith.addi %scan3A_137, %scan3A_138 : i32
    %scan3A_140 = arith.constant 1 : i32
    %scan3A_141 = scf.for %scan3A_143 = %scan3A_137 to %scan3A_139 step %scan3A_140 iter_args(%scan3A_144 = %scan3A_136) -> (i32)  : i32 {
      %broadcast_in_dim3A = arith.constant 0.000000e+00 : f32
      %broadcast_in_dim3A_145 = vector.broadcast %broadcast_in_dim3A : f32 to vector<16xf32>
      %multiple_of3A = arith.constant 0 : i32
      %multiple_of3A_146 = tpu.assume_multiple %multiple_of3A, 16 : i32
      %add3A_147 = arith.constant 256 : i32
      %add3A_148 = arith.addi %add3A_147, %scan3A_143 : i32
      %get3A = arith.index_cast %add3A_148 : i32 to index
      %get3A_149 = arith.index_cast %multiple_of3A_146 : i32 to index
      %get3A_150 = tpu.vector_load %arg8[%get3A, %get3A_149] {strides = array<i32>} : memref<320x128xf32, #tpu.memory_space<vmem>>, vector<16xf32>,
      %get3A_151 = arith.constant 0 : i32
      %get3A_152 = arith.index_cast %get3A_151 : i32 to index
      %get3A_153 = arith.index_cast %scan3A_143 : i32 to index
      %get3A_154 = arith.index_cast %multiple_of3A_146 : i32 to index
      %get3A_155 = tpu.vector_load %arg9[%get3A_152, %get3A_153, %get3A_154] {strides = array<i32>} : memref<2x64x128xf32, #tpu.memory_space<vmem>>, vector<16xf32>,
      %mul3A_156 = arith.mulf %get3A_150, %get3A_155 : vector<16xf32>
      %add3A_157 = arith.addf %broadcast_in_dim3A_145, %mul3A_156 : vector<16xf32>
      %multiple_of3A_158 = arith.constant 16 : i32
      %multiple_of3A_159 = tpu.assume_multiple %multiple_of3A_158, 16 : i32
      %add3A_160 = arith.constant 256 : i32
      %add3A_161 = arith.addi %add3A_160, %scan3A_143 : i32
      %get3A_162 = arith.index_cast %add3A_161 : i32 to index
      %get3A_163 = arith.index_cast %multiple_of3A_159 : i32 to index
      %get3A_164 = tpu.vector_load %arg8[%get3A_162, %get3A_163] {strides = array<i32>} : memref<320x128xf32, #tpu.memory_space<vmem>>, vector<16xf32>,
      %get3A_165 = arith.constant 0 : i32
      %get3A_166 = arith.index_cast %get3A_165 : i32 to index
      %get3A_167 = arith.index_cast %scan3A_143 : i32 to index
      %get3A_168 = arith.index_cast %multiple_of3A_159 : i32 to index
      %get3A_169 = tpu.vector_load %arg9[%get3A_166, %get3A_167, %get3A_168] {strides = array<i32>} : memref<2x64x128xf32, #tpu.memory_space<vmem>>, vector<16xf32>,
      %mul3A_170 = arith.mulf %get3A_164, %get3A_169 : vector<16xf32>
      %add3A_171 = arith.addf %add3A_157, %mul3A_170 : vector<16xf32>
      %multiple_of3A_172 = arith.constant 32 : i32
      %multiple_of3A_173 = tpu.assume_multiple %multiple_of3A_172, 16 : i32
      %add3A_174 = arith.constant 256 : i32
      %add3A_175 = arith.addi %add3A_174, %scan3A_143 : i32
      %get3A_176 = arith.index_cast %add3A_175 : i32 to index
      %get3A_177 = arith.index_cast %multiple_of3A_173 : i32 to index
      %get3A_178 = tpu.vector_load %arg8[%get3A_176, %get3A_177] {strides = array<i32>} : memref<320x128xf32, #tpu.memory_space<vmem>>, vector<16xf32>,
      %get3A_179 = arith.constant 0 : i32
      %get3A_180 = arith.index_cast %get3A_179 : i32 to index
      %get3A_181 = arith.index_cast %scan3A_143 : i32 to index
      %get3A_182 = arith.index_cast %multiple_of3A_173 : i32 to index
      %get3A_183 = tpu.vector_load %arg9[%get3A_180, %get3A_181, %get3A_182] {strides = array<i32>} : memref<2x64x128xf32, #tpu.memory_space<vmem>>, vector<16xf32>,
      %mul3A_184 = arith.mulf %get3A_178, %get3A_183 : vector<16xf32>
      %add3A_185 = arith.addf %add3A_171, %mul3A_184 : vector<16xf32>
      %multiple_of3A_186 = arith.constant 48 : i32
      %multiple_of3A_187 = tpu.assume_multiple %multiple_of3A_186, 16 : i32
      %add3A_188 = arith.constant 256 : i32
      %add3A_189 = arith.addi %add3A_188, %scan3A_143 : i32
      %get3A_190 = arith.index_cast %add3A_189 : i32 to index
      %get3A_191 = arith.index_cast %multiple_of3A_187 : i32 to index
      %get3A_192 = tpu.vector_load %arg8[%get3A_190, %get3A_191] {strides = array<i32>} : memref<320x128xf32, #tpu.memory_space<vmem>>, vector<16xf32>,
      %get3A_193 = arith.constant 0 : i32
      %get3A_194 = arith.index_cast %get3A_193 : i32 to index
      %get3A_195 = arith.index_cast %scan3A_143 : i32 to index
      %get3A_196 = arith.index_cast %multiple_of3A_187 : i32 to index
      %get3A_197 = tpu.vector_load %arg9[%get3A_194, %get3A_195, %get3A_196] {strides = array<i32>} : memref<2x64x128xf32, #tpu.memory_space<vmem>>, vector<16xf32>,
      %mul3A_198 = arith.mulf %get3A_192, %get3A_197 : vector<16xf32>
      %add3A_199 = arith.addf %add3A_185, %mul3A_198 : vector<16xf32>
      %multiple_of3A_200 = arith.constant 64 : i32
      %multiple_of3A_201 = tpu.assume_multiple %multiple_of3A_200, 16 : i32
      %add3A_202 = arith.constant 256 : i32
      %add3A_203 = arith.addi %add3A_202, %scan3A_143 : i32
      %get3A_204 = arith.index_cast %add3A_203 : i32 to index
      %get3A_205 = arith.index_cast %multiple_of3A_201 : i32 to index
      %get3A_206 = tpu.vector_load %arg8[%get3A_204, %get3A_205] {strides = array<i32>} : memref<320x128xf32, #tpu.memory_space<vmem>>, vector<16xf32>,
      %get3A_207 = arith.constant 0 : i32
      %get3A_208 = arith.index_cast %get3A_207 : i32 to index
      %get3A_209 = arith.index_cast %scan3A_143 : i32 to index
      %get3A_210 = arith.index_cast %multiple_of3A_201 : i32 to index
      %get3A_211 = tpu.vector_load %arg9[%get3A_208, %get3A_209, %get3A_210] {strides = array<i32>} : memref<2x64x128xf32, #tpu.memory_space<vmem>>, vector<16xf32>,
      %mul3A_212 = arith.mulf %get3A_206, %get3A_211 : vector<16xf32>
      %add3A_213 = arith.addf %add3A_199, %mul3A_212 : vector<16xf32>
      %multiple_of3A_214 = arith.constant 80 : i32
      %multiple_of3A_215 = tpu.assume_multiple %multiple_of3A_214, 16 : i32
      %add3A_216 = arith.constant 256 : i32
      %add3A_217 = arith.addi %add3A_216, %scan3A_143 : i32
      %get3A_218 = arith.index_cast %add3A_217 : i32 to index
      %get3A_219 = arith.index_cast %multiple_of3A_215 : i32 to index
      %get3A_220 = tpu.vector_load %arg8[%get3A_218, %get3A_219] {strides = array<i32>} : memref<320x128xf32, #tpu.memory_space<vmem>>, vector<16xf32>,
      %get3A_221 = arith.constant 0 : i32
      %get3A_222 = arith.index_cast %get3A_221 : i32 to index
      %get3A_223 = arith.index_cast %scan3A_143 : i32 to index
      %get3A_224 = arith.index_cast %multiple_of3A_215 : i32 to index
      %get3A_225 = tpu.vector_load %arg9[%get3A_222, %get3A_223, %get3A_224] {strides = array<i32>} : memref<2x64x128xf32, #tpu.memory_space<vmem>>, vector<16xf32>,
      %mul3A_226 = arith.mulf %get3A_220, %get3A_225 : vector<16xf32>
      %add3A_227 = arith.addf %add3A_213, %mul3A_226 : vector<16xf32>
      %multiple_of3A_228 = arith.constant 96 : i32
      %multiple_of3A_229 = tpu.assume_multiple %multiple_of3A_228, 16 : i32
      %add3A_230 = arith.constant 256 : i32
      %add3A_231 = arith.addi %add3A_230, %scan3A_143 : i32
      %get3A_232 = arith.index_cast %add3A_231 : i32 to index
      %get3A_233 = arith.index_cast %multiple_of3A_229 : i32 to index
      %get3A_234 = tpu.vector_load %arg8[%get3A_232, %get3A_233] {strides = array<i32>} : memref<320x128xf32, #tpu.memory_space<vmem>>, vector<16xf32>,
      %get3A_235 = arith.constant 0 : i32
      %get3A_236 = arith.index_cast %get3A_235 : i32 to index
      %get3A_237 = arith.index_cast %scan3A_143 : i32 to index
      %get3A_238 = arith.index_cast %multiple_of3A_229 : i32 to index
      %get3A_239 = tpu.vector_load %arg9[%get3A_236, %get3A_237, %get3A_238] {strides = array<i32>} : memref<2x64x128xf32, #tpu.memory_space<vmem>>, vector<16xf32>,
      %mul3A_240 = arith.mulf %get3A_234, %get3A_239 : vector<16xf32>
      %add3A_241 = arith.addf %add3A_227, %mul3A_240 : vector<16xf32>
      %multiple_of3A_242 = arith.constant 112 : i32
      %multiple_of3A_243 = tpu.assume_multiple %multiple_of3A_242, 16 : i32
      %add3A_244 = arith.constant 256 : i32
      %add3A_245 = arith.addi %add3A_244, %scan3A_143 : i32
      %get3A_246 = arith.index_cast %add3A_245 : i32 to index
      %get3A_247 = arith.index_cast %multiple_of3A_243 : i32 to index
      %get3A_248 = tpu.vector_load %arg8[%get3A_246, %get3A_247] {strides = array<i32>} : memref<320x128xf32, #tpu.memory_space<vmem>>, vector<16xf32>,
      %get3A_249 = arith.constant 0 : i32
      %get3A_250 = arith.index_cast %get3A_249 : i32 to index
      %get3A_251 = arith.index_cast %scan3A_143 : i32 to index
      %get3A_252 = arith.index_cast %multiple_of3A_243 : i32 to index
      %get3A_253 = tpu.vector_load %arg9[%get3A_250, %get3A_251, %get3A_252] {strides = array<i32>} : memref<2x64x128xf32, #tpu.memory_space<vmem>>, vector<16xf32>,
      %mul3A_254 = arith.mulf %get3A_248, %get3A_253 : vector<16xf32>
      %add3A_255 = arith.addf %add3A_241, %mul3A_254 : vector<16xf32>
      %reduce_sum3A = arith.constant true
      %reduce_sum3A_256 = vector.broadcast %reduce_sum3A : i1 to vector<16xi1>
      %reduce_sum3A_257 = tpu.scan <sum>, %add3A_255 masked %reduce_sum3A_256 : vector<16xf32>, vector<16xi1> -> vector<16xf32>
      %reduce_sum3A_258 = vector.extract %reduce_sum3A_257[15] : f32 from vector<16xf32>
      %broadcast_in_dim3A_259 = vector.broadcast %reduce_sum3A_258 : f32 to vector<16xf32>
      %get3A_260 = arith.constant 0 : index
      %get3A_261 = tpu.vector_load %arg11[%get3A_260] {strides = array<i32>} : memref<16xf32, #tpu.memory_space<vmem>>, vector<16xf32>,
      %add3A_262 = arith.addf %broadcast_in_dim3A_259, %get3A_261 : vector<16xf32>
      %add3A_263 = arith.constant 256 : i32
      %add3A_264 = arith.addi %add3A_263, %scan3A_143 : i32
      %swap3A = arith.index_cast %add3A_264 : i32 to index
      %swap3A_265 = arith.constant 0 : index
      %swap3A_266 = tpu.vector_load %arg10[%swap3A, %swap3A_265] {strides = array<i32>} : memref<320x16xf32, #tpu.memory_space<vmem>>, vector<16xf32>,
      tpu.vector_store %arg10[%swap3A, %swap3A_265], %add3A_262 {strides = array<i32>} : memref<320x16xf32, #tpu.memory_space<vmem>>, vector<16xf32>,
      %scan3A_267 = arith.constant 0 : i32
      scf.yield %scan3A_267 : i32
    }
    %scan3A_142 = arith.constant 64 : i32
    "tpu.region"() ({
      %run_scoped3A = tpu.sem_alloc : memref<!tpu.dma_semaphore, #tpu.memory_space<semaphore_mem>>
      %dma_start3A_143 = arith.constant 0 : i32
      %dma_start3A_144 = tpu.memref_slice %arg6[%mul3A_2, %dma_start3A_143] : memref<10240x16xf32, #tpu.memory_space<hbm>> -> memref<320x16xf32, #tpu.memory_space<hbm>>
      %dma_start3A_145 = arith.constant 0 : i32
      %dma_start3A_146 = tpu.memref_slice %arg6[%mul3A_2, %dma_start3A_145] : memref<10240x16xf32, #tpu.memory_space<hbm>> -> memref<320x16xf32, #tpu.memory_space<hbm>>
      tpu.enqueue_dma source(%arg10 : memref<320x16xf32, #tpu.memory_space<vmem>>) target(%dma_start3A_146 : memref<320x16xf32, #tpu.memory_space<hbm>>) target_semaphore(%run_scoped3A : memref<!tpu.dma_semaphore, #tpu.memory_space<semaphore_mem>>)
      %dma_wait3A_147 = arith.constant 0 : i32
      %dma_wait3A_148 = tpu.memref_slice %arg6[%mul3A_2, %dma_wait3A_147] : memref<10240x16xf32, #tpu.memory_space<hbm>> -> memref<320x16xf32, #tpu.memory_space<hbm>>
      %dma_wait3A_149 = arith.constant 0 : i32
      %dma_wait3A_150 = tpu.memref_slice %arg6[%mul3A_2, %dma_wait3A_149] : memref<10240x16xf32, #tpu.memory_space<hbm>> -> memref<320x16xf32, #tpu.memory_space<hbm>>
      tpu.wait_dma2 semaphore(%run_scoped3A : memref<!tpu.dma_semaphore, #tpu.memory_space<semaphore_mem>>) src(%arg10 : memref<320x16xf32, #tpu.memory_space<vmem>>) dst(%dma_wait3A_150 : memref<320x16xf32, #tpu.memory_space<hbm>>)
      tpu.yield
    }) : () -> ()
    return
  }
}

module attributes {stable_mosaic.version = 14 : i64} {
  func.func @_enc_body(%arg0: i32, %arg1: memref<1024x128xf32, #tpu.memory_space<vmem>>, %arg2: memref<128x128xf32, #tpu.memory_space<vmem>>, %arg3: memref<1024x2xf32, #tpu.memory_space<vmem>>, %arg4: memref<1024x128xf32, #tpu.memory_space<vmem>>, %arg5: memref<1024x1xf32, #tpu.memory_space<vmem>>) attributes {dimension_semantics = [#tpu.dimension_semantics<arbitrary>], iteration_bounds = array<i64: 10>, scalar_prefetch = 0 : i64, scratch_operands = 0 : i64, tpu.core_type = #tpu.core_type<tc>, window_params = [{transform_indices = @transform_0, window_bounds = array<i64: 1024, 128>}, {pipeline_mode = #tpu.pipeline_mode<synchronous>, transform_indices = @transform_1, window_bounds = array<i64: 128, 128>}, {transform_indices = @transform_2, window_bounds = array<i64: 1024, 2>}, {transform_indices = @transform_3, window_bounds = array<i64: 1024, 128>}, {transform_indices = @transform_4, window_bounds = array<i64: 1024, 1>}]} {
    %get3A = arith.constant 0 : index
    %get3A_0 = arith.constant 0 : index
    %get3A_1 = vector.load %arg3[%get3A, %get3A_0] : memref<1024x2xf32, #tpu.memory_space<vmem>>, vector<1024x1xf32>
    %get3A_2 = arith.constant 0 : index
    %get3A_3 = arith.constant 1 : index
    %get3A_4 = vector.load %arg3[%get3A_2, %get3A_3] : memref<1024x2xf32, #tpu.memory_space<vmem>>, vector<1024x1xf32>
    %add3A = arith.addf %get3A_1, %get3A_4 : vector<1024x1xf32>
    %add3A_5 = arith.constant 1.000000e+00 : f32
    %add3A_6 = vector.broadcast %add3A_5 : f32 to vector<1024x1xf32>
    %add3A_7 = arith.addf %add3A, %add3A_6 : vector<1024x1xf32>
    %max3A = arith.constant 1.000000e+00 : f32
    %max3A_8 = vector.broadcast %max3A : f32 to vector<1024x1xf32>
    %max3A_9 = arith.maximumf %add3A_7, %max3A_8 : vector<1024x1xf32>
    %rsqrt3A = math.rsqrt %max3A_9 : vector<1024x1xf32>
    %get3A_10 = arith.constant 0 : index
    %get3A_11 = arith.constant 0 : index
    %get3A_12 = vector.load %arg1[%get3A_10, %get3A_11] : memref<1024x128xf32, #tpu.memory_space<vmem>>, vector<1024x128xf32>
    %get3A_13 = arith.constant 0 : index
    %get3A_14 = arith.constant 0 : index
    %get3A_15 = vector.load %arg2[%get3A_13, %get3A_14] : memref<128x128xf32, #tpu.memory_space<vmem>>, vector<128x128xf32>
    %dot_general3A = arith.constant dense<0.000000e+00> : vector<1024x128xf32>
    %dot_general3A_16 = tpu.matmul %get3A_12, %get3A_15, %dot_general3A {dimension_numbers = #tpu.dot_dimension_numbers<[1], [0], [0], [1], [0, 0, 1, 1], [], []>, transpose_lhs_hint = false} : vector<1024x128xf32>, vector<128x128xf32>, vector<1024x128xf32> -> vector<1024x128xf32>
    %mul3A = vector.broadcast %rsqrt3A : vector<1024x1xf32> to vector<1024x128xf32>
    %mul3A_17 = arith.mulf %dot_general3A_16, %mul3A : vector<1024x128xf32>
    %swap3A = arith.constant 0 : index
    %swap3A_18 = arith.constant 0 : index
    %swap3A_19 = vector.load %arg4[%swap3A, %swap3A_18] : memref<1024x128xf32, #tpu.memory_space<vmem>>, vector<1024x128xf32>
    tpu.vector_store %arg4[%swap3A, %swap3A_18], %mul3A_17 {strides = array<i32>} : memref<1024x128xf32, #tpu.memory_space<vmem>>, vector<1024x128xf32>,
    %swap3A_20 = arith.constant 0 : index
    %swap3A_21 = arith.constant 0 : index
    %swap3A_22 = vector.load %arg5[%swap3A_20, %swap3A_21] : memref<1024x1xf32, #tpu.memory_space<vmem>>, vector<1024x1xf32>
    tpu.vector_store %arg5[%swap3A_20, %swap3A_21], %rsqrt3A {strides = array<i32>} : memref<1024x1xf32, #tpu.memory_space<vmem>>, vector<1024x1xf32>,
    return
  }
  func.func @transform_0(%arg0: i32) -> (i32, i32) {
    %c0_i32 = arith.constant 0 : i32
    %c0_i32_0 = arith.constant 0 : i32
    return %arg0, %c0_i32 : i32, i32
  }
  func.func @transform_1(%arg0: i32) -> (i32, i32) {
    %c0_i32 = arith.constant 0 : i32
    %c0_i32_0 = arith.constant 0 : i32
    %c0_i32_1 = arith.constant 0 : i32
    return %c0_i32, %c0_i32_0 : i32, i32
  }
  func.func @transform_2(%arg0: i32) -> (i32, i32) {
    %c0_i32 = arith.constant 0 : i32
    %c0_i32_0 = arith.constant 0 : i32
    return %arg0, %c0_i32 : i32, i32
  }
  func.func @transform_3(%arg0: i32) -> (i32, i32) {
    %c0_i32 = arith.constant 0 : i32
    %c0_i32_0 = arith.constant 0 : i32
    return %arg0, %c0_i32 : i32, i32
  }
  func.func @transform_4(%arg0: i32) -> (i32, i32) {
    %c0_i32 = arith.constant 0 : i32
    %c0_i32_0 = arith.constant 0 : i32
    return %arg0, %c0_i32 : i32, i32
  }
}

module attributes {stable_mosaic.version = 14 : i64} {
  func.func @_zt_body(%arg0: i32, %arg1: memref<1024x128xf32, #tpu.memory_space<vmem>>, %arg2: memref<1024x128xf32, #tpu.memory_space<vmem>>, %arg3: memref<1024x1xf32, #tpu.memory_space<vmem>>, %arg4: memref<1x128xf32, #tpu.memory_space<vmem>>, %arg5: memref<128x128xf32, #tpu.memory_space<vmem>>, %arg6: memref<1x1xf32, #tpu.memory_space<vmem>>, %arg7: memref<1024x128xf32, #tpu.memory_space<vmem>>, %arg8: memref<1024x128xf32, #tpu.memory_space<vmem>>, %arg9: memref<1024x1xf32, #tpu.memory_space<vmem>>) attributes {dimension_semantics = [#tpu.dimension_semantics<arbitrary>], iteration_bounds = array<i64: 10>, scalar_prefetch = 0 : i64, scratch_operands = 0 : i64, tpu.core_type = #tpu.core_type<tc>, window_params = [{transform_indices = @transform_0, window_bounds = array<i64: 1024, 128>}, {transform_indices = @transform_1, window_bounds = array<i64: 1024, 128>}, {transform_indices = @transform_2, window_bounds = array<i64: 1024, 1>}, {pipeline_mode = #tpu.pipeline_mode<synchronous>, transform_indices = @transform_3, window_bounds = array<i64: 1, 128>}, {pipeline_mode = #tpu.pipeline_mode<synchronous>, transform_indices = @transform_4, window_bounds = array<i64: 128, 128>}, {pipeline_mode = #tpu.pipeline_mode<synchronous>, transform_indices = @transform_5, window_bounds = array<i64: 1, 1>}, {transform_indices = @transform_6, window_bounds = array<i64: 1024, 128>}, {transform_indices = @transform_7, window_bounds = array<i64: 1024, 128>}, {transform_indices = @transform_8, window_bounds = array<i64: 1024, 1>}]} {
    %get3A = arith.constant 0 : index
    %get3A_0 = arith.constant 0 : index
    %get3A_1 = vector.load %arg3[%get3A, %get3A_0] : memref<1024x1xf32, #tpu.memory_space<vmem>>, vector<1024x1xf32>
    %get3A_2 = arith.constant 0 : index
    %get3A_3 = arith.constant 0 : index
    %get3A_4 = vector.load %arg1[%get3A_2, %get3A_3] : memref<1024x128xf32, #tpu.memory_space<vmem>>, vector<1024x128xf32>
    %get3A_5 = arith.constant 0 : index
    %get3A_6 = arith.constant 0 : index
    %get3A_7 = vector.load %arg2[%get3A_5, %get3A_6] : memref<1024x128xf32, #tpu.memory_space<vmem>>, vector<1024x128xf32>
    %add3A = arith.addf %get3A_4, %get3A_7 : vector<1024x128xf32>
    %mul3A = vector.broadcast %get3A_1 : vector<1024x1xf32> to vector<1024x128xf32>
    %mul3A_8 = arith.mulf %mul3A, %add3A : vector<1024x128xf32>
    %get3A_9 = arith.constant 0 : index
    %get3A_10 = arith.constant 0 : index
    %get3A_11 = vector.load %arg4[%get3A_9, %get3A_10] : memref<1x128xf32, #tpu.memory_space<vmem>>, vector<1x128xf32>
    %add3A_12 = vector.broadcast %get3A_11 : vector<1x128xf32> to vector<1024x128xf32>
    %add3A_13 = arith.addf %mul3A_8, %add3A_12 : vector<1024x128xf32>
    %get3A_14 = arith.constant 0 : index
    %get3A_15 = arith.constant 0 : index
    %get3A_16 = vector.load %arg5[%get3A_14, %get3A_15] : memref<128x128xf32, #tpu.memory_space<vmem>>, vector<128x128xf32>
    %dot_general3A = arith.constant dense<0.000000e+00> : vector<1024x128xf32>
    %dot_general3A_17 = tpu.matmul %add3A_13, %get3A_16, %dot_general3A {dimension_numbers = #tpu.dot_dimension_numbers<[1], [0], [0], [1], [0, 0, 1, 1], [], []>, transpose_lhs_hint = false} : vector<1024x128xf32>, vector<128x128xf32>, vector<1024x128xf32> -> vector<1024x128xf32>
    %swap3A = arith.constant 0 : index
    %swap3A_18 = arith.constant 0 : index
    %swap3A_19 = vector.load %arg7[%swap3A, %swap3A_18] : memref<1024x128xf32, #tpu.memory_space<vmem>>, vector<1024x128xf32>
    tpu.vector_store %arg7[%swap3A, %swap3A_18], %add3A_13 {strides = array<i32>} : memref<1024x128xf32, #tpu.memory_space<vmem>>, vector<1024x128xf32>,
    %swap3A_20 = arith.constant 0 : index
    %swap3A_21 = arith.constant 0 : index
    %swap3A_22 = vector.load %arg8[%swap3A_20, %swap3A_21] : memref<1024x128xf32, #tpu.memory_space<vmem>>, vector<1024x128xf32>
    tpu.vector_store %arg8[%swap3A_20, %swap3A_21], %dot_general3A_17 {strides = array<i32>} : memref<1024x128xf32, #tpu.memory_space<vmem>>, vector<1024x128xf32>,
    %mul3A_23 = arith.mulf %dot_general3A_17, %add3A_13 : vector<1024x128xf32>
    %reduce_sum3A = arith.constant dense<0.000000e+00> : vector<1024xf32>
    %reduce_sum3A_24 = vector.multi_reduction <add>, %mul3A_23, %reduce_sum3A [1] : vector<1024x128xf32> to vector<1024xf32>
    %broadcast_in_dim3A = vector.shape_cast %reduce_sum3A_24 : vector<1024xf32> to vector<1024x1xf32>
    %get3A_25 = arith.constant 0 : index
    %get3A_26 = arith.constant 0 : index
    %get3A_27 = vector.load %arg6[%get3A_25, %get3A_26] : memref<1x1xf32, #tpu.memory_space<vmem>>, vector<1x1xf32>
    %get3A_28 = vector.extract %get3A_27[0, 0] : f32 from vector<1x1xf32>
    %add3A_29 = vector.broadcast %get3A_28 : f32 to vector<1024x1xf32>
    %add3A_30 = arith.addf %broadcast_in_dim3A, %add3A_29 : vector<1024x1xf32>
    %swap3A_31 = arith.constant 0 : index
    %swap3A_32 = arith.constant 0 : index
    %swap3A_33 = vector.load %arg9[%swap3A_31, %swap3A_32] : memref<1024x1xf32, #tpu.memory_space<vmem>>, vector<1024x1xf32>
    tpu.vector_store %arg9[%swap3A_31, %swap3A_32], %add3A_30 {strides = array<i32>} : memref<1024x1xf32, #tpu.memory_space<vmem>>, vector<1024x1xf32>,
    return
  }
  func.func @transform_0(%arg0: i32) -> (i32, i32) {
    %c0_i32 = arith.constant 0 : i32
    %c0_i32_0 = arith.constant 0 : i32
    return %arg0, %c0_i32 : i32, i32
  }
  func.func @transform_1(%arg0: i32) -> (i32, i32) {
    %c0_i32 = arith.constant 0 : i32
    %c0_i32_0 = arith.constant 0 : i32
    return %arg0, %c0_i32 : i32, i32
  }
  func.func @transform_2(%arg0: i32) -> (i32, i32) {
    %c0_i32 = arith.constant 0 : i32
    %c0_i32_0 = arith.constant 0 : i32
    return %arg0, %c0_i32 : i32, i32
  }
  func.func @transform_3(%arg0: i32) -> (i32, i32) {
    %c0_i32 = arith.constant 0 : i32
    %c0_i32_0 = arith.constant 0 : i32
    %c0_i32_1 = arith.constant 0 : i32
    return %c0_i32, %c0_i32_0 : i32, i32
  }
  func.func @transform_4(%arg0: i32) -> (i32, i32) {
    %c0_i32 = arith.constant 0 : i32
    %c0_i32_0 = arith.constant 0 : i32
    %c0_i32_1 = arith.constant 0 : i32
    return %c0_i32, %c0_i32_0 : i32, i32
  }
  func.func @transform_5(%arg0: i32) -> (i32, i32) {
    %c0_i32 = arith.constant 0 : i32
    %c0_i32_0 = arith.constant 0 : i32
    %c0_i32_1 = arith.constant 0 : i32
    return %c0_i32, %c0_i32_0 : i32, i32
  }
  func.func @transform_6(%arg0: i32) -> (i32, i32) {
    %c0_i32 = arith.constant 0 : i32
    %c0_i32_0 = arith.constant 0 : i32
    return %arg0, %c0_i32 : i32, i32
  }
  func.func @transform_7(%arg0: i32) -> (i32, i32) {
    %c0_i32 = arith.constant 0 : i32
    %c0_i32_0 = arith.constant 0 : i32
    return %arg0, %c0_i32 : i32, i32
  }
  func.func @transform_8(%arg0: i32) -> (i32, i32) {
    %c0_i32 = arith.constant 0 : i32
    %c0_i32_0 = arith.constant 0 : i32
    return %arg0, %c0_i32 : i32, i32
  }
}

</mosaic_0001>

<sc_bundles>
// kernel: kernel.10.cloned.1.call-start
scs
__scs_entry_jumppad:
0x0: {  	(pc) =	sbr.rel $0x88, $3  }
0x1: {  	(tag) =	ssettag $0x0;
	lr =	simm.s32 $0x1  }
0x2: {  	[smem:$0x3F9A] =	sst lr;
	_ =	strace $0xD0000000  }
0x3: {  	_ = 	snop  }
0x4: {  	_ = 	snop  }
0x5: {  	_ = 	snop  }
0x6: {  	_ = 	snop  }
0x7: {  	_ = 	snop  }
__scs_overlays_trampoline_lowered:
0x8: {  	[smem:$0x3FA9] =	sst s0  }
0x9: {  	[smem:$0x3FAA] =	sst s1  }
0xa: {  	[smem:$0x3FAB] =	sst s2  }
0xb: {  	[smem:$0x3FAC] =	sst s3  }
0xc: {  	[smem:$0x3FAD] =	sst s4  }
0xd: {  	[smem:$0x3FAE] =	sst s5  }
0xe: {  	[smem:$0x3FAF] =	sst s6  }
0xf: {  	[smem:$0x3FB0] =	sst s7  }
0x10: {  	[smem:$0x3FB1] =	sst s8  }
0x11: {  	[smem:$0x3FB2] =	sst s9;
	s0 =	simm.s32 @!p0 $0x0  }
0x12: {  	s1 =	sld [smem:$0x3F98];
	s0 =	simm.s32 @p0 $0x1  }
0x13: {  	[smem:$0x3FB3] =	sst s0;
	s0 =	simm.s32 @!p1 $0x0  }
0x14: {  	s2 =	sld [smem:$0x3F97];
	s0 =	simm.s32 @p1 $0x1  }
0x15: {  	[smem:$0x3FB4] =	sst s0;
	s0 =	simm.s32 @!p2 $0x0  }
0x16: {  	s3 =	sld [smem:$0x3FDB];
	s0 =	simm.s32 @p2 $0x1  }
0x17: {  	s4 =	simm.s32 $0x1BF5;
	[smem:$0x3FB6] =	sst s0  }
0x18: {  	s0 =	sld [smem:$0x3F99];
	_ =	swait.ge [sflag:s4], $0x0  }
0x19: {  	s7 =	sld [smem:$0x3F9A]  }
0x1a: {  	s8 =	sadd.s32 $0xFFFFE003, lr  }
0x1b: {  	s9 =	sadd.s32 $0xFFFFFEF7, lr;
	s5 =	simm.s32 $0xFFFFFFFF;
	p2 =	slt.u32 s8, $0xFFFFF086  }
0x1c: {  	p1 =	slt.u32 s9, $0xF7A;
	s5 =	simm.s32 @!p2 $0x0  }
0x1d: {  	s5 =	simm.s32 @p1 $0x1;
	p0 =	seq.s32 s7, s2  }
0x1e: {  	s7 =	smul.u32 @!p0 $0xF7A, s2;
	p2 =	seq.s32 @!p0 s5, $0x0  }
0x1f: {  	s9 =	smul.u32 $0xF7A, s1;
	s8 =	simm.s32 @!p0 $0x1BF5;
	p2 =	por !p2, p0  }
0x20: {  	[sflag:s8] =	ssyncset.s32 @!p0 $0xFFFFF086;
	s6 =	sadd.s32 @!p0 s3, s7;
	s7 =	simm.s32 @!p0 $0x108  }
0x21: {  	s3 =	sadd.s32 s3, s9;
	s6 =	sadd.s32 @!p0 $0x88, s6;
	s7 =	simm.s32 @p2 $0x1082  }
0x22: {  	[simem:s7], [sflag:s8] =	dma.local @!p0 [hbm:s6], $0xF7A  }
0x23: {  	s9 =	sor.u32 $0xD0000000, s2;
	s6 =	simm.s32 $0x108;
	_ =	swait.ge @!p0 [sflag:s8], $0x0  }
0x24: {  	s3 =	sadd.s32 $0x88, s3;
	s6 =	simm.s32 @!p1 $0x1082;
	[sflag:s4] =	ssyncset.s32 $0xFFFFF086  }
0x25: {  	[simem:s6], [sflag:s4] =	dma.local [hbm:s3], $0xF7A  }
0x26: {  	[smem:$0x3F9A] =	sst s1;
	(tag) =	ssettag s2;
	_ =	strace s9  }
0x27: {  	s1 =	sld [smem:$0x3FAA]  }
0x28: {  	s2 =	sld [smem:$0x3FAB]  }
0x29: {  	s4 =	sld [smem:$0x3FAD]  }
0x2a: {  	p0 =	seq.s32 s5, $0x0;
	s5 =	sld [smem:$0x3FAE]  }
0x2b: {  	s6 =	sld [smem:$0x3FAF]  }
0x2c: {  	s7 =	sld [smem:$0x3FB0]  }
0x2d: {  	s3 =	simm.s32 $0x108;
	s8 =	sld [smem:$0x3FB1]  }
0x2e: {  	s3 =	simm.s32 @!p0 $0x1082;
	s9 =	sld [smem:$0x3FB2]  }
0x2f: {  	lr =	sadd.s32 s0, s3;
	s0 =	sld [smem:$0x3FA9]  }
0x30: {  	s3 =	sld [smem:$0x3FAC]  }
0x31: {  	[smem:$0x3FB5] =	sst s10  }
0x32: {  	s10 =	sld [smem:$0x3FB3];
	_ =	sdelay $0x3  }
0x33: {  	p0 =	seq.s32 s10, $0x1;
	s10 =	sld [smem:$0x3FB5];
	_ =	sdelay $0x3  }
0x34: {  	[smem:$0x3FB5] =	sst s10  }
0x35: {  	s10 =	sld [smem:$0x3FB4];
	_ =	sdelay $0x3  }
0x36: {  	p1 =	seq.s32 s10, $0x1;
	s10 =	sld [smem:$0x3FB5];
	_ =	sdelay $0x3  }
0x37: {  	[smem:$0x3FB5] =	sst s10  }
0x38: {  	s10 =	sld [smem:$0x3FB6]  }
0x39: {  	_ = 	snop;
	(pc) =	sbr.ind lr, $3  }
0x3a: {  	_ = 	snop  }
0x3b: {  	_ = 	snop  }
0x3c: {  	p2 =	seq.s32 s10, $0x1;
	s10 =	sld [smem:$0x3FB5]  }
0x3d: {  	_ =	shalt  }
0x3e: {  	_ =	shalt  }
0x3f: {  	_ =	shalt  }
0x40: {  	_ =	shalt  }
0x41: {  	_ =	shalt  }
0x42: {  	_ =	shalt  }
0x43: {  	_ =	shalt  }
0x44: {  	_ =	shalt  }
0x45: {  	_ =	shalt  }
0x46: {  	_ =	shalt  }
0x47: {  	_ =	shalt  }
0x48: {  	_ =	shalt  }
0x49: {  	_ =	shalt  }
0x4a: {  	_ =	shalt  }
0x4b: {  	_ =	shalt  }
0x4c: {  	_ =	shalt  }
0x4d: {  	_ =	shalt  }
0x4e: {  	_ =	shalt  }
0x4f: {  	_ =	shalt  }
0x50: {  	_ =	shalt  }
0x51: {  	_ =	shalt  }
0x52: {  	_ =	shalt  }
0x53: {  	_ =	shalt  }
0x54: {  	_ =	shalt  }
0x55: {  	_ =	shalt  }
0x56: {  	_ =	shalt  }
0x57: {  	_ =	shalt  }
0x58: {  	_ =	shalt  }
0x59: {  	_ =	shalt  }
0x5a: {  	_ =	shalt  }
0x5b: {  	_ =	shalt  }
0x5c: {  	_ =	shalt  }
0x5d: {  	_ =	shalt  }
0x5e: {  	_ =	shalt  }
0x5f: {  	_ =	shalt  }
0x60: {  	_ =	shalt  }
0x61: {  	_ =	shalt  }
0x62: {  	_ =	shalt  }
0x63: {  	_ =	shalt  }
0x64: {  	_ =	shalt  }
0x65: {  	_ =	shalt  }
0x66: {  	_ =	shalt  }
0x67: {  	_ =	shalt  }
0x68: {  	_ =	shalt  }
0x69: {  	_ =	shalt  }
0x6a: {  	_ =	shalt  }
0x6b: {  	_ =	shalt  }
0x6c: {  	_ =	shalt  }
0x6d: {  	_ =	shalt  }
0x6e: {  	_ =	shalt  }
0x6f: {  	_ =	shalt  }
0x70: {  	_ =	shalt  }
0x71: {  	_ =	shalt  }
0x72: {  	_ =	shalt  }
0x73: {  	_ =	shalt  }
0x74: {  	_ =	shalt  }
0x75: {  	_ =	shalt  }
0x76: {  	_ =	shalt  }
0x77: {  	_ =	shalt  }
0x78: {  	_ =	shalt  }
0x79: {  	_ =	shalt  }
0x7a: {  	_ =	shalt  }
0x7b: {  	_ =	shalt  }
0x7c: {  	_ =	shalt  }
0x7d: {  	_ =	shalt  }
0x7e: {  	_ =	shalt  }
0x7f: {  	_ =	shalt  }
0x80: {  	_ =	shalt  }
0x81: {  	_ =	shalt  }
0x82: {  	_ =	shalt  }
0x83: {  	_ =	shalt  }
0x84: {  	_ =	shalt  }
0x85: {  	_ =	shalt  }
0x86: {  	_ =	shalt  }
0x87: {  	_ =	shalt  }
.Lfunc_end0:
.L_simem_size_0:
called_computation.1_lowered:
.L_overlay_start_0:
0x88: {  	s2 =	sld [smem:$0x3FD9]  }
0x89: {  	s3 =	sld [smem:$0x3FFE];
	_ =	sdelay $0x1  }
0x8a: {  	s1 =	srdreg.scid  }
0x8b: {  	s0 =	sand.u32 $0x1, s1  }
0x8c: {  	s16 =	sshll.u32 s0, $0xA;
	s2 =	sadd.s32 s3, s2  }
0x8d: {  	s2 =	sadd.s32 s2, s16  }
0x8e: {  	[smem:$0x3FC1] =	sst s2  }
0x8f: {  	_ = 	snop  }
0x90: {  	(tm) =	ssettm $0x1  }
0x91: {  	s17 =	sld [smem:$0x3FFB];
	_ =	sdelay $0x3  }
0x92: {  	_ =	strace s17  }
0x93: {  	s2 =	sld [smem:$0x3FFC];
	_ =	sdelay $0x3  }
0x94: {  	_ =	strace s2  }
0x95: {  	s2 =	sld [smem:$0x3FFD];
	_ =	sdelay $0x3  }
0x96: {  	_ =	strace s2  }
0x97: {  	_ =	strace $0x8FFFFFFF  }
0x98: {  	s18 =	sld [smem:$0x3FDB];
	_ =	sdelay $0x1  }
0x99: {  	s19 =	simm.s32 $_scs_section_size  }
0x9a: {  	s4 =	simm.s32 $_size__tile_overlayer_lowered;
	s5 =	simm.s32 $_tile_overlayer_lowered  }
0x9b: {  	s22 =	simm.s32 $0x1BFF;
	s21 =	sshll.u32 s5, $0x1;
	s2 =	sadd.s32 s19, s18  }
0x9c: {  	s6 =	simm.s32 $0x0;
	s20 =	sshll.u32 s4, $0x1;
	s4 =	sadd.s32 s21, s2  }
0x9d: {  	[timem:s6], [sflag:s22] =	dma.local [hbm:s4], s20  }
0x9e: {  	_ =	swait.ge [sflag:s22], s20  }
0x9f: {  	s3 =	ssub.s32 $0x0, s20;
	[sflag:s22] =	ssyncset.done $0x0  }
0xa0: {  	[sflag:s22] =	ssyncadd.s32 s3;
	_ =	sdelay $0x1  }
0xa1: {  	s23 =	simm.s32 $0x1B8B  }
0xa2: {  	_ =	swait.ge [sflag:s23], $0x1  }
0xa3: {  	[sflag:s23] =	ssyncset.done $0x0  }
0xa4: {  	s25 =	simm.s32 $0x1B8E;
	s24 =	sld [smem:$0x3FFE];
	[sflag:s23] =	ssyncadd.s32 $0xFFFFFFFF  }
0xa5: {  	s26 =	simm.s32 $execute0_lowered;
	[smem:$0x3FD2] =	sst s25  }
0xa6: {  	s4 =	sshll.u32 s26, $0x1;
	_ =	strace $0x80000049;
	[dreg:$0x1] =	wrdreg $0xFFFFFFFF  }
0xa7: {  	s28 =	simm.s32 $_size_execute0_lowered;
	s2 =	sadd.s32 s2, s4;
	[dreg:$0x0] =	wrdreg $0x0  }
0xa8: {  	s4 =	sshll.u32 s28, $0x1;
	[dreg:$0x2] =	wrdreg s2  }
0xa9: {  	[dreg:$0x3] =	wrdreg s4  }
0xaa: {  	[dreg:$0x4] =	wrdreg $0xC0  }
0xab: {  	_ =	task [dreg:s6], $0x5FFFF  }
0xac: {  	[dreg:$0x1] =	wrdreg $0xFFFFFFFF  }
0xad: {  	[dreg:$0x0] =	wrdreg $0x60  }
0xae: {  	[dreg:$0x2] =	wrdreg s24  }
0xaf: {  	[dreg:$0x3] =	wrdreg $0xA0000  }
0xb0: {  	[dreg:$0x4] =	wrdreg $0x0  }
0xb1: {  	[dreg:$0x5] =	wrdreg $0x9  }
0xb2: {  	_ =	task.clear_ibuf [dreg:s6], $0x6FFFF;
	_ =	strace $0x90000049  }
0xb3: {  	s29 =	simm.s32 $0x9;
	_ =	strace $0x8000004B  }
0xb4: {  	_ =	swait.ge [sflag:s29], $0x1  }
0xb5: {  	[sflag:s29] =	ssyncadd.s32 $0xFFFFFFFF  }
0xb6: {  	_ =	strace $0x9000004B  }
0xb7: {  	_ =	sfence  }
0xb8: {  	s30 =	sld [smem:$0x0];
	_ =	sdelay $0x2  }
0xb9: {  	s31 =	sshll.u32 s1, $0xD;
	s1 =	sshrl.u32 s1, $0x2  }
0xba: {  	s3 =	sand.u32 $0x4000, s31;
	s1 =	sadd.s32 s1, s30  }
0xbb: {  	s0 =	sor.u32 s3, s0;
	s1 =	sshll.u32 s1, $0x11  }
0xbc: {  	s0 =	sor.u32 s1, s0  }
0xbd: {  	s0 =	sadd.s32 $0x8F2B, s0  }
0xbe: {  	[sflag:s0] =	ssyncadd.remote.s32 $0x1  }
0xbf: {  	_ =	sfence.sel $0xFFFF  }
0xc0: {  	[dreg:$0x0] =	wrdreg $0xFFFFFFFF;
	(pc) =	sbr.abs _section_cstart, $3  }
0xc1: {  	[dreg:$0x1] =	wrdreg $0xFFFFFFFF  }
0xc2: {  	_ =	task.clear_ibuf [dreg:s6], $0x2FFFF;
	_ =	strace $0x9FFFFFFF  }
0xc3: {  	(tm) =	ssettm $0x7FFFFFFF  }
tec
execute0_lowered:
.L_overlay_start_1:
0x0: {  	(tag) =	ssettag $0x1  }
0x1: {  	s0 =	rddreg [dreg:$0x0]  }
0x2: {  	s2 =	rddreg [dreg:$0x1]  }
0x3: {  	s3 =	rddreg [dreg:$0x2]  }
0x4: {  	s1 =	srdreg.scid;
	s11 =	stileid.u32;
	s5 =	simm.s32 $0x0  }
0x5: {  	s28 =	simm.s32 $0x1;
	s29 =	simm.s32 $0x15A80;
	s4 =	smul.u32 $0xA000, s11  }
0x6: {  	s30 =	simm.s32 $0x14300;
	s31 =	simm.s32 $0x2;
	s9 =	smul.u32 $0x28800, s11  }
0x7: {  	s1 =	sand.u32 $0x1, s1;
	[smem:$0x7FF] =	sst s5;
	s10 =	smul.u32 $0x140, s11  }
0x8: {  	s6 =	sadd.s32 $0x23400, s0;
	s8 =	sadd.s32 $0x17000, s0;
	s12 =	smul.u32 $0x1880, s11  }
0x9: {  	s7 =	sadd.s32 $0x2600, s0;
	s19 =	sshll.u32 s11, $0x6;
	s14 =	smul.u32 $0xA0000, s1  }
0xa: {  	_ =	strace $0x8000004A;
	[dreg:$0x4] =	wrdreg s7;
	s15 =	ssub.s32 $0x2, s1  }
0xb: {  	s18 =	smul.u32 $0x1400, s1;
	[dreg:$0x5] =	wrdreg s19;
	s7 =	sor.u32 $0x1C05, s19  }
0xc: {  	s20 =	smul.u32 $0x49800, s1;
	s21 =	sxor.u32 $0x1, s1;
	s19 =	simm.s32 $0x14200  }
0xd: {  	s16 =	sshrl.u32 s15, $0x1;
	s17 =	sshrl.u32 s9, $0x2;
	s13 =	sadd.s32 s4, s3  }
0xe: {  	s26 =	sadd.s32 s4, s2;
	s5 =	sadd.s32 s4, s14;
	s17 =	sadd.s32 s17, s2  }
0xf: {  	s9 =	sadd.s32 s10, s18;
	[dreg:$0x6] =	wrdreg s13;
	s14 =	sadd.s32 s12, s20  }
0x10: {  	s13 =	smul.u32 $0x1400, s21;
	s18 =	simm.s32 $0x5;
	s4 =	simm.s32 $0x17280  }
0x11: {  	s5 =	sshrl.u32 s5, $0x3;
	s9 =	sshll.u32 s9, $0x4;
	s14 =	sshrl.u32 s14, $0x3  }
0x12: {  	s17 =	sshrl.u32 s17, $0x3;
	s0 =	sadd.s32 s5, s0;
	s5 =	ssub.s32 s15, s16  }
0x13: {  	s15 =	sadd.s32 $0xC40, s12;
	s16 =	sshll.u32 s21, $0x1;
	s9 =	sadd.s32 s6, s9  }
0x14: {  	s22 =	sadd.s32 s8, s14;
	s24 =	sadd.s32 s10, s13;
	s21 =	simm.s32 $0x3  }
0x15: {  	s11 =	sadd.s32 s20, s15;
	s1 =	sor.u32 s1, s16;
	[dreg:$0x7] =	wrdreg s9  }
0x16: {  	[dreg:$0x8] =	wrdreg s22;
	s9 =	sshll.u32 s24, $0x4;
	s16 =	smax.u32 s5, $0x1  }
0x17: {  	s20 =	simm.s32 $0x14E40;
	s11 =	sshrl.u32 s11, $0x3;
	s1 =	smul.u32 $0x18800, s1  }
0x18: {  	s22 =	simm.s32 $0x80;
	s24 =	simm.s32 $0x14280;
	s23 =	sadd.s32 s8, s11  }
0x19: {  	s5 =	simm.s32 $0x0;
	[dreg:$0x9] =	wrdreg s23;
	s25 =	sadd.s32 s12, s1  }
0x1a: {  	s1 =	sadd.s32 s15, s1;
	s12 =	sadd.s32 s6, s9;
	s15 =	sadd.s32 $0x73400, s0  }
0x1b: {  	s23 =	simm.s32 $0x17300;
	s0 =	simm.s32 $0x15B00;
	s10 =	sshrl.u32 s25, $0x3  }
0x1c: {  	s1 =	sshrl.u32 s1, $0x3;
	s25 =	sshrl.u32 s26, $0x3;
	s26 =	simm.s32 $0x1B300  }
0x1d: {  	s13 =	sadd.s32 s8, s10;
	s14 =	sadd.s32 s8, s1;
	s1 =	simm.s32 $0x4  }
.LBB2_1:
0x1e: {  	s6 =	rddreg [dreg:$0x4]  }
0x1f: {  	[spmem:s17], [sflag:s7] =	dma.local [hbm:s6], $0x1440  }
0x20: {  	_ =	swait.ge [sflag:s18], $0x1440  }
0x21: {  	[sflag:s18] =	ssyncset.done $0x0;
	s9 =	rddreg [dreg:$0x5]  }
0x22: {  	s10 =	rddreg [dreg:$0x6];
	[sflag:s18] =	ssyncadd.s32 $0xFFFFEBC0  }
0x23: {  	s8 =	sor.u32 $0x1C03, s9;
	s6 =	sshrl.u32 s10, $0x3;
	s9 =	rddreg [dreg:$0x7]  }
0x24: {  	[spmem:s6], [sflag:s8] =	dma.local [hbm:s9], $0x1400  }
0x25: {  	s9 =	simm.s32 $0x0;
	s10 =	rddreg [dreg:$0x8]  }
0x26: {  	[tilespmem:s19], [sflag:$0x5] =	stream.linear.gather [hbm4b:s10+s9], $0xC40, $0x38;
	[tilespmem:$0x1F300] =	vst v63  }
0x27: {  	_ =	swait.ge [sflag:s18], $0xC40  }
0x28: {  	[sflag:s18] =	ssyncset.done $0x0  }
0x29: {  	s11 =	rddreg [dreg:$0x9];
	[sflag:s18] =	ssyncadd.s32 $0xFFFFF3C0  }
0x2a: {  	[tilespmem:s20], [sflag:$0x5] =	stream.linear.gather [hbm4b:s11+s9], $0xC40, $0x38;
	[tilespmem:$0x1F300] =	vst v63  }
0x2b: {  	_ =	swait.ge [sflag:s18], $0xC40  }
0x2c: {  	[sflag:s18] =	ssyncset.done $0x0  }
0x2d: {  	s9 =	simm.s32 $0x0;
	[sflag:s18] =	ssyncadd.s32 $0xFFFFF3C0  }
0x2e: {  	v0 =	vld [tilespmem:s9+$0x14200]  }
0x2f: {  	v6 =	vld [tilespmem:s9+$0x14210]  }
0x30: {  	v5 =	vld [tilespmem:s9+$0x14220]  }
0x31: {  	v4 =	vld [tilespmem:s9+$0x14230]  }
0x32: {  	v2 =	vld [tilespmem:s9+$0x14240]  }
0x33: {  	v3 =	vld [tilespmem:s9+$0x14250];
	v1 =	vshra.s32 v0, $0x10  }
0x34: {  	s10 =	simm.s32 $0x200;
	v0 =	vand.u32 $0xFFFF, v0;
	v7 =	vshra.s32 v6, $0x10;
	[tilespmem:s9+$0x14200] =	vst v1;
	v1 =	vand.u32 $0xFFFF, v6;
	v6 =	vld [tilespmem:s9+$0x14260]  }
.LBB2_2:
0x35: {  	p0 =	sne.s32 s10, $0x6000;
	[tilespmem:s9+$0x14210] =	vst v7;
	v7 =	vand.u32 $0xFFFF, v5;
	v5 =	vshra.s32 v5, $0x10;
	v8 =	vld [tilespmem:s9+$0x14270]  }
0x36: {  	[tilespmem:s9+$0x14220] =	vst v5;
	v5 =	vand.u32 $0xFFFF, v4;
	v4 =	vshra.s32 v4, $0x10  }
0x37: {  	[tilespmem:s9+$0x14230] =	vst v4;
	v4 =	vand.u32 $0xFFFF, v2;
	v2 =	vshra.s32 v2, $0x10  }
0x38: {  	[tilespmem:s9+$0x14240] =	vst v2;
	v2 =	vand.u32 $0xFFFF, v3;
	v3 =	vshra.s32 v3, $0x10  }
0x39: {  	[tilespmem:s9+$0x14250] =	vst v3;
	v3 =	vand.u32 $0xFFFF, v6;
	v6 =	vshra.s32 v6, $0x10  }
0x3a: {  	[tilespmem:s9+$0x14260] =	vst v6;
	v6 =	vand.u32 $0xFFFF, v8;
	v8 =	vshra.s32 v8, $0x10  }
0x3b: {  	[tilespmem:s9+$0x14270] =	vst v8  }
0x3c: {  	[tilespmem:s9+$0x15A80] =	vst v0  }
0x3d: {  	s11 =	sshra.s32 s10, $0x2;
	[tilespmem:s9+$0x15A90] =	vst v1  }
0x3e: {  	v1 =	vld [tilespmem:s11+$0x14200];
	[tilespmem:s9+$0x15AA0] =	vst v7  }
0x3f: {  	v7 =	vld [tilespmem:s11+$0x14210];
	[tilespmem:s9+$0x15AB0] =	vst v5  }
.Ltmp0:
0x40: {  	v5 =	vld [tilespmem:s11+$0x14220];
	[tilespmem:s9+$0x15AC0] =	vst v4;
	(pc) =	sbr.rel @p0 .LBB2_2-.Ltmp0, $4  }
0x41: {  	v4 =	vld [tilespmem:s11+$0x14230];
	[tilespmem:s9+$0x15AD0] =	vst v2  }
0x42: {  	v2 =	vld [tilespmem:s11+$0x14240];
	[tilespmem:s9+$0x15AE0] =	vst v3  }
0x43: {  	v0 =	vand.u32 $0xFFFF, v1;
	v1 =	vshra.s32 v1, $0x10;
	v3 =	vld [tilespmem:s11+$0x14250];
	[tilespmem:s9+$0x15AF0] =	vst v6;
	s9 =	smov.u32 s11  }
0x44: {  	s10 =	sadd.s32 $0x200, s10;
	[tilespmem:s9+$0x14200] =	vst v1;
	v1 =	vand.u32 $0xFFFF, v7;
	v7 =	vshra.s32 v7, $0x10;
	v6 =	vld [tilespmem:s9+$0x14260]  }
0x45: {  	[tilespmem:s9+$0x14210] =	vst v7  }
0x46: {  	[tilespmem:s9+$0x15A80] =	vst v0  }
0x47: {  	v52 =	vshra.s32 v5, $0x10;
	[tilespmem:s9+$0x15A90] =	vst v1  }
0x48: {  	v58 =	vand.u32 $0xFFFF, v5;
	[tilespmem:s9+$0x14220] =	vst v52  }
0x49: {  	v53 =	vshra.s32 v4, $0x10;
	[tilespmem:s9+$0x15AA0] =	vst v58  }
0x4a: {  	v59 =	vand.u32 $0xFFFF, v4;
	[tilespmem:s9+$0x14230] =	vst v53  }
0x4b: {  	v54 =	vshra.s32 v2, $0x10;
	[tilespmem:s9+$0x15AB0] =	vst v59  }
0x4c: {  	v8 =	vld [tilespmem:s9+$0x14270];
	v60 =	vand.u32 $0xFFFF, v2;
	[tilespmem:s9+$0x14240] =	vst v54  }
0x4d: {  	v55 =	vshra.s32 v3, $0x10;
	[tilespmem:s9+$0x15AC0] =	vst v60  }
0x4e: {  	v61 =	vand.u32 $0xFFFF, v3;
	[tilespmem:s9+$0x14250] =	vst v55  }
0x4f: {  	v56 =	vshra.s32 v6, $0x10;
	[tilespmem:s9+$0x15AD0] =	vst v61  }
0x50: {  	v62 =	vand.u32 $0xFFFF, v6;
	[tilespmem:s9+$0x14260] =	vst v56  }
0x51: {  	v57 =	vshra.s32 v8, $0x10;
	[tilespmem:s9+$0x15AE0] =	vst v62  }
0x52: {  	v63 =	vand.u32 $0xFFFF, v8;
	[tilespmem:s9+$0x14270] =	vst v57  }
0x53: {  	[tilespmem:s9+$0x15AF0] =	vst v63  }
0x54: {  	_ =	swait.ge [sflag:s21], $0x1400  }
0x55: {  	[sflag:s21] =	ssyncset.done $0x0  }
0x56: {  	[sflag:s21] =	ssyncadd.s32 $0xFFFFEC00  }
0x57: {  	[bflag:$0x0] =	sbarrier.arrive $0xFFFF  }
0x58: {  	[tilespmem:s23], [sflag:$0x1] =	stream.indirect.gather [spmem:s3], $0x80, s19, s22, $0xb8;
	[tilespmem:$0x1F300] =	vst v63  }
0x59: {  	_ = 	snop  }
0x5a: {  	[tilespmem:s26], [sflag:$0x2] =	stream.indirect.gather [spmem:s3], $0x80, s24, s22, $0xb8;
	[tilespmem:$0x1F300] =	vst v63  }
0x5b: {  	_ =	swait.ge [sflag:s28], $0x4000  }
0x5c: {  	[sflag:s28] =	ssyncset.done $0x0  }
0x5d: {  	[sflag:s28] =	ssyncadd.s32 $0xFFFFC000  }
0x5e: {  	[spmem:s2] =	stream.indirect.scatter.add.f32 [tilespmem:s23], [sflag:$0x3], $0x80, s29, s22, $0xb8;
	[tilespmem:$0x1F300] =	vst v63  }
0x5f: {  	_ =	swait.ge [sflag:s21], $0x4000  }
0x60: {  	[sflag:s21] =	ssyncset.done $0x0  }
0x61: {  	[sflag:s21] =	ssyncadd.s32 $0xFFFFC000  }
0x62: {  	[tilespmem:s23], [sflag:$0x1] =	stream.indirect.gather [spmem:s3], $0x80, s30, s22, $0xb8;
	[tilespmem:$0x1F300] =	vst v63  }
0x63: {  	_ =	swait.ge [sflag:s31], $0x4000  }
0x64: {  	[sflag:s31] =	ssyncset.done $0x0  }
0x65: {  	[sflag:s31] =	ssyncadd.s32 $0xFFFFC000  }
0x66: {  	[spmem:s2] =	stream.indirect.scatter.add.f32 [tilespmem:s26], [sflag:$0x4], $0x80, s0, s22, $0xb8;
	[tilespmem:$0x1F300] =	vst v63  }
0x67: {  	_ =	swait.ge [sflag:s1], $0x4000  }
0x68: {  	[sflag:s1] =	ssyncset.done $0x0  }
0x69: {  	s11 =	simm.s32 $0x14380;
	[sflag:s1] =	ssyncadd.s32 $0xFFFFC000  }
0x6a: {  	[tilespmem:s26], [sflag:$0x2] =	stream.indirect.gather [spmem:s3], $0x80, s11, s22, $0xb8;
	[tilespmem:$0x1F300] =	vst v63  }
0x6b: {  	_ =	swait.ge [sflag:s28], $0x4000  }
0x6c: {  	[sflag:s28] =	ssyncset.done $0x0  }
0x6d: {  	s10 =	simm.s32 $0x15B80;
	[sflag:s28] =	ssyncadd.s32 $0xFFFFC000  }
0x6e: {  	[spmem:s2] =	stream.indirect.scatter.add.f32 [tilespmem:s23], [sflag:$0x3], $0x80, s10, s22, $0xb8;
	[tilespmem:$0x1F300] =	vst v63  }
0x6f: {  	_ =	swait.ge [sflag:s21], $0x4000  }
0x70: {  	[sflag:s21] =	ssyncset.done $0x0  }
0x71: {  	s11 =	simm.s32 $0x14400;
	[sflag:s21] =	ssyncadd.s32 $0xFFFFC000  }
0x72: {  	[tilespmem:s23], [sflag:$0x1] =	stream.indirect.gather [spmem:s3], $0x80, s11, s22, $0xb8;
	[tilespmem:$0x1F300] =	vst v63  }
0x73: {  	_ =	swait.ge [sflag:s31], $0x4000  }
0x74: {  	[sflag:s31] =	ssyncset.done $0x0  }
0x75: {  	s9 =	simm.s32 $0xFFFFA800;
	s10 =	simm.s32 $0x15C00;
	[sflag:s31] =	ssyncadd.s32 $0xFFFFC000  }
.LBB2_4:
0x76: {  	[spmem:s2] =	stream.indirect.scatter.add.f32 [tilespmem:s26], [sflag:$0x4], $0x80, s10, s22, $0xb8;
	[tilespmem:$0x1F300] =	vst v63  }
0x77: {  	s10 =	smov.u32 s9  }
0x78: {  	p0 =	sne.s32 s9, $0xFFFFFC00;
	s9 =	sadd.s32 $0x400, s9;
	_ =	swait.ge [sflag:s1], $0x4000  }
0x79: {  	s10 =	sshra.s32 s10, $0x2;
	[sflag:s1] =	ssyncset.done $0x0  }
0x7a: {  	s11 =	sadd.s32 $0x15A80, s10;
	[sflag:s1] =	ssyncadd.s32 $0xFFFFC000  }
0x7b: {  	[tilespmem:s26], [sflag:$0x2] =	stream.indirect.gather [spmem:s3], $0x80, s11, s22, $0xb8;
	[tilespmem:$0x1F300] =	vst v63  }
0x7c: {  	_ =	swait.ge [sflag:s28], $0x4000  }
0x7d: {  	[sflag:s28] =	ssyncset.done $0x0  }
0x7e: {  	s11 =	sadd.s32 $0x17280, s10;
	[sflag:s28] =	ssyncadd.s32 $0xFFFFC000  }
0x7f: {  	[spmem:s2] =	stream.indirect.scatter.add.f32 [tilespmem:s23], [sflag:$0x3], $0x80, s11, s22, $0xb8;
	[tilespmem:$0x1F300] =	vst v63  }
0x80: {  	_ =	swait.ge [sflag:s21], $0x4000  }
0x81: {  	[sflag:s21] =	ssyncset.done $0x0  }
.Ltmp1:
0x82: {  	s11 =	sadd.s32 $0x15B00, s10;
	[sflag:s21] =	ssyncadd.s32 $0xFFFFC000;
	(pc) =	sbr.rel @p0 .LBB2_4-.Ltmp1, $4  }
0x83: {  	[tilespmem:s23], [sflag:$0x1] =	stream.indirect.gather [spmem:s3], $0x80, s11, s22, $0xb8;
	[tilespmem:$0x1F300] =	vst v63  }
0x84: {  	_ =	swait.ge [sflag:s31], $0x4000  }
0x85: {  	[sflag:s31] =	ssyncset.done $0x0  }
0x86: {  	s10 =	sadd.s32 $0x17300, s10;
	[sflag:s31] =	ssyncadd.s32 $0xFFFFC000  }
0x87: {  	[spmem:s2] =	stream.indirect.scatter.add.f32 [tilespmem:s26], [sflag:$0x4], $0x80, s10, s22, $0xb8;
	[tilespmem:$0x1F300] =	vst v63  }
0x88: {  	_ =	swait.ge [sflag:s28], $0x4000  }
0x89: {  	[sflag:s28] =	ssyncset.done $0x0  }
0x8a: {  	[sflag:s28] =	ssyncadd.s32 $0xFFFFC000  }
0x8b: {  	[spmem:s2] =	stream.indirect.scatter.add.f32 [tilespmem:s23], [sflag:$0x3], $0x80, s4, s22, $0xb8;
	[tilespmem:$0x1F300] =	vst v63  }
0x8c: {  	_ =	swait.ge [sflag:s1], $0x4000  }
0x8d: {  	[sflag:s1] =	ssyncset.done $0x0  }
0x8e: {  	[sflag:s1] =	ssyncadd.s32 $0xFFFFC000  }
0x8f: {  	_ =	swait.ge [sflag:s21], $0x4000  }
0x90: {  	[sflag:s21] =	ssyncset.done $0x0  }
0x91: {  	[sflag:s21] =	ssyncadd.s32 $0xFFFFC000  }
0x92: {  	s11 =	simm.s32 $0x0;
	[bflag:$0x0] =	sbarrier.arrive $0xFFFF  }
0x93: {  	[spmem:s6], [sflag:s8] =	dma.local [hbm:s12], $0x1400  }
0x94: {  	[tilespmem:s19], [sflag:$0x5] =	stream.linear.gather [hbm4b:s13+s11], $0xC40, $0x38;
	[tilespmem:$0x1F300] =	vst v63  }
0x95: {  	_ =	swait.ge [sflag:s18], $0xC40  }
0x96: {  	[sflag:s18] =	ssyncset.done $0x0  }
0x97: {  	[sflag:s18] =	ssyncadd.s32 $0xFFFFF3C0  }
0x98: {  	[tilespmem:s20], [sflag:$0x5] =	stream.linear.gather [hbm4b:s14+s11], $0xC40, $0x38;
	[tilespmem:$0x1F300] =	vst v63  }
0x99: {  	_ =	swait.ge [sflag:s18], $0xC40  }
0x9a: {  	[sflag:s18] =	ssyncset.done $0x0  }
0x9b: {  	s6 =	simm.s32 $0x0;
	[sflag:s18] =	ssyncadd.s32 $0xFFFFF3C0  }
0x9c: {  	v0 =	vld [tilespmem:s6+$0x14200]  }
0x9d: {  	v6 =	vld [tilespmem:s6+$0x14210]  }
0x9e: {  	v5 =	vld [tilespmem:s6+$0x14220]  }
0x9f: {  	v4 =	vld [tilespmem:s6+$0x14230]  }
0xa0: {  	v2 =	vld [tilespmem:s6+$0x14240]  }
0xa1: {  	v3 =	vld [tilespmem:s6+$0x14250];
	v1 =	vshra.s32 v0, $0x10  }
0xa2: {  	s8 =	simm.s32 $0x200;
	v0 =	vand.u32 $0xFFFF, v0;
	v7 =	vshra.s32 v6, $0x10;
	[tilespmem:s6+$0x14200] =	vst v1;
	v1 =	vand.u32 $0xFFFF, v6;
	v6 =	vld [tilespmem:s6+$0x14260]  }
.LBB2_6:
0xa3: {  	p0 =	sne.s32 s8, $0x6000;
	[tilespmem:s6+$0x14210] =	vst v7;
	v7 =	vand.u32 $0xFFFF, v5;
	v5 =	vshra.s32 v5, $0x10;
	v8 =	vld [tilespmem:s6+$0x14270]  }
0xa4: {  	[tilespmem:s6+$0x14220] =	vst v5;
	v5 =	vand.u32 $0xFFFF, v4;
	v4 =	vshra.s32 v4, $0x10  }
0xa5: {  	[tilespmem:s6+$0x14230] =	vst v4;
	v4 =	vand.u32 $0xFFFF, v2;
	v2 =	vshra.s32 v2, $0x10  }
0xa6: {  	[tilespmem:s6+$0x14240] =	vst v2;
	v2 =	vand.u32 $0xFFFF, v3;
	v3 =	vshra.s32 v3, $0x10  }
0xa7: {  	[tilespmem:s6+$0x14250] =	vst v3;
	v3 =	vand.u32 $0xFFFF, v6;
	v6 =	vshra.s32 v6, $0x10  }
0xa8: {  	[tilespmem:s6+$0x14260] =	vst v6;
	v6 =	vand.u32 $0xFFFF, v8;
	v8 =	vshra.s32 v8, $0x10  }
0xa9: {  	[tilespmem:s6+$0x14270] =	vst v8  }
0xaa: {  	[tilespmem:s6+$0x15A80] =	vst v0  }
0xab: {  	s9 =	sshra.s32 s8, $0x2;
	[tilespmem:s6+$0x15A90] =	vst v1  }
0xac: {  	v1 =	vld [tilespmem:s9+$0x14200];
	[tilespmem:s6+$0x15AA0] =	vst v7  }
0xad: {  	v7 =	vld [tilespmem:s9+$0x14210];
	[tilespmem:s6+$0x15AB0] =	vst v5  }
.Ltmp2:
0xae: {  	v5 =	vld [tilespmem:s9+$0x14220];
	[tilespmem:s6+$0x15AC0] =	vst v4;
	(pc) =	sbr.rel @p0 .LBB2_6-.Ltmp2, $4  }
0xaf: {  	v4 =	vld [tilespmem:s9+$0x14230];
	[tilespmem:s6+$0x15AD0] =	vst v2  }
0xb0: {  	v2 =	vld [tilespmem:s9+$0x14240];
	[tilespmem:s6+$0x15AE0] =	vst v3  }
0xb1: {  	v0 =	vand.u32 $0xFFFF, v1;
	v1 =	vshra.s32 v1, $0x10;
	v3 =	vld [tilespmem:s9+$0x14250];
	[tilespmem:s6+$0x15AF0] =	vst v6;
	s6 =	smov.u32 s9  }
0xb2: {  	s8 =	sadd.s32 $0x200, s8;
	[tilespmem:s6+$0x14200] =	vst v1;
	v1 =	vand.u32 $0xFFFF, v7;
	v7 =	vshra.s32 v7, $0x10;
	v6 =	vld [tilespmem:s6+$0x14260]  }
0xb3: {  	[tilespmem:s6+$0x14210] =	vst v7  }
0xb4: {  	[tilespmem:s6+$0x15A80] =	vst v0  }
0xb5: {  	v52 =	vshra.s32 v5, $0x10;
	[tilespmem:s6+$0x15A90] =	vst v1  }
0xb6: {  	v58 =	vand.u32 $0xFFFF, v5;
	[tilespmem:s6+$0x14220] =	vst v52  }
0xb7: {  	v53 =	vshra.s32 v4, $0x10;
	[tilespmem:s6+$0x15AA0] =	vst v58  }
0xb8: {  	v59 =	vand.u32 $0xFFFF, v4;
	[tilespmem:s6+$0x14230] =	vst v53  }
0xb9: {  	v54 =	vshra.s32 v2, $0x10;
	[tilespmem:s6+$0x15AB0] =	vst v59  }
0xba: {  	v8 =	vld [tilespmem:s6+$0x14270];
	v60 =	vand.u32 $0xFFFF, v2;
	[tilespmem:s6+$0x14240] =	vst v54  }
0xbb: {  	v55 =	vshra.s32 v3, $0x10;
	[tilespmem:s6+$0x15AC0] =	vst v60  }
0xbc: {  	v61 =	vand.u32 $0xFFFF, v3;
	[tilespmem:s6+$0x14250] =	vst v55  }
0xbd: {  	v56 =	vshra.s32 v6, $0x10;
	[tilespmem:s6+$0x15AD0] =	vst v61  }
0xbe: {  	v62 =	vand.u32 $0xFFFF, v6;
	[tilespmem:s6+$0x14260] =	vst v56  }
0xbf: {  	v57 =	vshra.s32 v8, $0x10;
	[tilespmem:s6+$0x15AE0] =	vst v62  }
0xc0: {  	v63 =	vand.u32 $0xFFFF, v8;
	[tilespmem:s6+$0x14270] =	vst v57  }
0xc1: {  	[tilespmem:s6+$0x15AF0] =	vst v63  }
0xc2: {  	_ =	swait.ge [sflag:s21], $0x1400  }
0xc3: {  	[sflag:s21] =	ssyncset.done $0x0  }
0xc4: {  	[sflag:s21] =	ssyncadd.s32 $0xFFFFEC00  }
0xc5: {  	[bflag:$0x0] =	sbarrier.arrive $0xFFFF  }
0xc6: {  	[tilespmem:s23], [sflag:$0x1] =	stream.indirect.gather [spmem:s3], $0x80, s19, s22, $0xb8;
	[tilespmem:$0x1F300] =	vst v63  }
0xc7: {  	_ = 	snop  }
0xc8: {  	[tilespmem:s26], [sflag:$0x2] =	stream.indirect.gather [spmem:s3], $0x80, s24, s22, $0xb8;
	[tilespmem:$0x1F300] =	vst v63  }
0xc9: {  	_ =	swait.ge [sflag:s28], $0x4000  }
0xca: {  	[sflag:s28] =	ssyncset.done $0x0  }
0xcb: {  	[sflag:s28] =	ssyncadd.s32 $0xFFFFC000  }
0xcc: {  	[spmem:s2] =	stream.indirect.scatter.add.f32 [tilespmem:s23], [sflag:$0x3], $0x80, s29, s22, $0xb8;
	[tilespmem:$0x1F300] =	vst v63  }
0xcd: {  	_ =	swait.ge [sflag:s21], $0x4000  }
0xce: {  	[sflag:s21] =	ssyncset.done $0x0  }
0xcf: {  	[sflag:s21] =	ssyncadd.s32 $0xFFFFC000  }
0xd0: {  	[tilespmem:s23], [sflag:$0x1] =	stream.indirect.gather [spmem:s3], $0x80, s30, s22, $0xb8;
	[tilespmem:$0x1F300] =	vst v63  }
0xd1: {  	_ =	swait.ge [sflag:s31], $0x4000  }
0xd2: {  	[sflag:s31] =	ssyncset.done $0x0  }
0xd3: {  	[sflag:s31] =	ssyncadd.s32 $0xFFFFC000  }
0xd4: {  	[spmem:s2] =	stream.indirect.scatter.add.f32 [tilespmem:s26], [sflag:$0x4], $0x80, s0, s22, $0xb8;
	[tilespmem:$0x1F300] =	vst v63  }
0xd5: {  	_ =	swait.ge [sflag:s1], $0x4000  }
0xd6: {  	[sflag:s1] =	ssyncset.done $0x0  }
0xd7: {  	s9 =	simm.s32 $0x14380;
	[sflag:s1] =	ssyncadd.s32 $0xFFFFC000  }
0xd8: {  	[tilespmem:s26], [sflag:$0x2] =	stream.indirect.gather [spmem:s3], $0x80, s9, s22, $0xb8;
	[tilespmem:$0x1F300] =	vst v63  }
0xd9: {  	_ =	swait.ge [sflag:s28], $0x4000  }
0xda: {  	[sflag:s28] =	ssyncset.done $0x0  }
0xdb: {  	s10 =	simm.s32 $0x15B80;
	[sflag:s28] =	ssyncadd.s32 $0xFFFFC000  }
0xdc: {  	[spmem:s2] =	stream.indirect.scatter.add.f32 [tilespmem:s23], [sflag:$0x3], $0x80, s10, s22, $0xb8;
	[tilespmem:$0x1F300] =	vst v63  }
0xdd: {  	_ =	swait.ge [sflag:s21], $0x4000  }
0xde: {  	[sflag:s21] =	ssyncset.done $0x0  }
0xdf: {  	s11 =	simm.s32 $0x14400;
	[sflag:s21] =	ssyncadd.s32 $0xFFFFC000  }
0xe0: {  	[tilespmem:s23], [sflag:$0x1] =	stream.indirect.gather [spmem:s3], $0x80, s11, s22, $0xb8;
	[tilespmem:$0x1F300] =	vst v63  }
0xe1: {  	_ =	swait.ge [sflag:s31], $0x4000  }
0xe2: {  	[sflag:s31] =	ssyncset.done $0x0  }
0xe3: {  	s8 =	simm.s32 $0x15C00;
	s6 =	simm.s32 $0xFFFFA800;
	[sflag:s31] =	ssyncadd.s32 $0xFFFFC000  }
.LBB2_8:
0xe4: {  	[spmem:s2] =	stream.indirect.scatter.add.f32 [tilespmem:s26], [sflag:$0x4], $0x80, s8, s22, $0xb8;
	[tilespmem:$0x1F300] =	vst v63  }
0xe5: {  	s8 =	smov.u32 s6  }
0xe6: {  	p0 =	sne.s32 s6, $0xFFFFFC00;
	s6 =	sadd.s32 $0x400, s6;
	_ =	swait.ge [sflag:s1], $0x4000  }
0xe7: {  	s8 =	sshra.s32 s8, $0x2;
	[sflag:s1] =	ssyncset.done $0x0  }
0xe8: {  	s9 =	sadd.s32 $0x15A80, s8;
	[sflag:s1] =	ssyncadd.s32 $0xFFFFC000  }
0xe9: {  	[tilespmem:s26], [sflag:$0x2] =	stream.indirect.gather [spmem:s3], $0x80, s9, s22, $0xb8;
	[tilespmem:$0x1F300] =	vst v63  }
0xea: {  	_ =	swait.ge [sflag:s28], $0x4000  }
0xeb: {  	[sflag:s28] =	ssyncset.done $0x0  }
0xec: {  	s9 =	sadd.s32 $0x17280, s8;
	[sflag:s28] =	ssyncadd.s32 $0xFFFFC000  }
0xed: {  	[spmem:s2] =	stream.indirect.scatter.add.f32 [tilespmem:s23], [sflag:$0x3], $0x80, s9, s22, $0xb8;
	[tilespmem:$0x1F300] =	vst v63  }
0xee: {  	_ =	swait.ge [sflag:s21], $0x4000  }
0xef: {  	[sflag:s21] =	ssyncset.done $0x0  }
.Ltmp3:
0xf0: {  	s9 =	sadd.s32 $0x15B00, s8;
	[sflag:s21] =	ssyncadd.s32 $0xFFFFC000;
	(pc) =	sbr.rel @p0 .LBB2_8-.Ltmp3, $4  }
0xf1: {  	[tilespmem:s23], [sflag:$0x1] =	stream.indirect.gather [spmem:s3], $0x80, s9, s22, $0xb8;
	[tilespmem:$0x1F300] =	vst v63  }
0xf2: {  	_ =	swait.ge [sflag:s31], $0x4000  }
0xf3: {  	[sflag:s31] =	ssyncset.done $0x0  }
0xf4: {  	s8 =	sadd.s32 $0x17300, s8;
	[sflag:s31] =	ssyncadd.s32 $0xFFFFC000  }
0xf5: {  	[spmem:s2] =	stream.indirect.scatter.add.f32 [tilespmem:s26], [sflag:$0x4], $0x80, s8, s22, $0xb8;
	[tilespmem:$0x1F300] =	vst v63  }
0xf6: {  	_ =	swait.ge [sflag:s28], $0x4000  }
0xf7: {  	[sflag:s28] =	ssyncset.done $0x0  }
0xf8: {  	[sflag:s28] =	ssyncadd.s32 $0xFFFFC000  }
0xf9: {  	[spmem:s2] =	stream.indirect.scatter.add.f32 [tilespmem:s23], [sflag:$0x3], $0x80, s4, s22, $0xb8;
	[tilespmem:$0x1F300] =	vst v63  }
0xfa: {  	_ =	swait.ge [sflag:s1], $0x4000  }
0xfb: {  	[sflag:s1] =	ssyncset.done $0x0  }
0xfc: {  	[sflag:s1] =	ssyncadd.s32 $0xFFFFC000  }
0xfd: {  	_ =	swait.ge [sflag:s21], $0x4000  }
0xfe: {  	s5 =	sadd.s32 $0x1, s5;
	[sflag:s21] =	ssyncset.done $0x0  }
0xff: {  	p0 =	sne.s32 s5, s16;
	[sflag:s21] =	ssyncadd.s32 $0xFFFFC000  }
.Ltmp4:
0x100: {  	[bflag:$0x0] =	sbarrier.arrive $0xFFFF;
	(pc) =	sbr.rel @p0 .LBB2_1-.Ltmp4, $4  }
0x101: {  	[hbm:s15], [sflag:s7] =	dma.local [spmem:s25], $0x1400  }
0x102: {  	_ =	swait.ge [sflag:s18], $0x1400  }
0x103: {  	[sflag:s18] =	ssyncset.done $0x0  }
0x104: {  	[sflag:s18] =	ssyncadd.s32 $0xFFFFEC00  }
0x105: {  	_ =	sfence.sel $0x180000  }
0x106: {  	[bflag:$0x0] =	sbarrier.arrive $0xFFFF  }
0x107: {  	_ =	strace $0x9000004A  }
0x108: {  	s0 =	stileid.u32;
	[bflag:$0x2] =	sbarrier.arrive $0xFFFF  }
0x109: {  	p0 =	sne.s32 s0, $0x0;
	s0 =	rddreg [dreg:$0x3]  }
0x10a: {  	s0 =	sadd.s32 @!p0 $0x100000, s0  }
0x10b: {  	[sflag:s0] =	ssyncadd.tile.s32 @!p0 $0x1;
	_ =	shalt  }
.Lfunc_end2:
_tile_overlayer_lowered:
.L_overlay_start_2:
0x10c: {  	(tag) =	ssettag $0x2  }
0x10d: {  	s0 =	rddreg [dreg:$0x0];
	s2 =	stileid.u32  }
0x10e: {  	s1 =	rddreg [dreg:$0x1];
	p0 =	sne.s32 s2, $0x0  }
0x10f: {  	s3 =	rddreg [dreg:$0x2];
	[bflag:$0x3] =	sbarrier.arrive $0xFFFF;
	s2 =	simm.s32 @!p0 $0x1C05  }
0x110: {  	[timem:s3], [sflag:s2] =	dma.local @!p0 [hbm:s0], s1  }
0x111: {  	s0 =	simm.s32 @!p0 $0x5  }
0x112: {  	_ =	swait.ge @!p0 [sflag:s0], s1  }
0x113: {  	s1 =	ssub.s32 @!p0 $0x0, s1;
	[sflag:s0] =	ssyncset.done @!p0 $0x0  }
0x114: {  	[sflag:s0] =	ssyncadd.s32 @!p0 s1  }
0x115: {  	[bflag:$0x3] =	sbarrier.arrive $0xFFFF  }
0x116: {  	_ =	shalt  }

// kernel: kernel.13.cloned.1.call-start
scs
__scs_entry_jumppad:
0x0: {  	(pc) =	sbr.rel $0x88, $3  }
0x1: {  	(tag) =	ssettag $0x0;
	lr =	simm.s32 $0x1  }
0x2: {  	[smem:$0x3F9A] =	sst lr;
	_ =	strace $0xD0000000  }
0x3: {  	_ = 	snop  }
0x4: {  	_ = 	snop  }
0x5: {  	_ = 	snop  }
0x6: {  	_ = 	snop  }
0x7: {  	_ = 	snop  }
__scs_overlays_trampoline_lowered:
0x8: {  	[smem:$0x3FA9] =	sst s0  }
0x9: {  	[smem:$0x3FAA] =	sst s1  }
0xa: {  	[smem:$0x3FAB] =	sst s2  }
0xb: {  	[smem:$0x3FAC] =	sst s3  }
0xc: {  	[smem:$0x3FAD] =	sst s4  }
0xd: {  	[smem:$0x3FAE] =	sst s5  }
0xe: {  	[smem:$0x3FAF] =	sst s6  }
0xf: {  	[smem:$0x3FB0] =	sst s7  }
0x10: {  	[smem:$0x3FB1] =	sst s8  }
0x11: {  	[smem:$0x3FB2] =	sst s9;
	s0 =	simm.s32 @!p0 $0x0  }
0x12: {  	s1 =	sld [smem:$0x3F98];
	s0 =	simm.s32 @p0 $0x1  }
0x13: {  	[smem:$0x3FB3] =	sst s0;
	s0 =	simm.s32 @!p1 $0x0  }
0x14: {  	s2 =	sld [smem:$0x3F97];
	s0 =	simm.s32 @p1 $0x1  }
0x15: {  	[smem:$0x3FB4] =	sst s0;
	s0 =	simm.s32 @!p2 $0x0  }
0x16: {  	s3 =	sld [smem:$0x3FDB];
	s0 =	simm.s32 @p2 $0x1  }
0x17: {  	s4 =	simm.s32 $0x1BF5;
	[smem:$0x3FB6] =	sst s0  }
0x18: {  	s0 =	sld [smem:$0x3F99];
	_ =	swait.ge [sflag:s4], $0x0  }
0x19: {  	s7 =	sld [smem:$0x3F9A]  }
0x1a: {  	s8 =	sadd.s32 $0xFFFFE003, lr  }
0x1b: {  	s9 =	sadd.s32 $0xFFFFFEF7, lr;
	s5 =	simm.s32 $0xFFFFFFFF;
	p2 =	slt.u32 s8, $0xFFFFF086  }
0x1c: {  	p1 =	slt.u32 s9, $0xF7A;
	s5 =	simm.s32 @!p2 $0x0  }
0x1d: {  	s5 =	simm.s32 @p1 $0x1;
	p0 =	seq.s32 s7, s2  }
0x1e: {  	s7 =	smul.u32 @!p0 $0xF7A, s2;
	p2 =	seq.s32 @!p0 s5, $0x0  }
0x1f: {  	s9 =	smul.u32 $0xF7A, s1;
	s8 =	simm.s32 @!p0 $0x1BF5;
	p2 =	por !p2, p0  }
0x20: {  	[sflag:s8] =	ssyncset.s32 @!p0 $0xFFFFF086;
	s6 =	sadd.s32 @!p0 s3, s7;
	s7 =	simm.s32 @!p0 $0x108  }
0x21: {  	s3 =	sadd.s32 s3, s9;
	s6 =	sadd.s32 @!p0 $0x88, s6;
	s7 =	simm.s32 @p2 $0x1082  }
0x22: {  	[simem:s7], [sflag:s8] =	dma.local @!p0 [hbm:s6], $0xF7A  }
0x23: {  	s9 =	sor.u32 $0xD0000000, s2;
	s6 =	simm.s32 $0x108;
	_ =	swait.ge @!p0 [sflag:s8], $0x0  }
0x24: {  	s3 =	sadd.s32 $0x88, s3;
	s6 =	simm.s32 @!p1 $0x1082;
	[sflag:s4] =	ssyncset.s32 $0xFFFFF086  }
0x25: {  	[simem:s6], [sflag:s4] =	dma.local [hbm:s3], $0xF7A  }
0x26: {  	[smem:$0x3F9A] =	sst s1;
	(tag) =	ssettag s2;
	_ =	strace s9  }
0x27: {  	s1 =	sld [smem:$0x3FAA]  }
0x28: {  	s2 =	sld [smem:$0x3FAB]  }
0x29: {  	s4 =	sld [smem:$0x3FAD]  }
0x2a: {  	p0 =	seq.s32 s5, $0x0;
	s5 =	sld [smem:$0x3FAE]  }
0x2b: {  	s6 =	sld [smem:$0x3FAF]  }
0x2c: {  	s7 =	sld [smem:$0x3FB0]  }
0x2d: {  	s3 =	simm.s32 $0x108;
	s8 =	sld [smem:$0x3FB1]  }
0x2e: {  	s3 =	simm.s32 @!p0 $0x1082;
	s9 =	sld [smem:$0x3FB2]  }
0x2f: {  	lr =	sadd.s32 s0, s3;
	s0 =	sld [smem:$0x3FA9]  }
0x30: {  	s3 =	sld [smem:$0x3FAC]  }
0x31: {  	[smem:$0x3FB5] =	sst s10  }
0x32: {  	s10 =	sld [smem:$0x3FB3];
	_ =	sdelay $0x3  }
0x33: {  	p0 =	seq.s32 s10, $0x1;
	s10 =	sld [smem:$0x3FB5];
	_ =	sdelay $0x3  }
0x34: {  	[smem:$0x3FB5] =	sst s10  }
0x35: {  	s10 =	sld [smem:$0x3FB4];
	_ =	sdelay $0x3  }
0x36: {  	p1 =	seq.s32 s10, $0x1;
	s10 =	sld [smem:$0x3FB5];
	_ =	sdelay $0x3  }
0x37: {  	[smem:$0x3FB5] =	sst s10  }
0x38: {  	s10 =	sld [smem:$0x3FB6]  }
0x39: {  	_ = 	snop;
	(pc) =	sbr.ind lr, $3  }
0x3a: {  	_ = 	snop  }
0x3b: {  	_ = 	snop  }
0x3c: {  	p2 =	seq.s32 s10, $0x1;
	s10 =	sld [smem:$0x3FB5]  }
0x3d: {  	_ =	shalt  }
0x3e: {  	_ =	shalt  }
0x3f: {  	_ =	shalt  }
0x40: {  	_ =	shalt  }
0x41: {  	_ =	shalt  }
0x42: {  	_ =	shalt  }
0x43: {  	_ =	shalt  }
0x44: {  	_ =	shalt  }
0x45: {  	_ =	shalt  }
0x46: {  	_ =	shalt  }
0x47: {  	_ =	shalt  }
0x48: {  	_ =	shalt  }
0x49: {  	_ =	shalt  }
0x4a: {  	_ =	shalt  }
0x4b: {  	_ =	shalt  }
0x4c: {  	_ =	shalt  }
0x4d: {  	_ =	shalt  }
0x4e: {  	_ =	shalt  }
0x4f: {  	_ =	shalt  }
0x50: {  	_ =	shalt  }
0x51: {  	_ =	shalt  }
0x52: {  	_ =	shalt  }
0x53: {  	_ =	shalt  }
0x54: {  	_ =	shalt  }
0x55: {  	_ =	shalt  }
0x56: {  	_ =	shalt  }
0x57: {  	_ =	shalt  }
0x58: {  	_ =	shalt  }
0x59: {  	_ =	shalt  }
0x5a: {  	_ =	shalt  }
0x5b: {  	_ =	shalt  }
0x5c: {  	_ =	shalt  }
0x5d: {  	_ =	shalt  }
0x5e: {  	_ =	shalt  }
0x5f: {  	_ =	shalt  }
0x60: {  	_ =	shalt  }
0x61: {  	_ =	shalt  }
0x62: {  	_ =	shalt  }
0x63: {  	_ =	shalt  }
0x64: {  	_ =	shalt  }
0x65: {  	_ =	shalt  }
0x66: {  	_ =	shalt  }
0x67: {  	_ =	shalt  }
0x68: {  	_ =	shalt  }
0x69: {  	_ =	shalt  }
0x6a: {  	_ =	shalt  }
0x6b: {  	_ =	shalt  }
0x6c: {  	_ =	shalt  }
0x6d: {  	_ =	shalt  }
0x6e: {  	_ =	shalt  }
0x6f: {  	_ =	shalt  }
0x70: {  	_ =	shalt  }
0x71: {  	_ =	shalt  }
0x72: {  	_ =	shalt  }
0x73: {  	_ =	shalt  }
0x74: {  	_ =	shalt  }
0x75: {  	_ =	shalt  }
0x76: {  	_ =	shalt  }
0x77: {  	_ =	shalt  }
0x78: {  	_ =	shalt  }
0x79: {  	_ =	shalt  }
0x7a: {  	_ =	shalt  }
0x7b: {  	_ =	shalt  }
0x7c: {  	_ =	shalt  }
0x7d: {  	_ =	shalt  }
0x7e: {  	_ =	shalt  }
0x7f: {  	_ =	shalt  }
0x80: {  	_ =	shalt  }
0x81: {  	_ =	shalt  }
0x82: {  	_ =	shalt  }
0x83: {  	_ =	shalt  }
0x84: {  	_ =	shalt  }
0x85: {  	_ =	shalt  }
0x86: {  	_ =	shalt  }
0x87: {  	_ =	shalt  }
.Lfunc_end0:
.L_simem_size_0:
called_computation.2_lowered:
.L_overlay_start_0:
0x88: {  	s2 =	sld [smem:$0x3FD9]  }
0x89: {  	s3 =	sld [smem:$0x3FFE];
	_ =	sdelay $0x1  }
0x8a: {  	s1 =	srdreg.scid  }
0x8b: {  	s0 =	sand.u32 $0x1, s1  }
0x8c: {  	s16 =	sshll.u32 s0, $0xA;
	s2 =	sadd.s32 s3, s2  }
0x8d: {  	s2 =	sadd.s32 s2, s16  }
0x8e: {  	[smem:$0x3FC1] =	sst s2  }
0x8f: {  	_ = 	snop  }
0x90: {  	(tm) =	ssettm $0x1  }
0x91: {  	s17 =	sld [smem:$0x3FFB];
	_ =	sdelay $0x3  }
0x92: {  	_ =	strace s17  }
0x93: {  	s2 =	sld [smem:$0x3FFC];
	_ =	sdelay $0x3  }
0x94: {  	_ =	strace s2  }
0x95: {  	s2 =	sld [smem:$0x3FFD];
	_ =	sdelay $0x3  }
0x96: {  	_ =	strace s2  }
0x97: {  	_ =	strace $0x8FFFFFFF  }
0x98: {  	s18 =	sld [smem:$0x3FDB];
	_ =	sdelay $0x1  }
0x99: {  	s19 =	simm.s32 $_scs_section_size  }
0x9a: {  	s4 =	simm.s32 $_size__tile_overlayer_lowered;
	s5 =	simm.s32 $_tile_overlayer_lowered  }
0x9b: {  	s22 =	simm.s32 $0x1BFF;
	s21 =	sshll.u32 s5, $0x1;
	s2 =	sadd.s32 s19, s18  }
0x9c: {  	s6 =	simm.s32 $0x0;
	s20 =	sshll.u32 s4, $0x1;
	s4 =	sadd.s32 s21, s2  }
0x9d: {  	[timem:s6], [sflag:s22] =	dma.local [hbm:s4], s20  }
0x9e: {  	_ =	swait.ge [sflag:s22], s20  }
0x9f: {  	s3 =	ssub.s32 $0x0, s20;
	[sflag:s22] =	ssyncset.done $0x0  }
0xa0: {  	[sflag:s22] =	ssyncadd.s32 s3;
	_ =	sdelay $0x1  }
0xa1: {  	s23 =	simm.s32 $0x1B8B  }
0xa2: {  	_ =	swait.ge [sflag:s23], $0x1  }
0xa3: {  	[sflag:s23] =	ssyncset.done $0x0  }
0xa4: {  	s25 =	simm.s32 $0x1B8E;
	s24 =	sld [smem:$0x3FFE];
	[sflag:s23] =	ssyncadd.s32 $0xFFFFFFFF  }
0xa5: {  	s26 =	simm.s32 $execute0_lowered;
	[smem:$0x3FD2] =	sst s25  }
0xa6: {  	s4 =	sshll.u32 s26, $0x1;
	_ =	strace $0x8000004C;
	[dreg:$0x1] =	wrdreg $0xFFFFFFFF  }
0xa7: {  	s28 =	simm.s32 $_size_execute0_lowered;
	s2 =	sadd.s32 s2, s4;
	[dreg:$0x0] =	wrdreg $0x0  }
0xa8: {  	s4 =	sshll.u32 s28, $0x1;
	[dreg:$0x2] =	wrdreg s2  }
0xa9: {  	[dreg:$0x3] =	wrdreg s4  }
0xaa: {  	[dreg:$0x4] =	wrdreg $0xC0  }
0xab: {  	_ =	task [dreg:s6], $0x5FFFF  }
0xac: {  	[dreg:$0x1] =	wrdreg $0xFFFFFFFF  }
0xad: {  	[dreg:$0x0] =	wrdreg $0x60  }
0xae: {  	[dreg:$0x2] =	wrdreg s24  }
0xaf: {  	[dreg:$0x3] =	wrdreg $0x9  }
0xb0: {  	_ =	task.clear_ibuf [dreg:s6], $0x4FFFF;
	_ =	strace $0x9000004C  }
0xb1: {  	s29 =	simm.s32 $0x9;
	_ =	strace $0x8000004E  }
0xb2: {  	_ =	swait.ge [sflag:s29], $0x1  }
0xb3: {  	[sflag:s29] =	ssyncadd.s32 $0xFFFFFFFF  }
0xb4: {  	_ =	strace $0x9000004E  }
0xb5: {  	_ =	sfence  }
0xb6: {  	s30 =	sld [smem:$0x0];
	_ =	sdelay $0x2  }
0xb7: {  	s31 =	sshll.u32 s1, $0xD;
	s1 =	sshrl.u32 s1, $0x2  }
0xb8: {  	s3 =	sand.u32 $0x4000, s31;
	s1 =	sadd.s32 s1, s30  }
0xb9: {  	s0 =	sor.u32 s3, s0;
	s1 =	sshll.u32 s1, $0x11  }
0xba: {  	s0 =	sor.u32 s1, s0  }
0xbb: {  	s0 =	sadd.s32 $0x8F2B, s0  }
0xbc: {  	[sflag:s0] =	ssyncadd.remote.s32 $0x1  }
0xbd: {  	_ =	sfence.sel $0xFFFF  }
0xbe: {  	[dreg:$0x0] =	wrdreg $0xFFFFFFFF;
	(pc) =	sbr.abs _section_cstart, $3  }
0xbf: {  	[dreg:$0x1] =	wrdreg $0xFFFFFFFF  }
0xc0: {  	_ =	task.clear_ibuf [dreg:s6], $0x2FFFF;
	_ =	strace $0x9FFFFFFF  }
0xc1: {  	(tm) =	ssettm $0x7FFFFFFF  }
tec
execute0_lowered:
.L_overlay_start_1:
0x0: {  	(tag) =	ssettag $0x1  }
0x1: {  	s0 =	srdreg.scid  }
0x2: {  	s5 =	rddreg [dreg:$0x0];
	s1 =	stileid.u32  }
0x3: {  	s2 =	simm.s32 $0x0;
	s12 =	simm.s32 $0x40;
	s13 =	simm.s32 $0xA140  }
0x4: {  	s14 =	simm.s32 $0x3;
	s15 =	simm.s32 $0xC140;
	s16 =	simm.s32 $0x1  }
0x5: {  	s17 =	simm.s32 $0x80;
	s18 =	simm.s32 $0x2;
	s4 =	sand.u32 $0x1, s0  }
0x6: {  	s19 =	simm.s32 $0xC0;
	s20 =	simm.s32 $0x100;
	s3 =	sshll.u32 s4, $0x4  }
0x7: {  	s21 =	simm.s32 $0xE140;
	s0 =	rddreg [dreg:$0x1];
	s6 =	sor.u32 s1, s3  }
0x8: {  	s22 =	simm.s32 $0x0;
	[smem:$0x7FF] =	sst s2;
	s7 =	smul.u32 $0x1400, s6  }
0x9: {  	_ =	strace $0x8000004D;
	s9 =	ssub.s32 $0x2, s4;
	s8 =	smul.u32 $0x28, s6  }
0xa: {  	s4 =	sadd.s32 $0x2600, s5;
	s10 =	sshrl.u32 s9, $0x1;
	s6 =	smul.u32 $0x280, s6  }
0xb: {  	s3 =	sadd.s32 $0x4200, s5;
	s9 =	ssub.s32 s9, s10;
	s10 =	simm.s32 $0xF540  }
0xc: {  	s7 =	sadd.s32 s7, s5;
	s8 =	sadd.s32 s8, s5;
	s11 =	sadd.s32 s6, s5  }
0xd: {  	s5 =	sadd.s32 $0x3C00, s8;
	s6 =	sadd.s32 $0x2C200, s7;
	s7 =	sadd.s32 $0x54200, s11  }
0xe: {  	s8 =	smax.u32 s9, $0x1;
	s9 =	simm.s32 $0x4;
	s11 =	simm.s32 $0x140  }
.LBB2_1:
0xf: {  	[tilespmem:s2], [sflag:$0x4] =	stream.linear.gather [hbm4b:s5+s2], $0x140, $0x38;
	[tilespmem:$0xF550] =	vst v63  }
0x10: {  	_ =	swait.ge [sflag:s9], $0x140  }
0x11: {  	[sflag:s9] =	ssyncset.done $0x0  }
0x12: {  	[sflag:s9] =	ssyncadd.s32 $0xFFFFFEC0  }
0x13: {  	[tilespmem:s10], [sflag:$0x4] =	stream.linear.gather [hbm4b:s4+s2], $0x10, $0x38;
	[tilespmem:$0xF550] =	vst v63  }
0x14: {  	_ =	swait.ge [sflag:s9], $0x10  }
0x15: {  	[sflag:s9] =	ssyncset.done $0x0  }
0x16: {  	[sflag:s9] =	ssyncadd.s32 $0xFFFFFFF0  }
0x17: {  	[tilespmem:s11], [sflag:$0x3] =	stream.linear.gather [hbm4b:s6+s2], $0xA000, $0x38;
	[tilespmem:$0xF550] =	vst v63  }
0x18: {  	_ = 	snop  }
0x19: {  	[tilespmem:s13], [sflag:$0x1] =	stream.indirect.gather [hbm4b:s3+s12], $0x80, s2, s12, $0xb8;
	[tilespmem:$0xF550] =	vst v63  }
0x1a: {  	_ =	swait.ge [sflag:s14], $0xA000  }
0x1b: {  	[sflag:s14] =	ssyncset.done $0x0  }
0x1c: {  	[sflag:s14] =	ssyncadd.s32 $0xFFFF6000  }
0x1d: {  	[tilespmem:s15], [sflag:$0x2] =	stream.indirect.gather [hbm4b:s3+s12], $0x80, s12, s12, $0xb8;
	[tilespmem:$0xF550] =	vst v63  }
0x1e: {  	_ =	swait.ge [sflag:s16], $0x2000  }
0x1f: {  	[sflag:s16] =	ssyncset.done $0x0  }
0x20: {  	s23 =	simm.s32 $0x0;
	[sflag:s16] =	ssyncadd.s32 $0xFFFFE000  }
0x21: {  	v0 =	vld [tilespmem:s23+$0xA140]  }
0x22: {  	v1 =	vld [tilespmem:s23+$0x140]  }
0x23: {  	v2 =	vld [tilespmem:s23+$0x150]  }
0x24: {  	v3 =	vld [tilespmem:s23+$0xA150]  }
0x25: {  	v4 =	vld [tilespmem:s23+$0x160]  }
0x26: {  	v5 =	vld [tilespmem:s23+$0xA160]  }
0x27: {  	v6 =	vld [tilespmem:s23+$0xA170];
	v0 =	vmul.f32 v0, v1  }
0x28: {  	v1 =	vld [tilespmem:s23+$0x170]  }
0x29: {  	v7 =	vld [tilespmem:s23+$0xA180];
	v2 =	vmul.f32 v3, v2;
	v0 =	vadd.f32 $0.0e+00, v0  }
0x2a: {  	v3 =	vld [tilespmem:s23+$0x180]  }
0x2b: {  	v60 =	vld [tilespmem:s23+$0x190];
	v0 =	vadd.f32 v2, v0;
	v2 =	vmul.f32 v5, v4  }
0x2c: {  	v61 =	vld [tilespmem:s23+$0xA190]  }
0x2d: {  	v62 =	vld [tilespmem:s23+$0xA1A0];
	v1 =	vmul.f32 v6, v1;
	v0 =	vadd.f32 v2, v0  }
0x2e: {  	v2 =	vld [tilespmem:s23+$0x1A0]  }
0x2f: {  	v63 =	vld [tilespmem:s23+$0xA1B0];
	v0 =	vadd.f32 v1, v0;
	v1 =	vmul.f32 v7, v3  }
0x30: {  	v3 =	vld [tilespmem:s23+$0x1B0]  }
0x31: {  	v0 =	vadd.f32 v1, v0;
	v1 =	vmul.f32 v61, v60;
	_ =	sdelay $0x1  }
0x32: {  	v0 =	vadd.f32 v1, v0;
	v1 =	vmul.f32 v62, v2;
	_ =	sdelay $0x1  }
0x33: {  	v0 =	vadd.f32 v1, v0;
	v1 =	vmul.f32 v63, v3;
	_ =	sdelay $0x1  }
0x34: {  	v0 =	vadd.f32 v1, v0;
	_ =	sdelay $0x1  }
0x35: {  	(xrf2) =	vadd.scan.msk.f32 $0xffff, v0;
	_ =	sdelay $0x7  }
0x36: {  	v0 =	vld [tilespmem:$0xF540];
	_ =	sdelay $0x1  }
0x37: {  	v1, _, _ =	vpop (xrf2)  }
0x38: {  	v1 =	vbroadcast v1, $0xF;
	_ =	sdelay $0x1  }
0x39: {  	v0 =	vadd.f32 v1, v0;
	_ =	sdelay $0x1  }
0x3a: {  	s25 =	simm.s32 $0x80;
	[tilespmem:s21+$0x0] =	vst v0  }
0x3b: {  	s24 =	simm.s32 $0x400;
	s23 =	simm.s32 $0xE140;
	v0 =	vld [tilespmem:s25+$0xA140]  }
.LBB2_2:
0x3c: {  	p0 =	sne.s32 s24, $0x7E00;
	v1 =	vld [tilespmem:s25+$0x140]  }
0x3d: {  	v2 =	vld [tilespmem:s25+$0x150]  }
0x3e: {  	v3 =	vld [tilespmem:s25+$0xA150]  }
0x3f: {  	v4 =	vld [tilespmem:s25+$0x160]  }
0x40: {  	v5 =	vld [tilespmem:s25+$0xA160]  }
0x41: {  	v0 =	vmul.f32 v0, v1;
	v1 =	vld [tilespmem:s25+$0x170]  }
0x42: {  	v6 =	vld [tilespmem:s25+$0xA170]  }
0x43: {  	v0 =	vadd.f32 $0.0e+00, v0;
	v2 =	vmul.f32 v3, v2;
	v3 =	vld [tilespmem:s25+$0x180]  }
0x44: {  	v7 =	vld [tilespmem:s25+$0xA180]  }
0x45: {  	v0 =	vadd.f32 v2, v0;
	v2 =	vmul.f32 v5, v4;
	v4 =	vld [tilespmem:s25+$0x190]  }
0x46: {  	v5 =	vld [tilespmem:s25+$0xA190]  }
0x47: {  	v0 =	vadd.f32 v2, v0;
	v1 =	vmul.f32 v6, v1;
	v2 =	vld [tilespmem:s25+$0x1A0]  }
0x48: {  	v6 =	vld [tilespmem:s25+$0xA1A0]  }
0x49: {  	v0 =	vadd.f32 v1, v0;
	v1 =	vmul.f32 v7, v3;
	v3 =	vld [tilespmem:s25+$0x1B0]  }
0x4a: {  	v7 =	vld [tilespmem:s25+$0xA1B0]  }
0x4b: {  	v0 =	vadd.f32 v1, v0;
	v1 =	vmul.f32 v5, v4;
	_ =	sdelay $0x1  }
0x4c: {  	v0 =	vadd.f32 v1, v0;
	v1 =	vmul.f32 v6, v2;
	_ =	sdelay $0x1  }
0x4d: {  	v0 =	vadd.f32 v1, v0;
	v1 =	vmul.f32 v7, v3;
	_ =	sdelay $0x1  }
0x4e: {  	v0 =	vadd.f32 v1, v0;
	_ =	sdelay $0x1  }
0x4f: {  	(xrf2) =	vadd.scan.msk.f32 $0xffff, v0;
	_ =	sdelay $0x7  }
0x50: {  	v0 =	vld [tilespmem:$0xF540];
	_ =	sdelay $0x1  }
0x51: {  	v1, _, _ =	vpop (xrf2)  }
0x52: {  	v1 =	vbroadcast v1, $0xF  }
.Ltmp0:
0x53: {  	(pc) =	sbr.rel @p0 .LBB2_2-.Ltmp0, $4  }
0x54: {  	v0 =	vadd.f32 v1, v0  }
0x55: {  	s23 =	sadd.s32 $0x10, s23  }
0x56: {  	s25 =	sshra.s32 s24, $0x2;
	[tilespmem:s23+$0x0] =	vst v0  }
0x57: {  	s24 =	sadd.s32 $0x200, s24;
	v0 =	vld [tilespmem:s25+$0xA140]  }
0x58: {  	v1 =	vld [tilespmem:s25+$0x140]  }
0x59: {  	v2 =	vld [tilespmem:s25+$0x150]  }
0x5a: {  	v3 =	vld [tilespmem:s25+$0xA150]  }
0x5b: {  	v4 =	vld [tilespmem:s25+$0x160]  }
0x5c: {  	v5 =	vld [tilespmem:s25+$0xA160]  }
0x5d: {  	v6 =	vld [tilespmem:s25+$0xA170];
	v0 =	vmul.f32 v0, v1  }
0x5e: {  	v1 =	vld [tilespmem:s25+$0x170]  }
0x5f: {  	v7 =	vld [tilespmem:s25+$0xA180];
	v2 =	vmul.f32 v3, v2;
	v0 =	vadd.f32 $0.0e+00, v0  }
0x60: {  	v3 =	vld [tilespmem:s25+$0x180]  }
0x61: {  	v52 =	vld [tilespmem:s25+$0x190];
	v0 =	vadd.f32 v2, v0;
	v2 =	vmul.f32 v5, v4  }
0x62: {  	v53 =	vld [tilespmem:s25+$0xA190]  }
0x63: {  	v54 =	vld [tilespmem:s25+$0xA1A0];
	v1 =	vmul.f32 v6, v1;
	v0 =	vadd.f32 v2, v0  }
0x64: {  	v2 =	vld [tilespmem:s25+$0x1A0]  }
0x65: {  	v55 =	vld [tilespmem:s25+$0xA1B0];
	v0 =	vadd.f32 v1, v0;
	v1 =	vmul.f32 v7, v3  }
0x66: {  	v3 =	vld [tilespmem:s25+$0x1B0]  }
0x67: {  	v0 =	vadd.f32 v1, v0;
	v1 =	vmul.f32 v53, v52;
	_ =	sdelay $0x1  }
0x68: {  	v0 =	vadd.f32 v1, v0;
	v1 =	vmul.f32 v54, v2;
	_ =	sdelay $0x1  }
0x69: {  	v0 =	vadd.f32 v1, v0;
	v1 =	vmul.f32 v55, v3;
	_ =	sdelay $0x1  }
0x6a: {  	v0 =	vadd.f32 v1, v0;
	_ =	sdelay $0x1  }
0x6b: {  	(xrf2) =	vadd.scan.msk.f32 $0xffff, v0;
	_ =	sdelay $0x7  }
0x6c: {  	v0 =	vld [tilespmem:$0xF540];
	_ =	sdelay $0x1  }
0x6d: {  	v1, _, _ =	vpop (xrf2)  }
0x6e: {  	v1 =	vbroadcast v1, $0xF;
	_ =	sdelay $0x1  }
0x6f: {  	v0 =	vadd.f32 v1, v0  }
0x70: {  	s23 =	sadd.s32 $0x10, s23  }
0x71: {  	[tilespmem:s23+$0x0] =	vst v0  }
0x72: {  	[tilespmem:s13], [sflag:$0x1] =	stream.indirect.gather [hbm4b:s3+s12], $0x80, s17, s12, $0xb8;
	[tilespmem:$0xF550] =	vst v63  }
0x73: {  	_ =	swait.ge [sflag:s18], $0x2000  }
0x74: {  	[sflag:s18] =	ssyncset.done $0x0  }
0x75: {  	s31 =	simm.s32 $0x0;
	[sflag:s18] =	ssyncadd.s32 $0xFFFFE000  }
0x76: {  	v0 =	vld [tilespmem:s31+$0xC140]  }
0x77: {  	v1 =	vld [tilespmem:s31+$0x2140]  }
0x78: {  	v2 =	vld [tilespmem:s31+$0x2150]  }
0x79: {  	v3 =	vld [tilespmem:s31+$0xC150]  }
0x7a: {  	v56 =	vld [tilespmem:s31+$0x2160]  }
0x7b: {  	v57 =	vld [tilespmem:s31+$0xC160]  }
0x7c: {  	v58 =	vld [tilespmem:s31+$0xC170];
	v0 =	vmul.f32 v0, v1  }
0x7d: {  	v1 =	vld [tilespmem:s31+$0x2170]  }
0x7e: {  	v59 =	vld [tilespmem:s31+$0xC180];
	v2 =	vmul.f32 v3, v2;
	v0 =	vadd.f32 $0.0e+00, v0  }
0x7f: {  	v3 =	vld [tilespmem:s31+$0x2180]  }
0x80: {  	v60 =	vld [tilespmem:s31+$0x2190];
	v0 =	vadd.f32 v2, v0;
	v2 =	vmul.f32 v57, v56  }
0x81: {  	v61 =	vld [tilespmem:s31+$0xC190]  }
0x82: {  	v62 =	vld [tilespmem:s31+$0xC1A0];
	v1 =	vmul.f32 v58, v1;
	v0 =	vadd.f32 v2, v0  }
0x83: {  	v2 =	vld [tilespmem:s31+$0x21A0]  }
0x84: {  	v63 =	vld [tilespmem:s31+$0xC1B0];
	v0 =	vadd.f32 v1, v0;
	v1 =	vmul.f32 v59, v3  }
0x85: {  	v3 =	vld [tilespmem:s31+$0x21B0]  }
0x86: {  	v0 =	vadd.f32 v1, v0;
	v1 =	vmul.f32 v61, v60;
	_ =	sdelay $0x1  }
0x87: {  	v0 =	vadd.f32 v1, v0;
	v1 =	vmul.f32 v62, v2;
	_ =	sdelay $0x1  }
0x88: {  	v0 =	vadd.f32 v1, v0;
	v1 =	vmul.f32 v63, v3;
	_ =	sdelay $0x1  }
0x89: {  	v0 =	vadd.f32 v1, v0;
	_ =	sdelay $0x1  }
0x8a: {  	(xrf2) =	vadd.scan.msk.f32 $0xffff, v0;
	_ =	sdelay $0x7  }
0x8b: {  	v0 =	vld [tilespmem:$0xF540];
	_ =	sdelay $0x1  }
0x8c: {  	v1, _, _ =	vpop (xrf2)  }
0x8d: {  	v1 =	vbroadcast v1, $0xF;
	_ =	sdelay $0x1  }
0x8e: {  	v0 =	vadd.f32 v1, v0  }
0x8f: {  	s23 =	simm.s32 $0xE540  }
0x90: {  	s25 =	simm.s32 $0x80;
	[tilespmem:s23+$0x0] =	vst v0  }
0x91: {  	s24 =	simm.s32 $0x400;
	v0 =	vld [tilespmem:s25+$0xC140]  }
.LBB2_4:
0x92: {  	p0 =	sne.s32 s24, $0x7E00;
	v1 =	vld [tilespmem:s25+$0x2140]  }
0x93: {  	v2 =	vld [tilespmem:s25+$0x2150]  }
0x94: {  	v3 =	vld [tilespmem:s25+$0xC150]  }
0x95: {  	v4 =	vld [tilespmem:s25+$0x2160]  }
0x96: {  	v5 =	vld [tilespmem:s25+$0xC160]  }
0x97: {  	v0 =	vmul.f32 v0, v1;
	v1 =	vld [tilespmem:s25+$0x2170]  }
0x98: {  	v6 =	vld [tilespmem:s25+$0xC170]  }
0x99: {  	v0 =	vadd.f32 $0.0e+00, v0;
	v2 =	vmul.f32 v3, v2;
	v3 =	vld [tilespmem:s25+$0x2180]  }
0x9a: {  	v7 =	vld [tilespmem:s25+$0xC180]  }
0x9b: {  	v0 =	vadd.f32 v2, v0;
	v2 =	vmul.f32 v5, v4;
	v4 =	vld [tilespmem:s25+$0x2190]  }
0x9c: {  	v5 =	vld [tilespmem:s25+$0xC190]  }
0x9d: {  	v0 =	vadd.f32 v2, v0;
	v1 =	vmul.f32 v6, v1;
	v2 =	vld [tilespmem:s25+$0x21A0]  }
0x9e: {  	v6 =	vld [tilespmem:s25+$0xC1A0]  }
0x9f: {  	v0 =	vadd.f32 v1, v0;
	v1 =	vmul.f32 v7, v3;
	v3 =	vld [tilespmem:s25+$0x21B0]  }
0xa0: {  	v7 =	vld [tilespmem:s25+$0xC1B0]  }
0xa1: {  	v0 =	vadd.f32 v1, v0;
	v1 =	vmul.f32 v5, v4;
	_ =	sdelay $0x1  }
0xa2: {  	v0 =	vadd.f32 v1, v0;
	v1 =	vmul.f32 v6, v2;
	_ =	sdelay $0x1  }
0xa3: {  	v0 =	vadd.f32 v1, v0;
	v1 =	vmul.f32 v7, v3;
	_ =	sdelay $0x1  }
0xa4: {  	v0 =	vadd.f32 v1, v0;
	_ =	sdelay $0x1  }
0xa5: {  	(xrf2) =	vadd.scan.msk.f32 $0xffff, v0;
	_ =	sdelay $0x7  }
0xa6: {  	v0 =	vld [tilespmem:$0xF540];
	_ =	sdelay $0x1  }
0xa7: {  	v1, _, _ =	vpop (xrf2)  }
0xa8: {  	v1 =	vbroadcast v1, $0xF  }
.Ltmp1:
0xa9: {  	(pc) =	sbr.rel @p0 .LBB2_4-.Ltmp1, $4  }
0xaa: {  	v0 =	vadd.f32 v1, v0  }
0xab: {  	s23 =	sadd.s32 $0x10, s23  }
0xac: {  	s25 =	sshra.s32 s24, $0x2;
	[tilespmem:s23+$0x0] =	vst v0  }
0xad: {  	s24 =	sadd.s32 $0x200, s24;
	v0 =	vld [tilespmem:s25+$0xC140]  }
0xae: {  	v1 =	vld [tilespmem:s25+$0x2140]  }
0xaf: {  	v2 =	vld [tilespmem:s25+$0x2150]  }
0xb0: {  	v3 =	vld [tilespmem:s25+$0xC150]  }
0xb1: {  	v4 =	vld [tilespmem:s25+$0x2160]  }
0xb2: {  	v5 =	vld [tilespmem:s25+$0xC160]  }
0xb3: {  	v6 =	vld [tilespmem:s25+$0xC170];
	v0 =	vmul.f32 v0, v1  }
0xb4: {  	v1 =	vld [tilespmem:s25+$0x2170]  }
0xb5: {  	v7 =	vld [tilespmem:s25+$0xC180];
	v2 =	vmul.f32 v3, v2;
	v0 =	vadd.f32 $0.0e+00, v0  }
0xb6: {  	v3 =	vld [tilespmem:s25+$0x2180]  }
0xb7: {  	v52 =	vld [tilespmem:s25+$0x2190];
	v0 =	vadd.f32 v2, v0;
	v2 =	vmul.f32 v5, v4  }
0xb8: {  	v53 =	vld [tilespmem:s25+$0xC190]  }
0xb9: {  	v54 =	vld [tilespmem:s25+$0xC1A0];
	v1 =	vmul.f32 v6, v1;
	v0 =	vadd.f32 v2, v0  }
0xba: {  	v2 =	vld [tilespmem:s25+$0x21A0]  }
0xbb: {  	v55 =	vld [tilespmem:s25+$0xC1B0];
	v0 =	vadd.f32 v1, v0;
	v1 =	vmul.f32 v7, v3  }
0xbc: {  	v3 =	vld [tilespmem:s25+$0x21B0]  }
0xbd: {  	v0 =	vadd.f32 v1, v0;
	v1 =	vmul.f32 v53, v52;
	_ =	sdelay $0x1  }
0xbe: {  	v0 =	vadd.f32 v1, v0;
	v1 =	vmul.f32 v54, v2;
	_ =	sdelay $0x1  }
0xbf: {  	v0 =	vadd.f32 v1, v0;
	v1 =	vmul.f32 v55, v3;
	_ =	sdelay $0x1  }
0xc0: {  	v0 =	vadd.f32 v1, v0;
	_ =	sdelay $0x1  }
0xc1: {  	(xrf2) =	vadd.scan.msk.f32 $0xffff, v0;
	_ =	sdelay $0x7  }
0xc2: {  	v0 =	vld [tilespmem:$0xF540];
	_ =	sdelay $0x1  }
0xc3: {  	v1, _, _ =	vpop (xrf2)  }
0xc4: {  	v1 =	vbroadcast v1, $0xF;
	_ =	sdelay $0x1  }
0xc5: {  	v0 =	vadd.f32 v1, v0  }
0xc6: {  	s23 =	sadd.s32 $0x10, s23  }
0xc7: {  	[tilespmem:s23+$0x0] =	vst v0  }
0xc8: {  	[tilespmem:s15], [sflag:$0x2] =	stream.indirect.gather [hbm4b:s3+s12], $0x80, s19, s12, $0xb8;
	[tilespmem:$0xF550] =	vst v63  }
0xc9: {  	_ =	swait.ge [sflag:s16], $0x2000  }
0xca: {  	[sflag:s16] =	ssyncset.done $0x0  }
0xcb: {  	s31 =	simm.s32 $0x0;
	[sflag:s16] =	ssyncadd.s32 $0xFFFFE000  }
0xcc: {  	v0 =	vld [tilespmem:s31+$0xA140]  }
0xcd: {  	v1 =	vld [tilespmem:s31+$0x4140]  }
0xce: {  	v2 =	vld [tilespmem:s31+$0x4150]  }
0xcf: {  	v3 =	vld [tilespmem:s31+$0xA150]  }
0xd0: {  	v56 =	vld [tilespmem:s31+$0x4160]  }
0xd1: {  	v57 =	vld [tilespmem:s31+$0xA160]  }
0xd2: {  	v58 =	vld [tilespmem:s31+$0xA170];
	v0 =	vmul.f32 v0, v1  }
0xd3: {  	v1 =	vld [tilespmem:s31+$0x4170]  }
0xd4: {  	v59 =	vld [tilespmem:s31+$0xA180];
	v2 =	vmul.f32 v3, v2;
	v0 =	vadd.f32 $0.0e+00, v0  }
0xd5: {  	v3 =	vld [tilespmem:s31+$0x4180]  }
0xd6: {  	v60 =	vld [tilespmem:s31+$0x4190];
	v0 =	vadd.f32 v2, v0;
	v2 =	vmul.f32 v57, v56  }
0xd7: {  	v61 =	vld [tilespmem:s31+$0xA190]  }
0xd8: {  	v62 =	vld [tilespmem:s31+$0xA1A0];
	v1 =	vmul.f32 v58, v1;
	v0 =	vadd.f32 v2, v0  }
0xd9: {  	v2 =	vld [tilespmem:s31+$0x41A0]  }
0xda: {  	v63 =	vld [tilespmem:s31+$0xA1B0];
	v0 =	vadd.f32 v1, v0;
	v1 =	vmul.f32 v59, v3  }
0xdb: {  	v3 =	vld [tilespmem:s31+$0x41B0]  }
0xdc: {  	v0 =	vadd.f32 v1, v0;
	v1 =	vmul.f32 v61, v60;
	_ =	sdelay $0x1  }
0xdd: {  	v0 =	vadd.f32 v1, v0;
	v1 =	vmul.f32 v62, v2;
	_ =	sdelay $0x1  }
0xde: {  	v0 =	vadd.f32 v1, v0;
	v1 =	vmul.f32 v63, v3;
	_ =	sdelay $0x1  }
0xdf: {  	v0 =	vadd.f32 v1, v0;
	_ =	sdelay $0x1  }
0xe0: {  	(xrf2) =	vadd.scan.msk.f32 $0xffff, v0;
	_ =	sdelay $0x7  }
0xe1: {  	v0 =	vld [tilespmem:$0xF540];
	_ =	sdelay $0x1  }
0xe2: {  	v1, _, _ =	vpop (xrf2)  }
0xe3: {  	v1 =	vbroadcast v1, $0xF;
	_ =	sdelay $0x1  }
0xe4: {  	v0 =	vadd.f32 v1, v0  }
0xe5: {  	s23 =	simm.s32 $0xE940  }
0xe6: {  	s25 =	simm.s32 $0x80;
	[tilespmem:s23+$0x0] =	vst v0  }
0xe7: {  	s24 =	simm.s32 $0x400;
	v0 =	vld [tilespmem:s25+$0xA140]  }
.LBB2_6:
0xe8: {  	p0 =	sne.s32 s24, $0x7E00;
	v1 =	vld [tilespmem:s25+$0x4140]  }
0xe9: {  	v2 =	vld [tilespmem:s25+$0x4150]  }
0xea: {  	v3 =	vld [tilespmem:s25+$0xA150]  }
0xeb: {  	v4 =	vld [tilespmem:s25+$0x4160]  }
0xec: {  	v5 =	vld [tilespmem:s25+$0xA160]  }
0xed: {  	v0 =	vmul.f32 v0, v1;
	v1 =	vld [tilespmem:s25+$0x4170]  }
0xee: {  	v6 =	vld [tilespmem:s25+$0xA170]  }
0xef: {  	v0 =	vadd.f32 $0.0e+00, v0;
	v2 =	vmul.f32 v3, v2;
	v3 =	vld [tilespmem:s25+$0x4180]  }
0xf0: {  	v7 =	vld [tilespmem:s25+$0xA180]  }
0xf1: {  	v0 =	vadd.f32 v2, v0;
	v2 =	vmul.f32 v5, v4;
	v4 =	vld [tilespmem:s25+$0x4190]  }
0xf2: {  	v5 =	vld [tilespmem:s25+$0xA190]  }
0xf3: {  	v0 =	vadd.f32 v2, v0;
	v1 =	vmul.f32 v6, v1;
	v2 =	vld [tilespmem:s25+$0x41A0]  }
0xf4: {  	v6 =	vld [tilespmem:s25+$0xA1A0]  }
0xf5: {  	v0 =	vadd.f32 v1, v0;
	v1 =	vmul.f32 v7, v3;
	v3 =	vld [tilespmem:s25+$0x41B0]  }
0xf6: {  	v7 =	vld [tilespmem:s25+$0xA1B0]  }
0xf7: {  	v0 =	vadd.f32 v1, v0;
	v1 =	vmul.f32 v5, v4;
	_ =	sdelay $0x1  }
0xf8: {  	v0 =	vadd.f32 v1, v0;
	v1 =	vmul.f32 v6, v2;
	_ =	sdelay $0x1  }
0xf9: {  	v0 =	vadd.f32 v1, v0;
	v1 =	vmul.f32 v7, v3;
	_ =	sdelay $0x1  }
0xfa: {  	v0 =	vadd.f32 v1, v0;
	_ =	sdelay $0x1  }
0xfb: {  	(xrf2) =	vadd.scan.msk.f32 $0xffff, v0;
	_ =	sdelay $0x7  }
0xfc: {  	v0 =	vld [tilespmem:$0xF540];
	_ =	sdelay $0x1  }
0xfd: {  	v1, _, _ =	vpop (xrf2)  }
0xfe: {  	v1 =	vbroadcast v1, $0xF  }
.Ltmp2:
0xff: {  	(pc) =	sbr.rel @p0 .LBB2_6-.Ltmp2, $4  }
0x100: {  	v0 =	vadd.f32 v1, v0  }
0x101: {  	s23 =	sadd.s32 $0x10, s23  }
0x102: {  	s25 =	sshra.s32 s24, $0x2;
	[tilespmem:s23+$0x0] =	vst v0  }
0x103: {  	s24 =	sadd.s32 $0x200, s24;
	v0 =	vld [tilespmem:s25+$0xA140]  }
0x104: {  	v1 =	vld [tilespmem:s25+$0x4140]  }
0x105: {  	v2 =	vld [tilespmem:s25+$0x4150]  }
0x106: {  	v3 =	vld [tilespmem:s25+$0xA150]  }
0x107: {  	v4 =	vld [tilespmem:s25+$0x4160]  }
0x108: {  	v5 =	vld [tilespmem:s25+$0xA160]  }
0x109: {  	v6 =	vld [tilespmem:s25+$0xA170];
	v0 =	vmul.f32 v0, v1  }
0x10a: {  	v1 =	vld [tilespmem:s25+$0x4170]  }
0x10b: {  	v7 =	vld [tilespmem:s25+$0xA180];
	v2 =	vmul.f32 v3, v2;
	v0 =	vadd.f32 $0.0e+00, v0  }
0x10c: {  	v3 =	vld [tilespmem:s25+$0x4180]  }
0x10d: {  	v52 =	vld [tilespmem:s25+$0x4190];
	v0 =	vadd.f32 v2, v0;
	v2 =	vmul.f32 v5, v4  }
0x10e: {  	v53 =	vld [tilespmem:s25+$0xA190]  }
0x10f: {  	v54 =	vld [tilespmem:s25+$0xA1A0];
	v1 =	vmul.f32 v6, v1;
	v0 =	vadd.f32 v2, v0  }
0x110: {  	v2 =	vld [tilespmem:s25+$0x41A0]  }
0x111: {  	v55 =	vld [tilespmem:s25+$0xA1B0];
	v0 =	vadd.f32 v1, v0;
	v1 =	vmul.f32 v7, v3  }
0x112: {  	v3 =	vld [tilespmem:s25+$0x41B0]  }
0x113: {  	v0 =	vadd.f32 v1, v0;
	v1 =	vmul.f32 v53, v52;
	_ =	sdelay $0x1  }
0x114: {  	v0 =	vadd.f32 v1, v0;
	v1 =	vmul.f32 v54, v2;
	_ =	sdelay $0x1  }
0x115: {  	v0 =	vadd.f32 v1, v0;
	v1 =	vmul.f32 v55, v3;
	_ =	sdelay $0x1  }
0x116: {  	v0 =	vadd.f32 v1, v0;
	_ =	sdelay $0x1  }
0x117: {  	(xrf2) =	vadd.scan.msk.f32 $0xffff, v0;
	_ =	sdelay $0x7  }
0x118: {  	v0 =	vld [tilespmem:$0xF540];
	_ =	sdelay $0x1  }
0x119: {  	v1, _, _ =	vpop (xrf2)  }
0x11a: {  	v1 =	vbroadcast v1, $0xF;
	_ =	sdelay $0x1  }
0x11b: {  	v0 =	vadd.f32 v1, v0  }
0x11c: {  	s23 =	sadd.s32 $0x10, s23  }
0x11d: {  	[tilespmem:s23+$0x0] =	vst v0  }
0x11e: {  	[tilespmem:s13], [sflag:$0x1] =	stream.indirect.gather [hbm4b:s3+s12], $0x80, s20, s12, $0xb8;
	[tilespmem:$0xF550] =	vst v63  }
0x11f: {  	_ =	swait.ge [sflag:s18], $0x2000  }
0x120: {  	[sflag:s18] =	ssyncset.done $0x0  }
0x121: {  	s31 =	simm.s32 $0x0;
	[sflag:s18] =	ssyncadd.s32 $0xFFFFE000  }
0x122: {  	v0 =	vld [tilespmem:s31+$0xC140]  }
0x123: {  	v1 =	vld [tilespmem:s31+$0x6140]  }
0x124: {  	v2 =	vld [tilespmem:s31+$0x6150]  }
0x125: {  	v3 =	vld [tilespmem:s31+$0xC150]  }
0x126: {  	v56 =	vld [tilespmem:s31+$0x6160]  }
0x127: {  	v57 =	vld [tilespmem:s31+$0xC160]  }
0x128: {  	v58 =	vld [tilespmem:s31+$0xC170];
	v0 =	vmul.f32 v0, v1  }
0x129: {  	v1 =	vld [tilespmem:s31+$0x6170]  }
0x12a: {  	v59 =	vld [tilespmem:s31+$0xC180];
	v2 =	vmul.f32 v3, v2;
	v0 =	vadd.f32 $0.0e+00, v0  }
0x12b: {  	v3 =	vld [tilespmem:s31+$0x6180]  }
0x12c: {  	v60 =	vld [tilespmem:s31+$0x6190];
	v0 =	vadd.f32 v2, v0;
	v2 =	vmul.f32 v57, v56  }
0x12d: {  	v61 =	vld [tilespmem:s31+$0xC190]  }
0x12e: {  	v62 =	vld [tilespmem:s31+$0xC1A0];
	v1 =	vmul.f32 v58, v1;
	v0 =	vadd.f32 v2, v0  }
0x12f: {  	v2 =	vld [tilespmem:s31+$0x61A0]  }
0x130: {  	v63 =	vld [tilespmem:s31+$0xC1B0];
	v0 =	vadd.f32 v1, v0;
	v1 =	vmul.f32 v59, v3  }
0x131: {  	v3 =	vld [tilespmem:s31+$0x61B0]  }
0x132: {  	v0 =	vadd.f32 v1, v0;
	v1 =	vmul.f32 v61, v60;
	_ =	sdelay $0x1  }
0x133: {  	v0 =	vadd.f32 v1, v0;
	v1 =	vmul.f32 v62, v2;
	_ =	sdelay $0x1  }
0x134: {  	v0 =	vadd.f32 v1, v0;
	v1 =	vmul.f32 v63, v3;
	_ =	sdelay $0x1  }
0x135: {  	v0 =	vadd.f32 v1, v0;
	_ =	sdelay $0x1  }
0x136: {  	(xrf2) =	vadd.scan.msk.f32 $0xffff, v0;
	_ =	sdelay $0x7  }
0x137: {  	v0 =	vld [tilespmem:$0xF540];
	_ =	sdelay $0x1  }
0x138: {  	v1, _, _ =	vpop (xrf2)  }
0x139: {  	v1 =	vbroadcast v1, $0xF;
	_ =	sdelay $0x1  }
0x13a: {  	v0 =	vadd.f32 v1, v0  }
0x13b: {  	s23 =	simm.s32 $0xED40  }
0x13c: {  	s25 =	simm.s32 $0x80;
	[tilespmem:s23+$0x0] =	vst v0  }
0x13d: {  	s24 =	simm.s32 $0x400;
	v0 =	vld [tilespmem:s25+$0xC140]  }
.LBB2_8:
0x13e: {  	p0 =	sne.s32 s24, $0x7E00;
	v1 =	vld [tilespmem:s25+$0x6140]  }
0x13f: {  	v2 =	vld [tilespmem:s25+$0x6150]  }
0x140: {  	v3 =	vld [tilespmem:s25+$0xC150]  }
0x141: {  	v4 =	vld [tilespmem:s25+$0x6160]  }
0x142: {  	v5 =	vld [tilespmem:s25+$0xC160]  }
0x143: {  	v0 =	vmul.f32 v0, v1;
	v1 =	vld [tilespmem:s25+$0x6170]  }
0x144: {  	v6 =	vld [tilespmem:s25+$0xC170]  }
0x145: {  	v0 =	vadd.f32 $0.0e+00, v0;
	v2 =	vmul.f32 v3, v2;
	v3 =	vld [tilespmem:s25+$0x6180]  }
0x146: {  	v7 =	vld [tilespmem:s25+$0xC180]  }
0x147: {  	v0 =	vadd.f32 v2, v0;
	v2 =	vmul.f32 v5, v4;
	v4 =	vld [tilespmem:s25+$0x6190]  }
0x148: {  	v5 =	vld [tilespmem:s25+$0xC190]  }
0x149: {  	v0 =	vadd.f32 v2, v0;
	v1 =	vmul.f32 v6, v1;
	v2 =	vld [tilespmem:s25+$0x61A0]  }
0x14a: {  	v6 =	vld [tilespmem:s25+$0xC1A0]  }
0x14b: {  	v0 =	vadd.f32 v1, v0;
	v1 =	vmul.f32 v7, v3;
	v3 =	vld [tilespmem:s25+$0x61B0]  }
0x14c: {  	v7 =	vld [tilespmem:s25+$0xC1B0]  }
0x14d: {  	v0 =	vadd.f32 v1, v0;
	v1 =	vmul.f32 v5, v4;
	_ =	sdelay $0x1  }
0x14e: {  	v0 =	vadd.f32 v1, v0;
	v1 =	vmul.f32 v6, v2;
	_ =	sdelay $0x1  }
0x14f: {  	v0 =	vadd.f32 v1, v0;
	v1 =	vmul.f32 v7, v3;
	_ =	sdelay $0x1  }
0x150: {  	v0 =	vadd.f32 v1, v0;
	_ =	sdelay $0x1  }
0x151: {  	(xrf2) =	vadd.scan.msk.f32 $0xffff, v0;
	_ =	sdelay $0x7  }
0x152: {  	v0 =	vld [tilespmem:$0xF540];
	_ =	sdelay $0x1  }
0x153: {  	v1, _, _ =	vpop (xrf2)  }
0x154: {  	v1 =	vbroadcast v1, $0xF  }
.Ltmp3:
0x155: {  	(pc) =	sbr.rel @p0 .LBB2_8-.Ltmp3, $4  }
0x156: {  	v0 =	vadd.f32 v1, v0  }
0x157: {  	s23 =	sadd.s32 $0x10, s23  }
0x158: {  	s25 =	sshra.s32 s24, $0x2;
	[tilespmem:s23+$0x0] =	vst v0  }
0x159: {  	s24 =	sadd.s32 $0x200, s24;
	v0 =	vld [tilespmem:s25+$0xC140]  }
0x15a: {  	v1 =	vld [tilespmem:s25+$0x6140]  }
0x15b: {  	v2 =	vld [tilespmem:s25+$0x6150]  }
0x15c: {  	v3 =	vld [tilespmem:s25+$0xC150]  }
0x15d: {  	v4 =	vld [tilespmem:s25+$0x6160]  }
0x15e: {  	v5 =	vld [tilespmem:s25+$0xC160]  }
0x15f: {  	v6 =	vld [tilespmem:s25+$0xC170];
	v0 =	vmul.f32 v0, v1  }
0x160: {  	v1 =	vld [tilespmem:s25+$0x6170]  }
0x161: {  	v7 =	vld [tilespmem:s25+$0xC180];
	v2 =	vmul.f32 v3, v2;
	v0 =	vadd.f32 $0.0e+00, v0  }
0x162: {  	v3 =	vld [tilespmem:s25+$0x6180]  }
0x163: {  	v52 =	vld [tilespmem:s25+$0x6190];
	v0 =	vadd.f32 v2, v0;
	v2 =	vmul.f32 v5, v4  }
0x164: {  	v53 =	vld [tilespmem:s25+$0xC190]  }
0x165: {  	v54 =	vld [tilespmem:s25+$0xC1A0];
	v1 =	vmul.f32 v6, v1;
	v0 =	vadd.f32 v2, v0  }
0x166: {  	v2 =	vld [tilespmem:s25+$0x61A0]  }
0x167: {  	v55 =	vld [tilespmem:s25+$0xC1B0];
	v0 =	vadd.f32 v1, v0;
	v1 =	vmul.f32 v7, v3  }
0x168: {  	v3 =	vld [tilespmem:s25+$0x61B0]  }
0x169: {  	v0 =	vadd.f32 v1, v0;
	v1 =	vmul.f32 v53, v52;
	_ =	sdelay $0x1  }
0x16a: {  	v0 =	vadd.f32 v1, v0;
	v1 =	vmul.f32 v54, v2;
	_ =	sdelay $0x1  }
0x16b: {  	v0 =	vadd.f32 v1, v0;
	v1 =	vmul.f32 v55, v3;
	_ =	sdelay $0x1  }
0x16c: {  	v0 =	vadd.f32 v1, v0;
	_ =	sdelay $0x1  }
0x16d: {  	(xrf2) =	vadd.scan.msk.f32 $0xffff, v0;
	_ =	sdelay $0x7  }
0x16e: {  	v0 =	vld [tilespmem:$0xF540];
	_ =	sdelay $0x1  }
0x16f: {  	v1, _, _ =	vpop (xrf2)  }
0x170: {  	v1 =	vbroadcast v1, $0xF;
	_ =	sdelay $0x1  }
0x171: {  	v0 =	vadd.f32 v1, v0  }
0x172: {  	s23 =	sadd.s32 $0x10, s23  }
0x173: {  	[tilespmem:s23+$0x0] =	vst v0  }
0x174: {  	_ =	swait.ge [sflag:s16], $0x2000  }
0x175: {  	[sflag:s16] =	ssyncset.done $0x0  }
0x176: {  	s31 =	simm.s32 $0x0;
	[sflag:s16] =	ssyncadd.s32 $0xFFFFE000  }
0x177: {  	v0 =	vld [tilespmem:s31+$0xA140]  }
0x178: {  	v1 =	vld [tilespmem:s31+$0x8140]  }
0x179: {  	v2 =	vld [tilespmem:s31+$0x8150]  }
0x17a: {  	v3 =	vld [tilespmem:s31+$0xA150]  }
0x17b: {  	v56 =	vld [tilespmem:s31+$0x8160]  }
0x17c: {  	v57 =	vld [tilespmem:s31+$0xA160]  }
0x17d: {  	v58 =	vld [tilespmem:s31+$0xA170];
	v0 =	vmul.f32 v0, v1  }
0x17e: {  	v1 =	vld [tilespmem:s31+$0x8170]  }
0x17f: {  	v59 =	vld [tilespmem:s31+$0xA180];
	v2 =	vmul.f32 v3, v2;
	v0 =	vadd.f32 $0.0e+00, v0  }
0x180: {  	v3 =	vld [tilespmem:s31+$0x8180]  }
0x181: {  	v60 =	vld [tilespmem:s31+$0x8190];
	v0 =	vadd.f32 v2, v0;
	v2 =	vmul.f32 v57, v56  }
0x182: {  	v61 =	vld [tilespmem:s31+$0xA190]  }
0x183: {  	v62 =	vld [tilespmem:s31+$0xA1A0];
	v1 =	vmul.f32 v58, v1;
	v0 =	vadd.f32 v2, v0  }
0x184: {  	v2 =	vld [tilespmem:s31+$0x81A0]  }
0x185: {  	v63 =	vld [tilespmem:s31+$0xA1B0];
	v0 =	vadd.f32 v1, v0;
	v1 =	vmul.f32 v59, v3  }
0x186: {  	v3 =	vld [tilespmem:s31+$0x81B0]  }
0x187: {  	v0 =	vadd.f32 v1, v0;
	v1 =	vmul.f32 v61, v60;
	_ =	sdelay $0x1  }
0x188: {  	v0 =	vadd.f32 v1, v0;
	v1 =	vmul.f32 v62, v2;
	_ =	sdelay $0x1  }
0x189: {  	v0 =	vadd.f32 v1, v0;
	v1 =	vmul.f32 v63, v3;
	_ =	sdelay $0x1  }
0x18a: {  	v0 =	vadd.f32 v1, v0;
	_ =	sdelay $0x1  }
0x18b: {  	(xrf2) =	vadd.scan.msk.f32 $0xffff, v0;
	_ =	sdelay $0x7  }
0x18c: {  	v0 =	vld [tilespmem:$0xF540];
	_ =	sdelay $0x1  }
0x18d: {  	v1, _, _ =	vpop (xrf2)  }
0x18e: {  	v1 =	vbroadcast v1, $0xF;
	_ =	sdelay $0x1  }
0x18f: {  	v0 =	vadd.f32 v1, v0  }
0x190: {  	s23 =	simm.s32 $0xF140  }
0x191: {  	s25 =	simm.s32 $0x80;
	[tilespmem:s23+$0x0] =	vst v0  }
0x192: {  	s24 =	simm.s32 $0x400;
	v0 =	vld [tilespmem:s25+$0xA140]  }
.LBB2_10:
0x193: {  	p0 =	sne.s32 s24, $0x7E00;
	v1 =	vld [tilespmem:s25+$0x8140]  }
0x194: {  	v2 =	vld [tilespmem:s25+$0x8150]  }
0x195: {  	v3 =	vld [tilespmem:s25+$0xA150]  }
0x196: {  	v4 =	vld [tilespmem:s25+$0x8160]  }
0x197: {  	v5 =	vld [tilespmem:s25+$0xA160]  }
0x198: {  	v0 =	vmul.f32 v0, v1;
	v1 =	vld [tilespmem:s25+$0x8170]  }
0x199: {  	v6 =	vld [tilespmem:s25+$0xA170]  }
0x19a: {  	v0 =	vadd.f32 $0.0e+00, v0;
	v2 =	vmul.f32 v3, v2;
	v3 =	vld [tilespmem:s25+$0x8180]  }
0x19b: {  	v7 =	vld [tilespmem:s25+$0xA180]  }
0x19c: {  	v0 =	vadd.f32 v2, v0;
	v2 =	vmul.f32 v5, v4;
	v4 =	vld [tilespmem:s25+$0x8190]  }
0x19d: {  	v5 =	vld [tilespmem:s25+$0xA190]  }
0x19e: {  	v0 =	vadd.f32 v2, v0;
	v1 =	vmul.f32 v6, v1;
	v2 =	vld [tilespmem:s25+$0x81A0]  }
0x19f: {  	v6 =	vld [tilespmem:s25+$0xA1A0]  }
0x1a0: {  	v0 =	vadd.f32 v1, v0;
	v1 =	vmul.f32 v7, v3;
	v3 =	vld [tilespmem:s25+$0x81B0]  }
0x1a1: {  	v7 =	vld [tilespmem:s25+$0xA1B0]  }
0x1a2: {  	v0 =	vadd.f32 v1, v0;
	v1 =	vmul.f32 v5, v4;
	_ =	sdelay $0x1  }
0x1a3: {  	v0 =	vadd.f32 v1, v0;
	v1 =	vmul.f32 v6, v2;
	_ =	sdelay $0x1  }
0x1a4: {  	v0 =	vadd.f32 v1, v0;
	v1 =	vmul.f32 v7, v3;
	_ =	sdelay $0x1  }
0x1a5: {  	v0 =	vadd.f32 v1, v0;
	_ =	sdelay $0x1  }
0x1a6: {  	(xrf2) =	vadd.scan.msk.f32 $0xffff, v0;
	_ =	sdelay $0x7  }
0x1a7: {  	v0 =	vld [tilespmem:$0xF540];
	_ =	sdelay $0x1  }
0x1a8: {  	v1, _, _ =	vpop (xrf2)  }
0x1a9: {  	v1 =	vbroadcast v1, $0xF  }
.Ltmp4:
0x1aa: {  	(pc) =	sbr.rel @p0 .LBB2_10-.Ltmp4, $4  }
0x1ab: {  	v0 =	vadd.f32 v1, v0  }
0x1ac: {  	s23 =	sadd.s32 $0x10, s23  }
0x1ad: {  	s25 =	sshra.s32 s24, $0x2;
	[tilespmem:s23+$0x0] =	vst v0  }
0x1ae: {  	s24 =	sadd.s32 $0x200, s24;
	v0 =	vld [tilespmem:s25+$0xA140]  }
0x1af: {  	v1 =	vld [tilespmem:s25+$0x8140]  }
0x1b0: {  	v2 =	vld [tilespmem:s25+$0x8150]  }
0x1b1: {  	v3 =	vld [tilespmem:s25+$0xA150]  }
0x1b2: {  	v4 =	vld [tilespmem:s25+$0x8160]  }
0x1b3: {  	v5 =	vld [tilespmem:s25+$0xA160]  }
0x1b4: {  	v49 =	vld [tilespmem:s25+$0x8170];
	v0 =	vmul.f32 v0, v1  }
0x1b5: {  	v6 =	vld [tilespmem:s25+$0xA170]  }
0x1b6: {  	v50 =	vld [tilespmem:s25+$0x8180];
	v2 =	vmul.f32 v3, v2;
	v0 =	vadd.f32 $0.0e+00, v0  }
0x1b7: {  	v7 =	vld [tilespmem:s25+$0xA180]  }
0x1b8: {  	v52 =	vld [tilespmem:s25+$0x8190];
	v51 =	vmul.f32 v5, v4;
	v0 =	vadd.f32 v2, v0  }
0x1b9: {  	v53 =	vld [tilespmem:s25+$0xA190]  }
0x1ba: {  	v54 =	vld [tilespmem:s25+$0x81A0];
	v1 =	vmul.f32 v6, v49;
	v0 =	vadd.f32 v51, v0  }
0x1bb: {  	v55 =	vld [tilespmem:s25+$0xA1A0]  }
0x1bc: {  	v57 =	vld [tilespmem:s25+$0x81B0];
	v56 =	vmul.f32 v7, v50;
	v0 =	vadd.f32 v1, v0  }
0x1bd: {  	v58 =	vld [tilespmem:s25+$0xA1B0]  }
0x1be: {  	v59 =	vmul.f32 v53, v52;
	v0 =	vadd.f32 v56, v0;
	_ =	sdelay $0x1  }
0x1bf: {  	v60 =	vmul.f32 v55, v54;
	v0 =	vadd.f32 v59, v0;
	_ =	sdelay $0x1  }
0x1c0: {  	v61 =	vmul.f32 v58, v57;
	v0 =	vadd.f32 v60, v0;
	_ =	sdelay $0x1  }
0x1c1: {  	v0 =	vadd.f32 v61, v0;
	_ =	sdelay $0x1  }
0x1c2: {  	(xrf2) =	vadd.scan.msk.f32 $0xffff, v0;
	_ =	sdelay $0x7  }
0x1c3: {  	v62 =	vld [tilespmem:$0xF540];
	_ =	sdelay $0x1  }
0x1c4: {  	v63, _, _ =	vpop (xrf2)  }
0x1c5: {  	v1 =	vbroadcast v63, $0xF;
	_ =	sdelay $0x1  }
0x1c6: {  	s22 =	sadd.s32 $0x1, s22;
	v0 =	vadd.f32 v1, v62  }
0x1c7: {  	s23 =	sadd.s32 $0x10, s23;
	p0 =	sne.s32 s22, s8  }
.Ltmp5:
0x1c8: {  	[tilespmem:s23+$0x0] =	vst v0;
	(pc) =	sbr.rel @p0 .LBB2_1-.Ltmp5, $4  }
0x1c9: {  	[hbm4b:s7+s2] =	stream.linear.scatter [tilespmem:s21], [sflag:$0x4], $0x1400, $0x38;
	[tilespmem:$0xF550] =	vst v63  }
0x1ca: {  	_ =	swait.ge [sflag:s9], $0x1400  }
0x1cb: {  	[sflag:s9] =	ssyncset.done $0x0  }
0x1cc: {  	[sflag:s9] =	ssyncadd.s32 $0xFFFFEC00  }
0x1cd: {  	_ =	sfence.sel $0x180000  }
0x1ce: {  	[bflag:$0x0] =	sbarrier.arrive $0xFFFF  }
0x1cf: {  	p0 =	sne.s32 s1, $0x0;
	_ =	strace $0x9000004D  }
0x1d0: {  	s0 =	sadd.s32 @!p0 $0x100000, s0;
	[bflag:$0x2] =	sbarrier.arrive $0xFFFF  }
0x1d1: {  	[sflag:s0] =	ssyncadd.tile.s32 @!p0 $0x1;
	_ =	shalt  }
.Lfunc_end2:
_tile_overlayer_lowered:
.L_overlay_start_2:
0x1d2: {  	(tag) =	ssettag $0x2  }
0x1d3: {  	s0 =	rddreg [dreg:$0x0];
	s2 =	stileid.u32  }
0x1d4: {  	s1 =	rddreg [dreg:$0x1];
	p0 =	sne.s32 s2, $0x0  }
0x1d5: {  	s3 =	rddreg [dreg:$0x2];
	[bflag:$0x3] =	sbarrier.arrive $0xFFFF;
	s2 =	simm.s32 @!p0 $0x1C04  }
0x1d6: {  	[timem:s3], [sflag:s2] =	dma.local @!p0 [hbm:s0], s1  }
0x1d7: {  	s0 =	simm.s32 @!p0 $0x4  }
0x1d8: {  	_ =	swait.ge @!p0 [sflag:s0], s1  }
0x1d9: {  	s1 =	ssub.s32 @!p0 $0x0, s1;
	[sflag:s0] =	ssyncset.done @!p0 $0x0  }
0x1da: {  	[sflag:s0] =	ssyncadd.s32 @!p0 s1  }
0x1db: {  	[bflag:$0x3] =	sbarrier.arrive $0xFFFF  }
0x1dc: {  	_ =	shalt  }

// kernel: kernel.7.cloned.1.call-start
scs
__scs_entry_jumppad:
0x0: {  	(pc) =	sbr.rel $0x88, $3  }
0x1: {  	(tag) =	ssettag $0x0;
	lr =	simm.s32 $0x1  }
0x2: {  	[smem:$0x3F9A] =	sst lr;
	_ =	strace $0xD0000000  }
0x3: {  	_ = 	snop  }
0x4: {  	_ = 	snop  }
0x5: {  	_ = 	snop  }
0x6: {  	_ = 	snop  }
0x7: {  	_ = 	snop  }
__scs_overlays_trampoline_lowered:
0x8: {  	[smem:$0x3FA9] =	sst s0  }
0x9: {  	[smem:$0x3FAA] =	sst s1  }
0xa: {  	[smem:$0x3FAB] =	sst s2  }
0xb: {  	[smem:$0x3FAC] =	sst s3  }
0xc: {  	[smem:$0x3FAD] =	sst s4  }
0xd: {  	[smem:$0x3FAE] =	sst s5  }
0xe: {  	[smem:$0x3FAF] =	sst s6  }
0xf: {  	[smem:$0x3FB0] =	sst s7  }
0x10: {  	[smem:$0x3FB1] =	sst s8  }
0x11: {  	[smem:$0x3FB2] =	sst s9;
	s0 =	simm.s32 @!p0 $0x0  }
0x12: {  	s1 =	sld [smem:$0x3F98];
	s0 =	simm.s32 @p0 $0x1  }
0x13: {  	[smem:$0x3FB3] =	sst s0;
	s0 =	simm.s32 @!p1 $0x0  }
0x14: {  	s2 =	sld [smem:$0x3F97];
	s0 =	simm.s32 @p1 $0x1  }
0x15: {  	[smem:$0x3FB4] =	sst s0;
	s0 =	simm.s32 @!p2 $0x0  }
0x16: {  	s3 =	sld [smem:$0x3FDB];
	s0 =	simm.s32 @p2 $0x1  }
0x17: {  	s4 =	simm.s32 $0x1BF5;
	[smem:$0x3FB6] =	sst s0  }
0x18: {  	s0 =	sld [smem:$0x3F99];
	_ =	swait.ge [sflag:s4], $0x0  }
0x19: {  	s7 =	sld [smem:$0x3F9A]  }
0x1a: {  	s8 =	sadd.s32 $0xFFFFE003, lr  }
0x1b: {  	s9 =	sadd.s32 $0xFFFFFEF7, lr;
	s5 =	simm.s32 $0xFFFFFFFF;
	p2 =	slt.u32 s8, $0xFFFFF086  }
0x1c: {  	p1 =	slt.u32 s9, $0xF7A;
	s5 =	simm.s32 @!p2 $0x0  }
0x1d: {  	s5 =	simm.s32 @p1 $0x1;
	p0 =	seq.s32 s7, s2  }
0x1e: {  	s7 =	smul.u32 @!p0 $0xF7A, s2;
	p2 =	seq.s32 @!p0 s5, $0x0  }
0x1f: {  	s9 =	smul.u32 $0xF7A, s1;
	s8 =	simm.s32 @!p0 $0x1BF5;
	p2 =	por !p2, p0  }
0x20: {  	[sflag:s8] =	ssyncset.s32 @!p0 $0xFFFFF086;
	s6 =	sadd.s32 @!p0 s3, s7;
	s7 =	simm.s32 @!p0 $0x108  }
0x21: {  	s3 =	sadd.s32 s3, s9;
	s6 =	sadd.s32 @!p0 $0x88, s6;
	s7 =	simm.s32 @p2 $0x1082  }
0x22: {  	[simem:s7], [sflag:s8] =	dma.local @!p0 [hbm:s6], $0xF7A  }
0x23: {  	s9 =	sor.u32 $0xD0000000, s2;
	s6 =	simm.s32 $0x108;
	_ =	swait.ge @!p0 [sflag:s8], $0x0  }
0x24: {  	s3 =	sadd.s32 $0x88, s3;
	s6 =	simm.s32 @!p1 $0x1082;
	[sflag:s4] =	ssyncset.s32 $0xFFFFF086  }
0x25: {  	[simem:s6], [sflag:s4] =	dma.local [hbm:s3], $0xF7A  }
0x26: {  	[smem:$0x3F9A] =	sst s1;
	(tag) =	ssettag s2;
	_ =	strace s9  }
0x27: {  	s1 =	sld [smem:$0x3FAA]  }
0x28: {  	s2 =	sld [smem:$0x3FAB]  }
0x29: {  	s4 =	sld [smem:$0x3FAD]  }
0x2a: {  	p0 =	seq.s32 s5, $0x0;
	s5 =	sld [smem:$0x3FAE]  }
0x2b: {  	s6 =	sld [smem:$0x3FAF]  }
0x2c: {  	s7 =	sld [smem:$0x3FB0]  }
0x2d: {  	s3 =	simm.s32 $0x108;
	s8 =	sld [smem:$0x3FB1]  }
0x2e: {  	s3 =	simm.s32 @!p0 $0x1082;
	s9 =	sld [smem:$0x3FB2]  }
0x2f: {  	lr =	sadd.s32 s0, s3;
	s0 =	sld [smem:$0x3FA9]  }
0x30: {  	s3 =	sld [smem:$0x3FAC]  }
0x31: {  	[smem:$0x3FB5] =	sst s10  }
0x32: {  	s10 =	sld [smem:$0x3FB3];
	_ =	sdelay $0x3  }
0x33: {  	p0 =	seq.s32 s10, $0x1;
	s10 =	sld [smem:$0x3FB5];
	_ =	sdelay $0x3  }
0x34: {  	[smem:$0x3FB5] =	sst s10  }
0x35: {  	s10 =	sld [smem:$0x3FB4];
	_ =	sdelay $0x3  }
0x36: {  	p1 =	seq.s32 s10, $0x1;
	s10 =	sld [smem:$0x3FB5];
	_ =	sdelay $0x3  }
0x37: {  	[smem:$0x3FB5] =	sst s10  }
0x38: {  	s10 =	sld [smem:$0x3FB6]  }
0x39: {  	_ = 	snop;
	(pc) =	sbr.ind lr, $3  }
0x3a: {  	_ = 	snop  }
0x3b: {  	_ = 	snop  }
0x3c: {  	p2 =	seq.s32 s10, $0x1;
	s10 =	sld [smem:$0x3FB5]  }
0x3d: {  	_ =	shalt  }
0x3e: {  	_ =	shalt  }
0x3f: {  	_ =	shalt  }
0x40: {  	_ =	shalt  }
0x41: {  	_ =	shalt  }
0x42: {  	_ =	shalt  }
0x43: {  	_ =	shalt  }
0x44: {  	_ =	shalt  }
0x45: {  	_ =	shalt  }
0x46: {  	_ =	shalt  }
0x47: {  	_ =	shalt  }
0x48: {  	_ =	shalt  }
0x49: {  	_ =	shalt  }
0x4a: {  	_ =	shalt  }
0x4b: {  	_ =	shalt  }
0x4c: {  	_ =	shalt  }
0x4d: {  	_ =	shalt  }
0x4e: {  	_ =	shalt  }
0x4f: {  	_ =	shalt  }
0x50: {  	_ =	shalt  }
0x51: {  	_ =	shalt  }
0x52: {  	_ =	shalt  }
0x53: {  	_ =	shalt  }
0x54: {  	_ =	shalt  }
0x55: {  	_ =	shalt  }
0x56: {  	_ =	shalt  }
0x57: {  	_ =	shalt  }
0x58: {  	_ =	shalt  }
0x59: {  	_ =	shalt  }
0x5a: {  	_ =	shalt  }
0x5b: {  	_ =	shalt  }
0x5c: {  	_ =	shalt  }
0x5d: {  	_ =	shalt  }
0x5e: {  	_ =	shalt  }
0x5f: {  	_ =	shalt  }
0x60: {  	_ =	shalt  }
0x61: {  	_ =	shalt  }
0x62: {  	_ =	shalt  }
0x63: {  	_ =	shalt  }
0x64: {  	_ =	shalt  }
0x65: {  	_ =	shalt  }
0x66: {  	_ =	shalt  }
0x67: {  	_ =	shalt  }
0x68: {  	_ =	shalt  }
0x69: {  	_ =	shalt  }
0x6a: {  	_ =	shalt  }
0x6b: {  	_ =	shalt  }
0x6c: {  	_ =	shalt  }
0x6d: {  	_ =	shalt  }
0x6e: {  	_ =	shalt  }
0x6f: {  	_ =	shalt  }
0x70: {  	_ =	shalt  }
0x71: {  	_ =	shalt  }
0x72: {  	_ =	shalt  }
0x73: {  	_ =	shalt  }
0x74: {  	_ =	shalt  }
0x75: {  	_ =	shalt  }
0x76: {  	_ =	shalt  }
0x77: {  	_ =	shalt  }
0x78: {  	_ =	shalt  }
0x79: {  	_ =	shalt  }
0x7a: {  	_ =	shalt  }
0x7b: {  	_ =	shalt  }
0x7c: {  	_ =	shalt  }
0x7d: {  	_ =	shalt  }
0x7e: {  	_ =	shalt  }
0x7f: {  	_ =	shalt  }
0x80: {  	_ =	shalt  }
0x81: {  	_ =	shalt  }
0x82: {  	_ =	shalt  }
0x83: {  	_ =	shalt  }
0x84: {  	_ =	shalt  }
0x85: {  	_ =	shalt  }
0x86: {  	_ =	shalt  }
0x87: {  	_ =	shalt  }
.Lfunc_end0:
.L_simem_size_0:
called_computation_lowered:
.L_overlay_start_0:
0x88: {  	s2 =	sld [smem:$0x3FD9]  }
0x89: {  	s3 =	sld [smem:$0x3FFE];
	_ =	sdelay $0x1  }
0x8a: {  	s1 =	srdreg.scid  }
0x8b: {  	s0 =	sand.u32 $0x1, s1  }
0x8c: {  	s16 =	sshll.u32 s0, $0xA;
	s2 =	sadd.s32 s3, s2  }
0x8d: {  	s2 =	sadd.s32 s2, s16  }
0x8e: {  	[smem:$0x3FC1] =	sst s2  }
0x8f: {  	_ = 	snop  }
0x90: {  	(tm) =	ssettm $0x1  }
0x91: {  	s17 =	sld [smem:$0x3FFB];
	_ =	sdelay $0x3  }
0x92: {  	_ =	strace s17  }
0x93: {  	s2 =	sld [smem:$0x3FFC];
	_ =	sdelay $0x3  }
0x94: {  	_ =	strace s2  }
0x95: {  	s2 =	sld [smem:$0x3FFD];
	_ =	sdelay $0x3  }
0x96: {  	_ =	strace s2  }
0x97: {  	_ =	strace $0x8FFFFFFF  }
0x98: {  	s18 =	sld [smem:$0x3FDB];
	_ =	sdelay $0x1  }
0x99: {  	s19 =	simm.s32 $_scs_section_size  }
0x9a: {  	s4 =	simm.s32 $_size__tile_overlayer_lowered;
	s5 =	simm.s32 $_tile_overlayer_lowered  }
0x9b: {  	s22 =	simm.s32 $0x1BFF;
	s21 =	sshll.u32 s5, $0x1;
	s2 =	sadd.s32 s19, s18  }
0x9c: {  	s6 =	simm.s32 $0x0;
	s20 =	sshll.u32 s4, $0x1;
	s4 =	sadd.s32 s21, s2  }
0x9d: {  	[timem:s6], [sflag:s22] =	dma.local [hbm:s4], s20  }
0x9e: {  	_ =	swait.ge [sflag:s22], s20  }
0x9f: {  	s3 =	ssub.s32 $0x0, s20;
	[sflag:s22] =	ssyncset.done $0x0  }
0xa0: {  	[sflag:s22] =	ssyncadd.s32 s3;
	_ =	sdelay $0x1  }
0xa1: {  	s23 =	simm.s32 $0x1B8B  }
0xa2: {  	_ =	swait.ge [sflag:s23], $0x1  }
0xa3: {  	[sflag:s23] =	ssyncset.done $0x0  }
0xa4: {  	s25 =	simm.s32 $0x1B8E;
	s24 =	sld [smem:$0x3FFE];
	[sflag:s23] =	ssyncadd.s32 $0xFFFFFFFF  }
0xa5: {  	s26 =	simm.s32 $execute0_lowered;
	[smem:$0x3FD2] =	sst s25  }
0xa6: {  	s4 =	sshll.u32 s26, $0x1;
	_ =	strace $0x80000046;
	[dreg:$0x1] =	wrdreg $0xFFFFFFFF  }
0xa7: {  	s28 =	simm.s32 $_size_execute0_lowered;
	s2 =	sadd.s32 s2, s4;
	[dreg:$0x0] =	wrdreg $0x0  }
0xa8: {  	s4 =	sshll.u32 s28, $0x1;
	[dreg:$0x2] =	wrdreg s2  }
0xa9: {  	[dreg:$0x3] =	wrdreg s4  }
0xaa: {  	[dreg:$0x4] =	wrdreg $0xC0  }
0xab: {  	_ =	task [dreg:s6], $0x5FFFF  }
0xac: {  	[dreg:$0x1] =	wrdreg $0xFFFFFFFF  }
0xad: {  	[dreg:$0x0] =	wrdreg $0x60  }
0xae: {  	[dreg:$0x2] =	wrdreg s24  }
0xaf: {  	[dreg:$0x3] =	wrdreg $0x61400  }
0xb0: {  	[dreg:$0x4] =	wrdreg $0x9  }
0xb1: {  	_ =	task.clear_ibuf [dreg:s6], $0x5FFFF;
	_ =	strace $0x90000046  }
0xb2: {  	s29 =	simm.s32 $0x9;
	_ =	strace $0x80000048  }
0xb3: {  	_ =	swait.ge [sflag:s29], $0x1  }
0xb4: {  	[sflag:s29] =	ssyncadd.s32 $0xFFFFFFFF  }
0xb5: {  	_ =	strace $0x90000048  }
0xb6: {  	_ =	sfence  }
0xb7: {  	s30 =	sld [smem:$0x0];
	_ =	sdelay $0x2  }
0xb8: {  	s31 =	sshll.u32 s1, $0xD;
	s1 =	sshrl.u32 s1, $0x2  }
0xb9: {  	s3 =	sand.u32 $0x4000, s31;
	s1 =	sadd.s32 s1, s30  }
0xba: {  	s0 =	sor.u32 s3, s0;
	s1 =	sshll.u32 s1, $0x11  }
0xbb: {  	s0 =	sor.u32 s1, s0  }
0xbc: {  	s0 =	sadd.s32 $0x8F2B, s0  }
0xbd: {  	[sflag:s0] =	ssyncadd.remote.s32 $0x1  }
0xbe: {  	_ =	sfence.sel $0xFFFF  }
0xbf: {  	[dreg:$0x0] =	wrdreg $0xFFFFFFFF;
	(pc) =	sbr.abs _section_cstart, $3  }
0xc0: {  	[dreg:$0x1] =	wrdreg $0xFFFFFFFF  }
0xc1: {  	_ =	task.clear_ibuf [dreg:s6], $0x2FFFF;
	_ =	strace $0x9FFFFFFF  }
0xc2: {  	(tm) =	ssettm $0x7FFFFFFF  }
0xc3: {  	_ =	shalt  }
tec
execute0_lowered:
.L_overlay_start_1:
0x0: {  	(tag) =	ssettag $0x1  }
0x1: {  	s0 =	rddreg [dreg:$0x0]  }
0x2: {  	s11 =	rddreg [dreg:$0x1]  }
0x3: {  	s3 =	srdreg.scid;
	s1 =	stileid.u32;
	s2 =	simm.s32 $0x0  }
0x4: {  	s15 =	simm.s32 $0x1;
	s16 =	simm.s32 $0x2C00;
	s18 =	simm.s32 $0x3C50  }
0x5: {  	s19 =	simm.s32 $0x48A0;
	s20 =	simm.s32 $0x54F0;
	s21 =	simm.s32 $0x280  }
0x6: {  	s22 =	simm.s32 $0x8940;
	s23 =	simm.s32 $0xB140;
	s24 =	simm.s32 $0x0  }
0x7: {  	s5 =	sand.u32 $0x1, s3;
	s12 =	smul.u32 $0x280, s1;
	[smem:$0x7FF] =	sst s2  }
0x8: {  	s28 =	sshll.u32 s1, $0x1;
	s3 =	sadd.s32 $0xC600, s0;
	s10 =	smul.u32 $0xA000, s1  }
0x9: {  	s4 =	smul.u32 $0x2800, s5;
	s6 =	sor.u32 s5, s28;
	s5 =	ssub.s32 $0x2, s5  }
0xa: {  	_ =	strace $0x80000047;
	s8 =	smul.u32 $0xC40, s6;
	s30 =	sshrl.u32 s5, $0x1  }
0xb: {  	s31 =	sshrl.u32 s10, $0x2;
	s7 =	sadd.s32 s12, s4;
	s4 =	sadd.s32 $0x2600, s0  }
0xc: {  	s14 =	ssub.s32 s5, s30;
	s7 =	sshrl.u32 s7, $0x3;
	s29 =	sshrl.u32 s8, $0x3  }
0xd: {  	s5 =	smul.u32 $0x2800, s6;
	s13 =	sadd.s32 s7, s0;
	s0 =	sadd.s32 s29, s0  }
0xe: {  	s10 =	sadd.s32 s31, s11;
	s11 =	sadd.s32 s12, s11;
	s6 =	sadd.s32 $0x17000, s0  }
0xf: {  	v0 =	vimm.f32 $0.0e+00;
	v1 =	vlaneseq.u32;
	s7 =	sadd.s32 $0x1A100, s0;
	s8 =	sadd.s32 $0x1D200, s0;
	s9 =	sadd.s32 $0x20300, s0  }
0x10: {  	v2 =	vimm.f32 $1.000000000e+00;
	v3 =	vimm.s32 $0x0;
	v1 =	vor.u32 $0x1400, v1;
	s12 =	sadd.s32 $0x16600, s13;
	s13 =	smax.u32 s14, $0x1;
	s14 =	simm.s32 $0x2800  }
.LBB2_1:
0x11: {  	s0 =	simm.s32 $0x0  }
.LBB2_2:
0x12: {  	p0 =	sne.s32 s0, $0x9FC0  }
.Ltmp0:
0x13: {  	_ = 	snop;
	(pc) =	sbr.rel @p0 .LBB2_2-.Ltmp0, $3  }
0x14: {  	_ =	sdelay $0x1  }
0x15: {  	s25 =	sshra.s32 s0, $0x2  }
0x16: {  	s0 =	sadd.s32 $0x40, s0;
	[tilespmem:s25+$0x0] =	vst v0  }
0x17: {  	s29 =	simm.s32 $0x0  }
0x18: {  	s25 =	sand.u32 $0x20, s29  }
0x19: {  	s0 =	simm.s32 $0x48A0;
	v4 =	vor.u32 s25, v1  }
0x1a: {  	[tilespmem:s0+$0xC50] =	vst v4  }
0x1b: {  	[tilespmem:s0+$0xFFFFE760] =	vst v4  }
0x1c: {  	[tilespmem:s0+$0xFFFFF3B0] =	vst v4  }
0x1d: {  	s25 =	simm.s32 $0x10;
	[tilespmem:s0+$0x0] =	vst v4  }
.LBB2_4:
0x1e: {  	s26 =	sand.u32 $0x20, s25;
	p0 =	sne.s32 s25, $0xC40;
	s25 =	sadd.s32 $0x10, s25  }
.Ltmp1:
0x1f: {  	s0 =	sadd.s32 $0x10, s0;
	v4 =	vor.u32 s26, v1;
	(pc) =	sbr.rel @p0 .LBB2_4-.Ltmp1, $4  }
0x20: {  	[tilespmem:s0+$0xC50] =	vst v4  }
0x21: {  	[tilespmem:s0+$0xFFFFE760] =	vst v4  }
0x22: {  	[tilespmem:s0+$0xFFFFF3B0] =	vst v4  }
0x23: {  	[tilespmem:s0+$0x0] =	vst v4  }
0x24: {  	s31 =	simm.s32 $0x0  }
0x25: {  	s26 =	simm.s32 $0x0;
	s0 =	simm.s32 $0x0;
	s25 =	simm.s32 $0x0  }
.LBB2_6:
0x26: {  	s28 =	sshll.u32 s25, $0xA  }
0x27: {  	s28 =	sadd.s32 s5, s28  }
0x28: {  	s28 =	sshrl.u32 s28, $0x3  }
0x29: {  	s1 =	simm.s32 $0x0;
	s30 =	sadd.s32 s3, s28  }
0x2a: {  	[tilespmem:s14], [sflag:$0x1] =	stream.linear.gather [hbm4b:s30+s1], $0x400, $0x38;
	[tilespmem:$0xB3C0] =	vst v63  }
0x2b: {  	_ =	swait.ge [sflag:s15], $0x400  }
0x2c: {  	[sflag:s15] =	ssyncset.done $0x0  }
0x2d: {  	s28 =	sadd.s32 s4, s28;
	[sflag:s15] =	ssyncadd.s32 $0xFFFFFC00  }
0x2e: {  	[tilespmem:s16], [sflag:$0x1] =	stream.linear.gather [hbm4b:s28+s1], $0x400, $0x38;
	[tilespmem:$0xB3C0] =	vst v63  }
0x2f: {  	_ =	swait.ge [sflag:s15], $0x400  }
0x30: {  	[sflag:s15] =	ssyncset.done $0x0  }
0x31: {  	s17 =	simm.s32 $0x0;
	[sflag:s15] =	ssyncadd.s32 $0xFFFFFC00  }
0x32: {  	v4 =	vld [tilespmem:s17+$0x2800]  }
0x33: {  	v5 =	vld [tilespmem:s17+$0x2C00];
	_ =	sdelay $0x4  }
0x34: {  	vm1 =	vgt.s32 v4, $0x13FF;
	vm2 =	vgt.s32 v5, $0x13FF  }
0x35: {  	v6 =	vsel vm1, $0x2, v3;
	v7 =	vsel vm2, $0x1, v3;
	vm0 =	vmand vm1, vm2  }
0x36: {  	v6 =	vor.u32 v7, v6;
	v7 =	vmpcnt.ones.xlane vm0  }
0x37: {  	vm3 =	veq.s32 v6, $0x0  }
0x38: {  	vm4 =	veq.s32 v6, $0x2;
	v8 =	vmpcnt.ones.xlane vm3;
	v7 =	vxor.u32 $0x80000000, v7  }
0x39: {  	vm5 =	veq.s32 v6, $0x1;
	v6 =	vmpcnt.ones.xlane vm4;
	(xrf0) =	vmax.scan.msk.u32 $0xffff, v7  }
0x3a: {  	v7 =	vmpcnt.ones.xlane vm5;
	v8 =	vxor.u32 $0x80000000, v8  }
0x3b: {  	v6 =	vxor.u32 $0x80000000, v6;
	(xrf0) =	vmax.scan.msk.u32 $0xffff, v8  }
0x3c: {  	v7 =	vxor.u32 $0x80000000, v7;
	(xrf0) =	vmax.scan.msk.u32 $0xffff, v6  }
0x3d: {  	v6 =	vsel vm1, $0xEC00, v3;
	(xrf0) =	vmax.scan.msk.u32 $0xffff, v7  }
0x3e: {  	v4 =	vadd.s32 v4, v6;
	v6 =	vsel vm2, $0xFFFFEC00, v3  }
0x3f: {  	v4 =	vshll.u32 v4, $0x10;
	v6 =	vadd.s32 v5, v6;
	v7, _, _ =	vpop (xrf0)  }
0x40: {  	[tilespmem:v5+s2+$0x0] =	vst.idx.add.f32.msk $0xffff, v2;
	v4 =	vor.u32 v6, v4;
	(v2sf) =	vpush v7, $0xF  }
0x41: {  	[tilespmem:s0+$0x3000] =	vst.msk vm3, v4;
	v5, _, _ =	vpop (xrf0)  }
0x42: {  	[tilespmem:s26+$0x3C50] =	vst.msk vm5, v4;
	(v2sf) =	vpush v5, $0xF;
	v5, _, _ =	vpop (xrf0)  }
0x43: {  	[tilespmem:s31+$0x48A0] =	vst.msk vm4, v4;
	v6, _, _ =	vpop (xrf0);
	(v2sf) =	vpush v5, $0xF  }
0x44: {  	s17 =	simm.s32 $0x10;
	[tilespmem:s29+$0x54F0] =	vst.msk vm0, v4;
	(v2sf) =	vpush v6, $0xF  }
0x45: {  	v5 =	vld [tilespmem:s17+$0x2800]  }
0x46: {  	v4 =	vld [tilespmem:s17+$0x2C00];
	_ =	sdelay $0x4  }
0x47: {  	vm4 =	vgt.s32 v5, $0x13FF;
	vm5 =	vgt.s32 v4, $0x13FF  }
0x48: {  	v6 =	vsel vm4, $0x2, v3;
	v7 =	vsel vm5, $0x1, v3  }
0x49: {  	vm0 =	vmand vm4, vm5;
	v6 =	vor.u32 v7, v6  }
0x4a: {  	v7 =	vmpcnt.ones.xlane vm0;
	vm3 =	veq.s32 v6, $0x0  }
0x4b: {  	vm1 =	veq.s32 v6, $0x2;
	v8 =	vmpcnt.ones.xlane vm3;
	s17 =	spop (v2sf)  }
0x4c: {  	vm2 =	veq.s32 v6, $0x1;
	v6 =	vxor.u32 $0x80000000, v7;
	v7 =	vmpcnt.ones.xlane vm1;
	s1 =	sadd.s32 s17, s29  }
0x4d: {  	v9 =	vsel vm4, $0xEC00, v3;
	v10 =	vmpcnt.ones.xlane vm2;
	(xrf0) =	vmax.scan.msk.u32 $0xffff, v6;
	v6 =	vxor.u32 $0x80000000, v8;
	s29 =	simm.s32 $0x80;
	s28 =	sadd.s32 $0x80000000, s1;
	s17 =	spop (v2sf)  }
0x4e: {  	v5 =	vadd.s32 v5, v9;
	v8 =	vsel vm5, $0xFFFFEC00, v3;
	v63 =	vxor.u32 $0x80000000, v7;
	(xrf0) =	vmax.scan.msk.u32 $0xffff, v6;
	s1 =	sadd.s32 s17, s0;
	p1 =	slt.s32 s28, $0xC40;
	s17 =	spop (v2sf)  }
0x4f: {  	v5 =	vshll.u32 v5, $0x10;
	v7 =	vxor.u32 $0x80000000, v10;
	v6 =	vadd.s32 v4, v8;
	(xrf0) =	vmax.scan.msk.u32 $0xffff, v63;
	s30 =	sadd.s32 $0x80000000, s1;
	s0 =	sadd.s32 s17, s31;
	s31 =	spop (v2sf)  }
.LBB2_7:
0x50: {  	s1 =	sadd.s32 s31, s26  }
0x51: {  	(xrf0) =	vmax.scan.msk.u32 $0xffff, v7;
	s0 =	sadd.s32 $0x80000000, s0;
	s28 =	simm.s32 @!p1 $0xC40;
	s31 =	smov.u32 s29  }
0x52: {  	p0 =	slt.s32 s30, $0xC40;
	s26 =	sadd.s32 $0x80000000, s1;
	p1 =	slt.s32 s0, $0xC40  }
0x53: {  	s30 =	simm.s32 @!p0 $0xC40;
	[tilespmem:v4+s2+$0x0] =	vst.idx.add.f32.msk $0xffff, v2;
	v4 =	vor.u32 v6, v5;
	v5, _, _ =	vpop (xrf0);
	p2 =	slt.s32 s26, $0xC40;
	s0 =	simm.s32 @!p1 $0xC40  }
0x54: {  	p0 =	sne.s32 s29, $0xFC0;
	s29 =	sadd.s32 $0x40, s29;
	[tilespmem:s30+$0x3000] =	vst.msk vm3, v4;
	(v2sf) =	vpush v5, $0xF;
	s26 =	simm.s32 @!p2 $0xC40  }
0x55: {  	[tilespmem:s26+$0x3C50] =	vst.msk vm2, v4;
	v5, _, _ =	vpop (xrf0)  }
0x56: {  	[tilespmem:s0+$0x48A0] =	vst.msk vm1, v4;
	(v2sf) =	vpush v5, $0xF;
	v5, _, _ =	vpop (xrf0)  }
0x57: {  	[tilespmem:s28+$0x54F0] =	vst.msk vm0, v4;
	v4, _, _ =	vpop (xrf0);
	(v2sf) =	vpush v5, $0xF  }
0x58: {  	s1 =	sshra.s32 s31, $0x2;
	(v2sf) =	vpush v4, $0xF  }
0x59: {  	v5 =	vld [tilespmem:s1+$0x2800]  }
0x5a: {  	v4 =	vld [tilespmem:s1+$0x2C00];
	_ =	sdelay $0x3  }
0x5b: {  	vm0 =	vgt.s32 v5, $0x13FF  }
0x5c: {  	vm1 =	vgt.s32 v4, $0x13FF;
	v6 =	vsel vm0, $0xEC00, v3;
	v7 =	vsel vm0, $0x2, v3  }
0x5d: {  	v8 =	vsel vm1, $0x1, v3;
	v5 =	vadd.s32 v5, v6;
	vm0 =	vmand vm0, vm1  }
0x5e: {  	v6 =	vsel vm1, $0xFFFFEC00, v3;
	v7 =	vor.u32 v8, v7;
	v8 =	vmpcnt.ones.xlane vm0  }
0x5f: {  	vm3 =	veq.s32 v7, $0x0;
	vm2 =	veq.s32 v7, $0x1;
	vm1 =	veq.s32 v7, $0x2  }
.Ltmp2:
0x60: {  	v7 =	vmpcnt.ones.xlane vm3;
	v9 =	vmpcnt.ones.xlane vm2;
	v8 =	vxor.u32 $0x80000000, v8;
	s1 =	spop (v2sf);
	(pc) =	sbr.rel @p0 .LBB2_7-.Ltmp2, $4  }
0x61: {  	v5 =	vshll.u32 v5, $0x10;
	v6 =	vadd.s32 v4, v6;
	v10 =	vmpcnt.ones.xlane vm1;
	(xrf0) =	vmax.scan.msk.u32 $0xffff, v8;
	s1 =	sadd.s32 s1, s28  }
0x62: {  	v8 =	vxor.u32 $0x80000000, v7;
	v7 =	vxor.u32 $0x80000000, v9;
	s28 =	sadd.s32 $0x80000000, s1;
	s1 =	spop (v2sf)  }
0x63: {  	v9 =	vxor.u32 $0x80000000, v10;
	(xrf0) =	vmax.scan.msk.u32 $0xffff, v8;
	s1 =	sadd.s32 s1, s30;
	p1 =	slt.s32 s28, $0xC40;
	s31 =	spop (v2sf)  }
0x64: {  	(xrf0) =	vmax.scan.msk.u32 $0xffff, v9;
	s30 =	sadd.s32 $0x80000000, s1;
	s0 =	sadd.s32 s31, s0;
	s31 =	spop (v2sf)  }
0x65: {  	(xrf0) =	vmax.scan.msk.u32 $0xffff, v7;
	_ =	sdelay $0x1  }
0x66: {  	v60, _, _ =	vpop (xrf0)  }
0x67: {  	(v2sf) =	vpush v60, $0xF  }
0x68: {  	v61, _, _ =	vpop (xrf0)  }
0x69: {  	(v2sf) =	vpush v61, $0xF;
	v62, _, _ =	vpop (xrf0)  }
0x6a: {  	(v2sf) =	vpush v62, $0xF;
	v63, _, _ =	vpop (xrf0)  }
0x6b: {  	(v2sf) =	vpush v63, $0xF;
	_ =	sdelay $0x7  }
0x6c: {  	s1 =	sadd.s32 s31, s26  }
0x6d: {  	s17 =	sadd.s32 $0x80000000, s0;
	s28 =	simm.s32 @!p1 $0xC40;
	p0 =	slt.s32 s30, $0xC40  }
0x6e: {  	s25 =	sadd.s32 $0x1, s25;
	s1 =	sadd.s32 $0x80000000, s1;
	p1 =	slt.s32 s17, $0xC40  }
0x6f: {  	s30 =	simm.s32 @!p0 $0xC40;
	p2 =	sne.s32 s25, $0xA;
	s26 =	spop (v2sf)  }
0x70: {  	p0 =	slt.s32 s1, $0xC40;
	s17 =	simm.s32 @!p1 $0xC40;
	s0 =	sadd.s32 s26, s28  }
0x71: {  	s1 =	simm.s32 @!p0 $0xC40;
	s26 =	spop (v2sf);
	s29 =	sadd.s32 $0x80000000, s0  }
0x72: {  	s31 =	spop (v2sf);
	s0 =	sadd.s32 s26, s30;
	p0 =	slt.s32 s29, $0xC40  }
.Ltmp3:
0x73: {  	[tilespmem:v4+s2+$0x0] =	vst.idx.add.f32.msk $0xffff, v2;
	v4 =	vor.u32 v6, v5;
	s26 =	spop (v2sf);
	s0 =	sadd.s32 $0x80000000, s0;
	(pc) =	sbr.rel @p2 .LBB2_6-.Ltmp3, $4  }
0x74: {  	[tilespmem:s30+$0x3000] =	vst.msk vm3, v4;
	s31 =	sadd.s32 s31, s17;
	s29 =	simm.s32 @!p0 $0xC40;
	s26 =	sadd.s32 s26, s1  }
0x75: {  	[tilespmem:s1+$0x3C50] =	vst.msk vm2, v4;
	s31 =	sadd.s32 $0x80000000, s31;
	p0 =	slt.s32 s0, $0xC40;
	s26 =	sadd.s32 $0x80000000, s26  }
0x76: {  	[tilespmem:s17+$0x48A0] =	vst.msk vm1, v4;
	p1 =	slt.s32 s31, $0xC40;
	s0 =	simm.s32 @!p0 $0xC40;
	p0 =	slt.s32 s26, $0xC40  }
0x77: {  	[tilespmem:s28+$0x54F0] =	vst.msk vm0, v4;
	s31 =	simm.s32 @!p1 $0xC40;
	s26 =	simm.s32 @!p0 $0xC40  }
0x78: {  	s0 =	simm.s32 $0x0;
	s1 =	simm.s32 $0x3000  }
0x79: {  	[hbm4b:s6+s0] =	stream.linear.scatter [tilespmem:s1], [sflag:$0x1], $0xC40, $0x38;
	[tilespmem:$0xB3C0] =	vst v63  }
0x7a: {  	_ =	swait.ge [sflag:s15], $0xC40  }
0x7b: {  	[sflag:s15] =	ssyncset.done $0x0  }
0x7c: {  	[sflag:s15] =	ssyncadd.s32 $0xFFFFF3C0  }
0x7d: {  	[hbm4b:s7+s0] =	stream.linear.scatter [tilespmem:s18], [sflag:$0x1], $0xC40, $0x38;
	[tilespmem:$0xB3C0] =	vst v63  }
0x7e: {  	_ =	swait.ge [sflag:s15], $0xC40  }
0x7f: {  	[sflag:s15] =	ssyncset.done $0x0  }
0x80: {  	[sflag:s15] =	ssyncadd.s32 $0xFFFFF3C0  }
0x81: {  	[hbm4b:s8+s0] =	stream.linear.scatter [tilespmem:s19], [sflag:$0x1], $0xC40, $0x38;
	[tilespmem:$0xB3C0] =	vst v63  }
0x82: {  	_ =	swait.ge [sflag:s15], $0xC40  }
0x83: {  	[sflag:s15] =	ssyncset.done $0x0  }
0x84: {  	[sflag:s15] =	ssyncadd.s32 $0xFFFFF3C0  }
0x85: {  	[hbm4b:s9+s0] =	stream.linear.scatter [tilespmem:s20], [sflag:$0x1], $0xC40, $0x38;
	[tilespmem:$0xB3C0] =	vst v63  }
0x86: {  	_ =	swait.ge [sflag:s15], $0xC40  }
0x87: {  	[sflag:s15] =	ssyncset.done $0x0  }
0x88: {  	[sflag:s15] =	ssyncadd.s32 $0xFFFFF3C0  }
0x89: {  	[spmem:s10] =	stream.linear.scatter [tilespmem:s0], [sflag:$0x1], $0x2800, $0x38;
	[tilespmem:$0xB3C0] =	vst v63  }
0x8a: {  	_ =	swait.ge [sflag:s15], $0x2800  }
0x8b: {  	[sflag:s15] =	ssyncset.done $0x0  }
0x8c: {  	[sflag:s15] =	ssyncadd.s32 $0xFFFFD800  }
0x8d: {  	[bflag:$0x0] =	sbarrier.arrive $0xFFFF  }
0x8e: {  	[tilespmem:s22], [sflag:$0x1] =	stream.strided.gather [spmem:s11], $0x2800, s14, s21, $0x38;
	[tilespmem:$0xB3C0] =	vst v63  }
0x8f: {  	_ =	swait.ge [sflag:s15], $0x2800  }
0x90: {  	[sflag:s15] =	ssyncset.done $0x0  }
0x91: {  	s26 =	simm.s32 $0x0;
	[sflag:s15] =	ssyncadd.s32 $0xFFFFD800  }
0x92: {  	v4 =	vld [tilespmem:s26+$0x8940]  }
0x93: {  	v5 =	vld [tilespmem:s26+$0x8BC0];
	_ =	sdelay $0x1  }
0x94: {  	v6 =	vld [tilespmem:s26+$0x8E40];
	_ =	sdelay $0x1  }
0x95: {  	v7 =	vld [tilespmem:s26+$0x90C0]  }
0x96: {  	v4 =	vadd.f32 v5, v4  }
0x97: {  	v5 =	vld [tilespmem:s26+$0x9340]  }
0x98: {  	v4 =	vadd.f32 v6, v4  }
0x99: {  	v6 =	vld [tilespmem:s26+$0x95C0]  }
0x9a: {  	v4 =	vadd.f32 v7, v4  }
0x9b: {  	v7 =	vld [tilespmem:s26+$0x9840]  }
0x9c: {  	v4 =	vadd.f32 v5, v4  }
0x9d: {  	v5 =	vld [tilespmem:s26+$0x9AC0]  }
0x9e: {  	s25 =	simm.s32 $0x10;
	v8 =	vld [tilespmem:s26+$0x9D40];
	v4 =	vadd.f32 v6, v4  }
0x9f: {  	v9 =	vld [tilespmem:s25+$0x8940]  }
0xa0: {  	v6 =	vld [tilespmem:s26+$0x9FC0];
	v4 =	vadd.f32 v7, v4  }
0xa1: {  	v7 =	vld [tilespmem:s25+$0x8BC0]  }
0xa2: {  	v10 =	vld [tilespmem:s25+$0x8E40];
	v4 =	vadd.f32 v5, v4  }
0xa3: {  	v5 =	vld [tilespmem:s26+$0xA240]  }
0xa4: {  	v11 =	vld [tilespmem:s25+$0x90C0];
	v4 =	vadd.f32 v8, v4  }
0xa5: {  	v8 =	vld [tilespmem:s26+$0xA4C0]  }
0xa6: {  	v7 =	vadd.f32 v7, v9;
	v9 =	vld [tilespmem:s25+$0x9340];
	v4 =	vadd.f32 v6, v4  }
0xa7: {  	v6 =	vld [tilespmem:s26+$0xA740]  }
0xa8: {  	v7 =	vadd.f32 v10, v7;
	v10 =	vld [tilespmem:s25+$0x95C0];
	v4 =	vadd.f32 v5, v4  }
0xa9: {  	v5 =	vld [tilespmem:s26+$0xA9C0]  }
0xaa: {  	v12 =	vld [tilespmem:s25+$0x9840];
	v7 =	vadd.f32 v11, v7;
	v4 =	vadd.f32 v8, v4  }
0xab: {  	v11 =	vld [tilespmem:s26+$0xAC40]  }
0xac: {  	v8 =	vadd.f32 v9, v7;
	v7 =	vld [tilespmem:s25+$0x9AC0];
	v9 =	vadd.f32 v6, v4  }
0xad: {  	v6 =	vld [tilespmem:s26+$0xAEC0]  }
0xae: {  	v4 =	vld [tilespmem:s25+$0x9FC0];
	v10 =	vadd.f32 v10, v8;
	v13 =	vadd.f32 v5, v9  }
0xaf: {  	s0 =	simm.s32 $0x20;
	v8 =	vld [tilespmem:s25+$0x9D40]  }
0xb0: {  	s28 =	simm.s32 $0xC0;
	v5 =	vld [tilespmem:s0+$0x8940];
	v9 =	vadd.f32 v12, v10;
	v10 =	vadd.f32 v11, v13  }
.LBB2_10:
0xb1: {  	p0 =	sne.s32 s28, $0x9C0;
	v11 =	vld [tilespmem:s0+$0x8BC0]  }
0xb2: {  	v7 =	vadd.f32 v7, v9;
	v9 =	vld [tilespmem:s25+$0xA240];
	v6 =	vadd.f32 v6, v10  }
0xb3: {  	v10 =	vld [tilespmem:s0+$0x8E40]  }
0xb4: {  	v7 =	vadd.f32 v8, v7;
	v8 =	vld [tilespmem:s25+$0xA4C0];
	[tilespmem:s26+$0xB140] =	vst v6;
	s26 =	smov.u32 s25;
	s25 =	smov.u32 s0  }
0xb5: {  	v6 =	vld [tilespmem:s25+$0x90C0]  }
0xb6: {  	v5 =	vadd.f32 v11, v5;
	v4 =	vadd.f32 v4, v7;
	v7 =	vld [tilespmem:s26+$0xA740]  }
0xb7: {  	v11 =	vld [tilespmem:s25+$0x9340]  }
0xb8: {  	v5 =	vadd.f32 v10, v5;
	v4 =	vadd.f32 v9, v4;
	v9 =	vld [tilespmem:s26+$0xA9C0]  }
0xb9: {  	v10 =	vld [tilespmem:s25+$0x95C0]  }
0xba: {  	v5 =	vadd.f32 v6, v5;
	v4 =	vadd.f32 v8, v4;
	v12 =	vld [tilespmem:s26+$0xAC40]  }
0xbb: {  	v13 =	vld [tilespmem:s25+$0x9840]  }
.Ltmp4:
0xbc: {  	v5 =	vadd.f32 v11, v5;
	v8 =	vadd.f32 v7, v4;
	v6 =	vld [tilespmem:s26+$0xAEC0];
	(pc) =	sbr.rel @p0 .LBB2_10-.Ltmp4, $4  }
0xbd: {  	v7 =	vld [tilespmem:s25+$0x9AC0]  }
0xbe: {  	v10 =	vadd.f32 v10, v5;
	v4 =	vld [tilespmem:s25+$0x9FC0];
	v11 =	vadd.f32 v9, v8  }
0xbf: {  	s0 =	sshra.s32 s28, $0x2;
	v8 =	vld [tilespmem:s25+$0x9D40]  }
0xc0: {  	s28 =	sadd.s32 $0x40, s28;
	v5 =	vld [tilespmem:s0+$0x8940];
	v9 =	vadd.f32 v13, v10;
	v10 =	vadd.f32 v12, v11  }
0xc1: {  	v11 =	vld [tilespmem:s0+$0x8BC0]  }
0xc2: {  	v12 =	vld [tilespmem:s25+$0xA240];
	v6 =	vadd.f32 v6, v10  }
0xc3: {  	v49 =	vld [tilespmem:s0+$0x8E40]  }
0xc4: {  	v13 =	vld [tilespmem:s25+$0xA4C0];
	v7 =	vadd.f32 v7, v9;
	[tilespmem:s26+$0xB140] =	vst v6  }
0xc5: {  	v6 =	vld [tilespmem:s0+$0x90C0]  }
0xc6: {  	v7 =	vadd.f32 v8, v7;
	v5 =	vadd.f32 v11, v5  }
0xc7: {  	v50 =	vld [tilespmem:s0+$0x9340]  }
0xc8: {  	v51 =	vld [tilespmem:s25+$0xA740];
	v4 =	vadd.f32 v4, v7;
	v5 =	vadd.f32 v49, v5  }
0xc9: {  	v52 =	vld [tilespmem:s0+$0x95C0]  }
0xca: {  	v53 =	vld [tilespmem:s25+$0xA9C0];
	v4 =	vadd.f32 v12, v4;
	v5 =	vadd.f32 v6, v5  }
0xcb: {  	v54 =	vld [tilespmem:s0+$0x9840]  }
0xcc: {  	v55 =	vld [tilespmem:s25+$0xAC40];
	v4 =	vadd.f32 v13, v4;
	v5 =	vadd.f32 v50, v5  }
0xcd: {  	v56 =	vld [tilespmem:s0+$0x9AC0]  }
0xce: {  	v57 =	vld [tilespmem:s25+$0xAEC0];
	v4 =	vadd.f32 v51, v4;
	v5 =	vadd.f32 v52, v5  }
0xcf: {  	v58 =	vld [tilespmem:s0+$0x9D40]  }
0xd0: {  	v4 =	vadd.f32 v53, v4;
	v5 =	vadd.f32 v54, v5  }
0xd1: {  	v59 =	vld [tilespmem:s0+$0x9FC0]  }
0xd2: {  	v4 =	vadd.f32 v55, v4;
	v5 =	vadd.f32 v56, v5  }
0xd3: {  	v60 =	vld [tilespmem:s0+$0xA240]  }
0xd4: {  	v4 =	vadd.f32 v57, v4;
	v5 =	vadd.f32 v58, v5  }
0xd5: {  	v61 =	vld [tilespmem:s0+$0xA4C0]  }
0xd6: {  	[tilespmem:s25+$0xB140] =	vst v4;
	v4 =	vadd.f32 v59, v5  }
0xd7: {  	v5 =	vld [tilespmem:s0+$0xA740]  }
0xd8: {  	v4 =	vadd.f32 v60, v4  }
0xd9: {  	v62 =	vld [tilespmem:s0+$0xA9C0]  }
0xda: {  	v4 =	vadd.f32 v61, v4  }
0xdb: {  	v63 =	vld [tilespmem:s0+$0xAC40]  }
0xdc: {  	v4 =	vadd.f32 v5, v4  }
0xdd: {  	v5 =	vld [tilespmem:s0+$0xAEC0]  }
0xde: {  	v4 =	vadd.f32 v62, v4;
	_ =	sdelay $0x1  }
0xdf: {  	v4 =	vadd.f32 v63, v4;
	_ =	sdelay $0x1  }
0xe0: {  	s24 =	sadd.s32 $0x1, s24;
	v4 =	vadd.f32 v5, v4  }
0xe1: {  	p0 =	sne.s32 s24, s13  }
.Ltmp5:
0xe2: {  	[tilespmem:s0+$0xB140] =	vst v4;
	(pc) =	sbr.rel @p0 .LBB2_1-.Ltmp5, $4  }
0xe3: {  	[hbm4b:s12+s2] =	stream.linear.scatter [tilespmem:s23], [sflag:$0x1], $0x280, $0x38;
	[tilespmem:$0xB3C0] =	vst v63  }
0xe4: {  	_ =	swait.ge [sflag:s15], $0x280  }
0xe5: {  	[sflag:s15] =	ssyncset.done $0x0  }
0xe6: {  	[sflag:s15] =	ssyncadd.s32 $0xFFFFFD80  }
0xe7: {  	_ =	sfence.sel $0x180000  }
0xe8: {  	[bflag:$0x0] =	sbarrier.arrive $0xFFFF  }
0xe9: {  	_ =	strace $0x90000047  }
0xea: {  	s0 =	stileid.u32;
	[bflag:$0x2] =	sbarrier.arrive $0xFFFF  }
0xeb: {  	p0 =	sne.s32 s0, $0x0;
	s0 =	rddreg [dreg:$0x2]  }
0xec: {  	s0 =	sadd.s32 @!p0 $0x100000, s0  }
0xed: {  	[sflag:s0] =	ssyncadd.tile.s32 @!p0 $0x1;
	_ =	shalt  }
.Lfunc_end2:
_tile_overlayer_lowered:
.L_overlay_start_2:
0xee: {  	(tag) =	ssettag $0x2  }
0xef: {  	s0 =	rddreg [dreg:$0x0];
	s2 =	stileid.u32  }
0xf0: {  	s1 =	rddreg [dreg:$0x1];
	p0 =	sne.s32 s2, $0x0  }
0xf1: {  	s3 =	rddreg [dreg:$0x2];
	[bflag:$0x3] =	sbarrier.arrive $0xFFFF;
	s2 =	simm.s32 @!p0 $0x1C01  }
0xf2: {  	[timem:s3], [sflag:s2] =	dma.local @!p0 [hbm:s0], s1  }
0xf3: {  	s0 =	simm.s32 @!p0 $0x1  }
0xf4: {  	_ =	swait.ge @!p0 [sflag:s0], s1  }
0xf5: {  	s1 =	ssub.s32 @!p0 $0x0, s1;
	[sflag:s0] =	ssyncset.done @!p0 $0x0  }
0xf6: {  	[sflag:s0] =	ssyncadd.s32 @!p0 s1  }
0xf7: {  	[bflag:$0x3] =	sbarrier.arrive $0xFFFF  }
0xf8: {  	_ =	shalt  }

</sc_bundles>
